<compile_context>
chip_gen: v7x
topology: tpu7x:2x2x1
jax: 0.10.2.dev20260603
libtpu: 0.0.44.dev20260713+nightly
codegen_flags: <defaults>
</compile_context>

<pallas_src>
import functools
import jax
import jax.numpy as jnp
from jax import lax
from jax.experimental import pallas as pl
from jax.experimental.pallas import tpu as pltpu
from jax.experimental.pallas import tpu_sc as plsc

_BATCH = 256
_D = 128
_NJ = _D // 16
_NW = 32

_SPLIT = 32000
_RPW = 1024
_C = 128
_NFULL = _RPW // _C
_NFULL_LAST = (_SPLIT - 31 * _RPW) // _C
_TW = _D + 16
_UNROLL = 4

_BR = 2000



def _sc_body(nodes_hbm, idx_hbm, out_hbm, chunk0_v, chunk1_v, chunk2_v,
             idx_all_v, table_v, sem0, sem1, sem2, isem):
    c = lax.axis_index("c")
    s = lax.axis_index("s")
    wid = c * 16 + s
    row0 = wid * _RPW

    zeros16 = jnp.zeros((16,), jnp.float32)
    ones16 = jnp.ones((16,), jnp.float32)

    def _chunk_copy(ci, buf, sem):
        return pltpu.make_async_copy(
            nodes_hbm.at[pl.ds(row0 + ci * _C, _C), :], buf, sem)

    _chunk_copy(0, chunk0_v, sem0).start()
    _chunk_copy(1, chunk1_v, sem1).start()
    pltpu.make_async_copy(idx_hbm.at[pl.ds(row0, _RPW)],
                          idx_all_v.at[pl.ds(0, _RPW)], isem).start()

    def _zb(i, carry):
        for j in range(_TW // 16):
            table_v[i, pl.ds(j * 16, 16)] = zeros16
        return carry
    lax.fori_loop(0, _BATCH, _zb, 0)

    pltpu.make_async_copy(idx_hbm.at[pl.ds(row0, _RPW)],
                          idx_all_v.at[pl.ds(0, _RPW)], isem).wait()

    def _compute(chunk_ref, roff, size):
        first = idx_all_v[pl.ds(roff, 16)][0]
        last = idx_all_v[pl.ds(roff + size - 1, 16)][0]

        @pl.when(first == last)
        def _fast():
            def fb(i, acc):
                for u in range(_UNROLL):
                    r = i * _UNROLL + u
                    acc = tuple(acc[j] + chunk_ref[r, pl.ds(j * 16, 16)]
                                for j in range(_NJ))
                return acc
            acc = lax.fori_loop(0, size // _UNROLL, fb,
                                tuple(zeros16 for _ in range(_NJ)))
            for j in range(_NJ):
                table_v[first, pl.ds(j * 16, 16)] += acc[j]
            table_v[first, pl.ds(_D, 16)] += jnp.full(
                (16,), float(size), jnp.float32)

        @pl.when(first != last)
        def _slow():
            def sb(r, carry):
                sr = idx_all_v[pl.ds(roff + r, 16)][0]
                for j in range(_NJ):
                    table_v[sr, pl.ds(j * 16, 16)] += \
                        chunk_ref[r, pl.ds(j * 16, 16)]
                table_v[sr, pl.ds(_D, 16)] += ones16
                return carry
            lax.fori_loop(0, size, sb, 0)

    bufs = (chunk0_v, chunk1_v, chunk2_v)
    sems = (sem0, sem1, sem2)
    n_full = jnp.where(wid == _NW - 1, _NFULL_LAST, _NFULL)

    def _loop_body(ci, carry):
        phase = ci % 3
        for p in range(3):
            @pl.when(phase == p)
            def _(p=p):
                _chunk_copy(ci, bufs[p], sems[p]).wait()

                @pl.when(ci + 2 < n_full)
                def _():
                    _chunk_copy(ci + 2, bufs[(p + 2) % 3],
                                sems[(p + 2) % 3]).start()
                _compute(bufs[p], ci * _C, _C)
        return carry

    lax.fori_loop(0, n_full, _loop_body, 0)

    pltpu.sync_copy(table_v, out_hbm.at[wid])


def _sc_partials(nodes, node_graph_idx):
    f = pl.kernel(
        _sc_body,
        out_type=jax.ShapeDtypeStruct((_NW, _BATCH, _TW), jnp.float32),
        mesh=plsc.VectorSubcoreMesh(core_axis_name="c", subcore_axis_name="s"),
        scratch_types=[
            pltpu.VMEM((_C, _D), jnp.float32),
            pltpu.VMEM((_C, _D), jnp.float32),
            pltpu.VMEM((_C, _D), jnp.float32),
            pltpu.VMEM((_RPW + 24,), jnp.int32),
            pltpu.VMEM((_BATCH, _TW), jnp.float32),
            pltpu.SemaphoreType.DMA,
            pltpu.SemaphoreType.DMA,
            pltpu.SemaphoreType.DMA,
            pltpu.SemaphoreType.DMA,
        ],
    )
    return f(nodes, node_graph_idx)



def _tc_body(nodes_ref, idx_ref, w_ref, acc_ref):
    g = pl.program_id(0)

    @pl.when(g == 0)
    def _init():
        acc_ref[...] = jnp.zeros_like(acc_ref)

    blk = nodes_ref[...]
    y = jnp.dot(blk, w_ref[...], preferred_element_type=jnp.float32)
    idx = idx_ref[0, 0, :]
    onehot = (idx[:, None] == jax.lax.broadcasted_iota(
        jnp.int32, (1, _BATCH), 1)).astype(jnp.float32)
    y1 = jnp.concatenate([y, jnp.ones_like(y)], axis=1)
    acc_ref[...] += jax.lax.dot_general(
        y1, onehot, dimension_numbers=(((0,), (0,)), ((), ())),
        preferred_element_type=jnp.float32)


def _tc_acc(nodes, node_graph_idx, W):
    n = nodes.shape[0]
    goff = _SPLIT // _BR
    grid = (n - _SPLIT) // _BR
    idx3 = node_graph_idx.reshape(n // _BR, 1, _BR)
    return pl.pallas_call(
        _tc_body,
        grid=(grid,),
        in_specs=[
            pl.BlockSpec((_BR, _D), lambda g: (g + goff, 0)),
            pl.BlockSpec((1, 1, _BR), lambda g: (g + goff, 0, 0)),
            pl.BlockSpec((_D, 1), lambda g: (0, 0)),
        ],
        out_specs=pl.BlockSpec((2, _BATCH), lambda g: (0, 0)),
        out_shape=jax.ShapeDtypeStruct((2, _BATCH), jnp.float32),
    )(nodes, idx3, W)



def _merge_body(part_ref, acc_ref, w_ref, b_ref, out_ref):
    p = jnp.sum(part_ref[...], axis=0)
    sc_y = jnp.dot(p[:, :_D], w_ref[...],
                   preferred_element_type=jnp.float32)[:, 0]
    ytot = sc_y + acc_ref[0, :]
    cnt = p[:, _D] + acc_ref[1, :]
    logits = ytot / jnp.maximum(cnt, 1.0) + b_ref[0, 0]
    out_ref[...] = jax.nn.sigmoid(logits)[:, None]


def _merge(partials, acc, W, b):
    return pl.pallas_call(
        _merge_body,
        out_shape=jax.ShapeDtypeStruct((_BATCH, 1), jnp.float32),
    )(partials, acc, W, b.reshape(1, 1))


def kernel(nodes, edges, receivers, senders, global_latent, node_graph_idx,
           edge_graph_idx, W, b):
    acc = _tc_acc(nodes, node_graph_idx, W)
    partials = _sc_partials(nodes, node_graph_idx)
    return _merge(partials, acc, W, b)

# --- scband reference (transcript-rebuilt; emitter-appended) ---
"""Pipeline reference for scband-gin-decoder-layer-23450521436278 (READ-ONLY COPY).

The authoritative reference and input builder live on the scoring server;
editing this copy changes nothing except your own understanding.
"""

import jax, jax.numpy as jnp
import numpy as np

BATCH_SIZE = 256
N_NODES = 100000
N_EDGES = 1600000
D_FEAT = 128
D_EDGE = 16

def setup_inputs(seed: int = 0) -> dict:
    key = jax.random.key(seed)
    ks = jax.random.split(key, 10)
    nodes = jax.random.normal(ks[0], (N_NODES, D_FEAT), dtype=jnp.float32)
    edges = jax.random.normal(ks[1], (N_EDGES, D_EDGE), dtype=jnp.float32)
    receivers = jax.random.randint(ks[2], (N_EDGES,), 0, N_NODES, dtype=jnp.int64 if jax.config.read('jax_enable_x64') else jnp.int32).astype(jnp.int32)
    senders = jax.random.randint(ks[3], (N_EDGES,), 0, N_NODES).astype(jnp.int32)
    global_latent = jax.random.normal(ks[4], (BATCH_SIZE, D_FEAT), dtype=jnp.float32)
    node_graph_idx = jnp.sort(jax.random.randint(ks[5], (N_NODES,), 0, BATCH_SIZE)).astype(jnp.int32)
    edge_graph_idx = jnp.sort(jax.random.randint(ks[6], (N_EDGES,), 0, BATCH_SIZE)).astype(jnp.int32)
    # Dense(1, sigmoid) parameters (glorot-uniform-ish init)
    limit = np.sqrt(6.0 / (D_FEAT + 1))
    W = jax.random.uniform(ks[7], (D_FEAT, 1), minval=-limit, maxval=limit, dtype=jnp.float32)
    b = jnp.zeros((1,), dtype=jnp.float32)
    return {
        'nodes': nodes, 'edges': edges, 'receivers': receivers, 'senders': senders,
        'global_latent': global_latent, 'node_graph_idx': node_graph_idx,
        'edge_graph_idx': edge_graph_idx, 'W': W, 'b': b,
    }

def reference(nodes, edges, receivers, senders, global_latent, node_graph_idx, edge_graph_idx, W, b):
    # tf.math.unsorted_segment_mean(nodes, node_graph_idx, batch_size)
    sums = jax.ops.segment_sum(nodes, node_graph_idx, num_segments=BATCH_SIZE)
    counts = jax.ops.segment_sum(jnp.ones((nodes.shape[0],), dtype=nodes.dtype), node_graph_idx, num_segments=BATCH_SIZE)
    graphwise_means = sums / jnp.maximum(counts, 1.0)[:, None]
    # Dense(1, activation='sigmoid')
    output_prob = jax.nn.sigmoid(graphwise_means @ W + b)
    return output_prob

if __name__ == "__main__":
    import jax
    _d = setup_inputs()
    print(jax.jit(kernel)(*tuple(_d.values())))

</pallas_src>

<mosaic_0001>
#map = affine_map<(d0, d1) -> (0, 0)>
#map1 = affine_map<(d0, d1) -> (0)>
#map2 = affine_map<(d0, d1) -> (0, 0, 0)>
module attributes {stable_mosaic.version = 14 : i64} {
  func.func @_sc_body(%arg0: i32, %arg1: i32, %arg2: memref<100000x128xf32, #tpu.memory_space<hbm>>, %arg3: memref<100000xi32, #tpu.memory_space<hbm>>, %arg4: memref<32x256x144xf32, #tpu.memory_space<hbm>>, %arg5: memref<128x128xf32, #tpu.memory_space<vmem>>, %arg6: memref<128x128xf32, #tpu.memory_space<vmem>>, %arg7: memref<128x128xf32, #tpu.memory_space<vmem>>, %arg8: memref<1048xi32, #tpu.memory_space<vmem>>, %arg9: memref<256x144xf32, #tpu.memory_space<vmem>>, %arg10: memref<!tpu.dma_semaphore, #tpu.memory_space<semaphore_mem>>, %arg11: memref<!tpu.dma_semaphore, #tpu.memory_space<semaphore_mem>>, %arg12: memref<!tpu.dma_semaphore, #tpu.memory_space<semaphore_mem>>, %arg13: memref<!tpu.dma_semaphore, #tpu.memory_space<semaphore_mem>>) attributes {dimension_semantics = [#tpu.dimension_semantics<core_parallel>, #tpu.dimension_semantics<subcore_parallel>], iteration_bounds = array<i64: 2, 16>, scalar_prefetch = 0 : i64, scratch_operands = 9 : i64, tpu.core_type = #tpu.core_type<sc_vector_subcore>, window_params = [{transform_indices = #map}, {transform_indices = #map1}, {transform_indices = #map2}]} {
    %mul3A = arith.constant 16 : i32
    %mul3A_0 = arith.muli %arg0, %mul3A : i32
    %add3A = arith.addi %mul3A_0, %arg1 : i32
    %mul3A_1 = arith.constant 1024 : i32
    %mul3A_2 = arith.muli %add3A, %mul3A_1 : i32
    %broadcast_in_dim3A = arith.constant 0.000000e+00 : f32
    %broadcast_in_dim3A_3 = vector.broadcast %broadcast_in_dim3A : f32 to vector<16xf32>
    %broadcast_in_dim3A_4 = arith.constant 1.000000e+00 : f32
    %broadcast_in_dim3A_5 = vector.broadcast %broadcast_in_dim3A_4 : f32 to vector<16xf32>
    %add3A_6 = arith.constant 0 : i32
    %add3A_7 = arith.addi %mul3A_2, %add3A_6 : i32
    %dma_start3A = arith.constant 0 : i32
    %dma_start3A_8 = tpu.memref_slice %arg2[%add3A_7, %dma_start3A] : memref<100000x128xf32, #tpu.memory_space<hbm>> -> memref<128x128xf32, #tpu.memory_space<hbm>>
    %dma_start3A_9 = arith.constant 0 : i32
    %dma_start3A_10 = tpu.memref_slice %arg2[%add3A_7, %dma_start3A_9] : memref<100000x128xf32, #tpu.memory_space<hbm>> -> memref<128x128xf32, #tpu.memory_space<hbm>>
    tpu.enqueue_dma source(%dma_start3A_10 : memref<128x128xf32, #tpu.memory_space<hbm>>) target(%arg5 : memref<128x128xf32, #tpu.memory_space<vmem>>) target_semaphore(%arg10 : memref<!tpu.dma_semaphore, #tpu.memory_space<semaphore_mem>>)
    %add3A_11 = arith.constant 128 : i32
    %add3A_12 = arith.addi %mul3A_2, %add3A_11 : i32
    %dma_start3A_13 = arith.constant 0 : i32
    %dma_start3A_14 = tpu.memref_slice %arg2[%add3A_12, %dma_start3A_13] : memref<100000x128xf32, #tpu.memory_space<hbm>> -> memref<128x128xf32, #tpu.memory_space<hbm>>
    %dma_start3A_15 = arith.constant 0 : i32
    %dma_start3A_16 = tpu.memref_slice %arg2[%add3A_12, %dma_start3A_15] : memref<100000x128xf32, #tpu.memory_space<hbm>> -> memref<128x128xf32, #tpu.memory_space<hbm>>
    tpu.enqueue_dma source(%dma_start3A_16 : memref<128x128xf32, #tpu.memory_space<hbm>>) target(%arg6 : memref<128x128xf32, #tpu.memory_space<vmem>>) target_semaphore(%arg11 : memref<!tpu.dma_semaphore, #tpu.memory_space<semaphore_mem>>)
    %dma_start3A_17 = arith.constant 0 : i32
    %dma_start3A_18 = tpu.memref_slice %arg8[%dma_start3A_17] : memref<1048xi32, #tpu.memory_space<vmem>> -> memref<1024xi32, #tpu.memory_space<vmem>>
    %dma_start3A_19 = tpu.memref_slice %arg3[%mul3A_2] : memref<100000xi32, #tpu.memory_space<hbm>> -> memref<1024xi32, #tpu.memory_space<hbm>>
    %dma_start3A_20 = arith.constant 0 : i32
    %dma_start3A_21 = tpu.memref_slice %arg8[%dma_start3A_20] : memref<1048xi32, #tpu.memory_space<vmem>> -> memref<1024xi32, #tpu.memory_space<vmem>>
    %dma_start3A_22 = tpu.memref_slice %arg3[%mul3A_2] : memref<100000xi32, #tpu.memory_space<hbm>> -> memref<1024xi32, #tpu.memory_space<hbm>>
    tpu.enqueue_dma source(%dma_start3A_22 : memref<1024xi32, #tpu.memory_space<hbm>>) target(%dma_start3A_21 : memref<1024xi32, #tpu.memory_space<vmem>>) target_semaphore(%arg13 : memref<!tpu.dma_semaphore, #tpu.memory_space<semaphore_mem>>)
    %scan3A = arith.constant 0 : i32
    %scan3A_23 = arith.constant 0 : i32
    %scan3A_24 = arith.constant 256 : i32
    %scan3A_25 = arith.addi %scan3A_23, %scan3A_24 : i32
    %scan3A_26 = arith.constant 1 : i32
    scf.for %scan3A_44 = %scan3A_23 to %scan3A_25 step %scan3A_26  : i32 {
      %swap3A = arith.index_cast %scan3A_44 : i32 to index
      %swap3A_45 = arith.constant 0 : index
      %swap3A_46 = tpu.vector_load %arg9[%swap3A, %swap3A_45] {strides = array<i32>} : memref<256x144xf32, #tpu.memory_space<vmem>>, vector<1x16xf32>,
      %swap3A_47 = vector.shape_cast %swap3A_46 : vector<1x16xf32> to vector<16xf32>
      %swap3A_48 = vector.shape_cast %broadcast_in_dim3A_3 : vector<16xf32> to vector<1x16xf32>
      tpu.vector_store %arg9[%swap3A, %swap3A_45], %swap3A_48 {strides = array<i32>} : memref<256x144xf32, #tpu.memory_space<vmem>>, vector<1x16xf32>,
      %swap3A_49 = arith.index_cast %scan3A_44 : i32 to index
      %swap3A_50 = arith.constant 16 : index
      %swap3A_51 = tpu.vector_load %arg9[%swap3A_49, %swap3A_50] {strides = array<i32>} : memref<256x144xf32, #tpu.memory_space<vmem>>, vector<1x16xf32>,
      %swap3A_52 = vector.shape_cast %swap3A_51 : vector<1x16xf32> to vector<16xf32>
      %swap3A_53 = vector.shape_cast %broadcast_in_dim3A_3 : vector<16xf32> to vector<1x16xf32>
      tpu.vector_store %arg9[%swap3A_49, %swap3A_50], %swap3A_53 {strides = array<i32>} : memref<256x144xf32, #tpu.memory_space<vmem>>, vector<1x16xf32>,
      %swap3A_54 = arith.index_cast %scan3A_44 : i32 to index
      %swap3A_55 = arith.constant 32 : index
      %swap3A_56 = tpu.vector_load %arg9[%swap3A_54, %swap3A_55] {strides = array<i32>} : memref<256x144xf32, #tpu.memory_space<vmem>>, vector<1x16xf32>,
      %swap3A_57 = vector.shape_cast %swap3A_56 : vector<1x16xf32> to vector<16xf32>
      %swap3A_58 = vector.shape_cast %broadcast_in_dim3A_3 : vector<16xf32> to vector<1x16xf32>
      tpu.vector_store %arg9[%swap3A_54, %swap3A_55], %swap3A_58 {strides = array<i32>} : memref<256x144xf32, #tpu.memory_space<vmem>>, vector<1x16xf32>,
      %swap3A_59 = arith.index_cast %scan3A_44 : i32 to index
      %swap3A_60 = arith.constant 48 : index
      %swap3A_61 = tpu.vector_load %arg9[%swap3A_59, %swap3A_60] {strides = array<i32>} : memref<256x144xf32, #tpu.memory_space<vmem>>, vector<1x16xf32>,
      %swap3A_62 = vector.shape_cast %swap3A_61 : vector<1x16xf32> to vector<16xf32>
      %swap3A_63 = vector.shape_cast %broadcast_in_dim3A_3 : vector<16xf32> to vector<1x16xf32>
      tpu.vector_store %arg9[%swap3A_59, %swap3A_60], %swap3A_63 {strides = array<i32>} : memref<256x144xf32, #tpu.memory_space<vmem>>, vector<1x16xf32>,
      %swap3A_64 = arith.index_cast %scan3A_44 : i32 to index
      %swap3A_65 = arith.constant 64 : index
      %swap3A_66 = tpu.vector_load %arg9[%swap3A_64, %swap3A_65] {strides = array<i32>} : memref<256x144xf32, #tpu.memory_space<vmem>>, vector<1x16xf32>,
      %swap3A_67 = vector.shape_cast %swap3A_66 : vector<1x16xf32> to vector<16xf32>
      %swap3A_68 = vector.shape_cast %broadcast_in_dim3A_3 : vector<16xf32> to vector<1x16xf32>
      tpu.vector_store %arg9[%swap3A_64, %swap3A_65], %swap3A_68 {strides = array<i32>} : memref<256x144xf32, #tpu.memory_space<vmem>>, vector<1x16xf32>,
      %swap3A_69 = arith.index_cast %scan3A_44 : i32 to index
      %swap3A_70 = arith.constant 80 : index
      %swap3A_71 = tpu.vector_load %arg9[%swap3A_69, %swap3A_70] {strides = array<i32>} : memref<256x144xf32, #tpu.memory_space<vmem>>, vector<1x16xf32>,
      %swap3A_72 = vector.shape_cast %swap3A_71 : vector<1x16xf32> to vector<16xf32>
      %swap3A_73 = vector.shape_cast %broadcast_in_dim3A_3 : vector<16xf32> to vector<1x16xf32>
      tpu.vector_store %arg9[%swap3A_69, %swap3A_70], %swap3A_73 {strides = array<i32>} : memref<256x144xf32, #tpu.memory_space<vmem>>, vector<1x16xf32>,
      %swap3A_74 = arith.index_cast %scan3A_44 : i32 to index
      %swap3A_75 = arith.constant 96 : index
      %swap3A_76 = tpu.vector_load %arg9[%swap3A_74, %swap3A_75] {strides = array<i32>} : memref<256x144xf32, #tpu.memory_space<vmem>>, vector<1x16xf32>,
      %swap3A_77 = vector.shape_cast %swap3A_76 : vector<1x16xf32> to vector<16xf32>
      %swap3A_78 = vector.shape_cast %broadcast_in_dim3A_3 : vector<16xf32> to vector<1x16xf32>
      tpu.vector_store %arg9[%swap3A_74, %swap3A_75], %swap3A_78 {strides = array<i32>} : memref<256x144xf32, #tpu.memory_space<vmem>>, vector<1x16xf32>,
      %swap3A_79 = arith.index_cast %scan3A_44 : i32 to index
      %swap3A_80 = arith.constant 112 : index
      %swap3A_81 = tpu.vector_load %arg9[%swap3A_79, %swap3A_80] {strides = array<i32>} : memref<256x144xf32, #tpu.memory_space<vmem>>, vector<1x16xf32>,
      %swap3A_82 = vector.shape_cast %swap3A_81 : vector<1x16xf32> to vector<16xf32>
      %swap3A_83 = vector.shape_cast %broadcast_in_dim3A_3 : vector<16xf32> to vector<1x16xf32>
      tpu.vector_store %arg9[%swap3A_79, %swap3A_80], %swap3A_83 {strides = array<i32>} : memref<256x144xf32, #tpu.memory_space<vmem>>, vector<1x16xf32>,
      %swap3A_84 = arith.index_cast %scan3A_44 : i32 to index
      %swap3A_85 = arith.constant 128 : index
      %swap3A_86 = tpu.vector_load %arg9[%swap3A_84, %swap3A_85] {strides = array<i32>} : memref<256x144xf32, #tpu.memory_space<vmem>>, vector<1x16xf32>,
      %swap3A_87 = vector.shape_cast %swap3A_86 : vector<1x16xf32> to vector<16xf32>
      %swap3A_88 = vector.shape_cast %broadcast_in_dim3A_3 : vector<16xf32> to vector<1x16xf32>
      tpu.vector_store %arg9[%swap3A_84, %swap3A_85], %swap3A_88 {strides = array<i32>} : memref<256x144xf32, #tpu.memory_space<vmem>>, vector<1x16xf32>,
    }
    %scan3A_27 = arith.constant 256 : i32
    %dma_wait3A = arith.constant 0 : i32
    %dma_wait3A_28 = tpu.memref_slice %arg8[%dma_wait3A] : memref<1048xi32, #tpu.memory_space<vmem>> -> memref<1024xi32, #tpu.memory_space<vmem>>
    %dma_wait3A_29 = tpu.memref_slice %arg3[%mul3A_2] : memref<100000xi32, #tpu.memory_space<hbm>> -> memref<1024xi32, #tpu.memory_space<hbm>>
    %dma_wait3A_30 = arith.constant 0 : i32
    %dma_wait3A_31 = tpu.memref_slice %arg8[%dma_wait3A_30] : memref<1048xi32, #tpu.memory_space<vmem>> -> memref<1024xi32, #tpu.memory_space<vmem>>
    %dma_wait3A_32 = tpu.memref_slice %arg3[%mul3A_2] : memref<100000xi32, #tpu.memory_space<hbm>> -> memref<1024xi32, #tpu.memory_space<hbm>>
    tpu.wait_dma2 semaphore(%arg13 : memref<!tpu.dma_semaphore, #tpu.memory_space<semaphore_mem>>) src(%dma_wait3A_32 : memref<1024xi32, #tpu.memory_space<hbm>>) dst(%dma_wait3A_31 : memref<1024xi32, #tpu.memory_space<vmem>>)
    %eq3A = arith.constant 31 : i32
    %eq3A_33 = arith.cmpi eq, %add3A, %eq3A : i32
    %jit3A = arith.constant 2 : i32
    %jit3A_34 = arith.constant 8 : i32
    %select_n3A = arith.select %eq3A_33, %jit3A, %jit3A_34 : i32
    %while3A = arith.constant 0 : i32
    %while3A_35 = arith.constant 0 : i32
    %while3A_36 = arith.subi %select_n3A, %while3A_35 : i32
    %while3A_37 = arith.addi %while3A_35, %while3A_36 : i32
    %while3A_38 = arith.constant 1 : i32
    %while3A_39 = arith.divsi %while3A_36, %while3A_38 : i32
    %while3A_40 = arith.muli %while3A_39, %while3A_38 : i32
    %while3A_41 = arith.addi %while3A_35, %while3A_40 : i32
    %while3A_42 = arith.constant 1 : i32
    scf.for %while3A_44 = %while3A_35 to %while3A_41 step %while3A_42  : i32 {
      %jit3A_45 = arith.constant 3 : i32
      %eq3A_46 = arith.constant 0 : i32
      %eq3A_47 = arith.cmpi eq, %jit3A_45, %eq3A_46 : i32
      %jit3A_48 = arith.constant 1 : i32
      %select_n3A_49 = arith.select %eq3A_47, %jit3A_48, %jit3A_45 : i32
      %rem3A = arith.remsi %while3A_44, %select_n3A_49 : i32
      %ne3A = arith.constant 0 : i32
      %ne3A_50 = arith.cmpi ne, %rem3A, %ne3A : i32
      %lt3A = arith.constant 0 : i32
      %lt3A_51 = arith.cmpi slt, %rem3A, %lt3A : i32
      %lt3A_52 = arith.constant 0 : i32
      %lt3A_53 = arith.cmpi slt, %select_n3A_49, %lt3A_52 : i32
      %ne3A_54 = arith.xori %lt3A_51, %lt3A_53 : i1
      %and3A = arith.andi %ne3A_54, %ne3A_50 : i1
      %add3A_55 = arith.addi %rem3A, %select_n3A_49 : i32
      %select_n3A_56 = arith.select %and3A, %add3A_55, %rem3A : i32
      %eq3A_57 = arith.constant 0 : i32
      %eq3A_58 = arith.cmpi eq, %select_n3A_56, %eq3A_57 : i32
      %convert_element_type3A = arith.extui %eq3A_58 : i1 to i32
      %cond3A = arith.constant 0 : i32
      %cond3A_59 = arith.cmpi ne, %convert_element_type3A, %cond3A : i32
      scf.if %cond3A_59 {
        %mul3A_70 = arith.constant 128 : i32
        %mul3A_71 = arith.muli %while3A_44, %mul3A_70 : i32
        %add3A_72 = arith.addi %mul3A_2, %mul3A_71 : i32
        %dma_wait3A_73 = arith.constant 0 : i32
        %dma_wait3A_74 = tpu.memref_slice %arg2[%add3A_72, %dma_wait3A_73] : memref<100000x128xf32, #tpu.memory_space<hbm>> -> memref<128x128xf32, #tpu.memory_space<hbm>>
        %dma_wait3A_75 = arith.constant 0 : i32
        %dma_wait3A_76 = tpu.memref_slice %arg2[%add3A_72, %dma_wait3A_75] : memref<100000x128xf32, #tpu.memory_space<hbm>> -> memref<128x128xf32, #tpu.memory_space<hbm>>
        tpu.wait_dma2 semaphore(%arg10 : memref<!tpu.dma_semaphore, #tpu.memory_space<semaphore_mem>>) src(%dma_wait3A_76 : memref<128x128xf32, #tpu.memory_space<hbm>>) dst(%arg5 : memref<128x128xf32, #tpu.memory_space<vmem>>)
        %add3A_77 = arith.constant 2 : i32
        %add3A_78 = arith.addi %while3A_44, %add3A_77 : i32
        %lt3A_79 = arith.cmpi slt, %add3A_78, %select_n3A : i32
        %convert_element_type3A_80 = arith.extui %lt3A_79 : i1 to i32
        %cond3A_81 = arith.constant 0 : i32
        %cond3A_82 = arith.cmpi ne, %convert_element_type3A_80, %cond3A_81 : i32
        scf.if %cond3A_82 {
          %add3A_103 = arith.constant 2 : i32
          %add3A_104 = arith.addi %while3A_44, %add3A_103 : i32
          %mul3A_105 = arith.constant 128 : i32
          %mul3A_106 = arith.muli %add3A_104, %mul3A_105 : i32
          %add3A_107 = arith.addi %mul3A_2, %mul3A_106 : i32
          %dma_start3A_108 = arith.constant 0 : i32
          %dma_start3A_109 = tpu.memref_slice %arg2[%add3A_107, %dma_start3A_108] : memref<100000x128xf32, #tpu.memory_space<hbm>> -> memref<128x128xf32, #tpu.memory_space<hbm>>
          %dma_start3A_110 = arith.constant 0 : i32
          %dma_start3A_111 = tpu.memref_slice %arg2[%add3A_107, %dma_start3A_110] : memref<100000x128xf32, #tpu.memory_space<hbm>> -> memref<128x128xf32, #tpu.memory_space<hbm>>
          tpu.enqueue_dma source(%dma_start3A_111 : memref<128x128xf32, #tpu.memory_space<hbm>>) target(%arg7 : memref<128x128xf32, #tpu.memory_space<vmem>>) target_semaphore(%arg12 : memref<!tpu.dma_semaphore, #tpu.memory_space<semaphore_mem>>)
        } else {
        }
        %mul3A_83 = arith.constant 128 : i32
        %mul3A_84 = arith.muli %while3A_44, %mul3A_83 : i32
        %get3A = arith.index_cast %mul3A_84 : i32 to index
        %get3A_85 = tpu.vector_load %arg8[%get3A] {strides = array<i32>} : memref<1048xi32, #tpu.memory_space<vmem>>, vector<16xi32>,
        %get3A_86 = vector.shape_cast %get3A_85 : vector<16xi32> to vector<16xi32>
        %slice3A = vector.extract_strided_slice %get3A_86 {offsets = [0], sizes = [1], strides = [1]} : vector<16xi32> to vector<1xi32>
        %squeeze3A = vector.extract %slice3A[0] : i32 from vector<1xi32>
        %add3A_87 = arith.constant 128 : i32
        %add3A_88 = arith.addi %mul3A_84, %add3A_87 : i32
        %sub3A = arith.constant 1 : i32
        %sub3A_89 = arith.subi %add3A_88, %sub3A : i32
        %get3A_90 = arith.index_cast %sub3A_89 : i32 to index
        %get3A_91 = tpu.vector_load %arg8[%get3A_90] {strides = array<i32>} : memref<1048xi32, #tpu.memory_space<vmem>>, vector<16xi32>,
        %get3A_92 = vector.shape_cast %get3A_91 : vector<16xi32> to vector<16xi32>
        %slice3A_93 = vector.extract_strided_slice %get3A_92 {offsets = [0], sizes = [1], strides = [1]} : vector<16xi32> to vector<1xi32>
        %squeeze3A_94 = vector.extract %slice3A_93[0] : i32 from vector<1xi32>
        %eq3A_95 = arith.cmpi eq, %squeeze3A, %squeeze3A_94 : i32
        %convert_element_type3A_96 = arith.extui %eq3A_95 : i1 to i32
        %cond3A_97 = arith.constant 0 : i32
        %cond3A_98 = arith.cmpi ne, %convert_element_type3A_96, %cond3A_97 : i32
        scf.if %cond3A_98 {
          %scan3A_103 = arith.constant 0 : i32
          %scan3A_104 = arith.constant 32 : i32
          %scan3A_105 = arith.addi %scan3A_103, %scan3A_104 : i32
          %scan3A_106 = arith.constant 1 : i32
          %scan3A_107:8 = scf.for %scan3A_200 = %scan3A_103 to %scan3A_105 step %scan3A_106 iter_args(%scan3A_201 = %broadcast_in_dim3A_3, %scan3A_202 = %broadcast_in_dim3A_3, %scan3A_203 = %broadcast_in_dim3A_3, %scan3A_204 = %broadcast_in_dim3A_3, %scan3A_205 = %broadcast_in_dim3A_3, %scan3A_206 = %broadcast_in_dim3A_3, %scan3A_207 = %broadcast_in_dim3A_3, %scan3A_208 = %broadcast_in_dim3A_3) -> (vector<16xf32>, vector<16xf32>, vector<16xf32>, vector<16xf32>, vector<16xf32>, vector<16xf32>, vector<16xf32>, vector<16xf32>)  : i32 {
            %mul3A_209 = arith.constant 4 : i32
            %mul3A_210 = arith.muli %scan3A_200, %mul3A_209 : i32
            %add3A_211 = arith.constant 0 : i32
            %add3A_212 = arith.addi %mul3A_210, %add3A_211 : i32
            %get3A_213 = arith.index_cast %add3A_212 : i32 to index
            %get3A_214 = arith.constant 0 : index
            %get3A_215 = tpu.vector_load %arg5[%get3A_213, %get3A_214] {strides = array<i32>} : memref<128x128xf32, #tpu.memory_space<vmem>>, vector<1x16xf32>,
            %get3A_216 = vector.shape_cast %get3A_215 : vector<1x16xf32> to vector<16xf32>
            %add3A_217 = arith.addf %scan3A_201, %get3A_216 : vector<16xf32>
            %get3A_218 = arith.index_cast %add3A_212 : i32 to index
            %get3A_219 = arith.constant 16 : index
            %get3A_220 = tpu.vector_load %arg5[%get3A_218, %get3A_219] {strides = array<i32>} : memref<128x128xf32, #tpu.memory_space<vmem>>, vector<1x16xf32>,
            %get3A_221 = vector.shape_cast %get3A_220 : vector<1x16xf32> to vector<16xf32>
            %add3A_222 = arith.addf %scan3A_202, %get3A_221 : vector<16xf32>
            %get3A_223 = arith.index_cast %add3A_212 : i32 to index
            %get3A_224 = arith.constant 32 : index
            %get3A_225 = tpu.vector_load %arg5[%get3A_223, %get3A_224] {strides = array<i32>} : memref<128x128xf32, #tpu.memory_space<vmem>>, vector<1x16xf32>,
            %get3A_226 = vector.shape_cast %get3A_225 : vector<1x16xf32> to vector<16xf32>
            %add3A_227 = arith.addf %scan3A_203, %get3A_226 : vector<16xf32>
            %get3A_228 = arith.index_cast %add3A_212 : i32 to index
            %get3A_229 = arith.constant 48 : index
            %get3A_230 = tpu.vector_load %arg5[%get3A_228, %get3A_229] {strides = array<i32>} : memref<128x128xf32, #tpu.memory_space<vmem>>, vector<1x16xf32>,
            %get3A_231 = vector.shape_cast %get3A_230 : vector<1x16xf32> to vector<16xf32>
            %add3A_232 = arith.addf %scan3A_204, %get3A_231 : vector<16xf32>
            %get3A_233 = arith.index_cast %add3A_212 : i32 to index
            %get3A_234 = arith.constant 64 : index
            %get3A_235 = tpu.vector_load %arg5[%get3A_233, %get3A_234] {strides = array<i32>} : memref<128x128xf32, #tpu.memory_space<vmem>>, vector<1x16xf32>,
            %get3A_236 = vector.shape_cast %get3A_235 : vector<1x16xf32> to vector<16xf32>
            %add3A_237 = arith.addf %scan3A_205, %get3A_236 : vector<16xf32>
            %get3A_238 = arith.index_cast %add3A_212 : i32 to index
            %get3A_239 = arith.constant 80 : index
            %get3A_240 = tpu.vector_load %arg5[%get3A_238, %get3A_239] {strides = array<i32>} : memref<128x128xf32, #tpu.memory_space<vmem>>, vector<1x16xf32>,
            %get3A_241 = vector.shape_cast %get3A_240 : vector<1x16xf32> to vector<16xf32>
            %add3A_242 = arith.addf %scan3A_206, %get3A_241 : vector<16xf32>
            %get3A_243 = arith.index_cast %add3A_212 : i32 to index
            %get3A_244 = arith.constant 96 : index
            %get3A_245 = tpu.vector_load %arg5[%get3A_243, %get3A_244] {strides = array<i32>} : memref<128x128xf32, #tpu.memory_space<vmem>>, vector<1x16xf32>,
            %get3A_246 = vector.shape_cast %get3A_245 : vector<1x16xf32> to vector<16xf32>
            %add3A_247 = arith.addf %scan3A_207, %get3A_246 : vector<16xf32>
            %get3A_248 = arith.index_cast %add3A_212 : i32 to index
            %get3A_249 = arith.constant 112 : index
            %get3A_250 = tpu.vector_load %arg5[%get3A_248, %get3A_249] {strides = array<i32>} : memref<128x128xf32, #tpu.memory_space<vmem>>, vector<1x16xf32>,
            %get3A_251 = vector.shape_cast %get3A_250 : vector<1x16xf32> to vector<16xf32>
            %add3A_252 = arith.addf %scan3A_208, %get3A_251 : vector<16xf32>
            %mul3A_253 = arith.constant 4 : i32
            %mul3A_254 = arith.muli %scan3A_200, %mul3A_253 : i32
            %add3A_255 = arith.constant 1 : i32
            %add3A_256 = arith.addi %mul3A_254, %add3A_255 : i32
            %get3A_257 = arith.index_cast %add3A_256 : i32 to index
            %get3A_258 = arith.constant 0 : index
            %get3A_259 = tpu.vector_load %arg5[%get3A_257, %get3A_258] {strides = array<i32>} : memref<128x128xf32, #tpu.memory_space<vmem>>, vector<1x16xf32>,
            %get3A_260 = vector.shape_cast %get3A_259 : vector<1x16xf32> to vector<16xf32>
            %add3A_261 = arith.addf %add3A_217, %get3A_260 : vector<16xf32>
            %get3A_262 = arith.index_cast %add3A_256 : i32 to index
            %get3A_263 = arith.constant 16 : index
            %get3A_264 = tpu.vector_load %arg5[%get3A_262, %get3A_263] {strides = array<i32>} : memref<128x128xf32, #tpu.memory_space<vmem>>, vector<1x16xf32>,
            %get3A_265 = vector.shape_cast %get3A_264 : vector<1x16xf32> to vector<16xf32>
            %add3A_266 = arith.addf %add3A_222, %get3A_265 : vector<16xf32>
            %get3A_267 = arith.index_cast %add3A_256 : i32 to index
            %get3A_268 = arith.constant 32 : index
            %get3A_269 = tpu.vector_load %arg5[%get3A_267, %get3A_268] {strides = array<i32>} : memref<128x128xf32, #tpu.memory_space<vmem>>, vector<1x16xf32>,
            %get3A_270 = vector.shape_cast %get3A_269 : vector<1x16xf32> to vector<16xf32>
            %add3A_271 = arith.addf %add3A_227, %get3A_270 : vector<16xf32>
            %get3A_272 = arith.index_cast %add3A_256 : i32 to index
            %get3A_273 = arith.constant 48 : index
            %get3A_274 = tpu.vector_load %arg5[%get3A_272, %get3A_273] {strides = array<i32>} : memref<128x128xf32, #tpu.memory_space<vmem>>, vector<1x16xf32>,
            %get3A_275 = vector.shape_cast %get3A_274 : vector<1x16xf32> to vector<16xf32>
            %add3A_276 = arith.addf %add3A_232, %get3A_275 : vector<16xf32>
            %get3A_277 = arith.index_cast %add3A_256 : i32 to index
            %get3A_278 = arith.constant 64 : index
            %get3A_279 = tpu.vector_load %arg5[%get3A_277, %get3A_278] {strides = array<i32>} : memref<128x128xf32, #tpu.memory_space<vmem>>, vector<1x16xf32>,
            %get3A_280 = vector.shape_cast %get3A_279 : vector<1x16xf32> to vector<16xf32>
            %add3A_281 = arith.addf %add3A_237, %get3A_280 : vector<16xf32>
            %get3A_282 = arith.index_cast %add3A_256 : i32 to index
            %get3A_283 = arith.constant 80 : index
            %get3A_284 = tpu.vector_load %arg5[%get3A_282, %get3A_283] {strides = array<i32>} : memref<128x128xf32, #tpu.memory_space<vmem>>, vector<1x16xf32>,
            %get3A_285 = vector.shape_cast %get3A_284 : vector<1x16xf32> to vector<16xf32>
            %add3A_286 = arith.addf %add3A_242, %get3A_285 : vector<16xf32>
            %get3A_287 = arith.index_cast %add3A_256 : i32 to index
            %get3A_288 = arith.constant 96 : index
            %get3A_289 = tpu.vector_load %arg5[%get3A_287, %get3A_288] {strides = array<i32>} : memref<128x128xf32, #tpu.memory_space<vmem>>, vector<1x16xf32>,
            %get3A_290 = vector.shape_cast %get3A_289 : vector<1x16xf32> to vector<16xf32>
            %add3A_291 = arith.addf %add3A_247, %get3A_290 : vector<16xf32>
            %get3A_292 = arith.index_cast %add3A_256 : i32 to index
            %get3A_293 = arith.constant 112 : index
            %get3A_294 = tpu.vector_load %arg5[%get3A_292, %get3A_293] {strides = array<i32>} : memref<128x128xf32, #tpu.memory_space<vmem>>, vector<1x16xf32>,
            %get3A_295 = vector.shape_cast %get3A_294 : vector<1x16xf32> to vector<16xf32>
            %add3A_296 = arith.addf %add3A_252, %get3A_295 : vector<16xf32>
            %mul3A_297 = arith.constant 4 : i32
            %mul3A_298 = arith.muli %scan3A_200, %mul3A_297 : i32
            %add3A_299 = arith.constant 2 : i32
            %add3A_300 = arith.addi %mul3A_298, %add3A_299 : i32
            %get3A_301 = arith.index_cast %add3A_300 : i32 to index
            %get3A_302 = arith.constant 0 : index
            %get3A_303 = tpu.vector_load %arg5[%get3A_301, %get3A_302] {strides = array<i32>} : memref<128x128xf32, #tpu.memory_space<vmem>>, vector<1x16xf32>,
            %get3A_304 = vector.shape_cast %get3A_303 : vector<1x16xf32> to vector<16xf32>
            %add3A_305 = arith.addf %add3A_261, %get3A_304 : vector<16xf32>
            %get3A_306 = arith.index_cast %add3A_300 : i32 to index
            %get3A_307 = arith.constant 16 : index
            %get3A_308 = tpu.vector_load %arg5[%get3A_306, %get3A_307] {strides = array<i32>} : memref<128x128xf32, #tpu.memory_space<vmem>>, vector<1x16xf32>,
            %get3A_309 = vector.shape_cast %get3A_308 : vector<1x16xf32> to vector<16xf32>
            %add3A_310 = arith.addf %add3A_266, %get3A_309 : vector<16xf32>
            %get3A_311 = arith.index_cast %add3A_300 : i32 to index
            %get3A_312 = arith.constant 32 : index
            %get3A_313 = tpu.vector_load %arg5[%get3A_311, %get3A_312] {strides = array<i32>} : memref<128x128xf32, #tpu.memory_space<vmem>>, vector<1x16xf32>,
            %get3A_314 = vector.shape_cast %get3A_313 : vector<1x16xf32> to vector<16xf32>
            %add3A_315 = arith.addf %add3A_271, %get3A_314 : vector<16xf32>
            %get3A_316 = arith.index_cast %add3A_300 : i32 to index
            %get3A_317 = arith.constant 48 : index
            %get3A_318 = tpu.vector_load %arg5[%get3A_316, %get3A_317] {strides = array<i32>} : memref<128x128xf32, #tpu.memory_space<vmem>>, vector<1x16xf32>,
            %get3A_319 = vector.shape_cast %get3A_318 : vector<1x16xf32> to vector<16xf32>
            %add3A_320 = arith.addf %add3A_276, %get3A_319 : vector<16xf32>
            %get3A_321 = arith.index_cast %add3A_300 : i32 to index
            %get3A_322 = arith.constant 64 : index
            %get3A_323 = tpu.vector_load %arg5[%get3A_321, %get3A_322] {strides = array<i32>} : memref<128x128xf32, #tpu.memory_space<vmem>>, vector<1x16xf32>,
            %get3A_324 = vector.shape_cast %get3A_323 : vector<1x16xf32> to vector<16xf32>
            %add3A_325 = arith.addf %add3A_281, %get3A_324 : vector<16xf32>
            %get3A_326 = arith.index_cast %add3A_300 : i32 to index
            %get3A_327 = arith.constant 80 : index
            %get3A_328 = tpu.vector_load %arg5[%get3A_326, %get3A_327] {strides = array<i32>} : memref<128x128xf32, #tpu.memory_space<vmem>>, vector<1x16xf32>,
            %get3A_329 = vector.shape_cast %get3A_328 : vector<1x16xf32> to vector<16xf32>
            %add3A_330 = arith.addf %add3A_286, %get3A_329 : vector<16xf32>
            %get3A_331 = arith.index_cast %add3A_300 : i32 to index
            %get3A_332 = arith.constant 96 : index
            %get3A_333 = tpu.vector_load %arg5[%get3A_331, %get3A_332] {strides = array<i32>} : memref<128x128xf32, #tpu.memory_space<vmem>>, vector<1x16xf32>,
            %get3A_334 = vector.shape_cast %get3A_333 : vector<1x16xf32> to vector<16xf32>
            %add3A_335 = arith.addf %add3A_291, %get3A_334 : vector<16xf32>
            %get3A_336 = arith.index_cast %add3A_300 : i32 to index
            %get3A_337 = arith.constant 112 : index
            %get3A_338 = tpu.vector_load %arg5[%get3A_336, %get3A_337] {strides = array<i32>} : memref<128x128xf32, #tpu.memory_space<vmem>>, vector<1x16xf32>,
            %get3A_339 = vector.shape_cast %get3A_338 : vector<1x16xf32> to vector<16xf32>
            %add3A_340 = arith.addf %add3A_296, %get3A_339 : vector<16xf32>
            %mul3A_341 = arith.constant 4 : i32
            %mul3A_342 = arith.muli %scan3A_200, %mul3A_341 : i32
            %add3A_343 = arith.constant 3 : i32
            %add3A_344 = arith.addi %mul3A_342, %add3A_343 : i32
            %get3A_345 = arith.index_cast %add3A_344 : i32 to index
            %get3A_346 = arith.constant 0 : index
            %get3A_347 = tpu.vector_load %arg5[%get3A_345, %get3A_346] {strides = array<i32>} : memref<128x128xf32, #tpu.memory_space<vmem>>, vector<1x16xf32>,
            %get3A_348 = vector.shape_cast %get3A_347 : vector<1x16xf32> to vector<16xf32>
            %add3A_349 = arith.addf %add3A_305, %get3A_348 : vector<16xf32>
            %get3A_350 = arith.index_cast %add3A_344 : i32 to index
            %get3A_351 = arith.constant 16 : index
            %get3A_352 = tpu.vector_load %arg5[%get3A_350, %get3A_351] {strides = array<i32>} : memref<128x128xf32, #tpu.memory_space<vmem>>, vector<1x16xf32>,
            %get3A_353 = vector.shape_cast %get3A_352 : vector<1x16xf32> to vector<16xf32>
            %add3A_354 = arith.addf %add3A_310, %get3A_353 : vector<16xf32>
            %get3A_355 = arith.index_cast %add3A_344 : i32 to index
            %get3A_356 = arith.constant 32 : index
            %get3A_357 = tpu.vector_load %arg5[%get3A_355, %get3A_356] {strides = array<i32>} : memref<128x128xf32, #tpu.memory_space<vmem>>, vector<1x16xf32>,
            %get3A_358 = vector.shape_cast %get3A_357 : vector<1x16xf32> to vector<16xf32>
            %add3A_359 = arith.addf %add3A_315, %get3A_358 : vector<16xf32>
            %get3A_360 = arith.index_cast %add3A_344 : i32 to index
            %get3A_361 = arith.constant 48 : index
            %get3A_362 = tpu.vector_load %arg5[%get3A_360, %get3A_361] {strides = array<i32>} : memref<128x128xf32, #tpu.memory_space<vmem>>, vector<1x16xf32>,
            %get3A_363 = vector.shape_cast %get3A_362 : vector<1x16xf32> to vector<16xf32>
            %add3A_364 = arith.addf %add3A_320, %get3A_363 : vector<16xf32>
            %get3A_365 = arith.index_cast %add3A_344 : i32 to index
            %get3A_366 = arith.constant 64 : index
            %get3A_367 = tpu.vector_load %arg5[%get3A_365, %get3A_366] {strides = array<i32>} : memref<128x128xf32, #tpu.memory_space<vmem>>, vector<1x16xf32>,
            %get3A_368 = vector.shape_cast %get3A_367 : vector<1x16xf32> to vector<16xf32>
            %add3A_369 = arith.addf %add3A_325, %get3A_368 : vector<16xf32>
            %get3A_370 = arith.index_cast %add3A_344 : i32 to index
            %get3A_371 = arith.constant 80 : index
            %get3A_372 = tpu.vector_load %arg5[%get3A_370, %get3A_371] {strides = array<i32>} : memref<128x128xf32, #tpu.memory_space<vmem>>, vector<1x16xf32>,
            %get3A_373 = vector.shape_cast %get3A_372 : vector<1x16xf32> to vector<16xf32>
            %add3A_374 = arith.addf %add3A_330, %get3A_373 : vector<16xf32>
            %get3A_375 = arith.index_cast %add3A_344 : i32 to index
            %get3A_376 = arith.constant 96 : index
            %get3A_377 = tpu.vector_load %arg5[%get3A_375, %get3A_376] {strides = array<i32>} : memref<128x128xf32, #tpu.memory_space<vmem>>, vector<1x16xf32>,
            %get3A_378 = vector.shape_cast %get3A_377 : vector<1x16xf32> to vector<16xf32>
            %add3A_379 = arith.addf %add3A_335, %get3A_378 : vector<16xf32>
            %get3A_380 = arith.index_cast %add3A_344 : i32 to index
            %get3A_381 = arith.constant 112 : index
            %get3A_382 = tpu.vector_load %arg5[%get3A_380, %get3A_381] {strides = array<i32>} : memref<128x128xf32, #tpu.memory_space<vmem>>, vector<1x16xf32>,
            %get3A_383 = vector.shape_cast %get3A_382 : vector<1x16xf32> to vector<16xf32>
            %add3A_384 = arith.addf %add3A_340, %get3A_383 : vector<16xf32>
            scf.yield %add3A_349, %add3A_354, %add3A_359, %add3A_364, %add3A_369, %add3A_374, %add3A_379, %add3A_384 : vector<16xf32>, vector<16xf32>, vector<16xf32>, vector<16xf32>, vector<16xf32>, vector<16xf32>, vector<16xf32>, vector<16xf32>
          }
          %scan3A_108 = arith.constant 32 : i32
          %get3A_109 = arith.index_cast %squeeze3A : i32 to index
          %get3A_110 = arith.constant 0 : index
          %get3A_111 = tpu.vector_load %arg9[%get3A_109, %get3A_110] {strides = array<i32>} : memref<256x144xf32, #tpu.memory_space<vmem>>, vector<1x16xf32>,
          %get3A_112 = vector.shape_cast %get3A_111 : vector<1x16xf32> to vector<16xf32>
          %add3A_113 = arith.addf %get3A_112, %scan3A_107#0 : vector<16xf32>
          %swap3A = arith.index_cast %squeeze3A : i32 to index
          %swap3A_114 = arith.constant 0 : index
          %swap3A_115 = tpu.vector_load %arg9[%swap3A, %swap3A_114] {strides = array<i32>} : memref<256x144xf32, #tpu.memory_space<vmem>>, vector<1x16xf32>,
          %swap3A_116 = vector.shape_cast %swap3A_115 : vector<1x16xf32> to vector<16xf32>
          %swap3A_117 = vector.shape_cast %add3A_113 : vector<16xf32> to vector<1x16xf32>
          tpu.vector_store %arg9[%swap3A, %swap3A_114], %swap3A_117 {strides = array<i32>} : memref<256x144xf32, #tpu.memory_space<vmem>>, vector<1x16xf32>,
          %get3A_118 = arith.index_cast %squeeze3A : i32 to index
          %get3A_119 = arith.constant 16 : index
          %get3A_120 = tpu.vector_load %arg9[%get3A_118, %get3A_119] {strides = array<i32>} : memref<256x144xf32, #tpu.memory_space<vmem>>, vector<1x16xf32>,
          %get3A_121 = vector.shape_cast %get3A_120 : vector<1x16xf32> to vector<16xf32>
          %add3A_122 = arith.addf %get3A_121, %scan3A_107#1 : vector<16xf32>
          %swap3A_123 = arith.index_cast %squeeze3A : i32 to index
          %swap3A_124 = arith.constant 16 : index
          %swap3A_125 = tpu.vector_load %arg9[%swap3A_123, %swap3A_124] {strides = array<i32>} : memref<256x144xf32, #tpu.memory_space<vmem>>, vector<1x16xf32>,
          %swap3A_126 = vector.shape_cast %swap3A_125 : vector<1x16xf32> to vector<16xf32>
          %swap3A_127 = vector.shape_cast %add3A_122 : vector<16xf32> to vector<1x16xf32>
          tpu.vector_store %arg9[%swap3A_123, %swap3A_124], %swap3A_127 {strides = array<i32>} : memref<256x144xf32, #tpu.memory_space<vmem>>, vector<1x16xf32>,
          %get3A_128 = arith.index_cast %squeeze3A : i32 to index
          %get3A_129 = arith.constant 32 : index
          %get3A_130 = tpu.vector_load %arg9[%get3A_128, %get3A_129] {strides = array<i32>} : memref<256x144xf32, #tpu.memory_space<vmem>>, vector<1x16xf32>,
          %get3A_131 = vector.shape_cast %get3A_130 : vector<1x16xf32> to vector<16xf32>
          %add3A_132 = arith.addf %get3A_131, %scan3A_107#2 : vector<16xf32>
          %swap3A_133 = arith.index_cast %squeeze3A : i32 to index
          %swap3A_134 = arith.constant 32 : index
          %swap3A_135 = tpu.vector_load %arg9[%swap3A_133, %swap3A_134] {strides = array<i32>} : memref<256x144xf32, #tpu.memory_space<vmem>>, vector<1x16xf32>,
          %swap3A_136 = vector.shape_cast %swap3A_135 : vector<1x16xf32> to vector<16xf32>
          %swap3A_137 = vector.shape_cast %add3A_132 : vector<16xf32> to vector<1x16xf32>
          tpu.vector_store %arg9[%swap3A_133, %swap3A_134], %swap3A_137 {strides = array<i32>} : memref<256x144xf32, #tpu.memory_space<vmem>>, vector<1x16xf32>,
          %get3A_138 = arith.index_cast %squeeze3A : i32 to index
          %get3A_139 = arith.constant 48 : index
          %get3A_140 = tpu.vector_load %arg9[%get3A_138, %get3A_139] {strides = array<i32>} : memref<256x144xf32, #tpu.memory_space<vmem>>, vector<1x16xf32>,
          %get3A_141 = vector.shape_cast %get3A_140 : vector<1x16xf32> to vector<16xf32>
          %add3A_142 = arith.addf %get3A_141, %scan3A_107#3 : vector<16xf32>
          %swap3A_143 = arith.index_cast %squeeze3A : i32 to index
          %swap3A_144 = arith.constant 48 : index
          %swap3A_145 = tpu.vector_load %arg9[%swap3A_143, %swap3A_144] {strides = array<i32>} : memref<256x144xf32, #tpu.memory_space<vmem>>, vector<1x16xf32>,
          %swap3A_146 = vector.shape_cast %swap3A_145 : vector<1x16xf32> to vector<16xf32>
          %swap3A_147 = vector.shape_cast %add3A_142 : vector<16xf32> to vector<1x16xf32>
          tpu.vector_store %arg9[%swap3A_143, %swap3A_144], %swap3A_147 {strides = array<i32>} : memref<256x144xf32, #tpu.memory_space<vmem>>, vector<1x16xf32>,
          %get3A_148 = arith.index_cast %squeeze3A : i32 to index
          %get3A_149 = arith.constant 64 : index
          %get3A_150 = tpu.vector_load %arg9[%get3A_148, %get3A_149] {strides = array<i32>} : memref<256x144xf32, #tpu.memory_space<vmem>>, vector<1x16xf32>,
          %get3A_151 = vector.shape_cast %get3A_150 : vector<1x16xf32> to vector<16xf32>
          %add3A_152 = arith.addf %get3A_151, %scan3A_107#4 : vector<16xf32>
          %swap3A_153 = arith.index_cast %squeeze3A : i32 to index
          %swap3A_154 = arith.constant 64 : index
          %swap3A_155 = tpu.vector_load %arg9[%swap3A_153, %swap3A_154] {strides = array<i32>} : memref<256x144xf32, #tpu.memory_space<vmem>>, vector<1x16xf32>,
          %swap3A_156 = vector.shape_cast %swap3A_155 : vector<1x16xf32> to vector<16xf32>
          %swap3A_157 = vector.shape_cast %add3A_152 : vector<16xf32> to vector<1x16xf32>
          tpu.vector_store %arg9[%swap3A_153, %swap3A_154], %swap3A_157 {strides = array<i32>} : memref<256x144xf32, #tpu.memory_space<vmem>>, vector<1x16xf32>,
          %get3A_158 = arith.index_cast %squeeze3A : i32 to index
          %get3A_159 = arith.constant 80 : index
          %get3A_160 = tpu.vector_load %arg9[%get3A_158, %get3A_159] {strides = array<i32>} : memref<256x144xf32, #tpu.memory_space<vmem>>, vector<1x16xf32>,
          %get3A_161 = vector.shape_cast %get3A_160 : vector<1x16xf32> to vector<16xf32>
          %add3A_162 = arith.addf %get3A_161, %scan3A_107#5 : vector<16xf32>
          %swap3A_163 = arith.index_cast %squeeze3A : i32 to index
          %swap3A_164 = arith.constant 80 : index
          %swap3A_165 = tpu.vector_load %arg9[%swap3A_163, %swap3A_164] {strides = array<i32>} : memref<256x144xf32, #tpu.memory_space<vmem>>, vector<1x16xf32>,
          %swap3A_166 = vector.shape_cast %swap3A_165 : vector<1x16xf32> to vector<16xf32>
          %swap3A_167 = vector.shape_cast %add3A_162 : vector<16xf32> to vector<1x16xf32>
          tpu.vector_store %arg9[%swap3A_163, %swap3A_164], %swap3A_167 {strides = array<i32>} : memref<256x144xf32, #tpu.memory_space<vmem>>, vector<1x16xf32>,
          %get3A_168 = arith.index_cast %squeeze3A : i32 to index
          %get3A_169 = arith.constant 96 : index
          %get3A_170 = tpu.vector_load %arg9[%get3A_168, %get3A_169] {strides = array<i32>} : memref<256x144xf32, #tpu.memory_space<vmem>>, vector<1x16xf32>,
          %get3A_171 = vector.shape_cast %get3A_170 : vector<1x16xf32> to vector<16xf32>
          %add3A_172 = arith.addf %get3A_171, %scan3A_107#6 : vector<16xf32>
          %swap3A_173 = arith.index_cast %squeeze3A : i32 to index
          %swap3A_174 = arith.constant 96 : index
          %swap3A_175 = tpu.vector_load %arg9[%swap3A_173, %swap3A_174] {strides = array<i32>} : memref<256x144xf32, #tpu.memory_space<vmem>>, vector<1x16xf32>,
          %swap3A_176 = vector.shape_cast %swap3A_175 : vector<1x16xf32> to vector<16xf32>
          %swap3A_177 = vector.shape_cast %add3A_172 : vector<16xf32> to vector<1x16xf32>
          tpu.vector_store %arg9[%swap3A_173, %swap3A_174], %swap3A_177 {strides = array<i32>} : memref<256x144xf32, #tpu.memory_space<vmem>>, vector<1x16xf32>,
          %get3A_178 = arith.index_cast %squeeze3A : i32 to index
          %get3A_179 = arith.constant 112 : index
          %get3A_180 = tpu.vector_load %arg9[%get3A_178, %get3A_179] {strides = array<i32>} : memref<256x144xf32, #tpu.memory_space<vmem>>, vector<1x16xf32>,
          %get3A_181 = vector.shape_cast %get3A_180 : vector<1x16xf32> to vector<16xf32>
          %add3A_182 = arith.addf %get3A_181, %scan3A_107#7 : vector<16xf32>
          %swap3A_183 = arith.index_cast %squeeze3A : i32 to index
          %swap3A_184 = arith.constant 112 : index
          %swap3A_185 = tpu.vector_load %arg9[%swap3A_183, %swap3A_184] {strides = array<i32>} : memref<256x144xf32, #tpu.memory_space<vmem>>, vector<1x16xf32>,
          %swap3A_186 = vector.shape_cast %swap3A_185 : vector<1x16xf32> to vector<16xf32>
          %swap3A_187 = vector.shape_cast %add3A_182 : vector<16xf32> to vector<1x16xf32>
          tpu.vector_store %arg9[%swap3A_183, %swap3A_184], %swap3A_187 {strides = array<i32>} : memref<256x144xf32, #tpu.memory_space<vmem>>, vector<1x16xf32>,
          %get3A_188 = arith.index_cast %squeeze3A : i32 to index
          %get3A_189 = arith.constant 128 : index
          %get3A_190 = tpu.vector_load %arg9[%get3A_188, %get3A_189] {strides = array<i32>} : memref<256x144xf32, #tpu.memory_space<vmem>>, vector<1x16xf32>,
          %get3A_191 = vector.shape_cast %get3A_190 : vector<1x16xf32> to vector<16xf32>
          %broadcast_in_dim3A_192 = arith.constant 1.280000e+02 : f32
          %broadcast_in_dim3A_193 = vector.broadcast %broadcast_in_dim3A_192 : f32 to vector<16xf32>
          %add3A_194 = arith.addf %get3A_191, %broadcast_in_dim3A_193 : vector<16xf32>
          %swap3A_195 = arith.index_cast %squeeze3A : i32 to index
          %swap3A_196 = arith.constant 128 : index
          %swap3A_197 = tpu.vector_load %arg9[%swap3A_195, %swap3A_196] {strides = array<i32>} : memref<256x144xf32, #tpu.memory_space<vmem>>, vector<1x16xf32>,
          %swap3A_198 = vector.shape_cast %swap3A_197 : vector<1x16xf32> to vector<16xf32>
          %swap3A_199 = vector.shape_cast %add3A_194 : vector<16xf32> to vector<1x16xf32>
          tpu.vector_store %arg9[%swap3A_195, %swap3A_196], %swap3A_199 {strides = array<i32>} : memref<256x144xf32, #tpu.memory_space<vmem>>, vector<1x16xf32>,
        } else {
        }
        %ne3A_99 = arith.cmpi ne, %squeeze3A, %squeeze3A_94 : i32
        %convert_element_type3A_100 = arith.extui %ne3A_99 : i1 to i32
        %cond3A_101 = arith.constant 0 : i32
        %cond3A_102 = arith.cmpi ne, %convert_element_type3A_100, %cond3A_101 : i32
        scf.if %cond3A_102 {
          %scan3A_103 = arith.constant 0 : i32
          %scan3A_104 = arith.constant 0 : i32
          %scan3A_105 = arith.constant 128 : i32
          %scan3A_106 = arith.addi %scan3A_104, %scan3A_105 : i32
          %scan3A_107 = arith.constant 1 : i32
          scf.for %scan3A_109 = %scan3A_104 to %scan3A_106 step %scan3A_107  : i32 {
            %add3A_110 = arith.addi %mul3A_84, %scan3A_109 : i32
            %get3A_111 = arith.index_cast %add3A_110 : i32 to index
            %get3A_112 = tpu.vector_load %arg8[%get3A_111] {strides = array<i32>} : memref<1048xi32, #tpu.memory_space<vmem>>, vector<16xi32>,
            %get3A_113 = vector.shape_cast %get3A_112 : vector<16xi32> to vector<16xi32>
            %slice3A_114 = vector.extract_strided_slice %get3A_113 {offsets = [0], sizes = [1], strides = [1]} : vector<16xi32> to vector<1xi32>
            %squeeze3A_115 = vector.extract %slice3A_114[0] : i32 from vector<1xi32>
            %get3A_116 = arith.index_cast %squeeze3A_115 : i32 to index
            %get3A_117 = arith.constant 0 : index
            %get3A_118 = tpu.vector_load %arg9[%get3A_116, %get3A_117] {strides = array<i32>} : memref<256x144xf32, #tpu.memory_space<vmem>>, vector<1x16xf32>,
            %get3A_119 = vector.shape_cast %get3A_118 : vector<1x16xf32> to vector<16xf32>
            %get3A_120 = arith.index_cast %scan3A_109 : i32 to index
            %get3A_121 = arith.constant 0 : index
            %get3A_122 = tpu.vector_load %arg5[%get3A_120, %get3A_121] {strides = array<i32>} : memref<128x128xf32, #tpu.memory_space<vmem>>, vector<1x16xf32>,
            %get3A_123 = vector.shape_cast %get3A_122 : vector<1x16xf32> to vector<16xf32>
            %add3A_124 = arith.addf %get3A_119, %get3A_123 : vector<16xf32>
            %swap3A = arith.index_cast %squeeze3A_115 : i32 to index
            %swap3A_125 = arith.constant 0 : index
            %swap3A_126 = tpu.vector_load %arg9[%swap3A, %swap3A_125] {strides = array<i32>} : memref<256x144xf32, #tpu.memory_space<vmem>>, vector<1x16xf32>,
            %swap3A_127 = vector.shape_cast %swap3A_126 : vector<1x16xf32> to vector<16xf32>
            %swap3A_128 = vector.shape_cast %add3A_124 : vector<16xf32> to vector<1x16xf32>
            tpu.vector_store %arg9[%swap3A, %swap3A_125], %swap3A_128 {strides = array<i32>} : memref<256x144xf32, #tpu.memory_space<vmem>>, vector<1x16xf32>,
            %get3A_129 = arith.index_cast %squeeze3A_115 : i32 to index
            %get3A_130 = arith.constant 16 : index
            %get3A_131 = tpu.vector_load %arg9[%get3A_129, %get3A_130] {strides = array<i32>} : memref<256x144xf32, #tpu.memory_space<vmem>>, vector<1x16xf32>,
            %get3A_132 = vector.shape_cast %get3A_131 : vector<1x16xf32> to vector<16xf32>
            %get3A_133 = arith.index_cast %scan3A_109 : i32 to index
            %get3A_134 = arith.constant 16 : index
            %get3A_135 = tpu.vector_load %arg5[%get3A_133, %get3A_134] {strides = array<i32>} : memref<128x128xf32, #tpu.memory_space<vmem>>, vector<1x16xf32>,
            %get3A_136 = vector.shape_cast %get3A_135 : vector<1x16xf32> to vector<16xf32>
            %add3A_137 = arith.addf %get3A_132, %get3A_136 : vector<16xf32>
            %swap3A_138 = arith.index_cast %squeeze3A_115 : i32 to index
            %swap3A_139 = arith.constant 16 : index
            %swap3A_140 = tpu.vector_load %arg9[%swap3A_138, %swap3A_139] {strides = array<i32>} : memref<256x144xf32, #tpu.memory_space<vmem>>, vector<1x16xf32>,
            %swap3A_141 = vector.shape_cast %swap3A_140 : vector<1x16xf32> to vector<16xf32>
            %swap3A_142 = vector.shape_cast %add3A_137 : vector<16xf32> to vector<1x16xf32>
            tpu.vector_store %arg9[%swap3A_138, %swap3A_139], %swap3A_142 {strides = array<i32>} : memref<256x144xf32, #tpu.memory_space<vmem>>, vector<1x16xf32>,
            %get3A_143 = arith.index_cast %squeeze3A_115 : i32 to index
            %get3A_144 = arith.constant 32 : index
            %get3A_145 = tpu.vector_load %arg9[%get3A_143, %get3A_144] {strides = array<i32>} : memref<256x144xf32, #tpu.memory_space<vmem>>, vector<1x16xf32>,
            %get3A_146 = vector.shape_cast %get3A_145 : vector<1x16xf32> to vector<16xf32>
            %get3A_147 = arith.index_cast %scan3A_109 : i32 to index
            %get3A_148 = arith.constant 32 : index
            %get3A_149 = tpu.vector_load %arg5[%get3A_147, %get3A_148] {strides = array<i32>} : memref<128x128xf32, #tpu.memory_space<vmem>>, vector<1x16xf32>,
            %get3A_150 = vector.shape_cast %get3A_149 : vector<1x16xf32> to vector<16xf32>
            %add3A_151 = arith.addf %get3A_146, %get3A_150 : vector<16xf32>
            %swap3A_152 = arith.index_cast %squeeze3A_115 : i32 to index
            %swap3A_153 = arith.constant 32 : index
            %swap3A_154 = tpu.vector_load %arg9[%swap3A_152, %swap3A_153] {strides = array<i32>} : memref<256x144xf32, #tpu.memory_space<vmem>>, vector<1x16xf32>,
            %swap3A_155 = vector.shape_cast %swap3A_154 : vector<1x16xf32> to vector<16xf32>
            %swap3A_156 = vector.shape_cast %add3A_151 : vector<16xf32> to vector<1x16xf32>
            tpu.vector_store %arg9[%swap3A_152, %swap3A_153], %swap3A_156 {strides = array<i32>} : memref<256x144xf32, #tpu.memory_space<vmem>>, vector<1x16xf32>,
            %get3A_157 = arith.index_cast %squeeze3A_115 : i32 to index
            %get3A_158 = arith.constant 48 : index
            %get3A_159 = tpu.vector_load %arg9[%get3A_157, %get3A_158] {strides = array<i32>} : memref<256x144xf32, #tpu.memory_space<vmem>>, vector<1x16xf32>,
            %get3A_160 = vector.shape_cast %get3A_159 : vector<1x16xf32> to vector<16xf32>
            %get3A_161 = arith.index_cast %scan3A_109 : i32 to index
            %get3A_162 = arith.constant 48 : index
            %get3A_163 = tpu.vector_load %arg5[%get3A_161, %get3A_162] {strides = array<i32>} : memref<128x128xf32, #tpu.memory_space<vmem>>, vector<1x16xf32>,
            %get3A_164 = vector.shape_cast %get3A_163 : vector<1x16xf32> to vector<16xf32>
            %add3A_165 = arith.addf %get3A_160, %get3A_164 : vector<16xf32>
            %swap3A_166 = arith.index_cast %squeeze3A_115 : i32 to index
            %swap3A_167 = arith.constant 48 : index
            %swap3A_168 = tpu.vector_load %arg9[%swap3A_166, %swap3A_167] {strides = array<i32>} : memref<256x144xf32, #tpu.memory_space<vmem>>, vector<1x16xf32>,
            %swap3A_169 = vector.shape_cast %swap3A_168 : vector<1x16xf32> to vector<16xf32>
            %swap3A_170 = vector.shape_cast %add3A_165 : vector<16xf32> to vector<1x16xf32>
            tpu.vector_store %arg9[%swap3A_166, %swap3A_167], %swap3A_170 {strides = array<i32>} : memref<256x144xf32, #tpu.memory_space<vmem>>, vector<1x16xf32>,
            %get3A_171 = arith.index_cast %squeeze3A_115 : i32 to index
            %get3A_172 = arith.constant 64 : index
            %get3A_173 = tpu.vector_load %arg9[%get3A_171, %get3A_172] {strides = array<i32>} : memref<256x144xf32, #tpu.memory_space<vmem>>, vector<1x16xf32>,
            %get3A_174 = vector.shape_cast %get3A_173 : vector<1x16xf32> to vector<16xf32>
            %get3A_175 = arith.index_cast %scan3A_109 : i32 to index
            %get3A_176 = arith.constant 64 : index
            %get3A_177 = tpu.vector_load %arg5[%get3A_175, %get3A_176] {strides = array<i32>} : memref<128x128xf32, #tpu.memory_space<vmem>>, vector<1x16xf32>,
            %get3A_178 = vector.shape_cast %get3A_177 : vector<1x16xf32> to vector<16xf32>
            %add3A_179 = arith.addf %get3A_174, %get3A_178 : vector<16xf32>
            %swap3A_180 = arith.index_cast %squeeze3A_115 : i32 to index
            %swap3A_181 = arith.constant 64 : index
            %swap3A_182 = tpu.vector_load %arg9[%swap3A_180, %swap3A_181] {strides = array<i32>} : memref<256x144xf32, #tpu.memory_space<vmem>>, vector<1x16xf32>,
            %swap3A_183 = vector.shape_cast %swap3A_182 : vector<1x16xf32> to vector<16xf32>
            %swap3A_184 = vector.shape_cast %add3A_179 : vector<16xf32> to vector<1x16xf32>
            tpu.vector_store %arg9[%swap3A_180, %swap3A_181], %swap3A_184 {strides = array<i32>} : memref<256x144xf32, #tpu.memory_space<vmem>>, vector<1x16xf32>,
            %get3A_185 = arith.index_cast %squeeze3A_115 : i32 to index
            %get3A_186 = arith.constant 80 : index
            %get3A_187 = tpu.vector_load %arg9[%get3A_185, %get3A_186] {strides = array<i32>} : memref<256x144xf32, #tpu.memory_space<vmem>>, vector<1x16xf32>,
            %get3A_188 = vector.shape_cast %get3A_187 : vector<1x16xf32> to vector<16xf32>
            %get3A_189 = arith.index_cast %scan3A_109 : i32 to index
            %get3A_190 = arith.constant 80 : index
            %get3A_191 = tpu.vector_load %arg5[%get3A_189, %get3A_190] {strides = array<i32>} : memref<128x128xf32, #tpu.memory_space<vmem>>, vector<1x16xf32>,
            %get3A_192 = vector.shape_cast %get3A_191 : vector<1x16xf32> to vector<16xf32>
            %add3A_193 = arith.addf %get3A_188, %get3A_192 : vector<16xf32>
            %swap3A_194 = arith.index_cast %squeeze3A_115 : i32 to index
            %swap3A_195 = arith.constant 80 : index
            %swap3A_196 = tpu.vector_load %arg9[%swap3A_194, %swap3A_195] {strides = array<i32>} : memref<256x144xf32, #tpu.memory_space<vmem>>, vector<1x16xf32>,
            %swap3A_197 = vector.shape_cast %swap3A_196 : vector<1x16xf32> to vector<16xf32>
            %swap3A_198 = vector.shape_cast %add3A_193 : vector<16xf32> to vector<1x16xf32>
            tpu.vector_store %arg9[%swap3A_194, %swap3A_195], %swap3A_198 {strides = array<i32>} : memref<256x144xf32, #tpu.memory_space<vmem>>, vector<1x16xf32>,
            %get3A_199 = arith.index_cast %squeeze3A_115 : i32 to index
            %get3A_200 = arith.constant 96 : index
            %get3A_201 = tpu.vector_load %arg9[%get3A_199, %get3A_200] {strides = array<i32>} : memref<256x144xf32, #tpu.memory_space<vmem>>, vector<1x16xf32>,
            %get3A_202 = vector.shape_cast %get3A_201 : vector<1x16xf32> to vector<16xf32>
            %get3A_203 = arith.index_cast %scan3A_109 : i32 to index
            %get3A_204 = arith.constant 96 : index
            %get3A_205 = tpu.vector_load %arg5[%get3A_203, %get3A_204] {strides = array<i32>} : memref<128x128xf32, #tpu.memory_space<vmem>>, vector<1x16xf32>,
            %get3A_206 = vector.shape_cast %get3A_205 : vector<1x16xf32> to vector<16xf32>
            %add3A_207 = arith.addf %get3A_202, %get3A_206 : vector<16xf32>
            %swap3A_208 = arith.index_cast %squeeze3A_115 : i32 to index
            %swap3A_209 = arith.constant 96 : index
            %swap3A_210 = tpu.vector_load %arg9[%swap3A_208, %swap3A_209] {strides = array<i32>} : memref<256x144xf32, #tpu.memory_space<vmem>>, vector<1x16xf32>,
            %swap3A_211 = vector.shape_cast %swap3A_210 : vector<1x16xf32> to vector<16xf32>
            %swap3A_212 = vector.shape_cast %add3A_207 : vector<16xf32> to vector<1x16xf32>
            tpu.vector_store %arg9[%swap3A_208, %swap3A_209], %swap3A_212 {strides = array<i32>} : memref<256x144xf32, #tpu.memory_space<vmem>>, vector<1x16xf32>,
            %get3A_213 = arith.index_cast %squeeze3A_115 : i32 to index
            %get3A_214 = arith.constant 112 : index
            %get3A_215 = tpu.vector_load %arg9[%get3A_213, %get3A_214] {strides = array<i32>} : memref<256x144xf32, #tpu.memory_space<vmem>>, vector<1x16xf32>,
            %get3A_216 = vector.shape_cast %get3A_215 : vector<1x16xf32> to vector<16xf32>
            %get3A_217 = arith.index_cast %scan3A_109 : i32 to index
            %get3A_218 = arith.constant 112 : index
            %get3A_219 = tpu.vector_load %arg5[%get3A_217, %get3A_218] {strides = array<i32>} : memref<128x128xf32, #tpu.memory_space<vmem>>, vector<1x16xf32>,
            %get3A_220 = vector.shape_cast %get3A_219 : vector<1x16xf32> to vector<16xf32>
            %add3A_221 = arith.addf %get3A_216, %get3A_220 : vector<16xf32>
            %swap3A_222 = arith.index_cast %squeeze3A_115 : i32 to index
            %swap3A_223 = arith.constant 112 : index
            %swap3A_224 = tpu.vector_load %arg9[%swap3A_222, %swap3A_223] {strides = array<i32>} : memref<256x144xf32, #tpu.memory_space<vmem>>, vector<1x16xf32>,
            %swap3A_225 = vector.shape_cast %swap3A_224 : vector<1x16xf32> to vector<16xf32>
            %swap3A_226 = vector.shape_cast %add3A_221 : vector<16xf32> to vector<1x16xf32>
            tpu.vector_store %arg9[%swap3A_222, %swap3A_223], %swap3A_226 {strides = array<i32>} : memref<256x144xf32, #tpu.memory_space<vmem>>, vector<1x16xf32>,
            %get3A_227 = arith.index_cast %squeeze3A_115 : i32 to index
            %get3A_228 = arith.constant 128 : index
            %get3A_229 = tpu.vector_load %arg9[%get3A_227, %get3A_228] {strides = array<i32>} : memref<256x144xf32, #tpu.memory_space<vmem>>, vector<1x16xf32>,
            %get3A_230 = vector.shape_cast %get3A_229 : vector<1x16xf32> to vector<16xf32>
            %add3A_231 = arith.addf %get3A_230, %broadcast_in_dim3A_5 : vector<16xf32>
            %swap3A_232 = arith.index_cast %squeeze3A_115 : i32 to index
            %swap3A_233 = arith.constant 128 : index
            %swap3A_234 = tpu.vector_load %arg9[%swap3A_232, %swap3A_233] {strides = array<i32>} : memref<256x144xf32, #tpu.memory_space<vmem>>, vector<1x16xf32>,
            %swap3A_235 = vector.shape_cast %swap3A_234 : vector<1x16xf32> to vector<16xf32>
            %swap3A_236 = vector.shape_cast %add3A_231 : vector<16xf32> to vector<1x16xf32>
            tpu.vector_store %arg9[%swap3A_232, %swap3A_233], %swap3A_236 {strides = array<i32>} : memref<256x144xf32, #tpu.memory_space<vmem>>, vector<1x16xf32>,
          }
          %scan3A_108 = arith.constant 128 : i32
        } else {
        }
      } else {
      }
      %eq3A_60 = arith.constant 1 : i32
      %eq3A_61 = arith.cmpi eq, %select_n3A_56, %eq3A_60 : i32
      %convert_element_type3A_62 = arith.extui %eq3A_61 : i1 to i32
      %cond3A_63 = arith.constant 0 : i32
      %cond3A_64 = arith.cmpi ne, %convert_element_type3A_62, %cond3A_63 : i32
      scf.if %cond3A_64 {
        %mul3A_70 = arith.constant 128 : i32
        %mul3A_71 = arith.muli %while3A_44, %mul3A_70 : i32
        %add3A_72 = arith.addi %mul3A_2, %mul3A_71 : i32
        %dma_wait3A_73 = arith.constant 0 : i32
        %dma_wait3A_74 = tpu.memref_slice %arg2[%add3A_72, %dma_wait3A_73] : memref<100000x128xf32, #tpu.memory_space<hbm>> -> memref<128x128xf32, #tpu.memory_space<hbm>>
        %dma_wait3A_75 = arith.constant 0 : i32
        %dma_wait3A_76 = tpu.memref_slice %arg2[%add3A_72, %dma_wait3A_75] : memref<100000x128xf32, #tpu.memory_space<hbm>> -> memref<128x128xf32, #tpu.memory_space<hbm>>
        tpu.wait_dma2 semaphore(%arg11 : memref<!tpu.dma_semaphore, #tpu.memory_space<semaphore_mem>>) src(%dma_wait3A_76 : memref<128x128xf32, #tpu.memory_space<hbm>>) dst(%arg6 : memref<128x128xf32, #tpu.memory_space<vmem>>)
        %add3A_77 = arith.constant 2 : i32
        %add3A_78 = arith.addi %while3A_44, %add3A_77 : i32
        %lt3A_79 = arith.cmpi slt, %add3A_78, %select_n3A : i32
        %convert_element_type3A_80 = arith.extui %lt3A_79 : i1 to i32
        %cond3A_81 = arith.constant 0 : i32
        %cond3A_82 = arith.cmpi ne, %convert_element_type3A_80, %cond3A_81 : i32
        scf.if %cond3A_82 {
          %add3A_103 = arith.constant 2 : i32
          %add3A_104 = arith.addi %while3A_44, %add3A_103 : i32
          %mul3A_105 = arith.constant 128 : i32
          %mul3A_106 = arith.muli %add3A_104, %mul3A_105 : i32
          %add3A_107 = arith.addi %mul3A_2, %mul3A_106 : i32
          %dma_start3A_108 = arith.constant 0 : i32
          %dma_start3A_109 = tpu.memref_slice %arg2[%add3A_107, %dma_start3A_108] : memref<100000x128xf32, #tpu.memory_space<hbm>> -> memref<128x128xf32, #tpu.memory_space<hbm>>
          %dma_start3A_110 = arith.constant 0 : i32
          %dma_start3A_111 = tpu.memref_slice %arg2[%add3A_107, %dma_start3A_110] : memref<100000x128xf32, #tpu.memory_space<hbm>> -> memref<128x128xf32, #tpu.memory_space<hbm>>
          tpu.enqueue_dma source(%dma_start3A_111 : memref<128x128xf32, #tpu.memory_space<hbm>>) target(%arg5 : memref<128x128xf32, #tpu.memory_space<vmem>>) target_semaphore(%arg10 : memref<!tpu.dma_semaphore, #tpu.memory_space<semaphore_mem>>)
        } else {
        }
        %mul3A_83 = arith.constant 128 : i32
        %mul3A_84 = arith.muli %while3A_44, %mul3A_83 : i32
        %get3A = arith.index_cast %mul3A_84 : i32 to index
        %get3A_85 = tpu.vector_load %arg8[%get3A] {strides = array<i32>} : memref<1048xi32, #tpu.memory_space<vmem>>, vector<16xi32>,
        %get3A_86 = vector.shape_cast %get3A_85 : vector<16xi32> to vector<16xi32>
        %slice3A = vector.extract_strided_slice %get3A_86 {offsets = [0], sizes = [1], strides = [1]} : vector<16xi32> to vector<1xi32>
        %squeeze3A = vector.extract %slice3A[0] : i32 from vector<1xi32>
        %add3A_87 = arith.constant 128 : i32
        %add3A_88 = arith.addi %mul3A_84, %add3A_87 : i32
        %sub3A = arith.constant 1 : i32
        %sub3A_89 = arith.subi %add3A_88, %sub3A : i32
        %get3A_90 = arith.index_cast %sub3A_89 : i32 to index
        %get3A_91 = tpu.vector_load %arg8[%get3A_90] {strides = array<i32>} : memref<1048xi32, #tpu.memory_space<vmem>>, vector<16xi32>,
        %get3A_92 = vector.shape_cast %get3A_91 : vector<16xi32> to vector<16xi32>
        %slice3A_93 = vector.extract_strided_slice %get3A_92 {offsets = [0], sizes = [1], strides = [1]} : vector<16xi32> to vector<1xi32>
        %squeeze3A_94 = vector.extract %slice3A_93[0] : i32 from vector<1xi32>
        %eq3A_95 = arith.cmpi eq, %squeeze3A, %squeeze3A_94 : i32
        %convert_element_type3A_96 = arith.extui %eq3A_95 : i1 to i32
        %cond3A_97 = arith.constant 0 : i32
        %cond3A_98 = arith.cmpi ne, %convert_element_type3A_96, %cond3A_97 : i32
        scf.if %cond3A_98 {
          %scan3A_103 = arith.constant 0 : i32
          %scan3A_104 = arith.constant 32 : i32
          %scan3A_105 = arith.addi %scan3A_103, %scan3A_104 : i32
          %scan3A_106 = arith.constant 1 : i32
          %scan3A_107:8 = scf.for %scan3A_200 = %scan3A_103 to %scan3A_105 step %scan3A_106 iter_args(%scan3A_201 = %broadcast_in_dim3A_3, %scan3A_202 = %broadcast_in_dim3A_3, %scan3A_203 = %broadcast_in_dim3A_3, %scan3A_204 = %broadcast_in_dim3A_3, %scan3A_205 = %broadcast_in_dim3A_3, %scan3A_206 = %broadcast_in_dim3A_3, %scan3A_207 = %broadcast_in_dim3A_3, %scan3A_208 = %broadcast_in_dim3A_3) -> (vector<16xf32>, vector<16xf32>, vector<16xf32>, vector<16xf32>, vector<16xf32>, vector<16xf32>, vector<16xf32>, vector<16xf32>)  : i32 {
            %mul3A_209 = arith.constant 4 : i32
            %mul3A_210 = arith.muli %scan3A_200, %mul3A_209 : i32
            %add3A_211 = arith.constant 0 : i32
            %add3A_212 = arith.addi %mul3A_210, %add3A_211 : i32
            %get3A_213 = arith.index_cast %add3A_212 : i32 to index
            %get3A_214 = arith.constant 0 : index
            %get3A_215 = tpu.vector_load %arg6[%get3A_213, %get3A_214] {strides = array<i32>} : memref<128x128xf32, #tpu.memory_space<vmem>>, vector<1x16xf32>,
            %get3A_216 = vector.shape_cast %get3A_215 : vector<1x16xf32> to vector<16xf32>
            %add3A_217 = arith.addf %scan3A_201, %get3A_216 : vector<16xf32>
            %get3A_218 = arith.index_cast %add3A_212 : i32 to index
            %get3A_219 = arith.constant 16 : index
            %get3A_220 = tpu.vector_load %arg6[%get3A_218, %get3A_219] {strides = array<i32>} : memref<128x128xf32, #tpu.memory_space<vmem>>, vector<1x16xf32>,
            %get3A_221 = vector.shape_cast %get3A_220 : vector<1x16xf32> to vector<16xf32>
            %add3A_222 = arith.addf %scan3A_202, %get3A_221 : vector<16xf32>
            %get3A_223 = arith.index_cast %add3A_212 : i32 to index
            %get3A_224 = arith.constant 32 : index
            %get3A_225 = tpu.vector_load %arg6[%get3A_223, %get3A_224] {strides = array<i32>} : memref<128x128xf32, #tpu.memory_space<vmem>>, vector<1x16xf32>,
            %get3A_226 = vector.shape_cast %get3A_225 : vector<1x16xf32> to vector<16xf32>
            %add3A_227 = arith.addf %scan3A_203, %get3A_226 : vector<16xf32>
            %get3A_228 = arith.index_cast %add3A_212 : i32 to index
            %get3A_229 = arith.constant 48 : index
            %get3A_230 = tpu.vector_load %arg6[%get3A_228, %get3A_229] {strides = array<i32>} : memref<128x128xf32, #tpu.memory_space<vmem>>, vector<1x16xf32>,
            %get3A_231 = vector.shape_cast %get3A_230 : vector<1x16xf32> to vector<16xf32>
            %add3A_232 = arith.addf %scan3A_204, %get3A_231 : vector<16xf32>
            %get3A_233 = arith.index_cast %add3A_212 : i32 to index
            %get3A_234 = arith.constant 64 : index
            %get3A_235 = tpu.vector_load %arg6[%get3A_233, %get3A_234] {strides = array<i32>} : memref<128x128xf32, #tpu.memory_space<vmem>>, vector<1x16xf32>,
            %get3A_236 = vector.shape_cast %get3A_235 : vector<1x16xf32> to vector<16xf32>
            %add3A_237 = arith.addf %scan3A_205, %get3A_236 : vector<16xf32>
            %get3A_238 = arith.index_cast %add3A_212 : i32 to index
            %get3A_239 = arith.constant 80 : index
            %get3A_240 = tpu.vector_load %arg6[%get3A_238, %get3A_239] {strides = array<i32>} : memref<128x128xf32, #tpu.memory_space<vmem>>, vector<1x16xf32>,
            %get3A_241 = vector.shape_cast %get3A_240 : vector<1x16xf32> to vector<16xf32>
            %add3A_242 = arith.addf %scan3A_206, %get3A_241 : vector<16xf32>
            %get3A_243 = arith.index_cast %add3A_212 : i32 to index
            %get3A_244 = arith.constant 96 : index
            %get3A_245 = tpu.vector_load %arg6[%get3A_243, %get3A_244] {strides = array<i32>} : memref<128x128xf32, #tpu.memory_space<vmem>>, vector<1x16xf32>,
            %get3A_246 = vector.shape_cast %get3A_245 : vector<1x16xf32> to vector<16xf32>
            %add3A_247 = arith.addf %scan3A_207, %get3A_246 : vector<16xf32>
            %get3A_248 = arith.index_cast %add3A_212 : i32 to index
            %get3A_249 = arith.constant 112 : index
            %get3A_250 = tpu.vector_load %arg6[%get3A_248, %get3A_249] {strides = array<i32>} : memref<128x128xf32, #tpu.memory_space<vmem>>, vector<1x16xf32>,
            %get3A_251 = vector.shape_cast %get3A_250 : vector<1x16xf32> to vector<16xf32>
            %add3A_252 = arith.addf %scan3A_208, %get3A_251 : vector<16xf32>
            %mul3A_253 = arith.constant 4 : i32
            %mul3A_254 = arith.muli %scan3A_200, %mul3A_253 : i32
            %add3A_255 = arith.constant 1 : i32
            %add3A_256 = arith.addi %mul3A_254, %add3A_255 : i32
            %get3A_257 = arith.index_cast %add3A_256 : i32 to index
            %get3A_258 = arith.constant 0 : index
            %get3A_259 = tpu.vector_load %arg6[%get3A_257, %get3A_258] {strides = array<i32>} : memref<128x128xf32, #tpu.memory_space<vmem>>, vector<1x16xf32>,
            %get3A_260 = vector.shape_cast %get3A_259 : vector<1x16xf32> to vector<16xf32>
            %add3A_261 = arith.addf %add3A_217, %get3A_260 : vector<16xf32>
            %get3A_262 = arith.index_cast %add3A_256 : i32 to index
            %get3A_263 = arith.constant 16 : index
            %get3A_264 = tpu.vector_load %arg6[%get3A_262, %get3A_263] {strides = array<i32>} : memref<128x128xf32, #tpu.memory_space<vmem>>, vector<1x16xf32>,
            %get3A_265 = vector.shape_cast %get3A_264 : vector<1x16xf32> to vector<16xf32>
            %add3A_266 = arith.addf %add3A_222, %get3A_265 : vector<16xf32>
            %get3A_267 = arith.index_cast %add3A_256 : i32 to index
            %get3A_268 = arith.constant 32 : index
            %get3A_269 = tpu.vector_load %arg6[%get3A_267, %get3A_268] {strides = array<i32>} : memref<128x128xf32, #tpu.memory_space<vmem>>, vector<1x16xf32>,
            %get3A_270 = vector.shape_cast %get3A_269 : vector<1x16xf32> to vector<16xf32>
            %add3A_271 = arith.addf %add3A_227, %get3A_270 : vector<16xf32>
            %get3A_272 = arith.index_cast %add3A_256 : i32 to index
            %get3A_273 = arith.constant 48 : index
            %get3A_274 = tpu.vector_load %arg6[%get3A_272, %get3A_273] {strides = array<i32>} : memref<128x128xf32, #tpu.memory_space<vmem>>, vector<1x16xf32>,
            %get3A_275 = vector.shape_cast %get3A_274 : vector<1x16xf32> to vector<16xf32>
            %add3A_276 = arith.addf %add3A_232, %get3A_275 : vector<16xf32>
            %get3A_277 = arith.index_cast %add3A_256 : i32 to index
            %get3A_278 = arith.constant 64 : index
            %get3A_279 = tpu.vector_load %arg6[%get3A_277, %get3A_278] {strides = array<i32>} : memref<128x128xf32, #tpu.memory_space<vmem>>, vector<1x16xf32>,
            %get3A_280 = vector.shape_cast %get3A_279 : vector<1x16xf32> to vector<16xf32>
            %add3A_281 = arith.addf %add3A_237, %get3A_280 : vector<16xf32>
            %get3A_282 = arith.index_cast %add3A_256 : i32 to index
            %get3A_283 = arith.constant 80 : index
            %get3A_284 = tpu.vector_load %arg6[%get3A_282, %get3A_283] {strides = array<i32>} : memref<128x128xf32, #tpu.memory_space<vmem>>, vector<1x16xf32>,
            %get3A_285 = vector.shape_cast %get3A_284 : vector<1x16xf32> to vector<16xf32>
            %add3A_286 = arith.addf %add3A_242, %get3A_285 : vector<16xf32>
            %get3A_287 = arith.index_cast %add3A_256 : i32 to index
            %get3A_288 = arith.constant 96 : index
            %get3A_289 = tpu.vector_load %arg6[%get3A_287, %get3A_288] {strides = array<i32>} : memref<128x128xf32, #tpu.memory_space<vmem>>, vector<1x16xf32>,
            %get3A_290 = vector.shape_cast %get3A_289 : vector<1x16xf32> to vector<16xf32>
            %add3A_291 = arith.addf %add3A_247, %get3A_290 : vector<16xf32>
            %get3A_292 = arith.index_cast %add3A_256 : i32 to index
            %get3A_293 = arith.constant 112 : index
            %get3A_294 = tpu.vector_load %arg6[%get3A_292, %get3A_293] {strides = array<i32>} : memref<128x128xf32, #tpu.memory_space<vmem>>, vector<1x16xf32>,
            %get3A_295 = vector.shape_cast %get3A_294 : vector<1x16xf32> to vector<16xf32>
            %add3A_296 = arith.addf %add3A_252, %get3A_295 : vector<16xf32>
            %mul3A_297 = arith.constant 4 : i32
            %mul3A_298 = arith.muli %scan3A_200, %mul3A_297 : i32
            %add3A_299 = arith.constant 2 : i32
            %add3A_300 = arith.addi %mul3A_298, %add3A_299 : i32
            %get3A_301 = arith.index_cast %add3A_300 : i32 to index
            %get3A_302 = arith.constant 0 : index
            %get3A_303 = tpu.vector_load %arg6[%get3A_301, %get3A_302] {strides = array<i32>} : memref<128x128xf32, #tpu.memory_space<vmem>>, vector<1x16xf32>,
            %get3A_304 = vector.shape_cast %get3A_303 : vector<1x16xf32> to vector<16xf32>
            %add3A_305 = arith.addf %add3A_261, %get3A_304 : vector<16xf32>
            %get3A_306 = arith.index_cast %add3A_300 : i32 to index
            %get3A_307 = arith.constant 16 : index
            %get3A_308 = tpu.vector_load %arg6[%get3A_306, %get3A_307] {strides = array<i32>} : memref<128x128xf32, #tpu.memory_space<vmem>>, vector<1x16xf32>,
            %get3A_309 = vector.shape_cast %get3A_308 : vector<1x16xf32> to vector<16xf32>
            %add3A_310 = arith.addf %add3A_266, %get3A_309 : vector<16xf32>
            %get3A_311 = arith.index_cast %add3A_300 : i32 to index
            %get3A_312 = arith.constant 32 : index
            %get3A_313 = tpu.vector_load %arg6[%get3A_311, %get3A_312] {strides = array<i32>} : memref<128x128xf32, #tpu.memory_space<vmem>>, vector<1x16xf32>,
            %get3A_314 = vector.shape_cast %get3A_313 : vector<1x16xf32> to vector<16xf32>
            %add3A_315 = arith.addf %add3A_271, %get3A_314 : vector<16xf32>
            %get3A_316 = arith.index_cast %add3A_300 : i32 to index
            %get3A_317 = arith.constant 48 : index
            %get3A_318 = tpu.vector_load %arg6[%get3A_316, %get3A_317] {strides = array<i32>} : memref<128x128xf32, #tpu.memory_space<vmem>>, vector<1x16xf32>,
            %get3A_319 = vector.shape_cast %get3A_318 : vector<1x16xf32> to vector<16xf32>
            %add3A_320 = arith.addf %add3A_276, %get3A_319 : vector<16xf32>
            %get3A_321 = arith.index_cast %add3A_300 : i32 to index
            %get3A_322 = arith.constant 64 : index
            %get3A_323 = tpu.vector_load %arg6[%get3A_321, %get3A_322] {strides = array<i32>} : memref<128x128xf32, #tpu.memory_space<vmem>>, vector<1x16xf32>,
            %get3A_324 = vector.shape_cast %get3A_323 : vector<1x16xf32> to vector<16xf32>
            %add3A_325 = arith.addf %add3A_281, %get3A_324 : vector<16xf32>
            %get3A_326 = arith.index_cast %add3A_300 : i32 to index
            %get3A_327 = arith.constant 80 : index
            %get3A_328 = tpu.vector_load %arg6[%get3A_326, %get3A_327] {strides = array<i32>} : memref<128x128xf32, #tpu.memory_space<vmem>>, vector<1x16xf32>,
            %get3A_329 = vector.shape_cast %get3A_328 : vector<1x16xf32> to vector<16xf32>
            %add3A_330 = arith.addf %add3A_286, %get3A_329 : vector<16xf32>
            %get3A_331 = arith.index_cast %add3A_300 : i32 to index
            %get3A_332 = arith.constant 96 : index
            %get3A_333 = tpu.vector_load %arg6[%get3A_331, %get3A_332] {strides = array<i32>} : memref<128x128xf32, #tpu.memory_space<vmem>>, vector<1x16xf32>,
            %get3A_334 = vector.shape_cast %get3A_333 : vector<1x16xf32> to vector<16xf32>
            %add3A_335 = arith.addf %add3A_291, %get3A_334 : vector<16xf32>
            %get3A_336 = arith.index_cast %add3A_300 : i32 to index
            %get3A_337 = arith.constant 112 : index
            %get3A_338 = tpu.vector_load %arg6[%get3A_336, %get3A_337] {strides = array<i32>} : memref<128x128xf32, #tpu.memory_space<vmem>>, vector<1x16xf32>,
            %get3A_339 = vector.shape_cast %get3A_338 : vector<1x16xf32> to vector<16xf32>
            %add3A_340 = arith.addf %add3A_296, %get3A_339 : vector<16xf32>
            %mul3A_341 = arith.constant 4 : i32
            %mul3A_342 = arith.muli %scan3A_200, %mul3A_341 : i32
            %add3A_343 = arith.constant 3 : i32
            %add3A_344 = arith.addi %mul3A_342, %add3A_343 : i32
            %get3A_345 = arith.index_cast %add3A_344 : i32 to index
            %get3A_346 = arith.constant 0 : index
            %get3A_347 = tpu.vector_load %arg6[%get3A_345, %get3A_346] {strides = array<i32>} : memref<128x128xf32, #tpu.memory_space<vmem>>, vector<1x16xf32>,
            %get3A_348 = vector.shape_cast %get3A_347 : vector<1x16xf32> to vector<16xf32>
            %add3A_349 = arith.addf %add3A_305, %get3A_348 : vector<16xf32>
            %get3A_350 = arith.index_cast %add3A_344 : i32 to index
            %get3A_351 = arith.constant 16 : index
            %get3A_352 = tpu.vector_load %arg6[%get3A_350, %get3A_351] {strides = array<i32>} : memref<128x128xf32, #tpu.memory_space<vmem>>, vector<1x16xf32>,
            %get3A_353 = vector.shape_cast %get3A_352 : vector<1x16xf32> to vector<16xf32>
            %add3A_354 = arith.addf %add3A_310, %get3A_353 : vector<16xf32>
            %get3A_355 = arith.index_cast %add3A_344 : i32 to index
            %get3A_356 = arith.constant 32 : index
            %get3A_357 = tpu.vector_load %arg6[%get3A_355, %get3A_356] {strides = array<i32>} : memref<128x128xf32, #tpu.memory_space<vmem>>, vector<1x16xf32>,
            %get3A_358 = vector.shape_cast %get3A_357 : vector<1x16xf32> to vector<16xf32>
            %add3A_359 = arith.addf %add3A_315, %get3A_358 : vector<16xf32>
            %get3A_360 = arith.index_cast %add3A_344 : i32 to index
            %get3A_361 = arith.constant 48 : index
            %get3A_362 = tpu.vector_load %arg6[%get3A_360, %get3A_361] {strides = array<i32>} : memref<128x128xf32, #tpu.memory_space<vmem>>, vector<1x16xf32>,
            %get3A_363 = vector.shape_cast %get3A_362 : vector<1x16xf32> to vector<16xf32>
            %add3A_364 = arith.addf %add3A_320, %get3A_363 : vector<16xf32>
            %get3A_365 = arith.index_cast %add3A_344 : i32 to index
            %get3A_366 = arith.constant 64 : index
            %get3A_367 = tpu.vector_load %arg6[%get3A_365, %get3A_366] {strides = array<i32>} : memref<128x128xf32, #tpu.memory_space<vmem>>, vector<1x16xf32>,
            %get3A_368 = vector.shape_cast %get3A_367 : vector<1x16xf32> to vector<16xf32>
            %add3A_369 = arith.addf %add3A_325, %get3A_368 : vector<16xf32>
            %get3A_370 = arith.index_cast %add3A_344 : i32 to index
            %get3A_371 = arith.constant 80 : index
            %get3A_372 = tpu.vector_load %arg6[%get3A_370, %get3A_371] {strides = array<i32>} : memref<128x128xf32, #tpu.memory_space<vmem>>, vector<1x16xf32>,
            %get3A_373 = vector.shape_cast %get3A_372 : vector<1x16xf32> to vector<16xf32>
            %add3A_374 = arith.addf %add3A_330, %get3A_373 : vector<16xf32>
            %get3A_375 = arith.index_cast %add3A_344 : i32 to index
            %get3A_376 = arith.constant 96 : index
            %get3A_377 = tpu.vector_load %arg6[%get3A_375, %get3A_376] {strides = array<i32>} : memref<128x128xf32, #tpu.memory_space<vmem>>, vector<1x16xf32>,
            %get3A_378 = vector.shape_cast %get3A_377 : vector<1x16xf32> to vector<16xf32>
            %add3A_379 = arith.addf %add3A_335, %get3A_378 : vector<16xf32>
            %get3A_380 = arith.index_cast %add3A_344 : i32 to index
            %get3A_381 = arith.constant 112 : index
            %get3A_382 = tpu.vector_load %arg6[%get3A_380, %get3A_381] {strides = array<i32>} : memref<128x128xf32, #tpu.memory_space<vmem>>, vector<1x16xf32>,
            %get3A_383 = vector.shape_cast %get3A_382 : vector<1x16xf32> to vector<16xf32>
            %add3A_384 = arith.addf %add3A_340, %get3A_383 : vector<16xf32>
            scf.yield %add3A_349, %add3A_354, %add3A_359, %add3A_364, %add3A_369, %add3A_374, %add3A_379, %add3A_384 : vector<16xf32>, vector<16xf32>, vector<16xf32>, vector<16xf32>, vector<16xf32>, vector<16xf32>, vector<16xf32>, vector<16xf32>
          }
          %scan3A_108 = arith.constant 32 : i32
          %get3A_109 = arith.index_cast %squeeze3A : i32 to index
          %get3A_110 = arith.constant 0 : index
          %get3A_111 = tpu.vector_load %arg9[%get3A_109, %get3A_110] {strides = array<i32>} : memref<256x144xf32, #tpu.memory_space<vmem>>, vector<1x16xf32>,
          %get3A_112 = vector.shape_cast %get3A_111 : vector<1x16xf32> to vector<16xf32>
          %add3A_113 = arith.addf %get3A_112, %scan3A_107#0 : vector<16xf32>
          %swap3A = arith.index_cast %squeeze3A : i32 to index
          %swap3A_114 = arith.constant 0 : index
          %swap3A_115 = tpu.vector_load %arg9[%swap3A, %swap3A_114] {strides = array<i32>} : memref<256x144xf32, #tpu.memory_space<vmem>>, vector<1x16xf32>,
          %swap3A_116 = vector.shape_cast %swap3A_115 : vector<1x16xf32> to vector<16xf32>
          %swap3A_117 = vector.shape_cast %add3A_113 : vector<16xf32> to vector<1x16xf32>
          tpu.vector_store %arg9[%swap3A, %swap3A_114], %swap3A_117 {strides = array<i32>} : memref<256x144xf32, #tpu.memory_space<vmem>>, vector<1x16xf32>,
          %get3A_118 = arith.index_cast %squeeze3A : i32 to index
          %get3A_119 = arith.constant 16 : index
          %get3A_120 = tpu.vector_load %arg9[%get3A_118, %get3A_119] {strides = array<i32>} : memref<256x144xf32, #tpu.memory_space<vmem>>, vector<1x16xf32>,
          %get3A_121 = vector.shape_cast %get3A_120 : vector<1x16xf32> to vector<16xf32>
          %add3A_122 = arith.addf %get3A_121, %scan3A_107#1 : vector<16xf32>
          %swap3A_123 = arith.index_cast %squeeze3A : i32 to index
          %swap3A_124 = arith.constant 16 : index
          %swap3A_125 = tpu.vector_load %arg9[%swap3A_123, %swap3A_124] {strides = array<i32>} : memref<256x144xf32, #tpu.memory_space<vmem>>, vector<1x16xf32>,
          %swap3A_126 = vector.shape_cast %swap3A_125 : vector<1x16xf32> to vector<16xf32>
          %swap3A_127 = vector.shape_cast %add3A_122 : vector<16xf32> to vector<1x16xf32>
          tpu.vector_store %arg9[%swap3A_123, %swap3A_124], %swap3A_127 {strides = array<i32>} : memref<256x144xf32, #tpu.memory_space<vmem>>, vector<1x16xf32>,
          %get3A_128 = arith.index_cast %squeeze3A : i32 to index
          %get3A_129 = arith.constant 32 : index
          %get3A_130 = tpu.vector_load %arg9[%get3A_128, %get3A_129] {strides = array<i32>} : memref<256x144xf32, #tpu.memory_space<vmem>>, vector<1x16xf32>,
          %get3A_131 = vector.shape_cast %get3A_130 : vector<1x16xf32> to vector<16xf32>
          %add3A_132 = arith.addf %get3A_131, %scan3A_107#2 : vector<16xf32>
          %swap3A_133 = arith.index_cast %squeeze3A : i32 to index
          %swap3A_134 = arith.constant 32 : index
          %swap3A_135 = tpu.vector_load %arg9[%swap3A_133, %swap3A_134] {strides = array<i32>} : memref<256x144xf32, #tpu.memory_space<vmem>>, vector<1x16xf32>,
          %swap3A_136 = vector.shape_cast %swap3A_135 : vector<1x16xf32> to vector<16xf32>
          %swap3A_137 = vector.shape_cast %add3A_132 : vector<16xf32> to vector<1x16xf32>
          tpu.vector_store %arg9[%swap3A_133, %swap3A_134], %swap3A_137 {strides = array<i32>} : memref<256x144xf32, #tpu.memory_space<vmem>>, vector<1x16xf32>,
          %get3A_138 = arith.index_cast %squeeze3A : i32 to index
          %get3A_139 = arith.constant 48 : index
          %get3A_140 = tpu.vector_load %arg9[%get3A_138, %get3A_139] {strides = array<i32>} : memref<256x144xf32, #tpu.memory_space<vmem>>, vector<1x16xf32>,
          %get3A_141 = vector.shape_cast %get3A_140 : vector<1x16xf32> to vector<16xf32>
          %add3A_142 = arith.addf %get3A_141, %scan3A_107#3 : vector<16xf32>
          %swap3A_143 = arith.index_cast %squeeze3A : i32 to index
          %swap3A_144 = arith.constant 48 : index
          %swap3A_145 = tpu.vector_load %arg9[%swap3A_143, %swap3A_144] {strides = array<i32>} : memref<256x144xf32, #tpu.memory_space<vmem>>, vector<1x16xf32>,
          %swap3A_146 = vector.shape_cast %swap3A_145 : vector<1x16xf32> to vector<16xf32>
          %swap3A_147 = vector.shape_cast %add3A_142 : vector<16xf32> to vector<1x16xf32>
          tpu.vector_store %arg9[%swap3A_143, %swap3A_144], %swap3A_147 {strides = array<i32>} : memref<256x144xf32, #tpu.memory_space<vmem>>, vector<1x16xf32>,
          %get3A_148 = arith.index_cast %squeeze3A : i32 to index
          %get3A_149 = arith.constant 64 : index
          %get3A_150 = tpu.vector_load %arg9[%get3A_148, %get3A_149] {strides = array<i32>} : memref<256x144xf32, #tpu.memory_space<vmem>>, vector<1x16xf32>,
          %get3A_151 = vector.shape_cast %get3A_150 : vector<1x16xf32> to vector<16xf32>
          %add3A_152 = arith.addf %get3A_151, %scan3A_107#4 : vector<16xf32>
          %swap3A_153 = arith.index_cast %squeeze3A : i32 to index
          %swap3A_154 = arith.constant 64 : index
          %swap3A_155 = tpu.vector_load %arg9[%swap3A_153, %swap3A_154] {strides = array<i32>} : memref<256x144xf32, #tpu.memory_space<vmem>>, vector<1x16xf32>,
          %swap3A_156 = vector.shape_cast %swap3A_155 : vector<1x16xf32> to vector<16xf32>
          %swap3A_157 = vector.shape_cast %add3A_152 : vector<16xf32> to vector<1x16xf32>
          tpu.vector_store %arg9[%swap3A_153, %swap3A_154], %swap3A_157 {strides = array<i32>} : memref<256x144xf32, #tpu.memory_space<vmem>>, vector<1x16xf32>,
          %get3A_158 = arith.index_cast %squeeze3A : i32 to index
          %get3A_159 = arith.constant 80 : index
          %get3A_160 = tpu.vector_load %arg9[%get3A_158, %get3A_159] {strides = array<i32>} : memref<256x144xf32, #tpu.memory_space<vmem>>, vector<1x16xf32>,
          %get3A_161 = vector.shape_cast %get3A_160 : vector<1x16xf32> to vector<16xf32>
          %add3A_162 = arith.addf %get3A_161, %scan3A_107#5 : vector<16xf32>
          %swap3A_163 = arith.index_cast %squeeze3A : i32 to index
          %swap3A_164 = arith.constant 80 : index
          %swap3A_165 = tpu.vector_load %arg9[%swap3A_163, %swap3A_164] {strides = array<i32>} : memref<256x144xf32, #tpu.memory_space<vmem>>, vector<1x16xf32>,
          %swap3A_166 = vector.shape_cast %swap3A_165 : vector<1x16xf32> to vector<16xf32>
          %swap3A_167 = vector.shape_cast %add3A_162 : vector<16xf32> to vector<1x16xf32>
          tpu.vector_store %arg9[%swap3A_163, %swap3A_164], %swap3A_167 {strides = array<i32>} : memref<256x144xf32, #tpu.memory_space<vmem>>, vector<1x16xf32>,
          %get3A_168 = arith.index_cast %squeeze3A : i32 to index
          %get3A_169 = arith.constant 96 : index
          %get3A_170 = tpu.vector_load %arg9[%get3A_168, %get3A_169] {strides = array<i32>} : memref<256x144xf32, #tpu.memory_space<vmem>>, vector<1x16xf32>,
          %get3A_171 = vector.shape_cast %get3A_170 : vector<1x16xf32> to vector<16xf32>
          %add3A_172 = arith.addf %get3A_171, %scan3A_107#6 : vector<16xf32>
          %swap3A_173 = arith.index_cast %squeeze3A : i32 to index
          %swap3A_174 = arith.constant 96 : index
          %swap3A_175 = tpu.vector_load %arg9[%swap3A_173, %swap3A_174] {strides = array<i32>} : memref<256x144xf32, #tpu.memory_space<vmem>>, vector<1x16xf32>,
          %swap3A_176 = vector.shape_cast %swap3A_175 : vector<1x16xf32> to vector<16xf32>
          %swap3A_177 = vector.shape_cast %add3A_172 : vector<16xf32> to vector<1x16xf32>
          tpu.vector_store %arg9[%swap3A_173, %swap3A_174], %swap3A_177 {strides = array<i32>} : memref<256x144xf32, #tpu.memory_space<vmem>>, vector<1x16xf32>,
          %get3A_178 = arith.index_cast %squeeze3A : i32 to index
          %get3A_179 = arith.constant 112 : index
          %get3A_180 = tpu.vector_load %arg9[%get3A_178, %get3A_179] {strides = array<i32>} : memref<256x144xf32, #tpu.memory_space<vmem>>, vector<1x16xf32>,
          %get3A_181 = vector.shape_cast %get3A_180 : vector<1x16xf32> to vector<16xf32>
          %add3A_182 = arith.addf %get3A_181, %scan3A_107#7 : vector<16xf32>
          %swap3A_183 = arith.index_cast %squeeze3A : i32 to index
          %swap3A_184 = arith.constant 112 : index
          %swap3A_185 = tpu.vector_load %arg9[%swap3A_183, %swap3A_184] {strides = array<i32>} : memref<256x144xf32, #tpu.memory_space<vmem>>, vector<1x16xf32>,
          %swap3A_186 = vector.shape_cast %swap3A_185 : vector<1x16xf32> to vector<16xf32>
          %swap3A_187 = vector.shape_cast %add3A_182 : vector<16xf32> to vector<1x16xf32>
          tpu.vector_store %arg9[%swap3A_183, %swap3A_184], %swap3A_187 {strides = array<i32>} : memref<256x144xf32, #tpu.memory_space<vmem>>, vector<1x16xf32>,
          %get3A_188 = arith.index_cast %squeeze3A : i32 to index
          %get3A_189 = arith.constant 128 : index
          %get3A_190 = tpu.vector_load %arg9[%get3A_188, %get3A_189] {strides = array<i32>} : memref<256x144xf32, #tpu.memory_space<vmem>>, vector<1x16xf32>,
          %get3A_191 = vector.shape_cast %get3A_190 : vector<1x16xf32> to vector<16xf32>
          %broadcast_in_dim3A_192 = arith.constant 1.280000e+02 : f32
          %broadcast_in_dim3A_193 = vector.broadcast %broadcast_in_dim3A_192 : f32 to vector<16xf32>
          %add3A_194 = arith.addf %get3A_191, %broadcast_in_dim3A_193 : vector<16xf32>
          %swap3A_195 = arith.index_cast %squeeze3A : i32 to index
          %swap3A_196 = arith.constant 128 : index
          %swap3A_197 = tpu.vector_load %arg9[%swap3A_195, %swap3A_196] {strides = array<i32>} : memref<256x144xf32, #tpu.memory_space<vmem>>, vector<1x16xf32>,
          %swap3A_198 = vector.shape_cast %swap3A_197 : vector<1x16xf32> to vector<16xf32>
          %swap3A_199 = vector.shape_cast %add3A_194 : vector<16xf32> to vector<1x16xf32>
          tpu.vector_store %arg9[%swap3A_195, %swap3A_196], %swap3A_199 {strides = array<i32>} : memref<256x144xf32, #tpu.memory_space<vmem>>, vector<1x16xf32>,
        } else {
        }
        %ne3A_99 = arith.cmpi ne, %squeeze3A, %squeeze3A_94 : i32
        %convert_element_type3A_100 = arith.extui %ne3A_99 : i1 to i32
        %cond3A_101 = arith.constant 0 : i32
        %cond3A_102 = arith.cmpi ne, %convert_element_type3A_100, %cond3A_101 : i32
        scf.if %cond3A_102 {
          %scan3A_103 = arith.constant 0 : i32
          %scan3A_104 = arith.constant 0 : i32
          %scan3A_105 = arith.constant 128 : i32
          %scan3A_106 = arith.addi %scan3A_104, %scan3A_105 : i32
          %scan3A_107 = arith.constant 1 : i32
          scf.for %scan3A_109 = %scan3A_104 to %scan3A_106 step %scan3A_107  : i32 {
            %add3A_110 = arith.addi %mul3A_84, %scan3A_109 : i32
            %get3A_111 = arith.index_cast %add3A_110 : i32 to index
            %get3A_112 = tpu.vector_load %arg8[%get3A_111] {strides = array<i32>} : memref<1048xi32, #tpu.memory_space<vmem>>, vector<16xi32>,
            %get3A_113 = vector.shape_cast %get3A_112 : vector<16xi32> to vector<16xi32>
            %slice3A_114 = vector.extract_strided_slice %get3A_113 {offsets = [0], sizes = [1], strides = [1]} : vector<16xi32> to vector<1xi32>
            %squeeze3A_115 = vector.extract %slice3A_114[0] : i32 from vector<1xi32>
            %get3A_116 = arith.index_cast %squeeze3A_115 : i32 to index
            %get3A_117 = arith.constant 0 : index
            %get3A_118 = tpu.vector_load %arg9[%get3A_116, %get3A_117] {strides = array<i32>} : memref<256x144xf32, #tpu.memory_space<vmem>>, vector<1x16xf32>,
            %get3A_119 = vector.shape_cast %get3A_118 : vector<1x16xf32> to vector<16xf32>
            %get3A_120 = arith.index_cast %scan3A_109 : i32 to index
            %get3A_121 = arith.constant 0 : index
            %get3A_122 = tpu.vector_load %arg6[%get3A_120, %get3A_121] {strides = array<i32>} : memref<128x128xf32, #tpu.memory_space<vmem>>, vector<1x16xf32>,
            %get3A_123 = vector.shape_cast %get3A_122 : vector<1x16xf32> to vector<16xf32>
            %add3A_124 = arith.addf %get3A_119, %get3A_123 : vector<16xf32>
            %swap3A = arith.index_cast %squeeze3A_115 : i32 to index
            %swap3A_125 = arith.constant 0 : index
            %swap3A_126 = tpu.vector_load %arg9[%swap3A, %swap3A_125] {strides = array<i32>} : memref<256x144xf32, #tpu.memory_space<vmem>>, vector<1x16xf32>,
            %swap3A_127 = vector.shape_cast %swap3A_126 : vector<1x16xf32> to vector<16xf32>
            %swap3A_128 = vector.shape_cast %add3A_124 : vector<16xf32> to vector<1x16xf32>
            tpu.vector_store %arg9[%swap3A, %swap3A_125], %swap3A_128 {strides = array<i32>} : memref<256x144xf32, #tpu.memory_space<vmem>>, vector<1x16xf32>,
            %get3A_129 = arith.index_cast %squeeze3A_115 : i32 to index
            %get3A_130 = arith.constant 16 : index
            %get3A_131 = tpu.vector_load %arg9[%get3A_129, %get3A_130] {strides = array<i32>} : memref<256x144xf32, #tpu.memory_space<vmem>>, vector<1x16xf32>,
            %get3A_132 = vector.shape_cast %get3A_131 : vector<1x16xf32> to vector<16xf32>
            %get3A_133 = arith.index_cast %scan3A_109 : i32 to index
            %get3A_134 = arith.constant 16 : index
            %get3A_135 = tpu.vector_load %arg6[%get3A_133, %get3A_134] {strides = array<i32>} : memref<128x128xf32, #tpu.memory_space<vmem>>, vector<1x16xf32>,
            %get3A_136 = vector.shape_cast %get3A_135 : vector<1x16xf32> to vector<16xf32>
            %add3A_137 = arith.addf %get3A_132, %get3A_136 : vector<16xf32>
            %swap3A_138 = arith.index_cast %squeeze3A_115 : i32 to index
            %swap3A_139 = arith.constant 16 : index
            %swap3A_140 = tpu.vector_load %arg9[%swap3A_138, %swap3A_139] {strides = array<i32>} : memref<256x144xf32, #tpu.memory_space<vmem>>, vector<1x16xf32>,
            %swap3A_141 = vector.shape_cast %swap3A_140 : vector<1x16xf32> to vector<16xf32>
            %swap3A_142 = vector.shape_cast %add3A_137 : vector<16xf32> to vector<1x16xf32>
            tpu.vector_store %arg9[%swap3A_138, %swap3A_139], %swap3A_142 {strides = array<i32>} : memref<256x144xf32, #tpu.memory_space<vmem>>, vector<1x16xf32>,
            %get3A_143 = arith.index_cast %squeeze3A_115 : i32 to index
            %get3A_144 = arith.constant 32 : index
            %get3A_145 = tpu.vector_load %arg9[%get3A_143, %get3A_144] {strides = array<i32>} : memref<256x144xf32, #tpu.memory_space<vmem>>, vector<1x16xf32>,
            %get3A_146 = vector.shape_cast %get3A_145 : vector<1x16xf32> to vector<16xf32>
            %get3A_147 = arith.index_cast %scan3A_109 : i32 to index
            %get3A_148 = arith.constant 32 : index
            %get3A_149 = tpu.vector_load %arg6[%get3A_147, %get3A_148] {strides = array<i32>} : memref<128x128xf32, #tpu.memory_space<vmem>>, vector<1x16xf32>,
            %get3A_150 = vector.shape_cast %get3A_149 : vector<1x16xf32> to vector<16xf32>
            %add3A_151 = arith.addf %get3A_146, %get3A_150 : vector<16xf32>
            %swap3A_152 = arith.index_cast %squeeze3A_115 : i32 to index
            %swap3A_153 = arith.constant 32 : index
            %swap3A_154 = tpu.vector_load %arg9[%swap3A_152, %swap3A_153] {strides = array<i32>} : memref<256x144xf32, #tpu.memory_space<vmem>>, vector<1x16xf32>,
            %swap3A_155 = vector.shape_cast %swap3A_154 : vector<1x16xf32> to vector<16xf32>
            %swap3A_156 = vector.shape_cast %add3A_151 : vector<16xf32> to vector<1x16xf32>
            tpu.vector_store %arg9[%swap3A_152, %swap3A_153], %swap3A_156 {strides = array<i32>} : memref<256x144xf32, #tpu.memory_space<vmem>>, vector<1x16xf32>,
            %get3A_157 = arith.index_cast %squeeze3A_115 : i32 to index
            %get3A_158 = arith.constant 48 : index
            %get3A_159 = tpu.vector_load %arg9[%get3A_157, %get3A_158] {strides = array<i32>} : memref<256x144xf32, #tpu.memory_space<vmem>>, vector<1x16xf32>,
            %get3A_160 = vector.shape_cast %get3A_159 : vector<1x16xf32> to vector<16xf32>
            %get3A_161 = arith.index_cast %scan3A_109 : i32 to index
            %get3A_162 = arith.constant 48 : index
            %get3A_163 = tpu.vector_load %arg6[%get3A_161, %get3A_162] {strides = array<i32>} : memref<128x128xf32, #tpu.memory_space<vmem>>, vector<1x16xf32>,
            %get3A_164 = vector.shape_cast %get3A_163 : vector<1x16xf32> to vector<16xf32>
            %add3A_165 = arith.addf %get3A_160, %get3A_164 : vector<16xf32>
            %swap3A_166 = arith.index_cast %squeeze3A_115 : i32 to index
            %swap3A_167 = arith.constant 48 : index
            %swap3A_168 = tpu.vector_load %arg9[%swap3A_166, %swap3A_167] {strides = array<i32>} : memref<256x144xf32, #tpu.memory_space<vmem>>, vector<1x16xf32>,
            %swap3A_169 = vector.shape_cast %swap3A_168 : vector<1x16xf32> to vector<16xf32>
            %swap3A_170 = vector.shape_cast %add3A_165 : vector<16xf32> to vector<1x16xf32>
            tpu.vector_store %arg9[%swap3A_166, %swap3A_167], %swap3A_170 {strides = array<i32>} : memref<256x144xf32, #tpu.memory_space<vmem>>, vector<1x16xf32>,
            %get3A_171 = arith.index_cast %squeeze3A_115 : i32 to index
            %get3A_172 = arith.constant 64 : index
            %get3A_173 = tpu.vector_load %arg9[%get3A_171, %get3A_172] {strides = array<i32>} : memref<256x144xf32, #tpu.memory_space<vmem>>, vector<1x16xf32>,
            %get3A_174 = vector.shape_cast %get3A_173 : vector<1x16xf32> to vector<16xf32>
            %get3A_175 = arith.index_cast %scan3A_109 : i32 to index
            %get3A_176 = arith.constant 64 : index
            %get3A_177 = tpu.vector_load %arg6[%get3A_175, %get3A_176] {strides = array<i32>} : memref<128x128xf32, #tpu.memory_space<vmem>>, vector<1x16xf32>,
            %get3A_178 = vector.shape_cast %get3A_177 : vector<1x16xf32> to vector<16xf32>
            %add3A_179 = arith.addf %get3A_174, %get3A_178 : vector<16xf32>
            %swap3A_180 = arith.index_cast %squeeze3A_115 : i32 to index
            %swap3A_181 = arith.constant 64 : index
            %swap3A_182 = tpu.vector_load %arg9[%swap3A_180, %swap3A_181] {strides = array<i32>} : memref<256x144xf32, #tpu.memory_space<vmem>>, vector<1x16xf32>,
            %swap3A_183 = vector.shape_cast %swap3A_182 : vector<1x16xf32> to vector<16xf32>
            %swap3A_184 = vector.shape_cast %add3A_179 : vector<16xf32> to vector<1x16xf32>
            tpu.vector_store %arg9[%swap3A_180, %swap3A_181], %swap3A_184 {strides = array<i32>} : memref<256x144xf32, #tpu.memory_space<vmem>>, vector<1x16xf32>,
            %get3A_185 = arith.index_cast %squeeze3A_115 : i32 to index
            %get3A_186 = arith.constant 80 : index
            %get3A_187 = tpu.vector_load %arg9[%get3A_185, %get3A_186] {strides = array<i32>} : memref<256x144xf32, #tpu.memory_space<vmem>>, vector<1x16xf32>,
            %get3A_188 = vector.shape_cast %get3A_187 : vector<1x16xf32> to vector<16xf32>
            %get3A_189 = arith.index_cast %scan3A_109 : i32 to index
            %get3A_190 = arith.constant 80 : index
            %get3A_191 = tpu.vector_load %arg6[%get3A_189, %get3A_190] {strides = array<i32>} : memref<128x128xf32, #tpu.memory_space<vmem>>, vector<1x16xf32>,
            %get3A_192 = vector.shape_cast %get3A_191 : vector<1x16xf32> to vector<16xf32>
            %add3A_193 = arith.addf %get3A_188, %get3A_192 : vector<16xf32>
            %swap3A_194 = arith.index_cast %squeeze3A_115 : i32 to index
            %swap3A_195 = arith.constant 80 : index
            %swap3A_196 = tpu.vector_load %arg9[%swap3A_194, %swap3A_195] {strides = array<i32>} : memref<256x144xf32, #tpu.memory_space<vmem>>, vector<1x16xf32>,
            %swap3A_197 = vector.shape_cast %swap3A_196 : vector<1x16xf32> to vector<16xf32>
            %swap3A_198 = vector.shape_cast %add3A_193 : vector<16xf32> to vector<1x16xf32>
            tpu.vector_store %arg9[%swap3A_194, %swap3A_195], %swap3A_198 {strides = array<i32>} : memref<256x144xf32, #tpu.memory_space<vmem>>, vector<1x16xf32>,
            %get3A_199 = arith.index_cast %squeeze3A_115 : i32 to index
            %get3A_200 = arith.constant 96 : index
            %get3A_201 = tpu.vector_load %arg9[%get3A_199, %get3A_200] {strides = array<i32>} : memref<256x144xf32, #tpu.memory_space<vmem>>, vector<1x16xf32>,
            %get3A_202 = vector.shape_cast %get3A_201 : vector<1x16xf32> to vector<16xf32>
            %get3A_203 = arith.index_cast %scan3A_109 : i32 to index
            %get3A_204 = arith.constant 96 : index
            %get3A_205 = tpu.vector_load %arg6[%get3A_203, %get3A_204] {strides = array<i32>} : memref<128x128xf32, #tpu.memory_space<vmem>>, vector<1x16xf32>,
            %get3A_206 = vector.shape_cast %get3A_205 : vector<1x16xf32> to vector<16xf32>
            %add3A_207 = arith.addf %get3A_202, %get3A_206 : vector<16xf32>
            %swap3A_208 = arith.index_cast %squeeze3A_115 : i32 to index
            %swap3A_209 = arith.constant 96 : index
            %swap3A_210 = tpu.vector_load %arg9[%swap3A_208, %swap3A_209] {strides = array<i32>} : memref<256x144xf32, #tpu.memory_space<vmem>>, vector<1x16xf32>,
            %swap3A_211 = vector.shape_cast %swap3A_210 : vector<1x16xf32> to vector<16xf32>
            %swap3A_212 = vector.shape_cast %add3A_207 : vector<16xf32> to vector<1x16xf32>
            tpu.vector_store %arg9[%swap3A_208, %swap3A_209], %swap3A_212 {strides = array<i32>} : memref<256x144xf32, #tpu.memory_space<vmem>>, vector<1x16xf32>,
            %get3A_213 = arith.index_cast %squeeze3A_115 : i32 to index
            %get3A_214 = arith.constant 112 : index
            %get3A_215 = tpu.vector_load %arg9[%get3A_213, %get3A_214] {strides = array<i32>} : memref<256x144xf32, #tpu.memory_space<vmem>>, vector<1x16xf32>,
            %get3A_216 = vector.shape_cast %get3A_215 : vector<1x16xf32> to vector<16xf32>
            %get3A_217 = arith.index_cast %scan3A_109 : i32 to index
            %get3A_218 = arith.constant 112 : index
            %get3A_219 = tpu.vector_load %arg6[%get3A_217, %get3A_218] {strides = array<i32>} : memref<128x128xf32, #tpu.memory_space<vmem>>, vector<1x16xf32>,
            %get3A_220 = vector.shape_cast %get3A_219 : vector<1x16xf32> to vector<16xf32>
            %add3A_221 = arith.addf %get3A_216, %get3A_220 : vector<16xf32>
            %swap3A_222 = arith.index_cast %squeeze3A_115 : i32 to index
            %swap3A_223 = arith.constant 112 : index
            %swap3A_224 = tpu.vector_load %arg9[%swap3A_222, %swap3A_223] {strides = array<i32>} : memref<256x144xf32, #tpu.memory_space<vmem>>, vector<1x16xf32>,
            %swap3A_225 = vector.shape_cast %swap3A_224 : vector<1x16xf32> to vector<16xf32>
            %swap3A_226 = vector.shape_cast %add3A_221 : vector<16xf32> to vector<1x16xf32>
            tpu.vector_store %arg9[%swap3A_222, %swap3A_223], %swap3A_226 {strides = array<i32>} : memref<256x144xf32, #tpu.memory_space<vmem>>, vector<1x16xf32>,
            %get3A_227 = arith.index_cast %squeeze3A_115 : i32 to index
            %get3A_228 = arith.constant 128 : index
            %get3A_229 = tpu.vector_load %arg9[%get3A_227, %get3A_228] {strides = array<i32>} : memref<256x144xf32, #tpu.memory_space<vmem>>, vector<1x16xf32>,
            %get3A_230 = vector.shape_cast %get3A_229 : vector<1x16xf32> to vector<16xf32>
            %add3A_231 = arith.addf %get3A_230, %broadcast_in_dim3A_5 : vector<16xf32>
            %swap3A_232 = arith.index_cast %squeeze3A_115 : i32 to index
            %swap3A_233 = arith.constant 128 : index
            %swap3A_234 = tpu.vector_load %arg9[%swap3A_232, %swap3A_233] {strides = array<i32>} : memref<256x144xf32, #tpu.memory_space<vmem>>, vector<1x16xf32>,
            %swap3A_235 = vector.shape_cast %swap3A_234 : vector<1x16xf32> to vector<16xf32>
            %swap3A_236 = vector.shape_cast %add3A_231 : vector<16xf32> to vector<1x16xf32>
            tpu.vector_store %arg9[%swap3A_232, %swap3A_233], %swap3A_236 {strides = array<i32>} : memref<256x144xf32, #tpu.memory_space<vmem>>, vector<1x16xf32>,
          }
          %scan3A_108 = arith.constant 128 : i32
        } else {
        }
      } else {
      }
      %eq3A_65 = arith.constant 2 : i32
      %eq3A_66 = arith.cmpi eq, %select_n3A_56, %eq3A_65 : i32
      %convert_element_type3A_67 = arith.extui %eq3A_66 : i1 to i32
      %cond3A_68 = arith.constant 0 : i32
      %cond3A_69 = arith.cmpi ne, %convert_element_type3A_67, %cond3A_68 : i32
      scf.if %cond3A_69 {
        %mul3A_70 = arith.constant 128 : i32
        %mul3A_71 = arith.muli %while3A_44, %mul3A_70 : i32
        %add3A_72 = arith.addi %mul3A_2, %mul3A_71 : i32
        %dma_wait3A_73 = arith.constant 0 : i32
        %dma_wait3A_74 = tpu.memref_slice %arg2[%add3A_72, %dma_wait3A_73] : memref<100000x128xf32, #tpu.memory_space<hbm>> -> memref<128x128xf32, #tpu.memory_space<hbm>>
        %dma_wait3A_75 = arith.constant 0 : i32
        %dma_wait3A_76 = tpu.memref_slice %arg2[%add3A_72, %dma_wait3A_75] : memref<100000x128xf32, #tpu.memory_space<hbm>> -> memref<128x128xf32, #tpu.memory_space<hbm>>
        tpu.wait_dma2 semaphore(%arg12 : memref<!tpu.dma_semaphore, #tpu.memory_space<semaphore_mem>>) src(%dma_wait3A_76 : memref<128x128xf32, #tpu.memory_space<hbm>>) dst(%arg7 : memref<128x128xf32, #tpu.memory_space<vmem>>)
        %add3A_77 = arith.constant 2 : i32
        %add3A_78 = arith.addi %while3A_44, %add3A_77 : i32
        %lt3A_79 = arith.cmpi slt, %add3A_78, %select_n3A : i32
        %convert_element_type3A_80 = arith.extui %lt3A_79 : i1 to i32
        %cond3A_81 = arith.constant 0 : i32
        %cond3A_82 = arith.cmpi ne, %convert_element_type3A_80, %cond3A_81 : i32
        scf.if %cond3A_82 {
          %add3A_103 = arith.constant 2 : i32
          %add3A_104 = arith.addi %while3A_44, %add3A_103 : i32
          %mul3A_105 = arith.constant 128 : i32
          %mul3A_106 = arith.muli %add3A_104, %mul3A_105 : i32
          %add3A_107 = arith.addi %mul3A_2, %mul3A_106 : i32
          %dma_start3A_108 = arith.constant 0 : i32
          %dma_start3A_109 = tpu.memref_slice %arg2[%add3A_107, %dma_start3A_108] : memref<100000x128xf32, #tpu.memory_space<hbm>> -> memref<128x128xf32, #tpu.memory_space<hbm>>
          %dma_start3A_110 = arith.constant 0 : i32
          %dma_start3A_111 = tpu.memref_slice %arg2[%add3A_107, %dma_start3A_110] : memref<100000x128xf32, #tpu.memory_space<hbm>> -> memref<128x128xf32, #tpu.memory_space<hbm>>
          tpu.enqueue_dma source(%dma_start3A_111 : memref<128x128xf32, #tpu.memory_space<hbm>>) target(%arg6 : memref<128x128xf32, #tpu.memory_space<vmem>>) target_semaphore(%arg11 : memref<!tpu.dma_semaphore, #tpu.memory_space<semaphore_mem>>)
        } else {
        }
        %mul3A_83 = arith.constant 128 : i32
        %mul3A_84 = arith.muli %while3A_44, %mul3A_83 : i32
        %get3A = arith.index_cast %mul3A_84 : i32 to index
        %get3A_85 = tpu.vector_load %arg8[%get3A] {strides = array<i32>} : memref<1048xi32, #tpu.memory_space<vmem>>, vector<16xi32>,
        %get3A_86 = vector.shape_cast %get3A_85 : vector<16xi32> to vector<16xi32>
        %slice3A = vector.extract_strided_slice %get3A_86 {offsets = [0], sizes = [1], strides = [1]} : vector<16xi32> to vector<1xi32>
        %squeeze3A = vector.extract %slice3A[0] : i32 from vector<1xi32>
        %add3A_87 = arith.constant 128 : i32
        %add3A_88 = arith.addi %mul3A_84, %add3A_87 : i32
        %sub3A = arith.constant 1 : i32
        %sub3A_89 = arith.subi %add3A_88, %sub3A : i32
        %get3A_90 = arith.index_cast %sub3A_89 : i32 to index
        %get3A_91 = tpu.vector_load %arg8[%get3A_90] {strides = array<i32>} : memref<1048xi32, #tpu.memory_space<vmem>>, vector<16xi32>,
        %get3A_92 = vector.shape_cast %get3A_91 : vector<16xi32> to vector<16xi32>
        %slice3A_93 = vector.extract_strided_slice %get3A_92 {offsets = [0], sizes = [1], strides = [1]} : vector<16xi32> to vector<1xi32>
        %squeeze3A_94 = vector.extract %slice3A_93[0] : i32 from vector<1xi32>
        %eq3A_95 = arith.cmpi eq, %squeeze3A, %squeeze3A_94 : i32
        %convert_element_type3A_96 = arith.extui %eq3A_95 : i1 to i32
        %cond3A_97 = arith.constant 0 : i32
        %cond3A_98 = arith.cmpi ne, %convert_element_type3A_96, %cond3A_97 : i32
        scf.if %cond3A_98 {
          %scan3A_103 = arith.constant 0 : i32
          %scan3A_104 = arith.constant 32 : i32
          %scan3A_105 = arith.addi %scan3A_103, %scan3A_104 : i32
          %scan3A_106 = arith.constant 1 : i32
          %scan3A_107:8 = scf.for %scan3A_200 = %scan3A_103 to %scan3A_105 step %scan3A_106 iter_args(%scan3A_201 = %broadcast_in_dim3A_3, %scan3A_202 = %broadcast_in_dim3A_3, %scan3A_203 = %broadcast_in_dim3A_3, %scan3A_204 = %broadcast_in_dim3A_3, %scan3A_205 = %broadcast_in_dim3A_3, %scan3A_206 = %broadcast_in_dim3A_3, %scan3A_207 = %broadcast_in_dim3A_3, %scan3A_208 = %broadcast_in_dim3A_3) -> (vector<16xf32>, vector<16xf32>, vector<16xf32>, vector<16xf32>, vector<16xf32>, vector<16xf32>, vector<16xf32>, vector<16xf32>)  : i32 {
            %mul3A_209 = arith.constant 4 : i32
            %mul3A_210 = arith.muli %scan3A_200, %mul3A_209 : i32
            %add3A_211 = arith.constant 0 : i32
            %add3A_212 = arith.addi %mul3A_210, %add3A_211 : i32
            %get3A_213 = arith.index_cast %add3A_212 : i32 to index
            %get3A_214 = arith.constant 0 : index
            %get3A_215 = tpu.vector_load %arg7[%get3A_213, %get3A_214] {strides = array<i32>} : memref<128x128xf32, #tpu.memory_space<vmem>>, vector<1x16xf32>,
            %get3A_216 = vector.shape_cast %get3A_215 : vector<1x16xf32> to vector<16xf32>
            %add3A_217 = arith.addf %scan3A_201, %get3A_216 : vector<16xf32>
            %get3A_218 = arith.index_cast %add3A_212 : i32 to index
            %get3A_219 = arith.constant 16 : index
            %get3A_220 = tpu.vector_load %arg7[%get3A_218, %get3A_219] {strides = array<i32>} : memref<128x128xf32, #tpu.memory_space<vmem>>, vector<1x16xf32>,
            %get3A_221 = vector.shape_cast %get3A_220 : vector<1x16xf32> to vector<16xf32>
            %add3A_222 = arith.addf %scan3A_202, %get3A_221 : vector<16xf32>
            %get3A_223 = arith.index_cast %add3A_212 : i32 to index
            %get3A_224 = arith.constant 32 : index
            %get3A_225 = tpu.vector_load %arg7[%get3A_223, %get3A_224] {strides = array<i32>} : memref<128x128xf32, #tpu.memory_space<vmem>>, vector<1x16xf32>,
            %get3A_226 = vector.shape_cast %get3A_225 : vector<1x16xf32> to vector<16xf32>
            %add3A_227 = arith.addf %scan3A_203, %get3A_226 : vector<16xf32>
            %get3A_228 = arith.index_cast %add3A_212 : i32 to index
            %get3A_229 = arith.constant 48 : index
            %get3A_230 = tpu.vector_load %arg7[%get3A_228, %get3A_229] {strides = array<i32>} : memref<128x128xf32, #tpu.memory_space<vmem>>, vector<1x16xf32>,
            %get3A_231 = vector.shape_cast %get3A_230 : vector<1x16xf32> to vector<16xf32>
            %add3A_232 = arith.addf %scan3A_204, %get3A_231 : vector<16xf32>
            %get3A_233 = arith.index_cast %add3A_212 : i32 to index
            %get3A_234 = arith.constant 64 : index
            %get3A_235 = tpu.vector_load %arg7[%get3A_233, %get3A_234] {strides = array<i32>} : memref<128x128xf32, #tpu.memory_space<vmem>>, vector<1x16xf32>,
            %get3A_236 = vector.shape_cast %get3A_235 : vector<1x16xf32> to vector<16xf32>
            %add3A_237 = arith.addf %scan3A_205, %get3A_236 : vector<16xf32>
            %get3A_238 = arith.index_cast %add3A_212 : i32 to index
            %get3A_239 = arith.constant 80 : index
            %get3A_240 = tpu.vector_load %arg7[%get3A_238, %get3A_239] {strides = array<i32>} : memref<128x128xf32, #tpu.memory_space<vmem>>, vector<1x16xf32>,
            %get3A_241 = vector.shape_cast %get3A_240 : vector<1x16xf32> to vector<16xf32>
            %add3A_242 = arith.addf %scan3A_206, %get3A_241 : vector<16xf32>
            %get3A_243 = arith.index_cast %add3A_212 : i32 to index
            %get3A_244 = arith.constant 96 : index
            %get3A_245 = tpu.vector_load %arg7[%get3A_243, %get3A_244] {strides = array<i32>} : memref<128x128xf32, #tpu.memory_space<vmem>>, vector<1x16xf32>,
            %get3A_246 = vector.shape_cast %get3A_245 : vector<1x16xf32> to vector<16xf32>
            %add3A_247 = arith.addf %scan3A_207, %get3A_246 : vector<16xf32>
            %get3A_248 = arith.index_cast %add3A_212 : i32 to index
            %get3A_249 = arith.constant 112 : index
            %get3A_250 = tpu.vector_load %arg7[%get3A_248, %get3A_249] {strides = array<i32>} : memref<128x128xf32, #tpu.memory_space<vmem>>, vector<1x16xf32>,
            %get3A_251 = vector.shape_cast %get3A_250 : vector<1x16xf32> to vector<16xf32>
            %add3A_252 = arith.addf %scan3A_208, %get3A_251 : vector<16xf32>
            %mul3A_253 = arith.constant 4 : i32
            %mul3A_254 = arith.muli %scan3A_200, %mul3A_253 : i32
            %add3A_255 = arith.constant 1 : i32
            %add3A_256 = arith.addi %mul3A_254, %add3A_255 : i32
            %get3A_257 = arith.index_cast %add3A_256 : i32 to index
            %get3A_258 = arith.constant 0 : index
            %get3A_259 = tpu.vector_load %arg7[%get3A_257, %get3A_258] {strides = array<i32>} : memref<128x128xf32, #tpu.memory_space<vmem>>, vector<1x16xf32>,
            %get3A_260 = vector.shape_cast %get3A_259 : vector<1x16xf32> to vector<16xf32>
            %add3A_261 = arith.addf %add3A_217, %get3A_260 : vector<16xf32>
            %get3A_262 = arith.index_cast %add3A_256 : i32 to index
            %get3A_263 = arith.constant 16 : index
            %get3A_264 = tpu.vector_load %arg7[%get3A_262, %get3A_263] {strides = array<i32>} : memref<128x128xf32, #tpu.memory_space<vmem>>, vector<1x16xf32>,
            %get3A_265 = vector.shape_cast %get3A_264 : vector<1x16xf32> to vector<16xf32>
            %add3A_266 = arith.addf %add3A_222, %get3A_265 : vector<16xf32>
            %get3A_267 = arith.index_cast %add3A_256 : i32 to index
            %get3A_268 = arith.constant 32 : index
            %get3A_269 = tpu.vector_load %arg7[%get3A_267, %get3A_268] {strides = array<i32>} : memref<128x128xf32, #tpu.memory_space<vmem>>, vector<1x16xf32>,
            %get3A_270 = vector.shape_cast %get3A_269 : vector<1x16xf32> to vector<16xf32>
            %add3A_271 = arith.addf %add3A_227, %get3A_270 : vector<16xf32>
            %get3A_272 = arith.index_cast %add3A_256 : i32 to index
            %get3A_273 = arith.constant 48 : index
            %get3A_274 = tpu.vector_load %arg7[%get3A_272, %get3A_273] {strides = array<i32>} : memref<128x128xf32, #tpu.memory_space<vmem>>, vector<1x16xf32>,
            %get3A_275 = vector.shape_cast %get3A_274 : vector<1x16xf32> to vector<16xf32>
            %add3A_276 = arith.addf %add3A_232, %get3A_275 : vector<16xf32>
            %get3A_277 = arith.index_cast %add3A_256 : i32 to index
            %get3A_278 = arith.constant 64 : index
            %get3A_279 = tpu.vector_load %arg7[%get3A_277, %get3A_278] {strides = array<i32>} : memref<128x128xf32, #tpu.memory_space<vmem>>, vector<1x16xf32>,
            %get3A_280 = vector.shape_cast %get3A_279 : vector<1x16xf32> to vector<16xf32>
            %add3A_281 = arith.addf %add3A_237, %get3A_280 : vector<16xf32>
            %get3A_282 = arith.index_cast %add3A_256 : i32 to index
            %get3A_283 = arith.constant 80 : index
            %get3A_284 = tpu.vector_load %arg7[%get3A_282, %get3A_283] {strides = array<i32>} : memref<128x128xf32, #tpu.memory_space<vmem>>, vector<1x16xf32>,
            %get3A_285 = vector.shape_cast %get3A_284 : vector<1x16xf32> to vector<16xf32>
            %add3A_286 = arith.addf %add3A_242, %get3A_285 : vector<16xf32>
            %get3A_287 = arith.index_cast %add3A_256 : i32 to index
            %get3A_288 = arith.constant 96 : index
            %get3A_289 = tpu.vector_load %arg7[%get3A_287, %get3A_288] {strides = array<i32>} : memref<128x128xf32, #tpu.memory_space<vmem>>, vector<1x16xf32>,
            %get3A_290 = vector.shape_cast %get3A_289 : vector<1x16xf32> to vector<16xf32>
            %add3A_291 = arith.addf %add3A_247, %get3A_290 : vector<16xf32>
            %get3A_292 = arith.index_cast %add3A_256 : i32 to index
            %get3A_293 = arith.constant 112 : index
            %get3A_294 = tpu.vector_load %arg7[%get3A_292, %get3A_293] {strides = array<i32>} : memref<128x128xf32, #tpu.memory_space<vmem>>, vector<1x16xf32>,
            %get3A_295 = vector.shape_cast %get3A_294 : vector<1x16xf32> to vector<16xf32>
            %add3A_296 = arith.addf %add3A_252, %get3A_295 : vector<16xf32>
            %mul3A_297 = arith.constant 4 : i32
            %mul3A_298 = arith.muli %scan3A_200, %mul3A_297 : i32
            %add3A_299 = arith.constant 2 : i32
            %add3A_300 = arith.addi %mul3A_298, %add3A_299 : i32
            %get3A_301 = arith.index_cast %add3A_300 : i32 to index
            %get3A_302 = arith.constant 0 : index
            %get3A_303 = tpu.vector_load %arg7[%get3A_301, %get3A_302] {strides = array<i32>} : memref<128x128xf32, #tpu.memory_space<vmem>>, vector<1x16xf32>,
            %get3A_304 = vector.shape_cast %get3A_303 : vector<1x16xf32> to vector<16xf32>
            %add3A_305 = arith.addf %add3A_261, %get3A_304 : vector<16xf32>
            %get3A_306 = arith.index_cast %add3A_300 : i32 to index
            %get3A_307 = arith.constant 16 : index
            %get3A_308 = tpu.vector_load %arg7[%get3A_306, %get3A_307] {strides = array<i32>} : memref<128x128xf32, #tpu.memory_space<vmem>>, vector<1x16xf32>,
            %get3A_309 = vector.shape_cast %get3A_308 : vector<1x16xf32> to vector<16xf32>
            %add3A_310 = arith.addf %add3A_266, %get3A_309 : vector<16xf32>
            %get3A_311 = arith.index_cast %add3A_300 : i32 to index
            %get3A_312 = arith.constant 32 : index
            %get3A_313 = tpu.vector_load %arg7[%get3A_311, %get3A_312] {strides = array<i32>} : memref<128x128xf32, #tpu.memory_space<vmem>>, vector<1x16xf32>,
            %get3A_314 = vector.shape_cast %get3A_313 : vector<1x16xf32> to vector<16xf32>
            %add3A_315 = arith.addf %add3A_271, %get3A_314 : vector<16xf32>
            %get3A_316 = arith.index_cast %add3A_300 : i32 to index
            %get3A_317 = arith.constant 48 : index
            %get3A_318 = tpu.vector_load %arg7[%get3A_316, %get3A_317] {strides = array<i32>} : memref<128x128xf32, #tpu.memory_space<vmem>>, vector<1x16xf32>,
            %get3A_319 = vector.shape_cast %get3A_318 : vector<1x16xf32> to vector<16xf32>
            %add3A_320 = arith.addf %add3A_276, %get3A_319 : vector<16xf32>
            %get3A_321 = arith.index_cast %add3A_300 : i32 to index
            %get3A_322 = arith.constant 64 : index
            %get3A_323 = tpu.vector_load %arg7[%get3A_321, %get3A_322] {strides = array<i32>} : memref<128x128xf32, #tpu.memory_space<vmem>>, vector<1x16xf32>,
            %get3A_324 = vector.shape_cast %get3A_323 : vector<1x16xf32> to vector<16xf32>
            %add3A_325 = arith.addf %add3A_281, %get3A_324 : vector<16xf32>
            %get3A_326 = arith.index_cast %add3A_300 : i32 to index
            %get3A_327 = arith.constant 80 : index
            %get3A_328 = tpu.vector_load %arg7[%get3A_326, %get3A_327] {strides = array<i32>} : memref<128x128xf32, #tpu.memory_space<vmem>>, vector<1x16xf32>,
            %get3A_329 = vector.shape_cast %get3A_328 : vector<1x16xf32> to vector<16xf32>
            %add3A_330 = arith.addf %add3A_286, %get3A_329 : vector<16xf32>
            %get3A_331 = arith.index_cast %add3A_300 : i32 to index
            %get3A_332 = arith.constant 96 : index
            %get3A_333 = tpu.vector_load %arg7[%get3A_331, %get3A_332] {strides = array<i32>} : memref<128x128xf32, #tpu.memory_space<vmem>>, vector<1x16xf32>,
            %get3A_334 = vector.shape_cast %get3A_333 : vector<1x16xf32> to vector<16xf32>
            %add3A_335 = arith.addf %add3A_291, %get3A_334 : vector<16xf32>
            %get3A_336 = arith.index_cast %add3A_300 : i32 to index
            %get3A_337 = arith.constant 112 : index
            %get3A_338 = tpu.vector_load %arg7[%get3A_336, %get3A_337] {strides = array<i32>} : memref<128x128xf32, #tpu.memory_space<vmem>>, vector<1x16xf32>,
            %get3A_339 = vector.shape_cast %get3A_338 : vector<1x16xf32> to vector<16xf32>
            %add3A_340 = arith.addf %add3A_296, %get3A_339 : vector<16xf32>
            %mul3A_341 = arith.constant 4 : i32
            %mul3A_342 = arith.muli %scan3A_200, %mul3A_341 : i32
            %add3A_343 = arith.constant 3 : i32
            %add3A_344 = arith.addi %mul3A_342, %add3A_343 : i32
            %get3A_345 = arith.index_cast %add3A_344 : i32 to index
            %get3A_346 = arith.constant 0 : index
            %get3A_347 = tpu.vector_load %arg7[%get3A_345, %get3A_346] {strides = array<i32>} : memref<128x128xf32, #tpu.memory_space<vmem>>, vector<1x16xf32>,
            %get3A_348 = vector.shape_cast %get3A_347 : vector<1x16xf32> to vector<16xf32>
            %add3A_349 = arith.addf %add3A_305, %get3A_348 : vector<16xf32>
            %get3A_350 = arith.index_cast %add3A_344 : i32 to index
            %get3A_351 = arith.constant 16 : index
            %get3A_352 = tpu.vector_load %arg7[%get3A_350, %get3A_351] {strides = array<i32>} : memref<128x128xf32, #tpu.memory_space<vmem>>, vector<1x16xf32>,
            %get3A_353 = vector.shape_cast %get3A_352 : vector<1x16xf32> to vector<16xf32>
            %add3A_354 = arith.addf %add3A_310, %get3A_353 : vector<16xf32>
            %get3A_355 = arith.index_cast %add3A_344 : i32 to index
            %get3A_356 = arith.constant 32 : index
            %get3A_357 = tpu.vector_load %arg7[%get3A_355, %get3A_356] {strides = array<i32>} : memref<128x128xf32, #tpu.memory_space<vmem>>, vector<1x16xf32>,
            %get3A_358 = vector.shape_cast %get3A_357 : vector<1x16xf32> to vector<16xf32>
            %add3A_359 = arith.addf %add3A_315, %get3A_358 : vector<16xf32>
            %get3A_360 = arith.index_cast %add3A_344 : i32 to index
            %get3A_361 = arith.constant 48 : index
            %get3A_362 = tpu.vector_load %arg7[%get3A_360, %get3A_361] {strides = array<i32>} : memref<128x128xf32, #tpu.memory_space<vmem>>, vector<1x16xf32>,
            %get3A_363 = vector.shape_cast %get3A_362 : vector<1x16xf32> to vector<16xf32>
            %add3A_364 = arith.addf %add3A_320, %get3A_363 : vector<16xf32>
            %get3A_365 = arith.index_cast %add3A_344 : i32 to index
            %get3A_366 = arith.constant 64 : index
            %get3A_367 = tpu.vector_load %arg7[%get3A_365, %get3A_366] {strides = array<i32>} : memref<128x128xf32, #tpu.memory_space<vmem>>, vector<1x16xf32>,
            %get3A_368 = vector.shape_cast %get3A_367 : vector<1x16xf32> to vector<16xf32>
            %add3A_369 = arith.addf %add3A_325, %get3A_368 : vector<16xf32>
            %get3A_370 = arith.index_cast %add3A_344 : i32 to index
            %get3A_371 = arith.constant 80 : index
            %get3A_372 = tpu.vector_load %arg7[%get3A_370, %get3A_371] {strides = array<i32>} : memref<128x128xf32, #tpu.memory_space<vmem>>, vector<1x16xf32>,
            %get3A_373 = vector.shape_cast %get3A_372 : vector<1x16xf32> to vector<16xf32>
            %add3A_374 = arith.addf %add3A_330, %get3A_373 : vector<16xf32>
            %get3A_375 = arith.index_cast %add3A_344 : i32 to index
            %get3A_376 = arith.constant 96 : index
            %get3A_377 = tpu.vector_load %arg7[%get3A_375, %get3A_376] {strides = array<i32>} : memref<128x128xf32, #tpu.memory_space<vmem>>, vector<1x16xf32>,
            %get3A_378 = vector.shape_cast %get3A_377 : vector<1x16xf32> to vector<16xf32>
            %add3A_379 = arith.addf %add3A_335, %get3A_378 : vector<16xf32>
            %get3A_380 = arith.index_cast %add3A_344 : i32 to index
            %get3A_381 = arith.constant 112 : index
            %get3A_382 = tpu.vector_load %arg7[%get3A_380, %get3A_381] {strides = array<i32>} : memref<128x128xf32, #tpu.memory_space<vmem>>, vector<1x16xf32>,
            %get3A_383 = vector.shape_cast %get3A_382 : vector<1x16xf32> to vector<16xf32>
            %add3A_384 = arith.addf %add3A_340, %get3A_383 : vector<16xf32>
            scf.yield %add3A_349, %add3A_354, %add3A_359, %add3A_364, %add3A_369, %add3A_374, %add3A_379, %add3A_384 : vector<16xf32>, vector<16xf32>, vector<16xf32>, vector<16xf32>, vector<16xf32>, vector<16xf32>, vector<16xf32>, vector<16xf32>
          }
          %scan3A_108 = arith.constant 32 : i32
          %get3A_109 = arith.index_cast %squeeze3A : i32 to index
          %get3A_110 = arith.constant 0 : index
          %get3A_111 = tpu.vector_load %arg9[%get3A_109, %get3A_110] {strides = array<i32>} : memref<256x144xf32, #tpu.memory_space<vmem>>, vector<1x16xf32>,
          %get3A_112 = vector.shape_cast %get3A_111 : vector<1x16xf32> to vector<16xf32>
          %add3A_113 = arith.addf %get3A_112, %scan3A_107#0 : vector<16xf32>
          %swap3A = arith.index_cast %squeeze3A : i32 to index
          %swap3A_114 = arith.constant 0 : index
          %swap3A_115 = tpu.vector_load %arg9[%swap3A, %swap3A_114] {strides = array<i32>} : memref<256x144xf32, #tpu.memory_space<vmem>>, vector<1x16xf32>,
          %swap3A_116 = vector.shape_cast %swap3A_115 : vector<1x16xf32> to vector<16xf32>
          %swap3A_117 = vector.shape_cast %add3A_113 : vector<16xf32> to vector<1x16xf32>
          tpu.vector_store %arg9[%swap3A, %swap3A_114], %swap3A_117 {strides = array<i32>} : memref<256x144xf32, #tpu.memory_space<vmem>>, vector<1x16xf32>,
          %get3A_118 = arith.index_cast %squeeze3A : i32 to index
          %get3A_119 = arith.constant 16 : index
          %get3A_120 = tpu.vector_load %arg9[%get3A_118, %get3A_119] {strides = array<i32>} : memref<256x144xf32, #tpu.memory_space<vmem>>, vector<1x16xf32>,
          %get3A_121 = vector.shape_cast %get3A_120 : vector<1x16xf32> to vector<16xf32>
          %add3A_122 = arith.addf %get3A_121, %scan3A_107#1 : vector<16xf32>
          %swap3A_123 = arith.index_cast %squeeze3A : i32 to index
          %swap3A_124 = arith.constant 16 : index
          %swap3A_125 = tpu.vector_load %arg9[%swap3A_123, %swap3A_124] {strides = array<i32>} : memref<256x144xf32, #tpu.memory_space<vmem>>, vector<1x16xf32>,
          %swap3A_126 = vector.shape_cast %swap3A_125 : vector<1x16xf32> to vector<16xf32>
          %swap3A_127 = vector.shape_cast %add3A_122 : vector<16xf32> to vector<1x16xf32>
          tpu.vector_store %arg9[%swap3A_123, %swap3A_124], %swap3A_127 {strides = array<i32>} : memref<256x144xf32, #tpu.memory_space<vmem>>, vector<1x16xf32>,
          %get3A_128 = arith.index_cast %squeeze3A : i32 to index
          %get3A_129 = arith.constant 32 : index
          %get3A_130 = tpu.vector_load %arg9[%get3A_128, %get3A_129] {strides = array<i32>} : memref<256x144xf32, #tpu.memory_space<vmem>>, vector<1x16xf32>,
          %get3A_131 = vector.shape_cast %get3A_130 : vector<1x16xf32> to vector<16xf32>
          %add3A_132 = arith.addf %get3A_131, %scan3A_107#2 : vector<16xf32>
          %swap3A_133 = arith.index_cast %squeeze3A : i32 to index
          %swap3A_134 = arith.constant 32 : index
          %swap3A_135 = tpu.vector_load %arg9[%swap3A_133, %swap3A_134] {strides = array<i32>} : memref<256x144xf32, #tpu.memory_space<vmem>>, vector<1x16xf32>,
          %swap3A_136 = vector.shape_cast %swap3A_135 : vector<1x16xf32> to vector<16xf32>
          %swap3A_137 = vector.shape_cast %add3A_132 : vector<16xf32> to vector<1x16xf32>
          tpu.vector_store %arg9[%swap3A_133, %swap3A_134], %swap3A_137 {strides = array<i32>} : memref<256x144xf32, #tpu.memory_space<vmem>>, vector<1x16xf32>,
          %get3A_138 = arith.index_cast %squeeze3A : i32 to index
          %get3A_139 = arith.constant 48 : index
          %get3A_140 = tpu.vector_load %arg9[%get3A_138, %get3A_139] {strides = array<i32>} : memref<256x144xf32, #tpu.memory_space<vmem>>, vector<1x16xf32>,
          %get3A_141 = vector.shape_cast %get3A_140 : vector<1x16xf32> to vector<16xf32>
          %add3A_142 = arith.addf %get3A_141, %scan3A_107#3 : vector<16xf32>
          %swap3A_143 = arith.index_cast %squeeze3A : i32 to index
          %swap3A_144 = arith.constant 48 : index
          %swap3A_145 = tpu.vector_load %arg9[%swap3A_143, %swap3A_144] {strides = array<i32>} : memref<256x144xf32, #tpu.memory_space<vmem>>, vector<1x16xf32>,
          %swap3A_146 = vector.shape_cast %swap3A_145 : vector<1x16xf32> to vector<16xf32>
          %swap3A_147 = vector.shape_cast %add3A_142 : vector<16xf32> to vector<1x16xf32>
          tpu.vector_store %arg9[%swap3A_143, %swap3A_144], %swap3A_147 {strides = array<i32>} : memref<256x144xf32, #tpu.memory_space<vmem>>, vector<1x16xf32>,
          %get3A_148 = arith.index_cast %squeeze3A : i32 to index
          %get3A_149 = arith.constant 64 : index
          %get3A_150 = tpu.vector_load %arg9[%get3A_148, %get3A_149] {strides = array<i32>} : memref<256x144xf32, #tpu.memory_space<vmem>>, vector<1x16xf32>,
          %get3A_151 = vector.shape_cast %get3A_150 : vector<1x16xf32> to vector<16xf32>
          %add3A_152 = arith.addf %get3A_151, %scan3A_107#4 : vector<16xf32>
          %swap3A_153 = arith.index_cast %squeeze3A : i32 to index
          %swap3A_154 = arith.constant 64 : index
          %swap3A_155 = tpu.vector_load %arg9[%swap3A_153, %swap3A_154] {strides = array<i32>} : memref<256x144xf32, #tpu.memory_space<vmem>>, vector<1x16xf32>,
          %swap3A_156 = vector.shape_cast %swap3A_155 : vector<1x16xf32> to vector<16xf32>
          %swap3A_157 = vector.shape_cast %add3A_152 : vector<16xf32> to vector<1x16xf32>
          tpu.vector_store %arg9[%swap3A_153, %swap3A_154], %swap3A_157 {strides = array<i32>} : memref<256x144xf32, #tpu.memory_space<vmem>>, vector<1x16xf32>,
          %get3A_158 = arith.index_cast %squeeze3A : i32 to index
          %get3A_159 = arith.constant 80 : index
          %get3A_160 = tpu.vector_load %arg9[%get3A_158, %get3A_159] {strides = array<i32>} : memref<256x144xf32, #tpu.memory_space<vmem>>, vector<1x16xf32>,
          %get3A_161 = vector.shape_cast %get3A_160 : vector<1x16xf32> to vector<16xf32>
          %add3A_162 = arith.addf %get3A_161, %scan3A_107#5 : vector<16xf32>
          %swap3A_163 = arith.index_cast %squeeze3A : i32 to index
          %swap3A_164 = arith.constant 80 : index
          %swap3A_165 = tpu.vector_load %arg9[%swap3A_163, %swap3A_164] {strides = array<i32>} : memref<256x144xf32, #tpu.memory_space<vmem>>, vector<1x16xf32>,
          %swap3A_166 = vector.shape_cast %swap3A_165 : vector<1x16xf32> to vector<16xf32>
          %swap3A_167 = vector.shape_cast %add3A_162 : vector<16xf32> to vector<1x16xf32>
          tpu.vector_store %arg9[%swap3A_163, %swap3A_164], %swap3A_167 {strides = array<i32>} : memref<256x144xf32, #tpu.memory_space<vmem>>, vector<1x16xf32>,
          %get3A_168 = arith.index_cast %squeeze3A : i32 to index
          %get3A_169 = arith.constant 96 : index
          %get3A_170 = tpu.vector_load %arg9[%get3A_168, %get3A_169] {strides = array<i32>} : memref<256x144xf32, #tpu.memory_space<vmem>>, vector<1x16xf32>,
          %get3A_171 = vector.shape_cast %get3A_170 : vector<1x16xf32> to vector<16xf32>
          %add3A_172 = arith.addf %get3A_171, %scan3A_107#6 : vector<16xf32>
          %swap3A_173 = arith.index_cast %squeeze3A : i32 to index
          %swap3A_174 = arith.constant 96 : index
          %swap3A_175 = tpu.vector_load %arg9[%swap3A_173, %swap3A_174] {strides = array<i32>} : memref<256x144xf32, #tpu.memory_space<vmem>>, vector<1x16xf32>,
          %swap3A_176 = vector.shape_cast %swap3A_175 : vector<1x16xf32> to vector<16xf32>
          %swap3A_177 = vector.shape_cast %add3A_172 : vector<16xf32> to vector<1x16xf32>
          tpu.vector_store %arg9[%swap3A_173, %swap3A_174], %swap3A_177 {strides = array<i32>} : memref<256x144xf32, #tpu.memory_space<vmem>>, vector<1x16xf32>,
          %get3A_178 = arith.index_cast %squeeze3A : i32 to index
          %get3A_179 = arith.constant 112 : index
          %get3A_180 = tpu.vector_load %arg9[%get3A_178, %get3A_179] {strides = array<i32>} : memref<256x144xf32, #tpu.memory_space<vmem>>, vector<1x16xf32>,
          %get3A_181 = vector.shape_cast %get3A_180 : vector<1x16xf32> to vector<16xf32>
          %add3A_182 = arith.addf %get3A_181, %scan3A_107#7 : vector<16xf32>
          %swap3A_183 = arith.index_cast %squeeze3A : i32 to index
          %swap3A_184 = arith.constant 112 : index
          %swap3A_185 = tpu.vector_load %arg9[%swap3A_183, %swap3A_184] {strides = array<i32>} : memref<256x144xf32, #tpu.memory_space<vmem>>, vector<1x16xf32>,
          %swap3A_186 = vector.shape_cast %swap3A_185 : vector<1x16xf32> to vector<16xf32>
          %swap3A_187 = vector.shape_cast %add3A_182 : vector<16xf32> to vector<1x16xf32>
          tpu.vector_store %arg9[%swap3A_183, %swap3A_184], %swap3A_187 {strides = array<i32>} : memref<256x144xf32, #tpu.memory_space<vmem>>, vector<1x16xf32>,
          %get3A_188 = arith.index_cast %squeeze3A : i32 to index
          %get3A_189 = arith.constant 128 : index
          %get3A_190 = tpu.vector_load %arg9[%get3A_188, %get3A_189] {strides = array<i32>} : memref<256x144xf32, #tpu.memory_space<vmem>>, vector<1x16xf32>,
          %get3A_191 = vector.shape_cast %get3A_190 : vector<1x16xf32> to vector<16xf32>
          %broadcast_in_dim3A_192 = arith.constant 1.280000e+02 : f32
          %broadcast_in_dim3A_193 = vector.broadcast %broadcast_in_dim3A_192 : f32 to vector<16xf32>
          %add3A_194 = arith.addf %get3A_191, %broadcast_in_dim3A_193 : vector<16xf32>
          %swap3A_195 = arith.index_cast %squeeze3A : i32 to index
          %swap3A_196 = arith.constant 128 : index
          %swap3A_197 = tpu.vector_load %arg9[%swap3A_195, %swap3A_196] {strides = array<i32>} : memref<256x144xf32, #tpu.memory_space<vmem>>, vector<1x16xf32>,
          %swap3A_198 = vector.shape_cast %swap3A_197 : vector<1x16xf32> to vector<16xf32>
          %swap3A_199 = vector.shape_cast %add3A_194 : vector<16xf32> to vector<1x16xf32>
          tpu.vector_store %arg9[%swap3A_195, %swap3A_196], %swap3A_199 {strides = array<i32>} : memref<256x144xf32, #tpu.memory_space<vmem>>, vector<1x16xf32>,
        } else {
        }
        %ne3A_99 = arith.cmpi ne, %squeeze3A, %squeeze3A_94 : i32
        %convert_element_type3A_100 = arith.extui %ne3A_99 : i1 to i32
        %cond3A_101 = arith.constant 0 : i32
        %cond3A_102 = arith.cmpi ne, %convert_element_type3A_100, %cond3A_101 : i32
        scf.if %cond3A_102 {
          %scan3A_103 = arith.constant 0 : i32
          %scan3A_104 = arith.constant 0 : i32
          %scan3A_105 = arith.constant 128 : i32
          %scan3A_106 = arith.addi %scan3A_104, %scan3A_105 : i32
          %scan3A_107 = arith.constant 1 : i32
          scf.for %scan3A_109 = %scan3A_104 to %scan3A_106 step %scan3A_107  : i32 {
            %add3A_110 = arith.addi %mul3A_84, %scan3A_109 : i32
            %get3A_111 = arith.index_cast %add3A_110 : i32 to index
            %get3A_112 = tpu.vector_load %arg8[%get3A_111] {strides = array<i32>} : memref<1048xi32, #tpu.memory_space<vmem>>, vector<16xi32>,
            %get3A_113 = vector.shape_cast %get3A_112 : vector<16xi32> to vector<16xi32>
            %slice3A_114 = vector.extract_strided_slice %get3A_113 {offsets = [0], sizes = [1], strides = [1]} : vector<16xi32> to vector<1xi32>
            %squeeze3A_115 = vector.extract %slice3A_114[0] : i32 from vector<1xi32>
            %get3A_116 = arith.index_cast %squeeze3A_115 : i32 to index
            %get3A_117 = arith.constant 0 : index
            %get3A_118 = tpu.vector_load %arg9[%get3A_116, %get3A_117] {strides = array<i32>} : memref<256x144xf32, #tpu.memory_space<vmem>>, vector<1x16xf32>,
            %get3A_119 = vector.shape_cast %get3A_118 : vector<1x16xf32> to vector<16xf32>
            %get3A_120 = arith.index_cast %scan3A_109 : i32 to index
            %get3A_121 = arith.constant 0 : index
            %get3A_122 = tpu.vector_load %arg7[%get3A_120, %get3A_121] {strides = array<i32>} : memref<128x128xf32, #tpu.memory_space<vmem>>, vector<1x16xf32>,
            %get3A_123 = vector.shape_cast %get3A_122 : vector<1x16xf32> to vector<16xf32>
            %add3A_124 = arith.addf %get3A_119, %get3A_123 : vector<16xf32>
            %swap3A = arith.index_cast %squeeze3A_115 : i32 to index
            %swap3A_125 = arith.constant 0 : index
            %swap3A_126 = tpu.vector_load %arg9[%swap3A, %swap3A_125] {strides = array<i32>} : memref<256x144xf32, #tpu.memory_space<vmem>>, vector<1x16xf32>,
            %swap3A_127 = vector.shape_cast %swap3A_126 : vector<1x16xf32> to vector<16xf32>
            %swap3A_128 = vector.shape_cast %add3A_124 : vector<16xf32> to vector<1x16xf32>
            tpu.vector_store %arg9[%swap3A, %swap3A_125], %swap3A_128 {strides = array<i32>} : memref<256x144xf32, #tpu.memory_space<vmem>>, vector<1x16xf32>,
            %get3A_129 = arith.index_cast %squeeze3A_115 : i32 to index
            %get3A_130 = arith.constant 16 : index
            %get3A_131 = tpu.vector_load %arg9[%get3A_129, %get3A_130] {strides = array<i32>} : memref<256x144xf32, #tpu.memory_space<vmem>>, vector<1x16xf32>,
            %get3A_132 = vector.shape_cast %get3A_131 : vector<1x16xf32> to vector<16xf32>
            %get3A_133 = arith.index_cast %scan3A_109 : i32 to index
            %get3A_134 = arith.constant 16 : index
            %get3A_135 = tpu.vector_load %arg7[%get3A_133, %get3A_134] {strides = array<i32>} : memref<128x128xf32, #tpu.memory_space<vmem>>, vector<1x16xf32>,
            %get3A_136 = vector.shape_cast %get3A_135 : vector<1x16xf32> to vector<16xf32>
            %add3A_137 = arith.addf %get3A_132, %get3A_136 : vector<16xf32>
            %swap3A_138 = arith.index_cast %squeeze3A_115 : i32 to index
            %swap3A_139 = arith.constant 16 : index
            %swap3A_140 = tpu.vector_load %arg9[%swap3A_138, %swap3A_139] {strides = array<i32>} : memref<256x144xf32, #tpu.memory_space<vmem>>, vector<1x16xf32>,
            %swap3A_141 = vector.shape_cast %swap3A_140 : vector<1x16xf32> to vector<16xf32>
            %swap3A_142 = vector.shape_cast %add3A_137 : vector<16xf32> to vector<1x16xf32>
            tpu.vector_store %arg9[%swap3A_138, %swap3A_139], %swap3A_142 {strides = array<i32>} : memref<256x144xf32, #tpu.memory_space<vmem>>, vector<1x16xf32>,
            %get3A_143 = arith.index_cast %squeeze3A_115 : i32 to index
            %get3A_144 = arith.constant 32 : index
            %get3A_145 = tpu.vector_load %arg9[%get3A_143, %get3A_144] {strides = array<i32>} : memref<256x144xf32, #tpu.memory_space<vmem>>, vector<1x16xf32>,
            %get3A_146 = vector.shape_cast %get3A_145 : vector<1x16xf32> to vector<16xf32>
            %get3A_147 = arith.index_cast %scan3A_109 : i32 to index
            %get3A_148 = arith.constant 32 : index
            %get3A_149 = tpu.vector_load %arg7[%get3A_147, %get3A_148] {strides = array<i32>} : memref<128x128xf32, #tpu.memory_space<vmem>>, vector<1x16xf32>,
            %get3A_150 = vector.shape_cast %get3A_149 : vector<1x16xf32> to vector<16xf32>
            %add3A_151 = arith.addf %get3A_146, %get3A_150 : vector<16xf32>
            %swap3A_152 = arith.index_cast %squeeze3A_115 : i32 to index
            %swap3A_153 = arith.constant 32 : index
            %swap3A_154 = tpu.vector_load %arg9[%swap3A_152, %swap3A_153] {strides = array<i32>} : memref<256x144xf32, #tpu.memory_space<vmem>>, vector<1x16xf32>,
            %swap3A_155 = vector.shape_cast %swap3A_154 : vector<1x16xf32> to vector<16xf32>
            %swap3A_156 = vector.shape_cast %add3A_151 : vector<16xf32> to vector<1x16xf32>
            tpu.vector_store %arg9[%swap3A_152, %swap3A_153], %swap3A_156 {strides = array<i32>} : memref<256x144xf32, #tpu.memory_space<vmem>>, vector<1x16xf32>,
            %get3A_157 = arith.index_cast %squeeze3A_115 : i32 to index
            %get3A_158 = arith.constant 48 : index
            %get3A_159 = tpu.vector_load %arg9[%get3A_157, %get3A_158] {strides = array<i32>} : memref<256x144xf32, #tpu.memory_space<vmem>>, vector<1x16xf32>,
            %get3A_160 = vector.shape_cast %get3A_159 : vector<1x16xf32> to vector<16xf32>
            %get3A_161 = arith.index_cast %scan3A_109 : i32 to index
            %get3A_162 = arith.constant 48 : index
            %get3A_163 = tpu.vector_load %arg7[%get3A_161, %get3A_162] {strides = array<i32>} : memref<128x128xf32, #tpu.memory_space<vmem>>, vector<1x16xf32>,
            %get3A_164 = vector.shape_cast %get3A_163 : vector<1x16xf32> to vector<16xf32>
            %add3A_165 = arith.addf %get3A_160, %get3A_164 : vector<16xf32>
            %swap3A_166 = arith.index_cast %squeeze3A_115 : i32 to index
            %swap3A_167 = arith.constant 48 : index
            %swap3A_168 = tpu.vector_load %arg9[%swap3A_166, %swap3A_167] {strides = array<i32>} : memref<256x144xf32, #tpu.memory_space<vmem>>, vector<1x16xf32>,
            %swap3A_169 = vector.shape_cast %swap3A_168 : vector<1x16xf32> to vector<16xf32>
            %swap3A_170 = vector.shape_cast %add3A_165 : vector<16xf32> to vector<1x16xf32>
            tpu.vector_store %arg9[%swap3A_166, %swap3A_167], %swap3A_170 {strides = array<i32>} : memref<256x144xf32, #tpu.memory_space<vmem>>, vector<1x16xf32>,
            %get3A_171 = arith.index_cast %squeeze3A_115 : i32 to index
            %get3A_172 = arith.constant 64 : index
            %get3A_173 = tpu.vector_load %arg9[%get3A_171, %get3A_172] {strides = array<i32>} : memref<256x144xf32, #tpu.memory_space<vmem>>, vector<1x16xf32>,
            %get3A_174 = vector.shape_cast %get3A_173 : vector<1x16xf32> to vector<16xf32>
            %get3A_175 = arith.index_cast %scan3A_109 : i32 to index
            %get3A_176 = arith.constant 64 : index
            %get3A_177 = tpu.vector_load %arg7[%get3A_175, %get3A_176] {strides = array<i32>} : memref<128x128xf32, #tpu.memory_space<vmem>>, vector<1x16xf32>,
            %get3A_178 = vector.shape_cast %get3A_177 : vector<1x16xf32> to vector<16xf32>
            %add3A_179 = arith.addf %get3A_174, %get3A_178 : vector<16xf32>
            %swap3A_180 = arith.index_cast %squeeze3A_115 : i32 to index
            %swap3A_181 = arith.constant 64 : index
            %swap3A_182 = tpu.vector_load %arg9[%swap3A_180, %swap3A_181] {strides = array<i32>} : memref<256x144xf32, #tpu.memory_space<vmem>>, vector<1x16xf32>,
            %swap3A_183 = vector.shape_cast %swap3A_182 : vector<1x16xf32> to vector<16xf32>
            %swap3A_184 = vector.shape_cast %add3A_179 : vector<16xf32> to vector<1x16xf32>
            tpu.vector_store %arg9[%swap3A_180, %swap3A_181], %swap3A_184 {strides = array<i32>} : memref<256x144xf32, #tpu.memory_space<vmem>>, vector<1x16xf32>,
            %get3A_185 = arith.index_cast %squeeze3A_115 : i32 to index
            %get3A_186 = arith.constant 80 : index
            %get3A_187 = tpu.vector_load %arg9[%get3A_185, %get3A_186] {strides = array<i32>} : memref<256x144xf32, #tpu.memory_space<vmem>>, vector<1x16xf32>,
            %get3A_188 = vector.shape_cast %get3A_187 : vector<1x16xf32> to vector<16xf32>
            %get3A_189 = arith.index_cast %scan3A_109 : i32 to index
            %get3A_190 = arith.constant 80 : index
            %get3A_191 = tpu.vector_load %arg7[%get3A_189, %get3A_190] {strides = array<i32>} : memref<128x128xf32, #tpu.memory_space<vmem>>, vector<1x16xf32>,
            %get3A_192 = vector.shape_cast %get3A_191 : vector<1x16xf32> to vector<16xf32>
            %add3A_193 = arith.addf %get3A_188, %get3A_192 : vector<16xf32>
            %swap3A_194 = arith.index_cast %squeeze3A_115 : i32 to index
            %swap3A_195 = arith.constant 80 : index
            %swap3A_196 = tpu.vector_load %arg9[%swap3A_194, %swap3A_195] {strides = array<i32>} : memref<256x144xf32, #tpu.memory_space<vmem>>, vector<1x16xf32>,
            %swap3A_197 = vector.shape_cast %swap3A_196 : vector<1x16xf32> to vector<16xf32>
            %swap3A_198 = vector.shape_cast %add3A_193 : vector<16xf32> to vector<1x16xf32>
            tpu.vector_store %arg9[%swap3A_194, %swap3A_195], %swap3A_198 {strides = array<i32>} : memref<256x144xf32, #tpu.memory_space<vmem>>, vector<1x16xf32>,
            %get3A_199 = arith.index_cast %squeeze3A_115 : i32 to index
            %get3A_200 = arith.constant 96 : index
            %get3A_201 = tpu.vector_load %arg9[%get3A_199, %get3A_200] {strides = array<i32>} : memref<256x144xf32, #tpu.memory_space<vmem>>, vector<1x16xf32>,
            %get3A_202 = vector.shape_cast %get3A_201 : vector<1x16xf32> to vector<16xf32>
            %get3A_203 = arith.index_cast %scan3A_109 : i32 to index
            %get3A_204 = arith.constant 96 : index
            %get3A_205 = tpu.vector_load %arg7[%get3A_203, %get3A_204] {strides = array<i32>} : memref<128x128xf32, #tpu.memory_space<vmem>>, vector<1x16xf32>,
            %get3A_206 = vector.shape_cast %get3A_205 : vector<1x16xf32> to vector<16xf32>
            %add3A_207 = arith.addf %get3A_202, %get3A_206 : vector<16xf32>
            %swap3A_208 = arith.index_cast %squeeze3A_115 : i32 to index
            %swap3A_209 = arith.constant 96 : index
            %swap3A_210 = tpu.vector_load %arg9[%swap3A_208, %swap3A_209] {strides = array<i32>} : memref<256x144xf32, #tpu.memory_space<vmem>>, vector<1x16xf32>,
            %swap3A_211 = vector.shape_cast %swap3A_210 : vector<1x16xf32> to vector<16xf32>
            %swap3A_212 = vector.shape_cast %add3A_207 : vector<16xf32> to vector<1x16xf32>
            tpu.vector_store %arg9[%swap3A_208, %swap3A_209], %swap3A_212 {strides = array<i32>} : memref<256x144xf32, #tpu.memory_space<vmem>>, vector<1x16xf32>,
            %get3A_213 = arith.index_cast %squeeze3A_115 : i32 to index
            %get3A_214 = arith.constant 112 : index
            %get3A_215 = tpu.vector_load %arg9[%get3A_213, %get3A_214] {strides = array<i32>} : memref<256x144xf32, #tpu.memory_space<vmem>>, vector<1x16xf32>,
            %get3A_216 = vector.shape_cast %get3A_215 : vector<1x16xf32> to vector<16xf32>
            %get3A_217 = arith.index_cast %scan3A_109 : i32 to index
            %get3A_218 = arith.constant 112 : index
            %get3A_219 = tpu.vector_load %arg7[%get3A_217, %get3A_218] {strides = array<i32>} : memref<128x128xf32, #tpu.memory_space<vmem>>, vector<1x16xf32>,
            %get3A_220 = vector.shape_cast %get3A_219 : vector<1x16xf32> to vector<16xf32>
            %add3A_221 = arith.addf %get3A_216, %get3A_220 : vector<16xf32>
            %swap3A_222 = arith.index_cast %squeeze3A_115 : i32 to index
            %swap3A_223 = arith.constant 112 : index
            %swap3A_224 = tpu.vector_load %arg9[%swap3A_222, %swap3A_223] {strides = array<i32>} : memref<256x144xf32, #tpu.memory_space<vmem>>, vector<1x16xf32>,
            %swap3A_225 = vector.shape_cast %swap3A_224 : vector<1x16xf32> to vector<16xf32>
            %swap3A_226 = vector.shape_cast %add3A_221 : vector<16xf32> to vector<1x16xf32>
            tpu.vector_store %arg9[%swap3A_222, %swap3A_223], %swap3A_226 {strides = array<i32>} : memref<256x144xf32, #tpu.memory_space<vmem>>, vector<1x16xf32>,
            %get3A_227 = arith.index_cast %squeeze3A_115 : i32 to index
            %get3A_228 = arith.constant 128 : index
            %get3A_229 = tpu.vector_load %arg9[%get3A_227, %get3A_228] {strides = array<i32>} : memref<256x144xf32, #tpu.memory_space<vmem>>, vector<1x16xf32>,
            %get3A_230 = vector.shape_cast %get3A_229 : vector<1x16xf32> to vector<16xf32>
            %add3A_231 = arith.addf %get3A_230, %broadcast_in_dim3A_5 : vector<16xf32>
            %swap3A_232 = arith.index_cast %squeeze3A_115 : i32 to index
            %swap3A_233 = arith.constant 128 : index
            %swap3A_234 = tpu.vector_load %arg9[%swap3A_232, %swap3A_233] {strides = array<i32>} : memref<256x144xf32, #tpu.memory_space<vmem>>, vector<1x16xf32>,
            %swap3A_235 = vector.shape_cast %swap3A_234 : vector<1x16xf32> to vector<16xf32>
            %swap3A_236 = vector.shape_cast %add3A_231 : vector<16xf32> to vector<1x16xf32>
            tpu.vector_store %arg9[%swap3A_232, %swap3A_233], %swap3A_236 {strides = array<i32>} : memref<256x144xf32, #tpu.memory_space<vmem>>, vector<1x16xf32>,
          }
          %scan3A_108 = arith.constant 128 : i32
        } else {
        }
      } else {
      }
    }
    %while3A_43 = arith.constant 1 : i32
    scf.for %while3A_44 = %while3A_41 to %while3A_37 step %while3A_43  : i32 {
      %jit3A_45 = arith.constant 3 : i32
      %eq3A_46 = arith.constant 0 : i32
      %eq3A_47 = arith.cmpi eq, %jit3A_45, %eq3A_46 : i32
      %jit3A_48 = arith.constant 1 : i32
      %select_n3A_49 = arith.select %eq3A_47, %jit3A_48, %jit3A_45 : i32
      %rem3A = arith.remsi %while3A_44, %select_n3A_49 : i32
      %ne3A = arith.constant 0 : i32
      %ne3A_50 = arith.cmpi ne, %rem3A, %ne3A : i32
      %lt3A = arith.constant 0 : i32
      %lt3A_51 = arith.cmpi slt, %rem3A, %lt3A : i32
      %lt3A_52 = arith.constant 0 : i32
      %lt3A_53 = arith.cmpi slt, %select_n3A_49, %lt3A_52 : i32
      %ne3A_54 = arith.xori %lt3A_51, %lt3A_53 : i1
      %and3A = arith.andi %ne3A_54, %ne3A_50 : i1
      %add3A_55 = arith.addi %rem3A, %select_n3A_49 : i32
      %select_n3A_56 = arith.select %and3A, %add3A_55, %rem3A : i32
      %eq3A_57 = arith.constant 0 : i32
      %eq3A_58 = arith.cmpi eq, %select_n3A_56, %eq3A_57 : i32
      %convert_element_type3A = arith.extui %eq3A_58 : i1 to i32
      %cond3A = arith.constant 0 : i32
      %cond3A_59 = arith.cmpi ne, %convert_element_type3A, %cond3A : i32
      scf.if %cond3A_59 {
        %mul3A_70 = arith.constant 128 : i32
        %mul3A_71 = arith.muli %while3A_44, %mul3A_70 : i32
        %add3A_72 = arith.addi %mul3A_2, %mul3A_71 : i32
        %dma_wait3A_73 = arith.constant 0 : i32
        %dma_wait3A_74 = tpu.memref_slice %arg2[%add3A_72, %dma_wait3A_73] : memref<100000x128xf32, #tpu.memory_space<hbm>> -> memref<128x128xf32, #tpu.memory_space<hbm>>
        %dma_wait3A_75 = arith.constant 0 : i32
        %dma_wait3A_76 = tpu.memref_slice %arg2[%add3A_72, %dma_wait3A_75] : memref<100000x128xf32, #tpu.memory_space<hbm>> -> memref<128x128xf32, #tpu.memory_space<hbm>>
        tpu.wait_dma2 semaphore(%arg10 : memref<!tpu.dma_semaphore, #tpu.memory_space<semaphore_mem>>) src(%dma_wait3A_76 : memref<128x128xf32, #tpu.memory_space<hbm>>) dst(%arg5 : memref<128x128xf32, #tpu.memory_space<vmem>>)
        %add3A_77 = arith.constant 2 : i32
        %add3A_78 = arith.addi %while3A_44, %add3A_77 : i32
        %lt3A_79 = arith.cmpi slt, %add3A_78, %select_n3A : i32
        %convert_element_type3A_80 = arith.extui %lt3A_79 : i1 to i32
        %cond3A_81 = arith.constant 0 : i32
        %cond3A_82 = arith.cmpi ne, %convert_element_type3A_80, %cond3A_81 : i32
        scf.if %cond3A_82 {
          %add3A_103 = arith.constant 2 : i32
          %add3A_104 = arith.addi %while3A_44, %add3A_103 : i32
          %mul3A_105 = arith.constant 128 : i32
          %mul3A_106 = arith.muli %add3A_104, %mul3A_105 : i32
          %add3A_107 = arith.addi %mul3A_2, %mul3A_106 : i32
          %dma_start3A_108 = arith.constant 0 : i32
          %dma_start3A_109 = tpu.memref_slice %arg2[%add3A_107, %dma_start3A_108] : memref<100000x128xf32, #tpu.memory_space<hbm>> -> memref<128x128xf32, #tpu.memory_space<hbm>>
          %dma_start3A_110 = arith.constant 0 : i32
          %dma_start3A_111 = tpu.memref_slice %arg2[%add3A_107, %dma_start3A_110] : memref<100000x128xf32, #tpu.memory_space<hbm>> -> memref<128x128xf32, #tpu.memory_space<hbm>>
          tpu.enqueue_dma source(%dma_start3A_111 : memref<128x128xf32, #tpu.memory_space<hbm>>) target(%arg7 : memref<128x128xf32, #tpu.memory_space<vmem>>) target_semaphore(%arg12 : memref<!tpu.dma_semaphore, #tpu.memory_space<semaphore_mem>>)
        } else {
        }
        %mul3A_83 = arith.constant 128 : i32
        %mul3A_84 = arith.muli %while3A_44, %mul3A_83 : i32
        %get3A = arith.index_cast %mul3A_84 : i32 to index
        %get3A_85 = tpu.vector_load %arg8[%get3A] {strides = array<i32>} : memref<1048xi32, #tpu.memory_space<vmem>>, vector<16xi32>,
        %get3A_86 = vector.shape_cast %get3A_85 : vector<16xi32> to vector<16xi32>
        %slice3A = vector.extract_strided_slice %get3A_86 {offsets = [0], sizes = [1], strides = [1]} : vector<16xi32> to vector<1xi32>
        %squeeze3A = vector.extract %slice3A[0] : i32 from vector<1xi32>
        %add3A_87 = arith.constant 128 : i32
        %add3A_88 = arith.addi %mul3A_84, %add3A_87 : i32
        %sub3A = arith.constant 1 : i32
        %sub3A_89 = arith.subi %add3A_88, %sub3A : i32
        %get3A_90 = arith.index_cast %sub3A_89 : i32 to index
        %get3A_91 = tpu.vector_load %arg8[%get3A_90] {strides = array<i32>} : memref<1048xi32, #tpu.memory_space<vmem>>, vector<16xi32>,
        %get3A_92 = vector.shape_cast %get3A_91 : vector<16xi32> to vector<16xi32>
        %slice3A_93 = vector.extract_strided_slice %get3A_92 {offsets = [0], sizes = [1], strides = [1]} : vector<16xi32> to vector<1xi32>
        %squeeze3A_94 = vector.extract %slice3A_93[0] : i32 from vector<1xi32>
        %eq3A_95 = arith.cmpi eq, %squeeze3A, %squeeze3A_94 : i32
        %convert_element_type3A_96 = arith.extui %eq3A_95 : i1 to i32
        %cond3A_97 = arith.constant 0 : i32
        %cond3A_98 = arith.cmpi ne, %convert_element_type3A_96, %cond3A_97 : i32
        scf.if %cond3A_98 {
          %scan3A_103 = arith.constant 0 : i32
          %scan3A_104 = arith.constant 32 : i32
          %scan3A_105 = arith.addi %scan3A_103, %scan3A_104 : i32
          %scan3A_106 = arith.constant 1 : i32
          %scan3A_107:8 = scf.for %scan3A_200 = %scan3A_103 to %scan3A_105 step %scan3A_106 iter_args(%scan3A_201 = %broadcast_in_dim3A_3, %scan3A_202 = %broadcast_in_dim3A_3, %scan3A_203 = %broadcast_in_dim3A_3, %scan3A_204 = %broadcast_in_dim3A_3, %scan3A_205 = %broadcast_in_dim3A_3, %scan3A_206 = %broadcast_in_dim3A_3, %scan3A_207 = %broadcast_in_dim3A_3, %scan3A_208 = %broadcast_in_dim3A_3) -> (vector<16xf32>, vector<16xf32>, vector<16xf32>, vector<16xf32>, vector<16xf32>, vector<16xf32>, vector<16xf32>, vector<16xf32>)  : i32 {
            %mul3A_209 = arith.constant 4 : i32
            %mul3A_210 = arith.muli %scan3A_200, %mul3A_209 : i32
            %add3A_211 = arith.constant 0 : i32
            %add3A_212 = arith.addi %mul3A_210, %add3A_211 : i32
            %get3A_213 = arith.index_cast %add3A_212 : i32 to index
            %get3A_214 = arith.constant 0 : index
            %get3A_215 = tpu.vector_load %arg5[%get3A_213, %get3A_214] {strides = array<i32>} : memref<128x128xf32, #tpu.memory_space<vmem>>, vector<1x16xf32>,
            %get3A_216 = vector.shape_cast %get3A_215 : vector<1x16xf32> to vector<16xf32>
            %add3A_217 = arith.addf %scan3A_201, %get3A_216 : vector<16xf32>
            %get3A_218 = arith.index_cast %add3A_212 : i32 to index
            %get3A_219 = arith.constant 16 : index
            %get3A_220 = tpu.vector_load %arg5[%get3A_218, %get3A_219] {strides = array<i32>} : memref<128x128xf32, #tpu.memory_space<vmem>>, vector<1x16xf32>,
            %get3A_221 = vector.shape_cast %get3A_220 : vector<1x16xf32> to vector<16xf32>
            %add3A_222 = arith.addf %scan3A_202, %get3A_221 : vector<16xf32>
            %get3A_223 = arith.index_cast %add3A_212 : i32 to index
            %get3A_224 = arith.constant 32 : index
            %get3A_225 = tpu.vector_load %arg5[%get3A_223, %get3A_224] {strides = array<i32>} : memref<128x128xf32, #tpu.memory_space<vmem>>, vector<1x16xf32>,
            %get3A_226 = vector.shape_cast %get3A_225 : vector<1x16xf32> to vector<16xf32>
            %add3A_227 = arith.addf %scan3A_203, %get3A_226 : vector<16xf32>
            %get3A_228 = arith.index_cast %add3A_212 : i32 to index
            %get3A_229 = arith.constant 48 : index
            %get3A_230 = tpu.vector_load %arg5[%get3A_228, %get3A_229] {strides = array<i32>} : memref<128x128xf32, #tpu.memory_space<vmem>>, vector<1x16xf32>,
            %get3A_231 = vector.shape_cast %get3A_230 : vector<1x16xf32> to vector<16xf32>
            %add3A_232 = arith.addf %scan3A_204, %get3A_231 : vector<16xf32>
            %get3A_233 = arith.index_cast %add3A_212 : i32 to index
            %get3A_234 = arith.constant 64 : index
            %get3A_235 = tpu.vector_load %arg5[%get3A_233, %get3A_234] {strides = array<i32>} : memref<128x128xf32, #tpu.memory_space<vmem>>, vector<1x16xf32>,
            %get3A_236 = vector.shape_cast %get3A_235 : vector<1x16xf32> to vector<16xf32>
            %add3A_237 = arith.addf %scan3A_205, %get3A_236 : vector<16xf32>
            %get3A_238 = arith.index_cast %add3A_212 : i32 to index
            %get3A_239 = arith.constant 80 : index
            %get3A_240 = tpu.vector_load %arg5[%get3A_238, %get3A_239] {strides = array<i32>} : memref<128x128xf32, #tpu.memory_space<vmem>>, vector<1x16xf32>,
            %get3A_241 = vector.shape_cast %get3A_240 : vector<1x16xf32> to vector<16xf32>
            %add3A_242 = arith.addf %scan3A_206, %get3A_241 : vector<16xf32>
            %get3A_243 = arith.index_cast %add3A_212 : i32 to index
            %get3A_244 = arith.constant 96 : index
            %get3A_245 = tpu.vector_load %arg5[%get3A_243, %get3A_244] {strides = array<i32>} : memref<128x128xf32, #tpu.memory_space<vmem>>, vector<1x16xf32>,
            %get3A_246 = vector.shape_cast %get3A_245 : vector<1x16xf32> to vector<16xf32>
            %add3A_247 = arith.addf %scan3A_207, %get3A_246 : vector<16xf32>
            %get3A_248 = arith.index_cast %add3A_212 : i32 to index
            %get3A_249 = arith.constant 112 : index
            %get3A_250 = tpu.vector_load %arg5[%get3A_248, %get3A_249] {strides = array<i32>} : memref<128x128xf32, #tpu.memory_space<vmem>>, vector<1x16xf32>,
            %get3A_251 = vector.shape_cast %get3A_250 : vector<1x16xf32> to vector<16xf32>
            %add3A_252 = arith.addf %scan3A_208, %get3A_251 : vector<16xf32>
            %mul3A_253 = arith.constant 4 : i32
            %mul3A_254 = arith.muli %scan3A_200, %mul3A_253 : i32
            %add3A_255 = arith.constant 1 : i32
            %add3A_256 = arith.addi %mul3A_254, %add3A_255 : i32
            %get3A_257 = arith.index_cast %add3A_256 : i32 to index
            %get3A_258 = arith.constant 0 : index
            %get3A_259 = tpu.vector_load %arg5[%get3A_257, %get3A_258] {strides = array<i32>} : memref<128x128xf32, #tpu.memory_space<vmem>>, vector<1x16xf32>,
            %get3A_260 = vector.shape_cast %get3A_259 : vector<1x16xf32> to vector<16xf32>
            %add3A_261 = arith.addf %add3A_217, %get3A_260 : vector<16xf32>
            %get3A_262 = arith.index_cast %add3A_256 : i32 to index
            %get3A_263 = arith.constant 16 : index
            %get3A_264 = tpu.vector_load %arg5[%get3A_262, %get3A_263] {strides = array<i32>} : memref<128x128xf32, #tpu.memory_space<vmem>>, vector<1x16xf32>,
            %get3A_265 = vector.shape_cast %get3A_264 : vector<1x16xf32> to vector<16xf32>
            %add3A_266 = arith.addf %add3A_222, %get3A_265 : vector<16xf32>
            %get3A_267 = arith.index_cast %add3A_256 : i32 to index
            %get3A_268 = arith.constant 32 : index
            %get3A_269 = tpu.vector_load %arg5[%get3A_267, %get3A_268] {strides = array<i32>} : memref<128x128xf32, #tpu.memory_space<vmem>>, vector<1x16xf32>,
            %get3A_270 = vector.shape_cast %get3A_269 : vector<1x16xf32> to vector<16xf32>
            %add3A_271 = arith.addf %add3A_227, %get3A_270 : vector<16xf32>
            %get3A_272 = arith.index_cast %add3A_256 : i32 to index
            %get3A_273 = arith.constant 48 : index
            %get3A_274 = tpu.vector_load %arg5[%get3A_272, %get3A_273] {strides = array<i32>} : memref<128x128xf32, #tpu.memory_space<vmem>>, vector<1x16xf32>,
            %get3A_275 = vector.shape_cast %get3A_274 : vector<1x16xf32> to vector<16xf32>
            %add3A_276 = arith.addf %add3A_232, %get3A_275 : vector<16xf32>
            %get3A_277 = arith.index_cast %add3A_256 : i32 to index
            %get3A_278 = arith.constant 64 : index
            %get3A_279 = tpu.vector_load %arg5[%get3A_277, %get3A_278] {strides = array<i32>} : memref<128x128xf32, #tpu.memory_space<vmem>>, vector<1x16xf32>,
            %get3A_280 = vector.shape_cast %get3A_279 : vector<1x16xf32> to vector<16xf32>
            %add3A_281 = arith.addf %add3A_237, %get3A_280 : vector<16xf32>
            %get3A_282 = arith.index_cast %add3A_256 : i32 to index
            %get3A_283 = arith.constant 80 : index
            %get3A_284 = tpu.vector_load %arg5[%get3A_282, %get3A_283] {strides = array<i32>} : memref<128x128xf32, #tpu.memory_space<vmem>>, vector<1x16xf32>,
            %get3A_285 = vector.shape_cast %get3A_284 : vector<1x16xf32> to vector<16xf32>
            %add3A_286 = arith.addf %add3A_242, %get3A_285 : vector<16xf32>
            %get3A_287 = arith.index_cast %add3A_256 : i32 to index
            %get3A_288 = arith.constant 96 : index
            %get3A_289 = tpu.vector_load %arg5[%get3A_287, %get3A_288] {strides = array<i32>} : memref<128x128xf32, #tpu.memory_space<vmem>>, vector<1x16xf32>,
            %get3A_290 = vector.shape_cast %get3A_289 : vector<1x16xf32> to vector<16xf32>
            %add3A_291 = arith.addf %add3A_247, %get3A_290 : vector<16xf32>
            %get3A_292 = arith.index_cast %add3A_256 : i32 to index
            %get3A_293 = arith.constant 112 : index
            %get3A_294 = tpu.vector_load %arg5[%get3A_292, %get3A_293] {strides = array<i32>} : memref<128x128xf32, #tpu.memory_space<vmem>>, vector<1x16xf32>,
            %get3A_295 = vector.shape_cast %get3A_294 : vector<1x16xf32> to vector<16xf32>
            %add3A_296 = arith.addf %add3A_252, %get3A_295 : vector<16xf32>
            %mul3A_297 = arith.constant 4 : i32
            %mul3A_298 = arith.muli %scan3A_200, %mul3A_297 : i32
            %add3A_299 = arith.constant 2 : i32
            %add3A_300 = arith.addi %mul3A_298, %add3A_299 : i32
            %get3A_301 = arith.index_cast %add3A_300 : i32 to index
            %get3A_302 = arith.constant 0 : index
            %get3A_303 = tpu.vector_load %arg5[%get3A_301, %get3A_302] {strides = array<i32>} : memref<128x128xf32, #tpu.memory_space<vmem>>, vector<1x16xf32>,
            %get3A_304 = vector.shape_cast %get3A_303 : vector<1x16xf32> to vector<16xf32>
            %add3A_305 = arith.addf %add3A_261, %get3A_304 : vector<16xf32>
            %get3A_306 = arith.index_cast %add3A_300 : i32 to index
            %get3A_307 = arith.constant 16 : index
            %get3A_308 = tpu.vector_load %arg5[%get3A_306, %get3A_307] {strides = array<i32>} : memref<128x128xf32, #tpu.memory_space<vmem>>, vector<1x16xf32>,
            %get3A_309 = vector.shape_cast %get3A_308 : vector<1x16xf32> to vector<16xf32>
            %add3A_310 = arith.addf %add3A_266, %get3A_309 : vector<16xf32>
            %get3A_311 = arith.index_cast %add3A_300 : i32 to index
            %get3A_312 = arith.constant 32 : index
            %get3A_313 = tpu.vector_load %arg5[%get3A_311, %get3A_312] {strides = array<i32>} : memref<128x128xf32, #tpu.memory_space<vmem>>, vector<1x16xf32>,
            %get3A_314 = vector.shape_cast %get3A_313 : vector<1x16xf32> to vector<16xf32>
            %add3A_315 = arith.addf %add3A_271, %get3A_314 : vector<16xf32>
            %get3A_316 = arith.index_cast %add3A_300 : i32 to index
            %get3A_317 = arith.constant 48 : index
            %get3A_318 = tpu.vector_load %arg5[%get3A_316, %get3A_317] {strides = array<i32>} : memref<128x128xf32, #tpu.memory_space<vmem>>, vector<1x16xf32>,
            %get3A_319 = vector.shape_cast %get3A_318 : vector<1x16xf32> to vector<16xf32>
            %add3A_320 = arith.addf %add3A_276, %get3A_319 : vector<16xf32>
            %get3A_321 = arith.index_cast %add3A_300 : i32 to index
            %get3A_322 = arith.constant 64 : index
            %get3A_323 = tpu.vector_load %arg5[%get3A_321, %get3A_322] {strides = array<i32>} : memref<128x128xf32, #tpu.memory_space<vmem>>, vector<1x16xf32>,
            %get3A_324 = vector.shape_cast %get3A_323 : vector<1x16xf32> to vector<16xf32>
            %add3A_325 = arith.addf %add3A_281, %get3A_324 : vector<16xf32>
            %get3A_326 = arith.index_cast %add3A_300 : i32 to index
            %get3A_327 = arith.constant 80 : index
            %get3A_328 = tpu.vector_load %arg5[%get3A_326, %get3A_327] {strides = array<i32>} : memref<128x128xf32, #tpu.memory_space<vmem>>, vector<1x16xf32>,
            %get3A_329 = vector.shape_cast %get3A_328 : vector<1x16xf32> to vector<16xf32>
            %add3A_330 = arith.addf %add3A_286, %get3A_329 : vector<16xf32>
            %get3A_331 = arith.index_cast %add3A_300 : i32 to index
            %get3A_332 = arith.constant 96 : index
            %get3A_333 = tpu.vector_load %arg5[%get3A_331, %get3A_332] {strides = array<i32>} : memref<128x128xf32, #tpu.memory_space<vmem>>, vector<1x16xf32>,
            %get3A_334 = vector.shape_cast %get3A_333 : vector<1x16xf32> to vector<16xf32>
            %add3A_335 = arith.addf %add3A_291, %get3A_334 : vector<16xf32>
            %get3A_336 = arith.index_cast %add3A_300 : i32 to index
            %get3A_337 = arith.constant 112 : index
            %get3A_338 = tpu.vector_load %arg5[%get3A_336, %get3A_337] {strides = array<i32>} : memref<128x128xf32, #tpu.memory_space<vmem>>, vector<1x16xf32>,
            %get3A_339 = vector.shape_cast %get3A_338 : vector<1x16xf32> to vector<16xf32>
            %add3A_340 = arith.addf %add3A_296, %get3A_339 : vector<16xf32>
            %mul3A_341 = arith.constant 4 : i32
            %mul3A_342 = arith.muli %scan3A_200, %mul3A_341 : i32
            %add3A_343 = arith.constant 3 : i32
            %add3A_344 = arith.addi %mul3A_342, %add3A_343 : i32
            %get3A_345 = arith.index_cast %add3A_344 : i32 to index
            %get3A_346 = arith.constant 0 : index
            %get3A_347 = tpu.vector_load %arg5[%get3A_345, %get3A_346] {strides = array<i32>} : memref<128x128xf32, #tpu.memory_space<vmem>>, vector<1x16xf32>,
            %get3A_348 = vector.shape_cast %get3A_347 : vector<1x16xf32> to vector<16xf32>
            %add3A_349 = arith.addf %add3A_305, %get3A_348 : vector<16xf32>
            %get3A_350 = arith.index_cast %add3A_344 : i32 to index
            %get3A_351 = arith.constant 16 : index
            %get3A_352 = tpu.vector_load %arg5[%get3A_350, %get3A_351] {strides = array<i32>} : memref<128x128xf32, #tpu.memory_space<vmem>>, vector<1x16xf32>,
            %get3A_353 = vector.shape_cast %get3A_352 : vector<1x16xf32> to vector<16xf32>
            %add3A_354 = arith.addf %add3A_310, %get3A_353 : vector<16xf32>
            %get3A_355 = arith.index_cast %add3A_344 : i32 to index
            %get3A_356 = arith.constant 32 : index
            %get3A_357 = tpu.vector_load %arg5[%get3A_355, %get3A_356] {strides = array<i32>} : memref<128x128xf32, #tpu.memory_space<vmem>>, vector<1x16xf32>,
            %get3A_358 = vector.shape_cast %get3A_357 : vector<1x16xf32> to vector<16xf32>
            %add3A_359 = arith.addf %add3A_315, %get3A_358 : vector<16xf32>
            %get3A_360 = arith.index_cast %add3A_344 : i32 to index
            %get3A_361 = arith.constant 48 : index
            %get3A_362 = tpu.vector_load %arg5[%get3A_360, %get3A_361] {strides = array<i32>} : memref<128x128xf32, #tpu.memory_space<vmem>>, vector<1x16xf32>,
            %get3A_363 = vector.shape_cast %get3A_362 : vector<1x16xf32> to vector<16xf32>
            %add3A_364 = arith.addf %add3A_320, %get3A_363 : vector<16xf32>
            %get3A_365 = arith.index_cast %add3A_344 : i32 to index
            %get3A_366 = arith.constant 64 : index
            %get3A_367 = tpu.vector_load %arg5[%get3A_365, %get3A_366] {strides = array<i32>} : memref<128x128xf32, #tpu.memory_space<vmem>>, vector<1x16xf32>,
            %get3A_368 = vector.shape_cast %get3A_367 : vector<1x16xf32> to vector<16xf32>
            %add3A_369 = arith.addf %add3A_325, %get3A_368 : vector<16xf32>
            %get3A_370 = arith.index_cast %add3A_344 : i32 to index
            %get3A_371 = arith.constant 80 : index
            %get3A_372 = tpu.vector_load %arg5[%get3A_370, %get3A_371] {strides = array<i32>} : memref<128x128xf32, #tpu.memory_space<vmem>>, vector<1x16xf32>,
            %get3A_373 = vector.shape_cast %get3A_372 : vector<1x16xf32> to vector<16xf32>
            %add3A_374 = arith.addf %add3A_330, %get3A_373 : vector<16xf32>
            %get3A_375 = arith.index_cast %add3A_344 : i32 to index
            %get3A_376 = arith.constant 96 : index
            %get3A_377 = tpu.vector_load %arg5[%get3A_375, %get3A_376] {strides = array<i32>} : memref<128x128xf32, #tpu.memory_space<vmem>>, vector<1x16xf32>,
            %get3A_378 = vector.shape_cast %get3A_377 : vector<1x16xf32> to vector<16xf32>
            %add3A_379 = arith.addf %add3A_335, %get3A_378 : vector<16xf32>
            %get3A_380 = arith.index_cast %add3A_344 : i32 to index
            %get3A_381 = arith.constant 112 : index
            %get3A_382 = tpu.vector_load %arg5[%get3A_380, %get3A_381] {strides = array<i32>} : memref<128x128xf32, #tpu.memory_space<vmem>>, vector<1x16xf32>,
            %get3A_383 = vector.shape_cast %get3A_382 : vector<1x16xf32> to vector<16xf32>
            %add3A_384 = arith.addf %add3A_340, %get3A_383 : vector<16xf32>
            scf.yield %add3A_349, %add3A_354, %add3A_359, %add3A_364, %add3A_369, %add3A_374, %add3A_379, %add3A_384 : vector<16xf32>, vector<16xf32>, vector<16xf32>, vector<16xf32>, vector<16xf32>, vector<16xf32>, vector<16xf32>, vector<16xf32>
          }
          %scan3A_108 = arith.constant 32 : i32
          %get3A_109 = arith.index_cast %squeeze3A : i32 to index
          %get3A_110 = arith.constant 0 : index
          %get3A_111 = tpu.vector_load %arg9[%get3A_109, %get3A_110] {strides = array<i32>} : memref<256x144xf32, #tpu.memory_space<vmem>>, vector<1x16xf32>,
          %get3A_112 = vector.shape_cast %get3A_111 : vector<1x16xf32> to vector<16xf32>
          %add3A_113 = arith.addf %get3A_112, %scan3A_107#0 : vector<16xf32>
          %swap3A = arith.index_cast %squeeze3A : i32 to index
          %swap3A_114 = arith.constant 0 : index
          %swap3A_115 = tpu.vector_load %arg9[%swap3A, %swap3A_114] {strides = array<i32>} : memref<256x144xf32, #tpu.memory_space<vmem>>, vector<1x16xf32>,
          %swap3A_116 = vector.shape_cast %swap3A_115 : vector<1x16xf32> to vector<16xf32>
          %swap3A_117 = vector.shape_cast %add3A_113 : vector<16xf32> to vector<1x16xf32>
          tpu.vector_store %arg9[%swap3A, %swap3A_114], %swap3A_117 {strides = array<i32>} : memref<256x144xf32, #tpu.memory_space<vmem>>, vector<1x16xf32>,
          %get3A_118 = arith.index_cast %squeeze3A : i32 to index
          %get3A_119 = arith.constant 16 : index
          %get3A_120 = tpu.vector_load %arg9[%get3A_118, %get3A_119] {strides = array<i32>} : memref<256x144xf32, #tpu.memory_space<vmem>>, vector<1x16xf32>,
          %get3A_121 = vector.shape_cast %get3A_120 : vector<1x16xf32> to vector<16xf32>
          %add3A_122 = arith.addf %get3A_121, %scan3A_107#1 : vector<16xf32>
          %swap3A_123 = arith.index_cast %squeeze3A : i32 to index
          %swap3A_124 = arith.constant 16 : index
          %swap3A_125 = tpu.vector_load %arg9[%swap3A_123, %swap3A_124] {strides = array<i32>} : memref<256x144xf32, #tpu.memory_space<vmem>>, vector<1x16xf32>,
          %swap3A_126 = vector.shape_cast %swap3A_125 : vector<1x16xf32> to vector<16xf32>
          %swap3A_127 = vector.shape_cast %add3A_122 : vector<16xf32> to vector<1x16xf32>
          tpu.vector_store %arg9[%swap3A_123, %swap3A_124], %swap3A_127 {strides = array<i32>} : memref<256x144xf32, #tpu.memory_space<vmem>>, vector<1x16xf32>,
          %get3A_128 = arith.index_cast %squeeze3A : i32 to index
          %get3A_129 = arith.constant 32 : index
          %get3A_130 = tpu.vector_load %arg9[%get3A_128, %get3A_129] {strides = array<i32>} : memref<256x144xf32, #tpu.memory_space<vmem>>, vector<1x16xf32>,
          %get3A_131 = vector.shape_cast %get3A_130 : vector<1x16xf32> to vector<16xf32>
          %add3A_132 = arith.addf %get3A_131, %scan3A_107#2 : vector<16xf32>
          %swap3A_133 = arith.index_cast %squeeze3A : i32 to index
          %swap3A_134 = arith.constant 32 : index
          %swap3A_135 = tpu.vector_load %arg9[%swap3A_133, %swap3A_134] {strides = array<i32>} : memref<256x144xf32, #tpu.memory_space<vmem>>, vector<1x16xf32>,
          %swap3A_136 = vector.shape_cast %swap3A_135 : vector<1x16xf32> to vector<16xf32>
          %swap3A_137 = vector.shape_cast %add3A_132 : vector<16xf32> to vector<1x16xf32>
          tpu.vector_store %arg9[%swap3A_133, %swap3A_134], %swap3A_137 {strides = array<i32>} : memref<256x144xf32, #tpu.memory_space<vmem>>, vector<1x16xf32>,
          %get3A_138 = arith.index_cast %squeeze3A : i32 to index
          %get3A_139 = arith.constant 48 : index
          %get3A_140 = tpu.vector_load %arg9[%get3A_138, %get3A_139] {strides = array<i32>} : memref<256x144xf32, #tpu.memory_space<vmem>>, vector<1x16xf32>,
          %get3A_141 = vector.shape_cast %get3A_140 : vector<1x16xf32> to vector<16xf32>
          %add3A_142 = arith.addf %get3A_141, %scan3A_107#3 : vector<16xf32>
          %swap3A_143 = arith.index_cast %squeeze3A : i32 to index
          %swap3A_144 = arith.constant 48 : index
          %swap3A_145 = tpu.vector_load %arg9[%swap3A_143, %swap3A_144] {strides = array<i32>} : memref<256x144xf32, #tpu.memory_space<vmem>>, vector<1x16xf32>,
          %swap3A_146 = vector.shape_cast %swap3A_145 : vector<1x16xf32> to vector<16xf32>
          %swap3A_147 = vector.shape_cast %add3A_142 : vector<16xf32> to vector<1x16xf32>
          tpu.vector_store %arg9[%swap3A_143, %swap3A_144], %swap3A_147 {strides = array<i32>} : memref<256x144xf32, #tpu.memory_space<vmem>>, vector<1x16xf32>,
          %get3A_148 = arith.index_cast %squeeze3A : i32 to index
          %get3A_149 = arith.constant 64 : index
          %get3A_150 = tpu.vector_load %arg9[%get3A_148, %get3A_149] {strides = array<i32>} : memref<256x144xf32, #tpu.memory_space<vmem>>, vector<1x16xf32>,
          %get3A_151 = vector.shape_cast %get3A_150 : vector<1x16xf32> to vector<16xf32>
          %add3A_152 = arith.addf %get3A_151, %scan3A_107#4 : vector<16xf32>
          %swap3A_153 = arith.index_cast %squeeze3A : i32 to index
          %swap3A_154 = arith.constant 64 : index
          %swap3A_155 = tpu.vector_load %arg9[%swap3A_153, %swap3A_154] {strides = array<i32>} : memref<256x144xf32, #tpu.memory_space<vmem>>, vector<1x16xf32>,
          %swap3A_156 = vector.shape_cast %swap3A_155 : vector<1x16xf32> to vector<16xf32>
          %swap3A_157 = vector.shape_cast %add3A_152 : vector<16xf32> to vector<1x16xf32>
          tpu.vector_store %arg9[%swap3A_153, %swap3A_154], %swap3A_157 {strides = array<i32>} : memref<256x144xf32, #tpu.memory_space<vmem>>, vector<1x16xf32>,
          %get3A_158 = arith.index_cast %squeeze3A : i32 to index
          %get3A_159 = arith.constant 80 : index
          %get3A_160 = tpu.vector_load %arg9[%get3A_158, %get3A_159] {strides = array<i32>} : memref<256x144xf32, #tpu.memory_space<vmem>>, vector<1x16xf32>,
          %get3A_161 = vector.shape_cast %get3A_160 : vector<1x16xf32> to vector<16xf32>
          %add3A_162 = arith.addf %get3A_161, %scan3A_107#5 : vector<16xf32>
          %swap3A_163 = arith.index_cast %squeeze3A : i32 to index
          %swap3A_164 = arith.constant 80 : index
          %swap3A_165 = tpu.vector_load %arg9[%swap3A_163, %swap3A_164] {strides = array<i32>} : memref<256x144xf32, #tpu.memory_space<vmem>>, vector<1x16xf32>,
          %swap3A_166 = vector.shape_cast %swap3A_165 : vector<1x16xf32> to vector<16xf32>
          %swap3A_167 = vector.shape_cast %add3A_162 : vector<16xf32> to vector<1x16xf32>
          tpu.vector_store %arg9[%swap3A_163, %swap3A_164], %swap3A_167 {strides = array<i32>} : memref<256x144xf32, #tpu.memory_space<vmem>>, vector<1x16xf32>,
          %get3A_168 = arith.index_cast %squeeze3A : i32 to index
          %get3A_169 = arith.constant 96 : index
          %get3A_170 = tpu.vector_load %arg9[%get3A_168, %get3A_169] {strides = array<i32>} : memref<256x144xf32, #tpu.memory_space<vmem>>, vector<1x16xf32>,
          %get3A_171 = vector.shape_cast %get3A_170 : vector<1x16xf32> to vector<16xf32>
          %add3A_172 = arith.addf %get3A_171, %scan3A_107#6 : vector<16xf32>
          %swap3A_173 = arith.index_cast %squeeze3A : i32 to index
          %swap3A_174 = arith.constant 96 : index
          %swap3A_175 = tpu.vector_load %arg9[%swap3A_173, %swap3A_174] {strides = array<i32>} : memref<256x144xf32, #tpu.memory_space<vmem>>, vector<1x16xf32>,
          %swap3A_176 = vector.shape_cast %swap3A_175 : vector<1x16xf32> to vector<16xf32>
          %swap3A_177 = vector.shape_cast %add3A_172 : vector<16xf32> to vector<1x16xf32>
          tpu.vector_store %arg9[%swap3A_173, %swap3A_174], %swap3A_177 {strides = array<i32>} : memref<256x144xf32, #tpu.memory_space<vmem>>, vector<1x16xf32>,
          %get3A_178 = arith.index_cast %squeeze3A : i32 to index
          %get3A_179 = arith.constant 112 : index
          %get3A_180 = tpu.vector_load %arg9[%get3A_178, %get3A_179] {strides = array<i32>} : memref<256x144xf32, #tpu.memory_space<vmem>>, vector<1x16xf32>,
          %get3A_181 = vector.shape_cast %get3A_180 : vector<1x16xf32> to vector<16xf32>
          %add3A_182 = arith.addf %get3A_181, %scan3A_107#7 : vector<16xf32>
          %swap3A_183 = arith.index_cast %squeeze3A : i32 to index
          %swap3A_184 = arith.constant 112 : index
          %swap3A_185 = tpu.vector_load %arg9[%swap3A_183, %swap3A_184] {strides = array<i32>} : memref<256x144xf32, #tpu.memory_space<vmem>>, vector<1x16xf32>,
          %swap3A_186 = vector.shape_cast %swap3A_185 : vector<1x16xf32> to vector<16xf32>
          %swap3A_187 = vector.shape_cast %add3A_182 : vector<16xf32> to vector<1x16xf32>
          tpu.vector_store %arg9[%swap3A_183, %swap3A_184], %swap3A_187 {strides = array<i32>} : memref<256x144xf32, #tpu.memory_space<vmem>>, vector<1x16xf32>,
          %get3A_188 = arith.index_cast %squeeze3A : i32 to index
          %get3A_189 = arith.constant 128 : index
          %get3A_190 = tpu.vector_load %arg9[%get3A_188, %get3A_189] {strides = array<i32>} : memref<256x144xf32, #tpu.memory_space<vmem>>, vector<1x16xf32>,
          %get3A_191 = vector.shape_cast %get3A_190 : vector<1x16xf32> to vector<16xf32>
          %broadcast_in_dim3A_192 = arith.constant 1.280000e+02 : f32
          %broadcast_in_dim3A_193 = vector.broadcast %broadcast_in_dim3A_192 : f32 to vector<16xf32>
          %add3A_194 = arith.addf %get3A_191, %broadcast_in_dim3A_193 : vector<16xf32>
          %swap3A_195 = arith.index_cast %squeeze3A : i32 to index
          %swap3A_196 = arith.constant 128 : index
          %swap3A_197 = tpu.vector_load %arg9[%swap3A_195, %swap3A_196] {strides = array<i32>} : memref<256x144xf32, #tpu.memory_space<vmem>>, vector<1x16xf32>,
          %swap3A_198 = vector.shape_cast %swap3A_197 : vector<1x16xf32> to vector<16xf32>
          %swap3A_199 = vector.shape_cast %add3A_194 : vector<16xf32> to vector<1x16xf32>
          tpu.vector_store %arg9[%swap3A_195, %swap3A_196], %swap3A_199 {strides = array<i32>} : memref<256x144xf32, #tpu.memory_space<vmem>>, vector<1x16xf32>,
        } else {
        }
        %ne3A_99 = arith.cmpi ne, %squeeze3A, %squeeze3A_94 : i32
        %convert_element_type3A_100 = arith.extui %ne3A_99 : i1 to i32
        %cond3A_101 = arith.constant 0 : i32
        %cond3A_102 = arith.cmpi ne, %convert_element_type3A_100, %cond3A_101 : i32
        scf.if %cond3A_102 {
          %scan3A_103 = arith.constant 0 : i32
          %scan3A_104 = arith.constant 0 : i32
          %scan3A_105 = arith.constant 128 : i32
          %scan3A_106 = arith.addi %scan3A_104, %scan3A_105 : i32
          %scan3A_107 = arith.constant 1 : i32
          scf.for %scan3A_109 = %scan3A_104 to %scan3A_106 step %scan3A_107  : i32 {
            %add3A_110 = arith.addi %mul3A_84, %scan3A_109 : i32
            %get3A_111 = arith.index_cast %add3A_110 : i32 to index
            %get3A_112 = tpu.vector_load %arg8[%get3A_111] {strides = array<i32>} : memref<1048xi32, #tpu.memory_space<vmem>>, vector<16xi32>,
            %get3A_113 = vector.shape_cast %get3A_112 : vector<16xi32> to vector<16xi32>
            %slice3A_114 = vector.extract_strided_slice %get3A_113 {offsets = [0], sizes = [1], strides = [1]} : vector<16xi32> to vector<1xi32>
            %squeeze3A_115 = vector.extract %slice3A_114[0] : i32 from vector<1xi32>
            %get3A_116 = arith.index_cast %squeeze3A_115 : i32 to index
            %get3A_117 = arith.constant 0 : index
            %get3A_118 = tpu.vector_load %arg9[%get3A_116, %get3A_117] {strides = array<i32>} : memref<256x144xf32, #tpu.memory_space<vmem>>, vector<1x16xf32>,
            %get3A_119 = vector.shape_cast %get3A_118 : vector<1x16xf32> to vector<16xf32>
            %get3A_120 = arith.index_cast %scan3A_109 : i32 to index
            %get3A_121 = arith.constant 0 : index
            %get3A_122 = tpu.vector_load %arg5[%get3A_120, %get3A_121] {strides = array<i32>} : memref<128x128xf32, #tpu.memory_space<vmem>>, vector<1x16xf32>,
            %get3A_123 = vector.shape_cast %get3A_122 : vector<1x16xf32> to vector<16xf32>
            %add3A_124 = arith.addf %get3A_119, %get3A_123 : vector<16xf32>
            %swap3A = arith.index_cast %squeeze3A_115 : i32 to index
            %swap3A_125 = arith.constant 0 : index
            %swap3A_126 = tpu.vector_load %arg9[%swap3A, %swap3A_125] {strides = array<i32>} : memref<256x144xf32, #tpu.memory_space<vmem>>, vector<1x16xf32>,
            %swap3A_127 = vector.shape_cast %swap3A_126 : vector<1x16xf32> to vector<16xf32>
            %swap3A_128 = vector.shape_cast %add3A_124 : vector<16xf32> to vector<1x16xf32>
            tpu.vector_store %arg9[%swap3A, %swap3A_125], %swap3A_128 {strides = array<i32>} : memref<256x144xf32, #tpu.memory_space<vmem>>, vector<1x16xf32>,
            %get3A_129 = arith.index_cast %squeeze3A_115 : i32 to index
            %get3A_130 = arith.constant 16 : index
            %get3A_131 = tpu.vector_load %arg9[%get3A_129, %get3A_130] {strides = array<i32>} : memref<256x144xf32, #tpu.memory_space<vmem>>, vector<1x16xf32>,
            %get3A_132 = vector.shape_cast %get3A_131 : vector<1x16xf32> to vector<16xf32>
            %get3A_133 = arith.index_cast %scan3A_109 : i32 to index
            %get3A_134 = arith.constant 16 : index
            %get3A_135 = tpu.vector_load %arg5[%get3A_133, %get3A_134] {strides = array<i32>} : memref<128x128xf32, #tpu.memory_space<vmem>>, vector<1x16xf32>,
            %get3A_136 = vector.shape_cast %get3A_135 : vector<1x16xf32> to vector<16xf32>
            %add3A_137 = arith.addf %get3A_132, %get3A_136 : vector<16xf32>
            %swap3A_138 = arith.index_cast %squeeze3A_115 : i32 to index
            %swap3A_139 = arith.constant 16 : index
            %swap3A_140 = tpu.vector_load %arg9[%swap3A_138, %swap3A_139] {strides = array<i32>} : memref<256x144xf32, #tpu.memory_space<vmem>>, vector<1x16xf32>,
            %swap3A_141 = vector.shape_cast %swap3A_140 : vector<1x16xf32> to vector<16xf32>
            %swap3A_142 = vector.shape_cast %add3A_137 : vector<16xf32> to vector<1x16xf32>
            tpu.vector_store %arg9[%swap3A_138, %swap3A_139], %swap3A_142 {strides = array<i32>} : memref<256x144xf32, #tpu.memory_space<vmem>>, vector<1x16xf32>,
            %get3A_143 = arith.index_cast %squeeze3A_115 : i32 to index
            %get3A_144 = arith.constant 32 : index
            %get3A_145 = tpu.vector_load %arg9[%get3A_143, %get3A_144] {strides = array<i32>} : memref<256x144xf32, #tpu.memory_space<vmem>>, vector<1x16xf32>,
            %get3A_146 = vector.shape_cast %get3A_145 : vector<1x16xf32> to vector<16xf32>
            %get3A_147 = arith.index_cast %scan3A_109 : i32 to index
            %get3A_148 = arith.constant 32 : index
            %get3A_149 = tpu.vector_load %arg5[%get3A_147, %get3A_148] {strides = array<i32>} : memref<128x128xf32, #tpu.memory_space<vmem>>, vector<1x16xf32>,
            %get3A_150 = vector.shape_cast %get3A_149 : vector<1x16xf32> to vector<16xf32>
            %add3A_151 = arith.addf %get3A_146, %get3A_150 : vector<16xf32>
            %swap3A_152 = arith.index_cast %squeeze3A_115 : i32 to index
            %swap3A_153 = arith.constant 32 : index
            %swap3A_154 = tpu.vector_load %arg9[%swap3A_152, %swap3A_153] {strides = array<i32>} : memref<256x144xf32, #tpu.memory_space<vmem>>, vector<1x16xf32>,
            %swap3A_155 = vector.shape_cast %swap3A_154 : vector<1x16xf32> to vector<16xf32>
            %swap3A_156 = vector.shape_cast %add3A_151 : vector<16xf32> to vector<1x16xf32>
            tpu.vector_store %arg9[%swap3A_152, %swap3A_153], %swap3A_156 {strides = array<i32>} : memref<256x144xf32, #tpu.memory_space<vmem>>, vector<1x16xf32>,
            %get3A_157 = arith.index_cast %squeeze3A_115 : i32 to index
            %get3A_158 = arith.constant 48 : index
            %get3A_159 = tpu.vector_load %arg9[%get3A_157, %get3A_158] {strides = array<i32>} : memref<256x144xf32, #tpu.memory_space<vmem>>, vector<1x16xf32>,
            %get3A_160 = vector.shape_cast %get3A_159 : vector<1x16xf32> to vector<16xf32>
            %get3A_161 = arith.index_cast %scan3A_109 : i32 to index
            %get3A_162 = arith.constant 48 : index
            %get3A_163 = tpu.vector_load %arg5[%get3A_161, %get3A_162] {strides = array<i32>} : memref<128x128xf32, #tpu.memory_space<vmem>>, vector<1x16xf32>,
            %get3A_164 = vector.shape_cast %get3A_163 : vector<1x16xf32> to vector<16xf32>
            %add3A_165 = arith.addf %get3A_160, %get3A_164 : vector<16xf32>
            %swap3A_166 = arith.index_cast %squeeze3A_115 : i32 to index
            %swap3A_167 = arith.constant 48 : index
            %swap3A_168 = tpu.vector_load %arg9[%swap3A_166, %swap3A_167] {strides = array<i32>} : memref<256x144xf32, #tpu.memory_space<vmem>>, vector<1x16xf32>,
            %swap3A_169 = vector.shape_cast %swap3A_168 : vector<1x16xf32> to vector<16xf32>
            %swap3A_170 = vector.shape_cast %add3A_165 : vector<16xf32> to vector<1x16xf32>
            tpu.vector_store %arg9[%swap3A_166, %swap3A_167], %swap3A_170 {strides = array<i32>} : memref<256x144xf32, #tpu.memory_space<vmem>>, vector<1x16xf32>,
            %get3A_171 = arith.index_cast %squeeze3A_115 : i32 to index
            %get3A_172 = arith.constant 64 : index
            %get3A_173 = tpu.vector_load %arg9[%get3A_171, %get3A_172] {strides = array<i32>} : memref<256x144xf32, #tpu.memory_space<vmem>>, vector<1x16xf32>,
            %get3A_174 = vector.shape_cast %get3A_173 : vector<1x16xf32> to vector<16xf32>
            %get3A_175 = arith.index_cast %scan3A_109 : i32 to index
            %get3A_176 = arith.constant 64 : index
            %get3A_177 = tpu.vector_load %arg5[%get3A_175, %get3A_176] {strides = array<i32>} : memref<128x128xf32, #tpu.memory_space<vmem>>, vector<1x16xf32>,
            %get3A_178 = vector.shape_cast %get3A_177 : vector<1x16xf32> to vector<16xf32>
            %add3A_179 = arith.addf %get3A_174, %get3A_178 : vector<16xf32>
            %swap3A_180 = arith.index_cast %squeeze3A_115 : i32 to index
            %swap3A_181 = arith.constant 64 : index
            %swap3A_182 = tpu.vector_load %arg9[%swap3A_180, %swap3A_181] {strides = array<i32>} : memref<256x144xf32, #tpu.memory_space<vmem>>, vector<1x16xf32>,
            %swap3A_183 = vector.shape_cast %swap3A_182 : vector<1x16xf32> to vector<16xf32>
            %swap3A_184 = vector.shape_cast %add3A_179 : vector<16xf32> to vector<1x16xf32>
            tpu.vector_store %arg9[%swap3A_180, %swap3A_181], %swap3A_184 {strides = array<i32>} : memref<256x144xf32, #tpu.memory_space<vmem>>, vector<1x16xf32>,
            %get3A_185 = arith.index_cast %squeeze3A_115 : i32 to index
            %get3A_186 = arith.constant 80 : index
            %get3A_187 = tpu.vector_load %arg9[%get3A_185, %get3A_186] {strides = array<i32>} : memref<256x144xf32, #tpu.memory_space<vmem>>, vector<1x16xf32>,
            %get3A_188 = vector.shape_cast %get3A_187 : vector<1x16xf32> to vector<16xf32>
            %get3A_189 = arith.index_cast %scan3A_109 : i32 to index
            %get3A_190 = arith.constant 80 : index
            %get3A_191 = tpu.vector_load %arg5[%get3A_189, %get3A_190] {strides = array<i32>} : memref<128x128xf32, #tpu.memory_space<vmem>>, vector<1x16xf32>,
            %get3A_192 = vector.shape_cast %get3A_191 : vector<1x16xf32> to vector<16xf32>
            %add3A_193 = arith.addf %get3A_188, %get3A_192 : vector<16xf32>
            %swap3A_194 = arith.index_cast %squeeze3A_115 : i32 to index
            %swap3A_195 = arith.constant 80 : index
            %swap3A_196 = tpu.vector_load %arg9[%swap3A_194, %swap3A_195] {strides = array<i32>} : memref<256x144xf32, #tpu.memory_space<vmem>>, vector<1x16xf32>,
            %swap3A_197 = vector.shape_cast %swap3A_196 : vector<1x16xf32> to vector<16xf32>
            %swap3A_198 = vector.shape_cast %add3A_193 : vector<16xf32> to vector<1x16xf32>
            tpu.vector_store %arg9[%swap3A_194, %swap3A_195], %swap3A_198 {strides = array<i32>} : memref<256x144xf32, #tpu.memory_space<vmem>>, vector<1x16xf32>,
            %get3A_199 = arith.index_cast %squeeze3A_115 : i32 to index
            %get3A_200 = arith.constant 96 : index
            %get3A_201 = tpu.vector_load %arg9[%get3A_199, %get3A_200] {strides = array<i32>} : memref<256x144xf32, #tpu.memory_space<vmem>>, vector<1x16xf32>,
            %get3A_202 = vector.shape_cast %get3A_201 : vector<1x16xf32> to vector<16xf32>
            %get3A_203 = arith.index_cast %scan3A_109 : i32 to index
            %get3A_204 = arith.constant 96 : index
            %get3A_205 = tpu.vector_load %arg5[%get3A_203, %get3A_204] {strides = array<i32>} : memref<128x128xf32, #tpu.memory_space<vmem>>, vector<1x16xf32>,
            %get3A_206 = vector.shape_cast %get3A_205 : vector<1x16xf32> to vector<16xf32>
            %add3A_207 = arith.addf %get3A_202, %get3A_206 : vector<16xf32>
            %swap3A_208 = arith.index_cast %squeeze3A_115 : i32 to index
            %swap3A_209 = arith.constant 96 : index
            %swap3A_210 = tpu.vector_load %arg9[%swap3A_208, %swap3A_209] {strides = array<i32>} : memref<256x144xf32, #tpu.memory_space<vmem>>, vector<1x16xf32>,
            %swap3A_211 = vector.shape_cast %swap3A_210 : vector<1x16xf32> to vector<16xf32>
            %swap3A_212 = vector.shape_cast %add3A_207 : vector<16xf32> to vector<1x16xf32>
            tpu.vector_store %arg9[%swap3A_208, %swap3A_209], %swap3A_212 {strides = array<i32>} : memref<256x144xf32, #tpu.memory_space<vmem>>, vector<1x16xf32>,
            %get3A_213 = arith.index_cast %squeeze3A_115 : i32 to index
            %get3A_214 = arith.constant 112 : index
            %get3A_215 = tpu.vector_load %arg9[%get3A_213, %get3A_214] {strides = array<i32>} : memref<256x144xf32, #tpu.memory_space<vmem>>, vector<1x16xf32>,
            %get3A_216 = vector.shape_cast %get3A_215 : vector<1x16xf32> to vector<16xf32>
            %get3A_217 = arith.index_cast %scan3A_109 : i32 to index
            %get3A_218 = arith.constant 112 : index
            %get3A_219 = tpu.vector_load %arg5[%get3A_217, %get3A_218] {strides = array<i32>} : memref<128x128xf32, #tpu.memory_space<vmem>>, vector<1x16xf32>,
            %get3A_220 = vector.shape_cast %get3A_219 : vector<1x16xf32> to vector<16xf32>
            %add3A_221 = arith.addf %get3A_216, %get3A_220 : vector<16xf32>
            %swap3A_222 = arith.index_cast %squeeze3A_115 : i32 to index
            %swap3A_223 = arith.constant 112 : index
            %swap3A_224 = tpu.vector_load %arg9[%swap3A_222, %swap3A_223] {strides = array<i32>} : memref<256x144xf32, #tpu.memory_space<vmem>>, vector<1x16xf32>,
            %swap3A_225 = vector.shape_cast %swap3A_224 : vector<1x16xf32> to vector<16xf32>
            %swap3A_226 = vector.shape_cast %add3A_221 : vector<16xf32> to vector<1x16xf32>
            tpu.vector_store %arg9[%swap3A_222, %swap3A_223], %swap3A_226 {strides = array<i32>} : memref<256x144xf32, #tpu.memory_space<vmem>>, vector<1x16xf32>,
            %get3A_227 = arith.index_cast %squeeze3A_115 : i32 to index
            %get3A_228 = arith.constant 128 : index
            %get3A_229 = tpu.vector_load %arg9[%get3A_227, %get3A_228] {strides = array<i32>} : memref<256x144xf32, #tpu.memory_space<vmem>>, vector<1x16xf32>,
            %get3A_230 = vector.shape_cast %get3A_229 : vector<1x16xf32> to vector<16xf32>
            %add3A_231 = arith.addf %get3A_230, %broadcast_in_dim3A_5 : vector<16xf32>
            %swap3A_232 = arith.index_cast %squeeze3A_115 : i32 to index
            %swap3A_233 = arith.constant 128 : index
            %swap3A_234 = tpu.vector_load %arg9[%swap3A_232, %swap3A_233] {strides = array<i32>} : memref<256x144xf32, #tpu.memory_space<vmem>>, vector<1x16xf32>,
            %swap3A_235 = vector.shape_cast %swap3A_234 : vector<1x16xf32> to vector<16xf32>
            %swap3A_236 = vector.shape_cast %add3A_231 : vector<16xf32> to vector<1x16xf32>
            tpu.vector_store %arg9[%swap3A_232, %swap3A_233], %swap3A_236 {strides = array<i32>} : memref<256x144xf32, #tpu.memory_space<vmem>>, vector<1x16xf32>,
          }
          %scan3A_108 = arith.constant 128 : i32
        } else {
        }
      } else {
      }
      %eq3A_60 = arith.constant 1 : i32
      %eq3A_61 = arith.cmpi eq, %select_n3A_56, %eq3A_60 : i32
      %convert_element_type3A_62 = arith.extui %eq3A_61 : i1 to i32
      %cond3A_63 = arith.constant 0 : i32
      %cond3A_64 = arith.cmpi ne, %convert_element_type3A_62, %cond3A_63 : i32
      scf.if %cond3A_64 {
        %mul3A_70 = arith.constant 128 : i32
        %mul3A_71 = arith.muli %while3A_44, %mul3A_70 : i32
        %add3A_72 = arith.addi %mul3A_2, %mul3A_71 : i32
        %dma_wait3A_73 = arith.constant 0 : i32
        %dma_wait3A_74 = tpu.memref_slice %arg2[%add3A_72, %dma_wait3A_73] : memref<100000x128xf32, #tpu.memory_space<hbm>> -> memref<128x128xf32, #tpu.memory_space<hbm>>
        %dma_wait3A_75 = arith.constant 0 : i32
        %dma_wait3A_76 = tpu.memref_slice %arg2[%add3A_72, %dma_wait3A_75] : memref<100000x128xf32, #tpu.memory_space<hbm>> -> memref<128x128xf32, #tpu.memory_space<hbm>>
        tpu.wait_dma2 semaphore(%arg11 : memref<!tpu.dma_semaphore, #tpu.memory_space<semaphore_mem>>) src(%dma_wait3A_76 : memref<128x128xf32, #tpu.memory_space<hbm>>) dst(%arg6 : memref<128x128xf32, #tpu.memory_space<vmem>>)
        %add3A_77 = arith.constant 2 : i32
        %add3A_78 = arith.addi %while3A_44, %add3A_77 : i32
        %lt3A_79 = arith.cmpi slt, %add3A_78, %select_n3A : i32
        %convert_element_type3A_80 = arith.extui %lt3A_79 : i1 to i32
        %cond3A_81 = arith.constant 0 : i32
        %cond3A_82 = arith.cmpi ne, %convert_element_type3A_80, %cond3A_81 : i32
        scf.if %cond3A_82 {
          %add3A_103 = arith.constant 2 : i32
          %add3A_104 = arith.addi %while3A_44, %add3A_103 : i32
          %mul3A_105 = arith.constant 128 : i32
          %mul3A_106 = arith.muli %add3A_104, %mul3A_105 : i32
          %add3A_107 = arith.addi %mul3A_2, %mul3A_106 : i32
          %dma_start3A_108 = arith.constant 0 : i32
          %dma_start3A_109 = tpu.memref_slice %arg2[%add3A_107, %dma_start3A_108] : memref<100000x128xf32, #tpu.memory_space<hbm>> -> memref<128x128xf32, #tpu.memory_space<hbm>>
          %dma_start3A_110 = arith.constant 0 : i32
          %dma_start3A_111 = tpu.memref_slice %arg2[%add3A_107, %dma_start3A_110] : memref<100000x128xf32, #tpu.memory_space<hbm>> -> memref<128x128xf32, #tpu.memory_space<hbm>>
          tpu.enqueue_dma source(%dma_start3A_111 : memref<128x128xf32, #tpu.memory_space<hbm>>) target(%arg5 : memref<128x128xf32, #tpu.memory_space<vmem>>) target_semaphore(%arg10 : memref<!tpu.dma_semaphore, #tpu.memory_space<semaphore_mem>>)
        } else {
        }
        %mul3A_83 = arith.constant 128 : i32
        %mul3A_84 = arith.muli %while3A_44, %mul3A_83 : i32
        %get3A = arith.index_cast %mul3A_84 : i32 to index
        %get3A_85 = tpu.vector_load %arg8[%get3A] {strides = array<i32>} : memref<1048xi32, #tpu.memory_space<vmem>>, vector<16xi32>,
        %get3A_86 = vector.shape_cast %get3A_85 : vector<16xi32> to vector<16xi32>
        %slice3A = vector.extract_strided_slice %get3A_86 {offsets = [0], sizes = [1], strides = [1]} : vector<16xi32> to vector<1xi32>
        %squeeze3A = vector.extract %slice3A[0] : i32 from vector<1xi32>
        %add3A_87 = arith.constant 128 : i32
        %add3A_88 = arith.addi %mul3A_84, %add3A_87 : i32
        %sub3A = arith.constant 1 : i32
        %sub3A_89 = arith.subi %add3A_88, %sub3A : i32
        %get3A_90 = arith.index_cast %sub3A_89 : i32 to index
        %get3A_91 = tpu.vector_load %arg8[%get3A_90] {strides = array<i32>} : memref<1048xi32, #tpu.memory_space<vmem>>, vector<16xi32>,
        %get3A_92 = vector.shape_cast %get3A_91 : vector<16xi32> to vector<16xi32>
        %slice3A_93 = vector.extract_strided_slice %get3A_92 {offsets = [0], sizes = [1], strides = [1]} : vector<16xi32> to vector<1xi32>
        %squeeze3A_94 = vector.extract %slice3A_93[0] : i32 from vector<1xi32>
        %eq3A_95 = arith.cmpi eq, %squeeze3A, %squeeze3A_94 : i32
        %convert_element_type3A_96 = arith.extui %eq3A_95 : i1 to i32
        %cond3A_97 = arith.constant 0 : i32
        %cond3A_98 = arith.cmpi ne, %convert_element_type3A_96, %cond3A_97 : i32
        scf.if %cond3A_98 {
          %scan3A_103 = arith.constant 0 : i32
          %scan3A_104 = arith.constant 32 : i32
          %scan3A_105 = arith.addi %scan3A_103, %scan3A_104 : i32
          %scan3A_106 = arith.constant 1 : i32
          %scan3A_107:8 = scf.for %scan3A_200 = %scan3A_103 to %scan3A_105 step %scan3A_106 iter_args(%scan3A_201 = %broadcast_in_dim3A_3, %scan3A_202 = %broadcast_in_dim3A_3, %scan3A_203 = %broadcast_in_dim3A_3, %scan3A_204 = %broadcast_in_dim3A_3, %scan3A_205 = %broadcast_in_dim3A_3, %scan3A_206 = %broadcast_in_dim3A_3, %scan3A_207 = %broadcast_in_dim3A_3, %scan3A_208 = %broadcast_in_dim3A_3) -> (vector<16xf32>, vector<16xf32>, vector<16xf32>, vector<16xf32>, vector<16xf32>, vector<16xf32>, vector<16xf32>, vector<16xf32>)  : i32 {
            %mul3A_209 = arith.constant 4 : i32
            %mul3A_210 = arith.muli %scan3A_200, %mul3A_209 : i32
            %add3A_211 = arith.constant 0 : i32
            %add3A_212 = arith.addi %mul3A_210, %add3A_211 : i32
            %get3A_213 = arith.index_cast %add3A_212 : i32 to index
            %get3A_214 = arith.constant 0 : index
            %get3A_215 = tpu.vector_load %arg6[%get3A_213, %get3A_214] {strides = array<i32>} : memref<128x128xf32, #tpu.memory_space<vmem>>, vector<1x16xf32>,
            %get3A_216 = vector.shape_cast %get3A_215 : vector<1x16xf32> to vector<16xf32>
            %add3A_217 = arith.addf %scan3A_201, %get3A_216 : vector<16xf32>
            %get3A_218 = arith.index_cast %add3A_212 : i32 to index
            %get3A_219 = arith.constant 16 : index
            %get3A_220 = tpu.vector_load %arg6[%get3A_218, %get3A_219] {strides = array<i32>} : memref<128x128xf32, #tpu.memory_space<vmem>>, vector<1x16xf32>,
            %get3A_221 = vector.shape_cast %get3A_220 : vector<1x16xf32> to vector<16xf32>
            %add3A_222 = arith.addf %scan3A_202, %get3A_221 : vector<16xf32>
            %get3A_223 = arith.index_cast %add3A_212 : i32 to index
            %get3A_224 = arith.constant 32 : index
            %get3A_225 = tpu.vector_load %arg6[%get3A_223, %get3A_224] {strides = array<i32>} : memref<128x128xf32, #tpu.memory_space<vmem>>, vector<1x16xf32>,
            %get3A_226 = vector.shape_cast %get3A_225 : vector<1x16xf32> to vector<16xf32>
            %add3A_227 = arith.addf %scan3A_203, %get3A_226 : vector<16xf32>
            %get3A_228 = arith.index_cast %add3A_212 : i32 to index
            %get3A_229 = arith.constant 48 : index
            %get3A_230 = tpu.vector_load %arg6[%get3A_228, %get3A_229] {strides = array<i32>} : memref<128x128xf32, #tpu.memory_space<vmem>>, vector<1x16xf32>,
            %get3A_231 = vector.shape_cast %get3A_230 : vector<1x16xf32> to vector<16xf32>
            %add3A_232 = arith.addf %scan3A_204, %get3A_231 : vector<16xf32>
            %get3A_233 = arith.index_cast %add3A_212 : i32 to index
            %get3A_234 = arith.constant 64 : index
            %get3A_235 = tpu.vector_load %arg6[%get3A_233, %get3A_234] {strides = array<i32>} : memref<128x128xf32, #tpu.memory_space<vmem>>, vector<1x16xf32>,
            %get3A_236 = vector.shape_cast %get3A_235 : vector<1x16xf32> to vector<16xf32>
            %add3A_237 = arith.addf %scan3A_205, %get3A_236 : vector<16xf32>
            %get3A_238 = arith.index_cast %add3A_212 : i32 to index
            %get3A_239 = arith.constant 80 : index
            %get3A_240 = tpu.vector_load %arg6[%get3A_238, %get3A_239] {strides = array<i32>} : memref<128x128xf32, #tpu.memory_space<vmem>>, vector<1x16xf32>,
            %get3A_241 = vector.shape_cast %get3A_240 : vector<1x16xf32> to vector<16xf32>
            %add3A_242 = arith.addf %scan3A_206, %get3A_241 : vector<16xf32>
            %get3A_243 = arith.index_cast %add3A_212 : i32 to index
            %get3A_244 = arith.constant 96 : index
            %get3A_245 = tpu.vector_load %arg6[%get3A_243, %get3A_244] {strides = array<i32>} : memref<128x128xf32, #tpu.memory_space<vmem>>, vector<1x16xf32>,
            %get3A_246 = vector.shape_cast %get3A_245 : vector<1x16xf32> to vector<16xf32>
            %add3A_247 = arith.addf %scan3A_207, %get3A_246 : vector<16xf32>
            %get3A_248 = arith.index_cast %add3A_212 : i32 to index
            %get3A_249 = arith.constant 112 : index
            %get3A_250 = tpu.vector_load %arg6[%get3A_248, %get3A_249] {strides = array<i32>} : memref<128x128xf32, #tpu.memory_space<vmem>>, vector<1x16xf32>,
            %get3A_251 = vector.shape_cast %get3A_250 : vector<1x16xf32> to vector<16xf32>
            %add3A_252 = arith.addf %scan3A_208, %get3A_251 : vector<16xf32>
            %mul3A_253 = arith.constant 4 : i32
            %mul3A_254 = arith.muli %scan3A_200, %mul3A_253 : i32
            %add3A_255 = arith.constant 1 : i32
            %add3A_256 = arith.addi %mul3A_254, %add3A_255 : i32
            %get3A_257 = arith.index_cast %add3A_256 : i32 to index
            %get3A_258 = arith.constant 0 : index
            %get3A_259 = tpu.vector_load %arg6[%get3A_257, %get3A_258] {strides = array<i32>} : memref<128x128xf32, #tpu.memory_space<vmem>>, vector<1x16xf32>,
            %get3A_260 = vector.shape_cast %get3A_259 : vector<1x16xf32> to vector<16xf32>
            %add3A_261 = arith.addf %add3A_217, %get3A_260 : vector<16xf32>
            %get3A_262 = arith.index_cast %add3A_256 : i32 to index
            %get3A_263 = arith.constant 16 : index
            %get3A_264 = tpu.vector_load %arg6[%get3A_262, %get3A_263] {strides = array<i32>} : memref<128x128xf32, #tpu.memory_space<vmem>>, vector<1x16xf32>,
            %get3A_265 = vector.shape_cast %get3A_264 : vector<1x16xf32> to vector<16xf32>
            %add3A_266 = arith.addf %add3A_222, %get3A_265 : vector<16xf32>
            %get3A_267 = arith.index_cast %add3A_256 : i32 to index
            %get3A_268 = arith.constant 32 : index
            %get3A_269 = tpu.vector_load %arg6[%get3A_267, %get3A_268] {strides = array<i32>} : memref<128x128xf32, #tpu.memory_space<vmem>>, vector<1x16xf32>,
            %get3A_270 = vector.shape_cast %get3A_269 : vector<1x16xf32> to vector<16xf32>
            %add3A_271 = arith.addf %add3A_227, %get3A_270 : vector<16xf32>
            %get3A_272 = arith.index_cast %add3A_256 : i32 to index
            %get3A_273 = arith.constant 48 : index
            %get3A_274 = tpu.vector_load %arg6[%get3A_272, %get3A_273] {strides = array<i32>} : memref<128x128xf32, #tpu.memory_space<vmem>>, vector<1x16xf32>,
            %get3A_275 = vector.shape_cast %get3A_274 : vector<1x16xf32> to vector<16xf32>
            %add3A_276 = arith.addf %add3A_232, %get3A_275 : vector<16xf32>
            %get3A_277 = arith.index_cast %add3A_256 : i32 to index
            %get3A_278 = arith.constant 64 : index
            %get3A_279 = tpu.vector_load %arg6[%get3A_277, %get3A_278] {strides = array<i32>} : memref<128x128xf32, #tpu.memory_space<vmem>>, vector<1x16xf32>,
            %get3A_280 = vector.shape_cast %get3A_279 : vector<1x16xf32> to vector<16xf32>
            %add3A_281 = arith.addf %add3A_237, %get3A_280 : vector<16xf32>
            %get3A_282 = arith.index_cast %add3A_256 : i32 to index
            %get3A_283 = arith.constant 80 : index
            %get3A_284 = tpu.vector_load %arg6[%get3A_282, %get3A_283] {strides = array<i32>} : memref<128x128xf32, #tpu.memory_space<vmem>>, vector<1x16xf32>,
            %get3A_285 = vector.shape_cast %get3A_284 : vector<1x16xf32> to vector<16xf32>
            %add3A_286 = arith.addf %add3A_242, %get3A_285 : vector<16xf32>
            %get3A_287 = arith.index_cast %add3A_256 : i32 to index
            %get3A_288 = arith.constant 96 : index
            %get3A_289 = tpu.vector_load %arg6[%get3A_287, %get3A_288] {strides = array<i32>} : memref<128x128xf32, #tpu.memory_space<vmem>>, vector<1x16xf32>,
            %get3A_290 = vector.shape_cast %get3A_289 : vector<1x16xf32> to vector<16xf32>
            %add3A_291 = arith.addf %add3A_247, %get3A_290 : vector<16xf32>
            %get3A_292 = arith.index_cast %add3A_256 : i32 to index
            %get3A_293 = arith.constant 112 : index
            %get3A_294 = tpu.vector_load %arg6[%get3A_292, %get3A_293] {strides = array<i32>} : memref<128x128xf32, #tpu.memory_space<vmem>>, vector<1x16xf32>,
            %get3A_295 = vector.shape_cast %get3A_294 : vector<1x16xf32> to vector<16xf32>
            %add3A_296 = arith.addf %add3A_252, %get3A_295 : vector<16xf32>
            %mul3A_297 = arith.constant 4 : i32
            %mul3A_298 = arith.muli %scan3A_200, %mul3A_297 : i32
            %add3A_299 = arith.constant 2 : i32
            %add3A_300 = arith.addi %mul3A_298, %add3A_299 : i32
            %get3A_301 = arith.index_cast %add3A_300 : i32 to index
            %get3A_302 = arith.constant 0 : index
            %get3A_303 = tpu.vector_load %arg6[%get3A_301, %get3A_302] {strides = array<i32>} : memref<128x128xf32, #tpu.memory_space<vmem>>, vector<1x16xf32>,
            %get3A_304 = vector.shape_cast %get3A_303 : vector<1x16xf32> to vector<16xf32>
            %add3A_305 = arith.addf %add3A_261, %get3A_304 : vector<16xf32>
            %get3A_306 = arith.index_cast %add3A_300 : i32 to index
            %get3A_307 = arith.constant 16 : index
            %get3A_308 = tpu.vector_load %arg6[%get3A_306, %get3A_307] {strides = array<i32>} : memref<128x128xf32, #tpu.memory_space<vmem>>, vector<1x16xf32>,
            %get3A_309 = vector.shape_cast %get3A_308 : vector<1x16xf32> to vector<16xf32>
            %add3A_310 = arith.addf %add3A_266, %get3A_309 : vector<16xf32>
            %get3A_311 = arith.index_cast %add3A_300 : i32 to index
            %get3A_312 = arith.constant 32 : index
            %get3A_313 = tpu.vector_load %arg6[%get3A_311, %get3A_312] {strides = array<i32>} : memref<128x128xf32, #tpu.memory_space<vmem>>, vector<1x16xf32>,
            %get3A_314 = vector.shape_cast %get3A_313 : vector<1x16xf32> to vector<16xf32>
            %add3A_315 = arith.addf %add3A_271, %get3A_314 : vector<16xf32>
            %get3A_316 = arith.index_cast %add3A_300 : i32 to index
            %get3A_317 = arith.constant 48 : index
            %get3A_318 = tpu.vector_load %arg6[%get3A_316, %get3A_317] {strides = array<i32>} : memref<128x128xf32, #tpu.memory_space<vmem>>, vector<1x16xf32>,
            %get3A_319 = vector.shape_cast %get3A_318 : vector<1x16xf32> to vector<16xf32>
            %add3A_320 = arith.addf %add3A_276, %get3A_319 : vector<16xf32>
            %get3A_321 = arith.index_cast %add3A_300 : i32 to index
            %get3A_322 = arith.constant 64 : index
            %get3A_323 = tpu.vector_load %arg6[%get3A_321, %get3A_322] {strides = array<i32>} : memref<128x128xf32, #tpu.memory_space<vmem>>, vector<1x16xf32>,
            %get3A_324 = vector.shape_cast %get3A_323 : vector<1x16xf32> to vector<16xf32>
            %add3A_325 = arith.addf %add3A_281, %get3A_324 : vector<16xf32>
            %get3A_326 = arith.index_cast %add3A_300 : i32 to index
            %get3A_327 = arith.constant 80 : index
            %get3A_328 = tpu.vector_load %arg6[%get3A_326, %get3A_327] {strides = array<i32>} : memref<128x128xf32, #tpu.memory_space<vmem>>, vector<1x16xf32>,
            %get3A_329 = vector.shape_cast %get3A_328 : vector<1x16xf32> to vector<16xf32>
            %add3A_330 = arith.addf %add3A_286, %get3A_329 : vector<16xf32>
            %get3A_331 = arith.index_cast %add3A_300 : i32 to index
            %get3A_332 = arith.constant 96 : index
            %get3A_333 = tpu.vector_load %arg6[%get3A_331, %get3A_332] {strides = array<i32>} : memref<128x128xf32, #tpu.memory_space<vmem>>, vector<1x16xf32>,
            %get3A_334 = vector.shape_cast %get3A_333 : vector<1x16xf32> to vector<16xf32>
            %add3A_335 = arith.addf %add3A_291, %get3A_334 : vector<16xf32>
            %get3A_336 = arith.index_cast %add3A_300 : i32 to index
            %get3A_337 = arith.constant 112 : index
            %get3A_338 = tpu.vector_load %arg6[%get3A_336, %get3A_337] {strides = array<i32>} : memref<128x128xf32, #tpu.memory_space<vmem>>, vector<1x16xf32>,
            %get3A_339 = vector.shape_cast %get3A_338 : vector<1x16xf32> to vector<16xf32>
            %add3A_340 = arith.addf %add3A_296, %get3A_339 : vector<16xf32>
            %mul3A_341 = arith.constant 4 : i32
            %mul3A_342 = arith.muli %scan3A_200, %mul3A_341 : i32
            %add3A_343 = arith.constant 3 : i32
            %add3A_344 = arith.addi %mul3A_342, %add3A_343 : i32
            %get3A_345 = arith.index_cast %add3A_344 : i32 to index
            %get3A_346 = arith.constant 0 : index
            %get3A_347 = tpu.vector_load %arg6[%get3A_345, %get3A_346] {strides = array<i32>} : memref<128x128xf32, #tpu.memory_space<vmem>>, vector<1x16xf32>,
            %get3A_348 = vector.shape_cast %get3A_347 : vector<1x16xf32> to vector<16xf32>
            %add3A_349 = arith.addf %add3A_305, %get3A_348 : vector<16xf32>
            %get3A_350 = arith.index_cast %add3A_344 : i32 to index
            %get3A_351 = arith.constant 16 : index
            %get3A_352 = tpu.vector_load %arg6[%get3A_350, %get3A_351] {strides = array<i32>} : memref<128x128xf32, #tpu.memory_space<vmem>>, vector<1x16xf32>,
            %get3A_353 = vector.shape_cast %get3A_352 : vector<1x16xf32> to vector<16xf32>
            %add3A_354 = arith.addf %add3A_310, %get3A_353 : vector<16xf32>
            %get3A_355 = arith.index_cast %add3A_344 : i32 to index
            %get3A_356 = arith.constant 32 : index
            %get3A_357 = tpu.vector_load %arg6[%get3A_355, %get3A_356] {strides = array<i32>} : memref<128x128xf32, #tpu.memory_space<vmem>>, vector<1x16xf32>,
            %get3A_358 = vector.shape_cast %get3A_357 : vector<1x16xf32> to vector<16xf32>
            %add3A_359 = arith.addf %add3A_315, %get3A_358 : vector<16xf32>
            %get3A_360 = arith.index_cast %add3A_344 : i32 to index
            %get3A_361 = arith.constant 48 : index
            %get3A_362 = tpu.vector_load %arg6[%get3A_360, %get3A_361] {strides = array<i32>} : memref<128x128xf32, #tpu.memory_space<vmem>>, vector<1x16xf32>,
            %get3A_363 = vector.shape_cast %get3A_362 : vector<1x16xf32> to vector<16xf32>
            %add3A_364 = arith.addf %add3A_320, %get3A_363 : vector<16xf32>
            %get3A_365 = arith.index_cast %add3A_344 : i32 to index
            %get3A_366 = arith.constant 64 : index
            %get3A_367 = tpu.vector_load %arg6[%get3A_365, %get3A_366] {strides = array<i32>} : memref<128x128xf32, #tpu.memory_space<vmem>>, vector<1x16xf32>,
            %get3A_368 = vector.shape_cast %get3A_367 : vector<1x16xf32> to vector<16xf32>
            %add3A_369 = arith.addf %add3A_325, %get3A_368 : vector<16xf32>
            %get3A_370 = arith.index_cast %add3A_344 : i32 to index
            %get3A_371 = arith.constant 80 : index
            %get3A_372 = tpu.vector_load %arg6[%get3A_370, %get3A_371] {strides = array<i32>} : memref<128x128xf32, #tpu.memory_space<vmem>>, vector<1x16xf32>,
            %get3A_373 = vector.shape_cast %get3A_372 : vector<1x16xf32> to vector<16xf32>
            %add3A_374 = arith.addf %add3A_330, %get3A_373 : vector<16xf32>
            %get3A_375 = arith.index_cast %add3A_344 : i32 to index
            %get3A_376 = arith.constant 96 : index
            %get3A_377 = tpu.vector_load %arg6[%get3A_375, %get3A_376] {strides = array<i32>} : memref<128x128xf32, #tpu.memory_space<vmem>>, vector<1x16xf32>,
            %get3A_378 = vector.shape_cast %get3A_377 : vector<1x16xf32> to vector<16xf32>
            %add3A_379 = arith.addf %add3A_335, %get3A_378 : vector<16xf32>
            %get3A_380 = arith.index_cast %add3A_344 : i32 to index
            %get3A_381 = arith.constant 112 : index
            %get3A_382 = tpu.vector_load %arg6[%get3A_380, %get3A_381] {strides = array<i32>} : memref<128x128xf32, #tpu.memory_space<vmem>>, vector<1x16xf32>,
            %get3A_383 = vector.shape_cast %get3A_382 : vector<1x16xf32> to vector<16xf32>
            %add3A_384 = arith.addf %add3A_340, %get3A_383 : vector<16xf32>
            scf.yield %add3A_349, %add3A_354, %add3A_359, %add3A_364, %add3A_369, %add3A_374, %add3A_379, %add3A_384 : vector<16xf32>, vector<16xf32>, vector<16xf32>, vector<16xf32>, vector<16xf32>, vector<16xf32>, vector<16xf32>, vector<16xf32>
          }
          %scan3A_108 = arith.constant 32 : i32
          %get3A_109 = arith.index_cast %squeeze3A : i32 to index
          %get3A_110 = arith.constant 0 : index
          %get3A_111 = tpu.vector_load %arg9[%get3A_109, %get3A_110] {strides = array<i32>} : memref<256x144xf32, #tpu.memory_space<vmem>>, vector<1x16xf32>,
          %get3A_112 = vector.shape_cast %get3A_111 : vector<1x16xf32> to vector<16xf32>
          %add3A_113 = arith.addf %get3A_112, %scan3A_107#0 : vector<16xf32>
          %swap3A = arith.index_cast %squeeze3A : i32 to index
          %swap3A_114 = arith.constant 0 : index
          %swap3A_115 = tpu.vector_load %arg9[%swap3A, %swap3A_114] {strides = array<i32>} : memref<256x144xf32, #tpu.memory_space<vmem>>, vector<1x16xf32>,
          %swap3A_116 = vector.shape_cast %swap3A_115 : vector<1x16xf32> to vector<16xf32>
          %swap3A_117 = vector.shape_cast %add3A_113 : vector<16xf32> to vector<1x16xf32>
          tpu.vector_store %arg9[%swap3A, %swap3A_114], %swap3A_117 {strides = array<i32>} : memref<256x144xf32, #tpu.memory_space<vmem>>, vector<1x16xf32>,
          %get3A_118 = arith.index_cast %squeeze3A : i32 to index
          %get3A_119 = arith.constant 16 : index
          %get3A_120 = tpu.vector_load %arg9[%get3A_118, %get3A_119] {strides = array<i32>} : memref<256x144xf32, #tpu.memory_space<vmem>>, vector<1x16xf32>,
          %get3A_121 = vector.shape_cast %get3A_120 : vector<1x16xf32> to vector<16xf32>
          %add3A_122 = arith.addf %get3A_121, %scan3A_107#1 : vector<16xf32>
          %swap3A_123 = arith.index_cast %squeeze3A : i32 to index
          %swap3A_124 = arith.constant 16 : index
          %swap3A_125 = tpu.vector_load %arg9[%swap3A_123, %swap3A_124] {strides = array<i32>} : memref<256x144xf32, #tpu.memory_space<vmem>>, vector<1x16xf32>,
          %swap3A_126 = vector.shape_cast %swap3A_125 : vector<1x16xf32> to vector<16xf32>
          %swap3A_127 = vector.shape_cast %add3A_122 : vector<16xf32> to vector<1x16xf32>
          tpu.vector_store %arg9[%swap3A_123, %swap3A_124], %swap3A_127 {strides = array<i32>} : memref<256x144xf32, #tpu.memory_space<vmem>>, vector<1x16xf32>,
          %get3A_128 = arith.index_cast %squeeze3A : i32 to index
          %get3A_129 = arith.constant 32 : index
          %get3A_130 = tpu.vector_load %arg9[%get3A_128, %get3A_129] {strides = array<i32>} : memref<256x144xf32, #tpu.memory_space<vmem>>, vector<1x16xf32>,
          %get3A_131 = vector.shape_cast %get3A_130 : vector<1x16xf32> to vector<16xf32>
          %add3A_132 = arith.addf %get3A_131, %scan3A_107#2 : vector<16xf32>
          %swap3A_133 = arith.index_cast %squeeze3A : i32 to index
          %swap3A_134 = arith.constant 32 : index
          %swap3A_135 = tpu.vector_load %arg9[%swap3A_133, %swap3A_134] {strides = array<i32>} : memref<256x144xf32, #tpu.memory_space<vmem>>, vector<1x16xf32>,
          %swap3A_136 = vector.shape_cast %swap3A_135 : vector<1x16xf32> to vector<16xf32>
          %swap3A_137 = vector.shape_cast %add3A_132 : vector<16xf32> to vector<1x16xf32>
          tpu.vector_store %arg9[%swap3A_133, %swap3A_134], %swap3A_137 {strides = array<i32>} : memref<256x144xf32, #tpu.memory_space<vmem>>, vector<1x16xf32>,
          %get3A_138 = arith.index_cast %squeeze3A : i32 to index
          %get3A_139 = arith.constant 48 : index
          %get3A_140 = tpu.vector_load %arg9[%get3A_138, %get3A_139] {strides = array<i32>} : memref<256x144xf32, #tpu.memory_space<vmem>>, vector<1x16xf32>,
          %get3A_141 = vector.shape_cast %get3A_140 : vector<1x16xf32> to vector<16xf32>
          %add3A_142 = arith.addf %get3A_141, %scan3A_107#3 : vector<16xf32>
          %swap3A_143 = arith.index_cast %squeeze3A : i32 to index
          %swap3A_144 = arith.constant 48 : index
          %swap3A_145 = tpu.vector_load %arg9[%swap3A_143, %swap3A_144] {strides = array<i32>} : memref<256x144xf32, #tpu.memory_space<vmem>>, vector<1x16xf32>,
          %swap3A_146 = vector.shape_cast %swap3A_145 : vector<1x16xf32> to vector<16xf32>
          %swap3A_147 = vector.shape_cast %add3A_142 : vector<16xf32> to vector<1x16xf32>
          tpu.vector_store %arg9[%swap3A_143, %swap3A_144], %swap3A_147 {strides = array<i32>} : memref<256x144xf32, #tpu.memory_space<vmem>>, vector<1x16xf32>,
          %get3A_148 = arith.index_cast %squeeze3A : i32 to index
          %get3A_149 = arith.constant 64 : index
          %get3A_150 = tpu.vector_load %arg9[%get3A_148, %get3A_149] {strides = array<i32>} : memref<256x144xf32, #tpu.memory_space<vmem>>, vector<1x16xf32>,
          %get3A_151 = vector.shape_cast %get3A_150 : vector<1x16xf32> to vector<16xf32>
          %add3A_152 = arith.addf %get3A_151, %scan3A_107#4 : vector<16xf32>
          %swap3A_153 = arith.index_cast %squeeze3A : i32 to index
          %swap3A_154 = arith.constant 64 : index
          %swap3A_155 = tpu.vector_load %arg9[%swap3A_153, %swap3A_154] {strides = array<i32>} : memref<256x144xf32, #tpu.memory_space<vmem>>, vector<1x16xf32>,
          %swap3A_156 = vector.shape_cast %swap3A_155 : vector<1x16xf32> to vector<16xf32>
          %swap3A_157 = vector.shape_cast %add3A_152 : vector<16xf32> to vector<1x16xf32>
          tpu.vector_store %arg9[%swap3A_153, %swap3A_154], %swap3A_157 {strides = array<i32>} : memref<256x144xf32, #tpu.memory_space<vmem>>, vector<1x16xf32>,
          %get3A_158 = arith.index_cast %squeeze3A : i32 to index
          %get3A_159 = arith.constant 80 : index
          %get3A_160 = tpu.vector_load %arg9[%get3A_158, %get3A_159] {strides = array<i32>} : memref<256x144xf32, #tpu.memory_space<vmem>>, vector<1x16xf32>,
          %get3A_161 = vector.shape_cast %get3A_160 : vector<1x16xf32> to vector<16xf32>
          %add3A_162 = arith.addf %get3A_161, %scan3A_107#5 : vector<16xf32>
          %swap3A_163 = arith.index_cast %squeeze3A : i32 to index
          %swap3A_164 = arith.constant 80 : index
          %swap3A_165 = tpu.vector_load %arg9[%swap3A_163, %swap3A_164] {strides = array<i32>} : memref<256x144xf32, #tpu.memory_space<vmem>>, vector<1x16xf32>,
          %swap3A_166 = vector.shape_cast %swap3A_165 : vector<1x16xf32> to vector<16xf32>
          %swap3A_167 = vector.shape_cast %add3A_162 : vector<16xf32> to vector<1x16xf32>
          tpu.vector_store %arg9[%swap3A_163, %swap3A_164], %swap3A_167 {strides = array<i32>} : memref<256x144xf32, #tpu.memory_space<vmem>>, vector<1x16xf32>,
          %get3A_168 = arith.index_cast %squeeze3A : i32 to index
          %get3A_169 = arith.constant 96 : index
          %get3A_170 = tpu.vector_load %arg9[%get3A_168, %get3A_169] {strides = array<i32>} : memref<256x144xf32, #tpu.memory_space<vmem>>, vector<1x16xf32>,
          %get3A_171 = vector.shape_cast %get3A_170 : vector<1x16xf32> to vector<16xf32>
          %add3A_172 = arith.addf %get3A_171, %scan3A_107#6 : vector<16xf32>
          %swap3A_173 = arith.index_cast %squeeze3A : i32 to index
          %swap3A_174 = arith.constant 96 : index
          %swap3A_175 = tpu.vector_load %arg9[%swap3A_173, %swap3A_174] {strides = array<i32>} : memref<256x144xf32, #tpu.memory_space<vmem>>, vector<1x16xf32>,
          %swap3A_176 = vector.shape_cast %swap3A_175 : vector<1x16xf32> to vector<16xf32>
          %swap3A_177 = vector.shape_cast %add3A_172 : vector<16xf32> to vector<1x16xf32>
          tpu.vector_store %arg9[%swap3A_173, %swap3A_174], %swap3A_177 {strides = array<i32>} : memref<256x144xf32, #tpu.memory_space<vmem>>, vector<1x16xf32>,
          %get3A_178 = arith.index_cast %squeeze3A : i32 to index
          %get3A_179 = arith.constant 112 : index
          %get3A_180 = tpu.vector_load %arg9[%get3A_178, %get3A_179] {strides = array<i32>} : memref<256x144xf32, #tpu.memory_space<vmem>>, vector<1x16xf32>,
          %get3A_181 = vector.shape_cast %get3A_180 : vector<1x16xf32> to vector<16xf32>
          %add3A_182 = arith.addf %get3A_181, %scan3A_107#7 : vector<16xf32>
          %swap3A_183 = arith.index_cast %squeeze3A : i32 to index
          %swap3A_184 = arith.constant 112 : index
          %swap3A_185 = tpu.vector_load %arg9[%swap3A_183, %swap3A_184] {strides = array<i32>} : memref<256x144xf32, #tpu.memory_space<vmem>>, vector<1x16xf32>,
          %swap3A_186 = vector.shape_cast %swap3A_185 : vector<1x16xf32> to vector<16xf32>
          %swap3A_187 = vector.shape_cast %add3A_182 : vector<16xf32> to vector<1x16xf32>
          tpu.vector_store %arg9[%swap3A_183, %swap3A_184], %swap3A_187 {strides = array<i32>} : memref<256x144xf32, #tpu.memory_space<vmem>>, vector<1x16xf32>,
          %get3A_188 = arith.index_cast %squeeze3A : i32 to index
          %get3A_189 = arith.constant 128 : index
          %get3A_190 = tpu.vector_load %arg9[%get3A_188, %get3A_189] {strides = array<i32>} : memref<256x144xf32, #tpu.memory_space<vmem>>, vector<1x16xf32>,
          %get3A_191 = vector.shape_cast %get3A_190 : vector<1x16xf32> to vector<16xf32>
          %broadcast_in_dim3A_192 = arith.constant 1.280000e+02 : f32
          %broadcast_in_dim3A_193 = vector.broadcast %broadcast_in_dim3A_192 : f32 to vector<16xf32>
          %add3A_194 = arith.addf %get3A_191, %broadcast_in_dim3A_193 : vector<16xf32>
          %swap3A_195 = arith.index_cast %squeeze3A : i32 to index
          %swap3A_196 = arith.constant 128 : index
          %swap3A_197 = tpu.vector_load %arg9[%swap3A_195, %swap3A_196] {strides = array<i32>} : memref<256x144xf32, #tpu.memory_space<vmem>>, vector<1x16xf32>,
          %swap3A_198 = vector.shape_cast %swap3A_197 : vector<1x16xf32> to vector<16xf32>
          %swap3A_199 = vector.shape_cast %add3A_194 : vector<16xf32> to vector<1x16xf32>
          tpu.vector_store %arg9[%swap3A_195, %swap3A_196], %swap3A_199 {strides = array<i32>} : memref<256x144xf32, #tpu.memory_space<vmem>>, vector<1x16xf32>,
        } else {
        }
        %ne3A_99 = arith.cmpi ne, %squeeze3A, %squeeze3A_94 : i32
        %convert_element_type3A_100 = arith.extui %ne3A_99 : i1 to i32
        %cond3A_101 = arith.constant 0 : i32
        %cond3A_102 = arith.cmpi ne, %convert_element_type3A_100, %cond3A_101 : i32
        scf.if %cond3A_102 {
          %scan3A_103 = arith.constant 0 : i32
          %scan3A_104 = arith.constant 0 : i32
          %scan3A_105 = arith.constant 128 : i32
          %scan3A_106 = arith.addi %scan3A_104, %scan3A_105 : i32
          %scan3A_107 = arith.constant 1 : i32
          scf.for %scan3A_109 = %scan3A_104 to %scan3A_106 step %scan3A_107  : i32 {
            %add3A_110 = arith.addi %mul3A_84, %scan3A_109 : i32
            %get3A_111 = arith.index_cast %add3A_110 : i32 to index
            %get3A_112 = tpu.vector_load %arg8[%get3A_111] {strides = array<i32>} : memref<1048xi32, #tpu.memory_space<vmem>>, vector<16xi32>,
            %get3A_113 = vector.shape_cast %get3A_112 : vector<16xi32> to vector<16xi32>
            %slice3A_114 = vector.extract_strided_slice %get3A_113 {offsets = [0], sizes = [1], strides = [1]} : vector<16xi32> to vector<1xi32>
            %squeeze3A_115 = vector.extract %slice3A_114[0] : i32 from vector<1xi32>
            %get3A_116 = arith.index_cast %squeeze3A_115 : i32 to index
            %get3A_117 = arith.constant 0 : index
            %get3A_118 = tpu.vector_load %arg9[%get3A_116, %get3A_117] {strides = array<i32>} : memref<256x144xf32, #tpu.memory_space<vmem>>, vector<1x16xf32>,
            %get3A_119 = vector.shape_cast %get3A_118 : vector<1x16xf32> to vector<16xf32>
            %get3A_120 = arith.index_cast %scan3A_109 : i32 to index
            %get3A_121 = arith.constant 0 : index
            %get3A_122 = tpu.vector_load %arg6[%get3A_120, %get3A_121] {strides = array<i32>} : memref<128x128xf32, #tpu.memory_space<vmem>>, vector<1x16xf32>,
            %get3A_123 = vector.shape_cast %get3A_122 : vector<1x16xf32> to vector<16xf32>
            %add3A_124 = arith.addf %get3A_119, %get3A_123 : vector<16xf32>
            %swap3A = arith.index_cast %squeeze3A_115 : i32 to index
            %swap3A_125 = arith.constant 0 : index
            %swap3A_126 = tpu.vector_load %arg9[%swap3A, %swap3A_125] {strides = array<i32>} : memref<256x144xf32, #tpu.memory_space<vmem>>, vector<1x16xf32>,
            %swap3A_127 = vector.shape_cast %swap3A_126 : vector<1x16xf32> to vector<16xf32>
            %swap3A_128 = vector.shape_cast %add3A_124 : vector<16xf32> to vector<1x16xf32>
            tpu.vector_store %arg9[%swap3A, %swap3A_125], %swap3A_128 {strides = array<i32>} : memref<256x144xf32, #tpu.memory_space<vmem>>, vector<1x16xf32>,
            %get3A_129 = arith.index_cast %squeeze3A_115 : i32 to index
            %get3A_130 = arith.constant 16 : index
            %get3A_131 = tpu.vector_load %arg9[%get3A_129, %get3A_130] {strides = array<i32>} : memref<256x144xf32, #tpu.memory_space<vmem>>, vector<1x16xf32>,
            %get3A_132 = vector.shape_cast %get3A_131 : vector<1x16xf32> to vector<16xf32>
            %get3A_133 = arith.index_cast %scan3A_109 : i32 to index
            %get3A_134 = arith.constant 16 : index
            %get3A_135 = tpu.vector_load %arg6[%get3A_133, %get3A_134] {strides = array<i32>} : memref<128x128xf32, #tpu.memory_space<vmem>>, vector<1x16xf32>,
            %get3A_136 = vector.shape_cast %get3A_135 : vector<1x16xf32> to vector<16xf32>
            %add3A_137 = arith.addf %get3A_132, %get3A_136 : vector<16xf32>
            %swap3A_138 = arith.index_cast %squeeze3A_115 : i32 to index
            %swap3A_139 = arith.constant 16 : index
            %swap3A_140 = tpu.vector_load %arg9[%swap3A_138, %swap3A_139] {strides = array<i32>} : memref<256x144xf32, #tpu.memory_space<vmem>>, vector<1x16xf32>,
            %swap3A_141 = vector.shape_cast %swap3A_140 : vector<1x16xf32> to vector<16xf32>
            %swap3A_142 = vector.shape_cast %add3A_137 : vector<16xf32> to vector<1x16xf32>
            tpu.vector_store %arg9[%swap3A_138, %swap3A_139], %swap3A_142 {strides = array<i32>} : memref<256x144xf32, #tpu.memory_space<vmem>>, vector<1x16xf32>,
            %get3A_143 = arith.index_cast %squeeze3A_115 : i32 to index
            %get3A_144 = arith.constant 32 : index
            %get3A_145 = tpu.vector_load %arg9[%get3A_143, %get3A_144] {strides = array<i32>} : memref<256x144xf32, #tpu.memory_space<vmem>>, vector<1x16xf32>,
            %get3A_146 = vector.shape_cast %get3A_145 : vector<1x16xf32> to vector<16xf32>
            %get3A_147 = arith.index_cast %scan3A_109 : i32 to index
            %get3A_148 = arith.constant 32 : index
            %get3A_149 = tpu.vector_load %arg6[%get3A_147, %get3A_148] {strides = array<i32>} : memref<128x128xf32, #tpu.memory_space<vmem>>, vector<1x16xf32>,
            %get3A_150 = vector.shape_cast %get3A_149 : vector<1x16xf32> to vector<16xf32>
            %add3A_151 = arith.addf %get3A_146, %get3A_150 : vector<16xf32>
            %swap3A_152 = arith.index_cast %squeeze3A_115 : i32 to index
            %swap3A_153 = arith.constant 32 : index
            %swap3A_154 = tpu.vector_load %arg9[%swap3A_152, %swap3A_153] {strides = array<i32>} : memref<256x144xf32, #tpu.memory_space<vmem>>, vector<1x16xf32>,
            %swap3A_155 = vector.shape_cast %swap3A_154 : vector<1x16xf32> to vector<16xf32>
            %swap3A_156 = vector.shape_cast %add3A_151 : vector<16xf32> to vector<1x16xf32>
            tpu.vector_store %arg9[%swap3A_152, %swap3A_153], %swap3A_156 {strides = array<i32>} : memref<256x144xf32, #tpu.memory_space<vmem>>, vector<1x16xf32>,
            %get3A_157 = arith.index_cast %squeeze3A_115 : i32 to index
            %get3A_158 = arith.constant 48 : index
            %get3A_159 = tpu.vector_load %arg9[%get3A_157, %get3A_158] {strides = array<i32>} : memref<256x144xf32, #tpu.memory_space<vmem>>, vector<1x16xf32>,
            %get3A_160 = vector.shape_cast %get3A_159 : vector<1x16xf32> to vector<16xf32>
            %get3A_161 = arith.index_cast %scan3A_109 : i32 to index
            %get3A_162 = arith.constant 48 : index
            %get3A_163 = tpu.vector_load %arg6[%get3A_161, %get3A_162] {strides = array<i32>} : memref<128x128xf32, #tpu.memory_space<vmem>>, vector<1x16xf32>,
            %get3A_164 = vector.shape_cast %get3A_163 : vector<1x16xf32> to vector<16xf32>
            %add3A_165 = arith.addf %get3A_160, %get3A_164 : vector<16xf32>
            %swap3A_166 = arith.index_cast %squeeze3A_115 : i32 to index
            %swap3A_167 = arith.constant 48 : index
            %swap3A_168 = tpu.vector_load %arg9[%swap3A_166, %swap3A_167] {strides = array<i32>} : memref<256x144xf32, #tpu.memory_space<vmem>>, vector<1x16xf32>,
            %swap3A_169 = vector.shape_cast %swap3A_168 : vector<1x16xf32> to vector<16xf32>
            %swap3A_170 = vector.shape_cast %add3A_165 : vector<16xf32> to vector<1x16xf32>
            tpu.vector_store %arg9[%swap3A_166, %swap3A_167], %swap3A_170 {strides = array<i32>} : memref<256x144xf32, #tpu.memory_space<vmem>>, vector<1x16xf32>,
            %get3A_171 = arith.index_cast %squeeze3A_115 : i32 to index
            %get3A_172 = arith.constant 64 : index
            %get3A_173 = tpu.vector_load %arg9[%get3A_171, %get3A_172] {strides = array<i32>} : memref<256x144xf32, #tpu.memory_space<vmem>>, vector<1x16xf32>,
            %get3A_174 = vector.shape_cast %get3A_173 : vector<1x16xf32> to vector<16xf32>
            %get3A_175 = arith.index_cast %scan3A_109 : i32 to index
            %get3A_176 = arith.constant 64 : index
            %get3A_177 = tpu.vector_load %arg6[%get3A_175, %get3A_176] {strides = array<i32>} : memref<128x128xf32, #tpu.memory_space<vmem>>, vector<1x16xf32>,
            %get3A_178 = vector.shape_cast %get3A_177 : vector<1x16xf32> to vector<16xf32>
            %add3A_179 = arith.addf %get3A_174, %get3A_178 : vector<16xf32>
            %swap3A_180 = arith.index_cast %squeeze3A_115 : i32 to index
            %swap3A_181 = arith.constant 64 : index
            %swap3A_182 = tpu.vector_load %arg9[%swap3A_180, %swap3A_181] {strides = array<i32>} : memref<256x144xf32, #tpu.memory_space<vmem>>, vector<1x16xf32>,
            %swap3A_183 = vector.shape_cast %swap3A_182 : vector<1x16xf32> to vector<16xf32>
            %swap3A_184 = vector.shape_cast %add3A_179 : vector<16xf32> to vector<1x16xf32>
            tpu.vector_store %arg9[%swap3A_180, %swap3A_181], %swap3A_184 {strides = array<i32>} : memref<256x144xf32, #tpu.memory_space<vmem>>, vector<1x16xf32>,
            %get3A_185 = arith.index_cast %squeeze3A_115 : i32 to index
            %get3A_186 = arith.constant 80 : index
            %get3A_187 = tpu.vector_load %arg9[%get3A_185, %get3A_186] {strides = array<i32>} : memref<256x144xf32, #tpu.memory_space<vmem>>, vector<1x16xf32>,
            %get3A_188 = vector.shape_cast %get3A_187 : vector<1x16xf32> to vector<16xf32>
            %get3A_189 = arith.index_cast %scan3A_109 : i32 to index
            %get3A_190 = arith.constant 80 : index
            %get3A_191 = tpu.vector_load %arg6[%get3A_189, %get3A_190] {strides = array<i32>} : memref<128x128xf32, #tpu.memory_space<vmem>>, vector<1x16xf32>,
            %get3A_192 = vector.shape_cast %get3A_191 : vector<1x16xf32> to vector<16xf32>
            %add3A_193 = arith.addf %get3A_188, %get3A_192 : vector<16xf32>
            %swap3A_194 = arith.index_cast %squeeze3A_115 : i32 to index
            %swap3A_195 = arith.constant 80 : index
            %swap3A_196 = tpu.vector_load %arg9[%swap3A_194, %swap3A_195] {strides = array<i32>} : memref<256x144xf32, #tpu.memory_space<vmem>>, vector<1x16xf32>,
            %swap3A_197 = vector.shape_cast %swap3A_196 : vector<1x16xf32> to vector<16xf32>
            %swap3A_198 = vector.shape_cast %add3A_193 : vector<16xf32> to vector<1x16xf32>
            tpu.vector_store %arg9[%swap3A_194, %swap3A_195], %swap3A_198 {strides = array<i32>} : memref<256x144xf32, #tpu.memory_space<vmem>>, vector<1x16xf32>,
            %get3A_199 = arith.index_cast %squeeze3A_115 : i32 to index
            %get3A_200 = arith.constant 96 : index
            %get3A_201 = tpu.vector_load %arg9[%get3A_199, %get3A_200] {strides = array<i32>} : memref<256x144xf32, #tpu.memory_space<vmem>>, vector<1x16xf32>,
            %get3A_202 = vector.shape_cast %get3A_201 : vector<1x16xf32> to vector<16xf32>
            %get3A_203 = arith.index_cast %scan3A_109 : i32 to index
            %get3A_204 = arith.constant 96 : index
            %get3A_205 = tpu.vector_load %arg6[%get3A_203, %get3A_204] {strides = array<i32>} : memref<128x128xf32, #tpu.memory_space<vmem>>, vector<1x16xf32>,
            %get3A_206 = vector.shape_cast %get3A_205 : vector<1x16xf32> to vector<16xf32>
            %add3A_207 = arith.addf %get3A_202, %get3A_206 : vector<16xf32>
            %swap3A_208 = arith.index_cast %squeeze3A_115 : i32 to index
            %swap3A_209 = arith.constant 96 : index
            %swap3A_210 = tpu.vector_load %arg9[%swap3A_208, %swap3A_209] {strides = array<i32>} : memref<256x144xf32, #tpu.memory_space<vmem>>, vector<1x16xf32>,
            %swap3A_211 = vector.shape_cast %swap3A_210 : vector<1x16xf32> to vector<16xf32>
            %swap3A_212 = vector.shape_cast %add3A_207 : vector<16xf32> to vector<1x16xf32>
            tpu.vector_store %arg9[%swap3A_208, %swap3A_209], %swap3A_212 {strides = array<i32>} : memref<256x144xf32, #tpu.memory_space<vmem>>, vector<1x16xf32>,
            %get3A_213 = arith.index_cast %squeeze3A_115 : i32 to index
            %get3A_214 = arith.constant 112 : index
            %get3A_215 = tpu.vector_load %arg9[%get3A_213, %get3A_214] {strides = array<i32>} : memref<256x144xf32, #tpu.memory_space<vmem>>, vector<1x16xf32>,
            %get3A_216 = vector.shape_cast %get3A_215 : vector<1x16xf32> to vector<16xf32>
            %get3A_217 = arith.index_cast %scan3A_109 : i32 to index
            %get3A_218 = arith.constant 112 : index
            %get3A_219 = tpu.vector_load %arg6[%get3A_217, %get3A_218] {strides = array<i32>} : memref<128x128xf32, #tpu.memory_space<vmem>>, vector<1x16xf32>,
            %get3A_220 = vector.shape_cast %get3A_219 : vector<1x16xf32> to vector<16xf32>
            %add3A_221 = arith.addf %get3A_216, %get3A_220 : vector<16xf32>
            %swap3A_222 = arith.index_cast %squeeze3A_115 : i32 to index
            %swap3A_223 = arith.constant 112 : index
            %swap3A_224 = tpu.vector_load %arg9[%swap3A_222, %swap3A_223] {strides = array<i32>} : memref<256x144xf32, #tpu.memory_space<vmem>>, vector<1x16xf32>,
            %swap3A_225 = vector.shape_cast %swap3A_224 : vector<1x16xf32> to vector<16xf32>
            %swap3A_226 = vector.shape_cast %add3A_221 : vector<16xf32> to vector<1x16xf32>
            tpu.vector_store %arg9[%swap3A_222, %swap3A_223], %swap3A_226 {strides = array<i32>} : memref<256x144xf32, #tpu.memory_space<vmem>>, vector<1x16xf32>,
            %get3A_227 = arith.index_cast %squeeze3A_115 : i32 to index
            %get3A_228 = arith.constant 128 : index
            %get3A_229 = tpu.vector_load %arg9[%get3A_227, %get3A_228] {strides = array<i32>} : memref<256x144xf32, #tpu.memory_space<vmem>>, vector<1x16xf32>,
            %get3A_230 = vector.shape_cast %get3A_229 : vector<1x16xf32> to vector<16xf32>
            %add3A_231 = arith.addf %get3A_230, %broadcast_in_dim3A_5 : vector<16xf32>
            %swap3A_232 = arith.index_cast %squeeze3A_115 : i32 to index
            %swap3A_233 = arith.constant 128 : index
            %swap3A_234 = tpu.vector_load %arg9[%swap3A_232, %swap3A_233] {strides = array<i32>} : memref<256x144xf32, #tpu.memory_space<vmem>>, vector<1x16xf32>,
            %swap3A_235 = vector.shape_cast %swap3A_234 : vector<1x16xf32> to vector<16xf32>
            %swap3A_236 = vector.shape_cast %add3A_231 : vector<16xf32> to vector<1x16xf32>
            tpu.vector_store %arg9[%swap3A_232, %swap3A_233], %swap3A_236 {strides = array<i32>} : memref<256x144xf32, #tpu.memory_space<vmem>>, vector<1x16xf32>,
          }
          %scan3A_108 = arith.constant 128 : i32
        } else {
        }
      } else {
      }
      %eq3A_65 = arith.constant 2 : i32
      %eq3A_66 = arith.cmpi eq, %select_n3A_56, %eq3A_65 : i32
      %convert_element_type3A_67 = arith.extui %eq3A_66 : i1 to i32
      %cond3A_68 = arith.constant 0 : i32
      %cond3A_69 = arith.cmpi ne, %convert_element_type3A_67, %cond3A_68 : i32
      scf.if %cond3A_69 {
        %mul3A_70 = arith.constant 128 : i32
        %mul3A_71 = arith.muli %while3A_44, %mul3A_70 : i32
        %add3A_72 = arith.addi %mul3A_2, %mul3A_71 : i32
        %dma_wait3A_73 = arith.constant 0 : i32
        %dma_wait3A_74 = tpu.memref_slice %arg2[%add3A_72, %dma_wait3A_73] : memref<100000x128xf32, #tpu.memory_space<hbm>> -> memref<128x128xf32, #tpu.memory_space<hbm>>
        %dma_wait3A_75 = arith.constant 0 : i32
        %dma_wait3A_76 = tpu.memref_slice %arg2[%add3A_72, %dma_wait3A_75] : memref<100000x128xf32, #tpu.memory_space<hbm>> -> memref<128x128xf32, #tpu.memory_space<hbm>>
        tpu.wait_dma2 semaphore(%arg12 : memref<!tpu.dma_semaphore, #tpu.memory_space<semaphore_mem>>) src(%dma_wait3A_76 : memref<128x128xf32, #tpu.memory_space<hbm>>) dst(%arg7 : memref<128x128xf32, #tpu.memory_space<vmem>>)
        %add3A_77 = arith.constant 2 : i32
        %add3A_78 = arith.addi %while3A_44, %add3A_77 : i32
        %lt3A_79 = arith.cmpi slt, %add3A_78, %select_n3A : i32
        %convert_element_type3A_80 = arith.extui %lt3A_79 : i1 to i32
        %cond3A_81 = arith.constant 0 : i32
        %cond3A_82 = arith.cmpi ne, %convert_element_type3A_80, %cond3A_81 : i32
        scf.if %cond3A_82 {
          %add3A_103 = arith.constant 2 : i32
          %add3A_104 = arith.addi %while3A_44, %add3A_103 : i32
          %mul3A_105 = arith.constant 128 : i32
          %mul3A_106 = arith.muli %add3A_104, %mul3A_105 : i32
          %add3A_107 = arith.addi %mul3A_2, %mul3A_106 : i32
          %dma_start3A_108 = arith.constant 0 : i32
          %dma_start3A_109 = tpu.memref_slice %arg2[%add3A_107, %dma_start3A_108] : memref<100000x128xf32, #tpu.memory_space<hbm>> -> memref<128x128xf32, #tpu.memory_space<hbm>>
          %dma_start3A_110 = arith.constant 0 : i32
          %dma_start3A_111 = tpu.memref_slice %arg2[%add3A_107, %dma_start3A_110] : memref<100000x128xf32, #tpu.memory_space<hbm>> -> memref<128x128xf32, #tpu.memory_space<hbm>>
          tpu.enqueue_dma source(%dma_start3A_111 : memref<128x128xf32, #tpu.memory_space<hbm>>) target(%arg6 : memref<128x128xf32, #tpu.memory_space<vmem>>) target_semaphore(%arg11 : memref<!tpu.dma_semaphore, #tpu.memory_space<semaphore_mem>>)
        } else {
        }
        %mul3A_83 = arith.constant 128 : i32
        %mul3A_84 = arith.muli %while3A_44, %mul3A_83 : i32
        %get3A = arith.index_cast %mul3A_84 : i32 to index
        %get3A_85 = tpu.vector_load %arg8[%get3A] {strides = array<i32>} : memref<1048xi32, #tpu.memory_space<vmem>>, vector<16xi32>,
        %get3A_86 = vector.shape_cast %get3A_85 : vector<16xi32> to vector<16xi32>
        %slice3A = vector.extract_strided_slice %get3A_86 {offsets = [0], sizes = [1], strides = [1]} : vector<16xi32> to vector<1xi32>
        %squeeze3A = vector.extract %slice3A[0] : i32 from vector<1xi32>
        %add3A_87 = arith.constant 128 : i32
        %add3A_88 = arith.addi %mul3A_84, %add3A_87 : i32
        %sub3A = arith.constant 1 : i32
        %sub3A_89 = arith.subi %add3A_88, %sub3A : i32
        %get3A_90 = arith.index_cast %sub3A_89 : i32 to index
        %get3A_91 = tpu.vector_load %arg8[%get3A_90] {strides = array<i32>} : memref<1048xi32, #tpu.memory_space<vmem>>, vector<16xi32>,
        %get3A_92 = vector.shape_cast %get3A_91 : vector<16xi32> to vector<16xi32>
        %slice3A_93 = vector.extract_strided_slice %get3A_92 {offsets = [0], sizes = [1], strides = [1]} : vector<16xi32> to vector<1xi32>
        %squeeze3A_94 = vector.extract %slice3A_93[0] : i32 from vector<1xi32>
        %eq3A_95 = arith.cmpi eq, %squeeze3A, %squeeze3A_94 : i32
        %convert_element_type3A_96 = arith.extui %eq3A_95 : i1 to i32
        %cond3A_97 = arith.constant 0 : i32
        %cond3A_98 = arith.cmpi ne, %convert_element_type3A_96, %cond3A_97 : i32
        scf.if %cond3A_98 {
          %scan3A_103 = arith.constant 0 : i32
          %scan3A_104 = arith.constant 32 : i32
          %scan3A_105 = arith.addi %scan3A_103, %scan3A_104 : i32
          %scan3A_106 = arith.constant 1 : i32
          %scan3A_107:8 = scf.for %scan3A_200 = %scan3A_103 to %scan3A_105 step %scan3A_106 iter_args(%scan3A_201 = %broadcast_in_dim3A_3, %scan3A_202 = %broadcast_in_dim3A_3, %scan3A_203 = %broadcast_in_dim3A_3, %scan3A_204 = %broadcast_in_dim3A_3, %scan3A_205 = %broadcast_in_dim3A_3, %scan3A_206 = %broadcast_in_dim3A_3, %scan3A_207 = %broadcast_in_dim3A_3, %scan3A_208 = %broadcast_in_dim3A_3) -> (vector<16xf32>, vector<16xf32>, vector<16xf32>, vector<16xf32>, vector<16xf32>, vector<16xf32>, vector<16xf32>, vector<16xf32>)  : i32 {
            %mul3A_209 = arith.constant 4 : i32
            %mul3A_210 = arith.muli %scan3A_200, %mul3A_209 : i32
            %add3A_211 = arith.constant 0 : i32
            %add3A_212 = arith.addi %mul3A_210, %add3A_211 : i32
            %get3A_213 = arith.index_cast %add3A_212 : i32 to index
            %get3A_214 = arith.constant 0 : index
            %get3A_215 = tpu.vector_load %arg7[%get3A_213, %get3A_214] {strides = array<i32>} : memref<128x128xf32, #tpu.memory_space<vmem>>, vector<1x16xf32>,
            %get3A_216 = vector.shape_cast %get3A_215 : vector<1x16xf32> to vector<16xf32>
            %add3A_217 = arith.addf %scan3A_201, %get3A_216 : vector<16xf32>
            %get3A_218 = arith.index_cast %add3A_212 : i32 to index
            %get3A_219 = arith.constant 16 : index
            %get3A_220 = tpu.vector_load %arg7[%get3A_218, %get3A_219] {strides = array<i32>} : memref<128x128xf32, #tpu.memory_space<vmem>>, vector<1x16xf32>,
            %get3A_221 = vector.shape_cast %get3A_220 : vector<1x16xf32> to vector<16xf32>
            %add3A_222 = arith.addf %scan3A_202, %get3A_221 : vector<16xf32>
            %get3A_223 = arith.index_cast %add3A_212 : i32 to index
            %get3A_224 = arith.constant 32 : index
            %get3A_225 = tpu.vector_load %arg7[%get3A_223, %get3A_224] {strides = array<i32>} : memref<128x128xf32, #tpu.memory_space<vmem>>, vector<1x16xf32>,
            %get3A_226 = vector.shape_cast %get3A_225 : vector<1x16xf32> to vector<16xf32>
            %add3A_227 = arith.addf %scan3A_203, %get3A_226 : vector<16xf32>
            %get3A_228 = arith.index_cast %add3A_212 : i32 to index
            %get3A_229 = arith.constant 48 : index
            %get3A_230 = tpu.vector_load %arg7[%get3A_228, %get3A_229] {strides = array<i32>} : memref<128x128xf32, #tpu.memory_space<vmem>>, vector<1x16xf32>,
            %get3A_231 = vector.shape_cast %get3A_230 : vector<1x16xf32> to vector<16xf32>
            %add3A_232 = arith.addf %scan3A_204, %get3A_231 : vector<16xf32>
            %get3A_233 = arith.index_cast %add3A_212 : i32 to index
            %get3A_234 = arith.constant 64 : index
            %get3A_235 = tpu.vector_load %arg7[%get3A_233, %get3A_234] {strides = array<i32>} : memref<128x128xf32, #tpu.memory_space<vmem>>, vector<1x16xf32>,
            %get3A_236 = vector.shape_cast %get3A_235 : vector<1x16xf32> to vector<16xf32>
            %add3A_237 = arith.addf %scan3A_205, %get3A_236 : vector<16xf32>
            %get3A_238 = arith.index_cast %add3A_212 : i32 to index
            %get3A_239 = arith.constant 80 : index
            %get3A_240 = tpu.vector_load %arg7[%get3A_238, %get3A_239] {strides = array<i32>} : memref<128x128xf32, #tpu.memory_space<vmem>>, vector<1x16xf32>,
            %get3A_241 = vector.shape_cast %get3A_240 : vector<1x16xf32> to vector<16xf32>
            %add3A_242 = arith.addf %scan3A_206, %get3A_241 : vector<16xf32>
            %get3A_243 = arith.index_cast %add3A_212 : i32 to index
            %get3A_244 = arith.constant 96 : index
            %get3A_245 = tpu.vector_load %arg7[%get3A_243, %get3A_244] {strides = array<i32>} : memref<128x128xf32, #tpu.memory_space<vmem>>, vector<1x16xf32>,
            %get3A_246 = vector.shape_cast %get3A_245 : vector<1x16xf32> to vector<16xf32>
            %add3A_247 = arith.addf %scan3A_207, %get3A_246 : vector<16xf32>
            %get3A_248 = arith.index_cast %add3A_212 : i32 to index
            %get3A_249 = arith.constant 112 : index
            %get3A_250 = tpu.vector_load %arg7[%get3A_248, %get3A_249] {strides = array<i32>} : memref<128x128xf32, #tpu.memory_space<vmem>>, vector<1x16xf32>,
            %get3A_251 = vector.shape_cast %get3A_250 : vector<1x16xf32> to vector<16xf32>
            %add3A_252 = arith.addf %scan3A_208, %get3A_251 : vector<16xf32>
            %mul3A_253 = arith.constant 4 : i32
            %mul3A_254 = arith.muli %scan3A_200, %mul3A_253 : i32
            %add3A_255 = arith.constant 1 : i32
            %add3A_256 = arith.addi %mul3A_254, %add3A_255 : i32
            %get3A_257 = arith.index_cast %add3A_256 : i32 to index
            %get3A_258 = arith.constant 0 : index
            %get3A_259 = tpu.vector_load %arg7[%get3A_257, %get3A_258] {strides = array<i32>} : memref<128x128xf32, #tpu.memory_space<vmem>>, vector<1x16xf32>,
            %get3A_260 = vector.shape_cast %get3A_259 : vector<1x16xf32> to vector<16xf32>
            %add3A_261 = arith.addf %add3A_217, %get3A_260 : vector<16xf32>
            %get3A_262 = arith.index_cast %add3A_256 : i32 to index
            %get3A_263 = arith.constant 16 : index
            %get3A_264 = tpu.vector_load %arg7[%get3A_262, %get3A_263] {strides = array<i32>} : memref<128x128xf32, #tpu.memory_space<vmem>>, vector<1x16xf32>,
            %get3A_265 = vector.shape_cast %get3A_264 : vector<1x16xf32> to vector<16xf32>
            %add3A_266 = arith.addf %add3A_222, %get3A_265 : vector<16xf32>
            %get3A_267 = arith.index_cast %add3A_256 : i32 to index
            %get3A_268 = arith.constant 32 : index
            %get3A_269 = tpu.vector_load %arg7[%get3A_267, %get3A_268] {strides = array<i32>} : memref<128x128xf32, #tpu.memory_space<vmem>>, vector<1x16xf32>,
            %get3A_270 = vector.shape_cast %get3A_269 : vector<1x16xf32> to vector<16xf32>
            %add3A_271 = arith.addf %add3A_227, %get3A_270 : vector<16xf32>
            %get3A_272 = arith.index_cast %add3A_256 : i32 to index
            %get3A_273 = arith.constant 48 : index
            %get3A_274 = tpu.vector_load %arg7[%get3A_272, %get3A_273] {strides = array<i32>} : memref<128x128xf32, #tpu.memory_space<vmem>>, vector<1x16xf32>,
            %get3A_275 = vector.shape_cast %get3A_274 : vector<1x16xf32> to vector<16xf32>
            %add3A_276 = arith.addf %add3A_232, %get3A_275 : vector<16xf32>
            %get3A_277 = arith.index_cast %add3A_256 : i32 to index
            %get3A_278 = arith.constant 64 : index
            %get3A_279 = tpu.vector_load %arg7[%get3A_277, %get3A_278] {strides = array<i32>} : memref<128x128xf32, #tpu.memory_space<vmem>>, vector<1x16xf32>,
            %get3A_280 = vector.shape_cast %get3A_279 : vector<1x16xf32> to vector<16xf32>
            %add3A_281 = arith.addf %add3A_237, %get3A_280 : vector<16xf32>
            %get3A_282 = arith.index_cast %add3A_256 : i32 to index
            %get3A_283 = arith.constant 80 : index
            %get3A_284 = tpu.vector_load %arg7[%get3A_282, %get3A_283] {strides = array<i32>} : memref<128x128xf32, #tpu.memory_space<vmem>>, vector<1x16xf32>,
            %get3A_285 = vector.shape_cast %get3A_284 : vector<1x16xf32> to vector<16xf32>
            %add3A_286 = arith.addf %add3A_242, %get3A_285 : vector<16xf32>
            %get3A_287 = arith.index_cast %add3A_256 : i32 to index
            %get3A_288 = arith.constant 96 : index
            %get3A_289 = tpu.vector_load %arg7[%get3A_287, %get3A_288] {strides = array<i32>} : memref<128x128xf32, #tpu.memory_space<vmem>>, vector<1x16xf32>,
            %get3A_290 = vector.shape_cast %get3A_289 : vector<1x16xf32> to vector<16xf32>
            %add3A_291 = arith.addf %add3A_247, %get3A_290 : vector<16xf32>
            %get3A_292 = arith.index_cast %add3A_256 : i32 to index
            %get3A_293 = arith.constant 112 : index
            %get3A_294 = tpu.vector_load %arg7[%get3A_292, %get3A_293] {strides = array<i32>} : memref<128x128xf32, #tpu.memory_space<vmem>>, vector<1x16xf32>,
            %get3A_295 = vector.shape_cast %get3A_294 : vector<1x16xf32> to vector<16xf32>
            %add3A_296 = arith.addf %add3A_252, %get3A_295 : vector<16xf32>
            %mul3A_297 = arith.constant 4 : i32
            %mul3A_298 = arith.muli %scan3A_200, %mul3A_297 : i32
            %add3A_299 = arith.constant 2 : i32
            %add3A_300 = arith.addi %mul3A_298, %add3A_299 : i32
            %get3A_301 = arith.index_cast %add3A_300 : i32 to index
            %get3A_302 = arith.constant 0 : index
            %get3A_303 = tpu.vector_load %arg7[%get3A_301, %get3A_302] {strides = array<i32>} : memref<128x128xf32, #tpu.memory_space<vmem>>, vector<1x16xf32>,
            %get3A_304 = vector.shape_cast %get3A_303 : vector<1x16xf32> to vector<16xf32>
            %add3A_305 = arith.addf %add3A_261, %get3A_304 : vector<16xf32>
            %get3A_306 = arith.index_cast %add3A_300 : i32 to index
            %get3A_307 = arith.constant 16 : index
            %get3A_308 = tpu.vector_load %arg7[%get3A_306, %get3A_307] {strides = array<i32>} : memref<128x128xf32, #tpu.memory_space<vmem>>, vector<1x16xf32>,
            %get3A_309 = vector.shape_cast %get3A_308 : vector<1x16xf32> to vector<16xf32>
            %add3A_310 = arith.addf %add3A_266, %get3A_309 : vector<16xf32>
            %get3A_311 = arith.index_cast %add3A_300 : i32 to index
            %get3A_312 = arith.constant 32 : index
            %get3A_313 = tpu.vector_load %arg7[%get3A_311, %get3A_312] {strides = array<i32>} : memref<128x128xf32, #tpu.memory_space<vmem>>, vector<1x16xf32>,
            %get3A_314 = vector.shape_cast %get3A_313 : vector<1x16xf32> to vector<16xf32>
            %add3A_315 = arith.addf %add3A_271, %get3A_314 : vector<16xf32>
            %get3A_316 = arith.index_cast %add3A_300 : i32 to index
            %get3A_317 = arith.constant 48 : index
            %get3A_318 = tpu.vector_load %arg7[%get3A_316, %get3A_317] {strides = array<i32>} : memref<128x128xf32, #tpu.memory_space<vmem>>, vector<1x16xf32>,
            %get3A_319 = vector.shape_cast %get3A_318 : vector<1x16xf32> to vector<16xf32>
            %add3A_320 = arith.addf %add3A_276, %get3A_319 : vector<16xf32>
            %get3A_321 = arith.index_cast %add3A_300 : i32 to index
            %get3A_322 = arith.constant 64 : index
            %get3A_323 = tpu.vector_load %arg7[%get3A_321, %get3A_322] {strides = array<i32>} : memref<128x128xf32, #tpu.memory_space<vmem>>, vector<1x16xf32>,
            %get3A_324 = vector.shape_cast %get3A_323 : vector<1x16xf32> to vector<16xf32>
            %add3A_325 = arith.addf %add3A_281, %get3A_324 : vector<16xf32>
            %get3A_326 = arith.index_cast %add3A_300 : i32 to index
            %get3A_327 = arith.constant 80 : index
            %get3A_328 = tpu.vector_load %arg7[%get3A_326, %get3A_327] {strides = array<i32>} : memref<128x128xf32, #tpu.memory_space<vmem>>, vector<1x16xf32>,
            %get3A_329 = vector.shape_cast %get3A_328 : vector<1x16xf32> to vector<16xf32>
            %add3A_330 = arith.addf %add3A_286, %get3A_329 : vector<16xf32>
            %get3A_331 = arith.index_cast %add3A_300 : i32 to index
            %get3A_332 = arith.constant 96 : index
            %get3A_333 = tpu.vector_load %arg7[%get3A_331, %get3A_332] {strides = array<i32>} : memref<128x128xf32, #tpu.memory_space<vmem>>, vector<1x16xf32>,
            %get3A_334 = vector.shape_cast %get3A_333 : vector<1x16xf32> to vector<16xf32>
            %add3A_335 = arith.addf %add3A_291, %get3A_334 : vector<16xf32>
            %get3A_336 = arith.index_cast %add3A_300 : i32 to index
            %get3A_337 = arith.constant 112 : index
            %get3A_338 = tpu.vector_load %arg7[%get3A_336, %get3A_337] {strides = array<i32>} : memref<128x128xf32, #tpu.memory_space<vmem>>, vector<1x16xf32>,
            %get3A_339 = vector.shape_cast %get3A_338 : vector<1x16xf32> to vector<16xf32>
            %add3A_340 = arith.addf %add3A_296, %get3A_339 : vector<16xf32>
            %mul3A_341 = arith.constant 4 : i32
            %mul3A_342 = arith.muli %scan3A_200, %mul3A_341 : i32
            %add3A_343 = arith.constant 3 : i32
            %add3A_344 = arith.addi %mul3A_342, %add3A_343 : i32
            %get3A_345 = arith.index_cast %add3A_344 : i32 to index
            %get3A_346 = arith.constant 0 : index
            %get3A_347 = tpu.vector_load %arg7[%get3A_345, %get3A_346] {strides = array<i32>} : memref<128x128xf32, #tpu.memory_space<vmem>>, vector<1x16xf32>,
            %get3A_348 = vector.shape_cast %get3A_347 : vector<1x16xf32> to vector<16xf32>
            %add3A_349 = arith.addf %add3A_305, %get3A_348 : vector<16xf32>
            %get3A_350 = arith.index_cast %add3A_344 : i32 to index
            %get3A_351 = arith.constant 16 : index
            %get3A_352 = tpu.vector_load %arg7[%get3A_350, %get3A_351] {strides = array<i32>} : memref<128x128xf32, #tpu.memory_space<vmem>>, vector<1x16xf32>,
            %get3A_353 = vector.shape_cast %get3A_352 : vector<1x16xf32> to vector<16xf32>
            %add3A_354 = arith.addf %add3A_310, %get3A_353 : vector<16xf32>
            %get3A_355 = arith.index_cast %add3A_344 : i32 to index
            %get3A_356 = arith.constant 32 : index
            %get3A_357 = tpu.vector_load %arg7[%get3A_355, %get3A_356] {strides = array<i32>} : memref<128x128xf32, #tpu.memory_space<vmem>>, vector<1x16xf32>,
            %get3A_358 = vector.shape_cast %get3A_357 : vector<1x16xf32> to vector<16xf32>
            %add3A_359 = arith.addf %add3A_315, %get3A_358 : vector<16xf32>
            %get3A_360 = arith.index_cast %add3A_344 : i32 to index
            %get3A_361 = arith.constant 48 : index
            %get3A_362 = tpu.vector_load %arg7[%get3A_360, %get3A_361] {strides = array<i32>} : memref<128x128xf32, #tpu.memory_space<vmem>>, vector<1x16xf32>,
            %get3A_363 = vector.shape_cast %get3A_362 : vector<1x16xf32> to vector<16xf32>
            %add3A_364 = arith.addf %add3A_320, %get3A_363 : vector<16xf32>
            %get3A_365 = arith.index_cast %add3A_344 : i32 to index
            %get3A_366 = arith.constant 64 : index
            %get3A_367 = tpu.vector_load %arg7[%get3A_365, %get3A_366] {strides = array<i32>} : memref<128x128xf32, #tpu.memory_space<vmem>>, vector<1x16xf32>,
            %get3A_368 = vector.shape_cast %get3A_367 : vector<1x16xf32> to vector<16xf32>
            %add3A_369 = arith.addf %add3A_325, %get3A_368 : vector<16xf32>
            %get3A_370 = arith.index_cast %add3A_344 : i32 to index
            %get3A_371 = arith.constant 80 : index
            %get3A_372 = tpu.vector_load %arg7[%get3A_370, %get3A_371] {strides = array<i32>} : memref<128x128xf32, #tpu.memory_space<vmem>>, vector<1x16xf32>,
            %get3A_373 = vector.shape_cast %get3A_372 : vector<1x16xf32> to vector<16xf32>
            %add3A_374 = arith.addf %add3A_330, %get3A_373 : vector<16xf32>
            %get3A_375 = arith.index_cast %add3A_344 : i32 to index
            %get3A_376 = arith.constant 96 : index
            %get3A_377 = tpu.vector_load %arg7[%get3A_375, %get3A_376] {strides = array<i32>} : memref<128x128xf32, #tpu.memory_space<vmem>>, vector<1x16xf32>,
            %get3A_378 = vector.shape_cast %get3A_377 : vector<1x16xf32> to vector<16xf32>
            %add3A_379 = arith.addf %add3A_335, %get3A_378 : vector<16xf32>
            %get3A_380 = arith.index_cast %add3A_344 : i32 to index
            %get3A_381 = arith.constant 112 : index
            %get3A_382 = tpu.vector_load %arg7[%get3A_380, %get3A_381] {strides = array<i32>} : memref<128x128xf32, #tpu.memory_space<vmem>>, vector<1x16xf32>,
            %get3A_383 = vector.shape_cast %get3A_382 : vector<1x16xf32> to vector<16xf32>
            %add3A_384 = arith.addf %add3A_340, %get3A_383 : vector<16xf32>
            scf.yield %add3A_349, %add3A_354, %add3A_359, %add3A_364, %add3A_369, %add3A_374, %add3A_379, %add3A_384 : vector<16xf32>, vector<16xf32>, vector<16xf32>, vector<16xf32>, vector<16xf32>, vector<16xf32>, vector<16xf32>, vector<16xf32>
          }
          %scan3A_108 = arith.constant 32 : i32
          %get3A_109 = arith.index_cast %squeeze3A : i32 to index
          %get3A_110 = arith.constant 0 : index
          %get3A_111 = tpu.vector_load %arg9[%get3A_109, %get3A_110] {strides = array<i32>} : memref<256x144xf32, #tpu.memory_space<vmem>>, vector<1x16xf32>,
          %get3A_112 = vector.shape_cast %get3A_111 : vector<1x16xf32> to vector<16xf32>
          %add3A_113 = arith.addf %get3A_112, %scan3A_107#0 : vector<16xf32>
          %swap3A = arith.index_cast %squeeze3A : i32 to index
          %swap3A_114 = arith.constant 0 : index
          %swap3A_115 = tpu.vector_load %arg9[%swap3A, %swap3A_114] {strides = array<i32>} : memref<256x144xf32, #tpu.memory_space<vmem>>, vector<1x16xf32>,
          %swap3A_116 = vector.shape_cast %swap3A_115 : vector<1x16xf32> to vector<16xf32>
          %swap3A_117 = vector.shape_cast %add3A_113 : vector<16xf32> to vector<1x16xf32>
          tpu.vector_store %arg9[%swap3A, %swap3A_114], %swap3A_117 {strides = array<i32>} : memref<256x144xf32, #tpu.memory_space<vmem>>, vector<1x16xf32>,
          %get3A_118 = arith.index_cast %squeeze3A : i32 to index
          %get3A_119 = arith.constant 16 : index
          %get3A_120 = tpu.vector_load %arg9[%get3A_118, %get3A_119] {strides = array<i32>} : memref<256x144xf32, #tpu.memory_space<vmem>>, vector<1x16xf32>,
          %get3A_121 = vector.shape_cast %get3A_120 : vector<1x16xf32> to vector<16xf32>
          %add3A_122 = arith.addf %get3A_121, %scan3A_107#1 : vector<16xf32>
          %swap3A_123 = arith.index_cast %squeeze3A : i32 to index
          %swap3A_124 = arith.constant 16 : index
          %swap3A_125 = tpu.vector_load %arg9[%swap3A_123, %swap3A_124] {strides = array<i32>} : memref<256x144xf32, #tpu.memory_space<vmem>>, vector<1x16xf32>,
          %swap3A_126 = vector.shape_cast %swap3A_125 : vector<1x16xf32> to vector<16xf32>
          %swap3A_127 = vector.shape_cast %add3A_122 : vector<16xf32> to vector<1x16xf32>
          tpu.vector_store %arg9[%swap3A_123, %swap3A_124], %swap3A_127 {strides = array<i32>} : memref<256x144xf32, #tpu.memory_space<vmem>>, vector<1x16xf32>,
          %get3A_128 = arith.index_cast %squeeze3A : i32 to index
          %get3A_129 = arith.constant 32 : index
          %get3A_130 = tpu.vector_load %arg9[%get3A_128, %get3A_129] {strides = array<i32>} : memref<256x144xf32, #tpu.memory_space<vmem>>, vector<1x16xf32>,
          %get3A_131 = vector.shape_cast %get3A_130 : vector<1x16xf32> to vector<16xf32>
          %add3A_132 = arith.addf %get3A_131, %scan3A_107#2 : vector<16xf32>
          %swap3A_133 = arith.index_cast %squeeze3A : i32 to index
          %swap3A_134 = arith.constant 32 : index
          %swap3A_135 = tpu.vector_load %arg9[%swap3A_133, %swap3A_134] {strides = array<i32>} : memref<256x144xf32, #tpu.memory_space<vmem>>, vector<1x16xf32>,
          %swap3A_136 = vector.shape_cast %swap3A_135 : vector<1x16xf32> to vector<16xf32>
          %swap3A_137 = vector.shape_cast %add3A_132 : vector<16xf32> to vector<1x16xf32>
          tpu.vector_store %arg9[%swap3A_133, %swap3A_134], %swap3A_137 {strides = array<i32>} : memref<256x144xf32, #tpu.memory_space<vmem>>, vector<1x16xf32>,
          %get3A_138 = arith.index_cast %squeeze3A : i32 to index
          %get3A_139 = arith.constant 48 : index
          %get3A_140 = tpu.vector_load %arg9[%get3A_138, %get3A_139] {strides = array<i32>} : memref<256x144xf32, #tpu.memory_space<vmem>>, vector<1x16xf32>,
          %get3A_141 = vector.shape_cast %get3A_140 : vector<1x16xf32> to vector<16xf32>
          %add3A_142 = arith.addf %get3A_141, %scan3A_107#3 : vector<16xf32>
          %swap3A_143 = arith.index_cast %squeeze3A : i32 to index
          %swap3A_144 = arith.constant 48 : index
          %swap3A_145 = tpu.vector_load %arg9[%swap3A_143, %swap3A_144] {strides = array<i32>} : memref<256x144xf32, #tpu.memory_space<vmem>>, vector<1x16xf32>,
          %swap3A_146 = vector.shape_cast %swap3A_145 : vector<1x16xf32> to vector<16xf32>
          %swap3A_147 = vector.shape_cast %add3A_142 : vector<16xf32> to vector<1x16xf32>
          tpu.vector_store %arg9[%swap3A_143, %swap3A_144], %swap3A_147 {strides = array<i32>} : memref<256x144xf32, #tpu.memory_space<vmem>>, vector<1x16xf32>,
          %get3A_148 = arith.index_cast %squeeze3A : i32 to index
          %get3A_149 = arith.constant 64 : index
          %get3A_150 = tpu.vector_load %arg9[%get3A_148, %get3A_149] {strides = array<i32>} : memref<256x144xf32, #tpu.memory_space<vmem>>, vector<1x16xf32>,
          %get3A_151 = vector.shape_cast %get3A_150 : vector<1x16xf32> to vector<16xf32>
          %add3A_152 = arith.addf %get3A_151, %scan3A_107#4 : vector<16xf32>
          %swap3A_153 = arith.index_cast %squeeze3A : i32 to index
          %swap3A_154 = arith.constant 64 : index
          %swap3A_155 = tpu.vector_load %arg9[%swap3A_153, %swap3A_154] {strides = array<i32>} : memref<256x144xf32, #tpu.memory_space<vmem>>, vector<1x16xf32>,
          %swap3A_156 = vector.shape_cast %swap3A_155 : vector<1x16xf32> to vector<16xf32>
          %swap3A_157 = vector.shape_cast %add3A_152 : vector<16xf32> to vector<1x16xf32>
          tpu.vector_store %arg9[%swap3A_153, %swap3A_154], %swap3A_157 {strides = array<i32>} : memref<256x144xf32, #tpu.memory_space<vmem>>, vector<1x16xf32>,
          %get3A_158 = arith.index_cast %squeeze3A : i32 to index
          %get3A_159 = arith.constant 80 : index
          %get3A_160 = tpu.vector_load %arg9[%get3A_158, %get3A_159] {strides = array<i32>} : memref<256x144xf32, #tpu.memory_space<vmem>>, vector<1x16xf32>,
          %get3A_161 = vector.shape_cast %get3A_160 : vector<1x16xf32> to vector<16xf32>
          %add3A_162 = arith.addf %get3A_161, %scan3A_107#5 : vector<16xf32>
          %swap3A_163 = arith.index_cast %squeeze3A : i32 to index
          %swap3A_164 = arith.constant 80 : index
          %swap3A_165 = tpu.vector_load %arg9[%swap3A_163, %swap3A_164] {strides = array<i32>} : memref<256x144xf32, #tpu.memory_space<vmem>>, vector<1x16xf32>,
          %swap3A_166 = vector.shape_cast %swap3A_165 : vector<1x16xf32> to vector<16xf32>
          %swap3A_167 = vector.shape_cast %add3A_162 : vector<16xf32> to vector<1x16xf32>
          tpu.vector_store %arg9[%swap3A_163, %swap3A_164], %swap3A_167 {strides = array<i32>} : memref<256x144xf32, #tpu.memory_space<vmem>>, vector<1x16xf32>,
          %get3A_168 = arith.index_cast %squeeze3A : i32 to index
          %get3A_169 = arith.constant 96 : index
          %get3A_170 = tpu.vector_load %arg9[%get3A_168, %get3A_169] {strides = array<i32>} : memref<256x144xf32, #tpu.memory_space<vmem>>, vector<1x16xf32>,
          %get3A_171 = vector.shape_cast %get3A_170 : vector<1x16xf32> to vector<16xf32>
          %add3A_172 = arith.addf %get3A_171, %scan3A_107#6 : vector<16xf32>
          %swap3A_173 = arith.index_cast %squeeze3A : i32 to index
          %swap3A_174 = arith.constant 96 : index
          %swap3A_175 = tpu.vector_load %arg9[%swap3A_173, %swap3A_174] {strides = array<i32>} : memref<256x144xf32, #tpu.memory_space<vmem>>, vector<1x16xf32>,
          %swap3A_176 = vector.shape_cast %swap3A_175 : vector<1x16xf32> to vector<16xf32>
          %swap3A_177 = vector.shape_cast %add3A_172 : vector<16xf32> to vector<1x16xf32>
          tpu.vector_store %arg9[%swap3A_173, %swap3A_174], %swap3A_177 {strides = array<i32>} : memref<256x144xf32, #tpu.memory_space<vmem>>, vector<1x16xf32>,
          %get3A_178 = arith.index_cast %squeeze3A : i32 to index
          %get3A_179 = arith.constant 112 : index
          %get3A_180 = tpu.vector_load %arg9[%get3A_178, %get3A_179] {strides = array<i32>} : memref<256x144xf32, #tpu.memory_space<vmem>>, vector<1x16xf32>,
          %get3A_181 = vector.shape_cast %get3A_180 : vector<1x16xf32> to vector<16xf32>
          %add3A_182 = arith.addf %get3A_181, %scan3A_107#7 : vector<16xf32>
          %swap3A_183 = arith.index_cast %squeeze3A : i32 to index
          %swap3A_184 = arith.constant 112 : index
          %swap3A_185 = tpu.vector_load %arg9[%swap3A_183, %swap3A_184] {strides = array<i32>} : memref<256x144xf32, #tpu.memory_space<vmem>>, vector<1x16xf32>,
          %swap3A_186 = vector.shape_cast %swap3A_185 : vector<1x16xf32> to vector<16xf32>
          %swap3A_187 = vector.shape_cast %add3A_182 : vector<16xf32> to vector<1x16xf32>
          tpu.vector_store %arg9[%swap3A_183, %swap3A_184], %swap3A_187 {strides = array<i32>} : memref<256x144xf32, #tpu.memory_space<vmem>>, vector<1x16xf32>,
          %get3A_188 = arith.index_cast %squeeze3A : i32 to index
          %get3A_189 = arith.constant 128 : index
          %get3A_190 = tpu.vector_load %arg9[%get3A_188, %get3A_189] {strides = array<i32>} : memref<256x144xf32, #tpu.memory_space<vmem>>, vector<1x16xf32>,
          %get3A_191 = vector.shape_cast %get3A_190 : vector<1x16xf32> to vector<16xf32>
          %broadcast_in_dim3A_192 = arith.constant 1.280000e+02 : f32
          %broadcast_in_dim3A_193 = vector.broadcast %broadcast_in_dim3A_192 : f32 to vector<16xf32>
          %add3A_194 = arith.addf %get3A_191, %broadcast_in_dim3A_193 : vector<16xf32>
          %swap3A_195 = arith.index_cast %squeeze3A : i32 to index
          %swap3A_196 = arith.constant 128 : index
          %swap3A_197 = tpu.vector_load %arg9[%swap3A_195, %swap3A_196] {strides = array<i32>} : memref<256x144xf32, #tpu.memory_space<vmem>>, vector<1x16xf32>,
          %swap3A_198 = vector.shape_cast %swap3A_197 : vector<1x16xf32> to vector<16xf32>
          %swap3A_199 = vector.shape_cast %add3A_194 : vector<16xf32> to vector<1x16xf32>
          tpu.vector_store %arg9[%swap3A_195, %swap3A_196], %swap3A_199 {strides = array<i32>} : memref<256x144xf32, #tpu.memory_space<vmem>>, vector<1x16xf32>,
        } else {
        }
        %ne3A_99 = arith.cmpi ne, %squeeze3A, %squeeze3A_94 : i32
        %convert_element_type3A_100 = arith.extui %ne3A_99 : i1 to i32
        %cond3A_101 = arith.constant 0 : i32
        %cond3A_102 = arith.cmpi ne, %convert_element_type3A_100, %cond3A_101 : i32
        scf.if %cond3A_102 {
          %scan3A_103 = arith.constant 0 : i32
          %scan3A_104 = arith.constant 0 : i32
          %scan3A_105 = arith.constant 128 : i32
          %scan3A_106 = arith.addi %scan3A_104, %scan3A_105 : i32
          %scan3A_107 = arith.constant 1 : i32
          scf.for %scan3A_109 = %scan3A_104 to %scan3A_106 step %scan3A_107  : i32 {
            %add3A_110 = arith.addi %mul3A_84, %scan3A_109 : i32
            %get3A_111 = arith.index_cast %add3A_110 : i32 to index
            %get3A_112 = tpu.vector_load %arg8[%get3A_111] {strides = array<i32>} : memref<1048xi32, #tpu.memory_space<vmem>>, vector<16xi32>,
            %get3A_113 = vector.shape_cast %get3A_112 : vector<16xi32> to vector<16xi32>
            %slice3A_114 = vector.extract_strided_slice %get3A_113 {offsets = [0], sizes = [1], strides = [1]} : vector<16xi32> to vector<1xi32>
            %squeeze3A_115 = vector.extract %slice3A_114[0] : i32 from vector<1xi32>
            %get3A_116 = arith.index_cast %squeeze3A_115 : i32 to index
            %get3A_117 = arith.constant 0 : index
            %get3A_118 = tpu.vector_load %arg9[%get3A_116, %get3A_117] {strides = array<i32>} : memref<256x144xf32, #tpu.memory_space<vmem>>, vector<1x16xf32>,
            %get3A_119 = vector.shape_cast %get3A_118 : vector<1x16xf32> to vector<16xf32>
            %get3A_120 = arith.index_cast %scan3A_109 : i32 to index
            %get3A_121 = arith.constant 0 : index
            %get3A_122 = tpu.vector_load %arg7[%get3A_120, %get3A_121] {strides = array<i32>} : memref<128x128xf32, #tpu.memory_space<vmem>>, vector<1x16xf32>,
            %get3A_123 = vector.shape_cast %get3A_122 : vector<1x16xf32> to vector<16xf32>
            %add3A_124 = arith.addf %get3A_119, %get3A_123 : vector<16xf32>
            %swap3A = arith.index_cast %squeeze3A_115 : i32 to index
            %swap3A_125 = arith.constant 0 : index
            %swap3A_126 = tpu.vector_load %arg9[%swap3A, %swap3A_125] {strides = array<i32>} : memref<256x144xf32, #tpu.memory_space<vmem>>, vector<1x16xf32>,
            %swap3A_127 = vector.shape_cast %swap3A_126 : vector<1x16xf32> to vector<16xf32>
            %swap3A_128 = vector.shape_cast %add3A_124 : vector<16xf32> to vector<1x16xf32>
            tpu.vector_store %arg9[%swap3A, %swap3A_125], %swap3A_128 {strides = array<i32>} : memref<256x144xf32, #tpu.memory_space<vmem>>, vector<1x16xf32>,
            %get3A_129 = arith.index_cast %squeeze3A_115 : i32 to index
            %get3A_130 = arith.constant 16 : index
            %get3A_131 = tpu.vector_load %arg9[%get3A_129, %get3A_130] {strides = array<i32>} : memref<256x144xf32, #tpu.memory_space<vmem>>, vector<1x16xf32>,
            %get3A_132 = vector.shape_cast %get3A_131 : vector<1x16xf32> to vector<16xf32>
            %get3A_133 = arith.index_cast %scan3A_109 : i32 to index
            %get3A_134 = arith.constant 16 : index
            %get3A_135 = tpu.vector_load %arg7[%get3A_133, %get3A_134] {strides = array<i32>} : memref<128x128xf32, #tpu.memory_space<vmem>>, vector<1x16xf32>,
            %get3A_136 = vector.shape_cast %get3A_135 : vector<1x16xf32> to vector<16xf32>
            %add3A_137 = arith.addf %get3A_132, %get3A_136 : vector<16xf32>
            %swap3A_138 = arith.index_cast %squeeze3A_115 : i32 to index
            %swap3A_139 = arith.constant 16 : index
            %swap3A_140 = tpu.vector_load %arg9[%swap3A_138, %swap3A_139] {strides = array<i32>} : memref<256x144xf32, #tpu.memory_space<vmem>>, vector<1x16xf32>,
            %swap3A_141 = vector.shape_cast %swap3A_140 : vector<1x16xf32> to vector<16xf32>
            %swap3A_142 = vector.shape_cast %add3A_137 : vector<16xf32> to vector<1x16xf32>
            tpu.vector_store %arg9[%swap3A_138, %swap3A_139], %swap3A_142 {strides = array<i32>} : memref<256x144xf32, #tpu.memory_space<vmem>>, vector<1x16xf32>,
            %get3A_143 = arith.index_cast %squeeze3A_115 : i32 to index
            %get3A_144 = arith.constant 32 : index
            %get3A_145 = tpu.vector_load %arg9[%get3A_143, %get3A_144] {strides = array<i32>} : memref<256x144xf32, #tpu.memory_space<vmem>>, vector<1x16xf32>,
            %get3A_146 = vector.shape_cast %get3A_145 : vector<1x16xf32> to vector<16xf32>
            %get3A_147 = arith.index_cast %scan3A_109 : i32 to index
            %get3A_148 = arith.constant 32 : index
            %get3A_149 = tpu.vector_load %arg7[%get3A_147, %get3A_148] {strides = array<i32>} : memref<128x128xf32, #tpu.memory_space<vmem>>, vector<1x16xf32>,
            %get3A_150 = vector.shape_cast %get3A_149 : vector<1x16xf32> to vector<16xf32>
            %add3A_151 = arith.addf %get3A_146, %get3A_150 : vector<16xf32>
            %swap3A_152 = arith.index_cast %squeeze3A_115 : i32 to index
            %swap3A_153 = arith.constant 32 : index
            %swap3A_154 = tpu.vector_load %arg9[%swap3A_152, %swap3A_153] {strides = array<i32>} : memref<256x144xf32, #tpu.memory_space<vmem>>, vector<1x16xf32>,
            %swap3A_155 = vector.shape_cast %swap3A_154 : vector<1x16xf32> to vector<16xf32>
            %swap3A_156 = vector.shape_cast %add3A_151 : vector<16xf32> to vector<1x16xf32>
            tpu.vector_store %arg9[%swap3A_152, %swap3A_153], %swap3A_156 {strides = array<i32>} : memref<256x144xf32, #tpu.memory_space<vmem>>, vector<1x16xf32>,
            %get3A_157 = arith.index_cast %squeeze3A_115 : i32 to index
            %get3A_158 = arith.constant 48 : index
            %get3A_159 = tpu.vector_load %arg9[%get3A_157, %get3A_158] {strides = array<i32>} : memref<256x144xf32, #tpu.memory_space<vmem>>, vector<1x16xf32>,
            %get3A_160 = vector.shape_cast %get3A_159 : vector<1x16xf32> to vector<16xf32>
            %get3A_161 = arith.index_cast %scan3A_109 : i32 to index
            %get3A_162 = arith.constant 48 : index
            %get3A_163 = tpu.vector_load %arg7[%get3A_161, %get3A_162] {strides = array<i32>} : memref<128x128xf32, #tpu.memory_space<vmem>>, vector<1x16xf32>,
            %get3A_164 = vector.shape_cast %get3A_163 : vector<1x16xf32> to vector<16xf32>
            %add3A_165 = arith.addf %get3A_160, %get3A_164 : vector<16xf32>
            %swap3A_166 = arith.index_cast %squeeze3A_115 : i32 to index
            %swap3A_167 = arith.constant 48 : index
            %swap3A_168 = tpu.vector_load %arg9[%swap3A_166, %swap3A_167] {strides = array<i32>} : memref<256x144xf32, #tpu.memory_space<vmem>>, vector<1x16xf32>,
            %swap3A_169 = vector.shape_cast %swap3A_168 : vector<1x16xf32> to vector<16xf32>
            %swap3A_170 = vector.shape_cast %add3A_165 : vector<16xf32> to vector<1x16xf32>
            tpu.vector_store %arg9[%swap3A_166, %swap3A_167], %swap3A_170 {strides = array<i32>} : memref<256x144xf32, #tpu.memory_space<vmem>>, vector<1x16xf32>,
            %get3A_171 = arith.index_cast %squeeze3A_115 : i32 to index
            %get3A_172 = arith.constant 64 : index
            %get3A_173 = tpu.vector_load %arg9[%get3A_171, %get3A_172] {strides = array<i32>} : memref<256x144xf32, #tpu.memory_space<vmem>>, vector<1x16xf32>,
            %get3A_174 = vector.shape_cast %get3A_173 : vector<1x16xf32> to vector<16xf32>
            %get3A_175 = arith.index_cast %scan3A_109 : i32 to index
            %get3A_176 = arith.constant 64 : index
            %get3A_177 = tpu.vector_load %arg7[%get3A_175, %get3A_176] {strides = array<i32>} : memref<128x128xf32, #tpu.memory_space<vmem>>, vector<1x16xf32>,
            %get3A_178 = vector.shape_cast %get3A_177 : vector<1x16xf32> to vector<16xf32>
            %add3A_179 = arith.addf %get3A_174, %get3A_178 : vector<16xf32>
            %swap3A_180 = arith.index_cast %squeeze3A_115 : i32 to index
            %swap3A_181 = arith.constant 64 : index
            %swap3A_182 = tpu.vector_load %arg9[%swap3A_180, %swap3A_181] {strides = array<i32>} : memref<256x144xf32, #tpu.memory_space<vmem>>, vector<1x16xf32>,
            %swap3A_183 = vector.shape_cast %swap3A_182 : vector<1x16xf32> to vector<16xf32>
            %swap3A_184 = vector.shape_cast %add3A_179 : vector<16xf32> to vector<1x16xf32>
            tpu.vector_store %arg9[%swap3A_180, %swap3A_181], %swap3A_184 {strides = array<i32>} : memref<256x144xf32, #tpu.memory_space<vmem>>, vector<1x16xf32>,
            %get3A_185 = arith.index_cast %squeeze3A_115 : i32 to index
            %get3A_186 = arith.constant 80 : index
            %get3A_187 = tpu.vector_load %arg9[%get3A_185, %get3A_186] {strides = array<i32>} : memref<256x144xf32, #tpu.memory_space<vmem>>, vector<1x16xf32>,
            %get3A_188 = vector.shape_cast %get3A_187 : vector<1x16xf32> to vector<16xf32>
            %get3A_189 = arith.index_cast %scan3A_109 : i32 to index
            %get3A_190 = arith.constant 80 : index
            %get3A_191 = tpu.vector_load %arg7[%get3A_189, %get3A_190] {strides = array<i32>} : memref<128x128xf32, #tpu.memory_space<vmem>>, vector<1x16xf32>,
            %get3A_192 = vector.shape_cast %get3A_191 : vector<1x16xf32> to vector<16xf32>
            %add3A_193 = arith.addf %get3A_188, %get3A_192 : vector<16xf32>
            %swap3A_194 = arith.index_cast %squeeze3A_115 : i32 to index
            %swap3A_195 = arith.constant 80 : index
            %swap3A_196 = tpu.vector_load %arg9[%swap3A_194, %swap3A_195] {strides = array<i32>} : memref<256x144xf32, #tpu.memory_space<vmem>>, vector<1x16xf32>,
            %swap3A_197 = vector.shape_cast %swap3A_196 : vector<1x16xf32> to vector<16xf32>
            %swap3A_198 = vector.shape_cast %add3A_193 : vector<16xf32> to vector<1x16xf32>
            tpu.vector_store %arg9[%swap3A_194, %swap3A_195], %swap3A_198 {strides = array<i32>} : memref<256x144xf32, #tpu.memory_space<vmem>>, vector<1x16xf32>,
            %get3A_199 = arith.index_cast %squeeze3A_115 : i32 to index
            %get3A_200 = arith.constant 96 : index
            %get3A_201 = tpu.vector_load %arg9[%get3A_199, %get3A_200] {strides = array<i32>} : memref<256x144xf32, #tpu.memory_space<vmem>>, vector<1x16xf32>,
            %get3A_202 = vector.shape_cast %get3A_201 : vector<1x16xf32> to vector<16xf32>
            %get3A_203 = arith.index_cast %scan3A_109 : i32 to index
            %get3A_204 = arith.constant 96 : index
            %get3A_205 = tpu.vector_load %arg7[%get3A_203, %get3A_204] {strides = array<i32>} : memref<128x128xf32, #tpu.memory_space<vmem>>, vector<1x16xf32>,
            %get3A_206 = vector.shape_cast %get3A_205 : vector<1x16xf32> to vector<16xf32>
            %add3A_207 = arith.addf %get3A_202, %get3A_206 : vector<16xf32>
            %swap3A_208 = arith.index_cast %squeeze3A_115 : i32 to index
            %swap3A_209 = arith.constant 96 : index
            %swap3A_210 = tpu.vector_load %arg9[%swap3A_208, %swap3A_209] {strides = array<i32>} : memref<256x144xf32, #tpu.memory_space<vmem>>, vector<1x16xf32>,
            %swap3A_211 = vector.shape_cast %swap3A_210 : vector<1x16xf32> to vector<16xf32>
            %swap3A_212 = vector.shape_cast %add3A_207 : vector<16xf32> to vector<1x16xf32>
            tpu.vector_store %arg9[%swap3A_208, %swap3A_209], %swap3A_212 {strides = array<i32>} : memref<256x144xf32, #tpu.memory_space<vmem>>, vector<1x16xf32>,
            %get3A_213 = arith.index_cast %squeeze3A_115 : i32 to index
            %get3A_214 = arith.constant 112 : index
            %get3A_215 = tpu.vector_load %arg9[%get3A_213, %get3A_214] {strides = array<i32>} : memref<256x144xf32, #tpu.memory_space<vmem>>, vector<1x16xf32>,
            %get3A_216 = vector.shape_cast %get3A_215 : vector<1x16xf32> to vector<16xf32>
            %get3A_217 = arith.index_cast %scan3A_109 : i32 to index
            %get3A_218 = arith.constant 112 : index
            %get3A_219 = tpu.vector_load %arg7[%get3A_217, %get3A_218] {strides = array<i32>} : memref<128x128xf32, #tpu.memory_space<vmem>>, vector<1x16xf32>,
            %get3A_220 = vector.shape_cast %get3A_219 : vector<1x16xf32> to vector<16xf32>
            %add3A_221 = arith.addf %get3A_216, %get3A_220 : vector<16xf32>
            %swap3A_222 = arith.index_cast %squeeze3A_115 : i32 to index
            %swap3A_223 = arith.constant 112 : index
            %swap3A_224 = tpu.vector_load %arg9[%swap3A_222, %swap3A_223] {strides = array<i32>} : memref<256x144xf32, #tpu.memory_space<vmem>>, vector<1x16xf32>,
            %swap3A_225 = vector.shape_cast %swap3A_224 : vector<1x16xf32> to vector<16xf32>
            %swap3A_226 = vector.shape_cast %add3A_221 : vector<16xf32> to vector<1x16xf32>
            tpu.vector_store %arg9[%swap3A_222, %swap3A_223], %swap3A_226 {strides = array<i32>} : memref<256x144xf32, #tpu.memory_space<vmem>>, vector<1x16xf32>,
            %get3A_227 = arith.index_cast %squeeze3A_115 : i32 to index
            %get3A_228 = arith.constant 128 : index
            %get3A_229 = tpu.vector_load %arg9[%get3A_227, %get3A_228] {strides = array<i32>} : memref<256x144xf32, #tpu.memory_space<vmem>>, vector<1x16xf32>,
            %get3A_230 = vector.shape_cast %get3A_229 : vector<1x16xf32> to vector<16xf32>
            %add3A_231 = arith.addf %get3A_230, %broadcast_in_dim3A_5 : vector<16xf32>
            %swap3A_232 = arith.index_cast %squeeze3A_115 : i32 to index
            %swap3A_233 = arith.constant 128 : index
            %swap3A_234 = tpu.vector_load %arg9[%swap3A_232, %swap3A_233] {strides = array<i32>} : memref<256x144xf32, #tpu.memory_space<vmem>>, vector<1x16xf32>,
            %swap3A_235 = vector.shape_cast %swap3A_234 : vector<1x16xf32> to vector<16xf32>
            %swap3A_236 = vector.shape_cast %add3A_231 : vector<16xf32> to vector<1x16xf32>
            tpu.vector_store %arg9[%swap3A_232, %swap3A_233], %swap3A_236 {strides = array<i32>} : memref<256x144xf32, #tpu.memory_space<vmem>>, vector<1x16xf32>,
          }
          %scan3A_108 = arith.constant 128 : i32
        } else {
        }
      } else {
      }
    }
    "tpu.region"() ({
      %run_scoped3A = tpu.sem_alloc : memref<!tpu.dma_semaphore, #tpu.memory_space<semaphore_mem>>
      %dma_start3A_44 = arith.constant 0 : i32
      %dma_start3A_45 = arith.constant 0 : i32
      %dma_start3A_46 = tpu.memref_slice %arg4[%add3A, %dma_start3A_44, %dma_start3A_45] : memref<32x256x144xf32, #tpu.memory_space<hbm>> -> memref<1x256x144xf32, #tpu.memory_space<hbm>>
      %dma_start3A_47 = tpu.memref_squeeze %dma_start3A_46 : memref<1x256x144xf32, #tpu.memory_space<hbm>> -> memref<256x144xf32, #tpu.memory_space<hbm>>
      %dma_start3A_48 = arith.constant 0 : i32
      %dma_start3A_49 = arith.constant 0 : i32
      %dma_start3A_50 = tpu.memref_slice %arg4[%add3A, %dma_start3A_48, %dma_start3A_49] : memref<32x256x144xf32, #tpu.memory_space<hbm>> -> memref<1x256x144xf32, #tpu.memory_space<hbm>>
      %dma_start3A_51 = tpu.memref_squeeze %dma_start3A_50 : memref<1x256x144xf32, #tpu.memory_space<hbm>> -> memref<256x144xf32, #tpu.memory_space<hbm>>
      tpu.enqueue_dma source(%arg9 : memref<256x144xf32, #tpu.memory_space<vmem>>) target(%dma_start3A_51 : memref<256x144xf32, #tpu.memory_space<hbm>>) target_semaphore(%run_scoped3A : memref<!tpu.dma_semaphore, #tpu.memory_space<semaphore_mem>>)
      %dma_wait3A_52 = arith.constant 0 : i32
      %dma_wait3A_53 = arith.constant 0 : i32
      %dma_wait3A_54 = tpu.memref_slice %arg4[%add3A, %dma_wait3A_52, %dma_wait3A_53] : memref<32x256x144xf32, #tpu.memory_space<hbm>> -> memref<1x256x144xf32, #tpu.memory_space<hbm>>
      %dma_wait3A_55 = tpu.memref_squeeze %dma_wait3A_54 : memref<1x256x144xf32, #tpu.memory_space<hbm>> -> memref<256x144xf32, #tpu.memory_space<hbm>>
      %dma_wait3A_56 = arith.constant 0 : i32
      %dma_wait3A_57 = arith.constant 0 : i32
      %dma_wait3A_58 = tpu.memref_slice %arg4[%add3A, %dma_wait3A_56, %dma_wait3A_57] : memref<32x256x144xf32, #tpu.memory_space<hbm>> -> memref<1x256x144xf32, #tpu.memory_space<hbm>>
      %dma_wait3A_59 = tpu.memref_squeeze %dma_wait3A_58 : memref<1x256x144xf32, #tpu.memory_space<hbm>> -> memref<256x144xf32, #tpu.memory_space<hbm>>
      tpu.wait_dma2 semaphore(%run_scoped3A : memref<!tpu.dma_semaphore, #tpu.memory_space<semaphore_mem>>) src(%arg9 : memref<256x144xf32, #tpu.memory_space<vmem>>) dst(%dma_wait3A_59 : memref<256x144xf32, #tpu.memory_space<hbm>>)
      tpu.yield
    }) : () -> ()
    return
  }
}

module attributes {stable_mosaic.version = 14 : i64} {
  func.func @_merge_body(%arg0: memref<32x256x144xf32, #tpu.memory_space<vmem>>, %arg1: memref<2x256xf32, #tpu.memory_space<vmem>>, %arg2: memref<128x1xf32, #tpu.memory_space<vmem>>, %arg3: memref<1x1xf32, #tpu.memory_space<vmem>>, %arg4: memref<256x1xf32, #tpu.memory_space<vmem>>) attributes {dimension_semantics = [], scalar_prefetch = 0 : i64, scratch_operands = 0 : i64, tpu.core_type = #tpu.core_type<tc>} {
    %get3A = arith.constant 0 : index
    %get3A_0 = arith.constant 0 : index
    %get3A_1 = arith.constant 0 : index
    %get3A_2 = vector.load %arg0[%get3A, %get3A_0, %get3A_1] : memref<32x256x144xf32, #tpu.memory_space<vmem>>, vector<32x256x144xf32>
    %reduce_sum3A = arith.constant dense<0.000000e+00> : vector<256x144xf32>
    %reduce_sum3A_3 = vector.multi_reduction <add>, %get3A_2, %reduce_sum3A [0] : vector<32x256x144xf32> to vector<256x144xf32>
    %slice3A = vector.extract_strided_slice %reduce_sum3A_3 {offsets = [0, 0], sizes = [256, 128], strides = [1, 1]} : vector<256x144xf32> to vector<256x128xf32>
    %get3A_4 = arith.constant 0 : index
    %get3A_5 = arith.constant 0 : index
    %get3A_6 = vector.load %arg2[%get3A_4, %get3A_5] : memref<128x1xf32, #tpu.memory_space<vmem>>, vector<128x1xf32>
    %dot_general3A = arith.constant dense<0.000000e+00> : vector<256x1xf32>
    %dot_general3A_7 = tpu.matmul %slice3A, %get3A_6, %dot_general3A {dimension_numbers = #tpu.dot_dimension_numbers<[1], [0], [0], [1], [0, 0, 1, 1], [], []>, transpose_lhs_hint = false} : vector<256x128xf32>, vector<128x1xf32>, vector<256x1xf32> -> vector<256x1xf32>
    %squeeze3A = vector.shape_cast %dot_general3A_7 : vector<256x1xf32> to vector<256xf32>
    %get3A_8 = arith.constant 0 : index
    %get3A_9 = arith.constant 0 : index
    %get3A_10 = vector.load %arg1[%get3A_8, %get3A_9] : memref<2x256xf32, #tpu.memory_space<vmem>>, vector<1x256xf32>
    %get3A_11 = vector.shape_cast %get3A_10 : vector<1x256xf32> to vector<256xf32>
    %add3A = arith.addf %squeeze3A, %get3A_11 : vector<256xf32>
    %slice3A_12 = vector.extract_strided_slice %reduce_sum3A_3 {offsets = [0, 128], sizes = [256, 1], strides = [1, 1]} : vector<256x144xf32> to vector<256x1xf32>
    %squeeze3A_13 = vector.shape_cast %slice3A_12 : vector<256x1xf32> to vector<256xf32>
    %get3A_14 = arith.constant 1 : index
    %get3A_15 = arith.constant 0 : index
    %get3A_16 = vector.load %arg1[%get3A_14, %get3A_15] : memref<2x256xf32, #tpu.memory_space<vmem>>, vector<1x256xf32>
    %get3A_17 = vector.shape_cast %get3A_16 : vector<1x256xf32> to vector<256xf32>
    %add3A_18 = arith.addf %squeeze3A_13, %get3A_17 : vector<256xf32>
    %max3A = arith.constant 1.000000e+00 : f32
    %max3A_19 = vector.broadcast %max3A : f32 to vector<256xf32>
    %max3A_20 = arith.maximumf %add3A_18, %max3A_19 : vector<256xf32>
    %div3A = arith.divf %add3A, %max3A_20 : vector<256xf32>
    %get3A_21 = arith.constant 0 : index
    %get3A_22 = arith.constant 0 : index
    %get3A_23 = vector.load %arg3[%get3A_21, %get3A_22] : memref<1x1xf32, #tpu.memory_space<vmem>>, vector<1x1xf32>
    %get3A_24 = vector.extract %get3A_23[0, 0] : f32 from vector<1x1xf32>
    %add3A_25 = vector.broadcast %get3A_24 : f32 to vector<256xf32>
    %add3A_26 = arith.addf %div3A, %add3A_25 : vector<256xf32>
    %logistic3A = arith.negf %add3A_26 : vector<256xf32>
    %logistic3A_27 = math.exp %logistic3A : vector<256xf32>
    %logistic3A_28 = arith.constant 1.000000e+00 : f32
    %logistic3A_29 = vector.broadcast %logistic3A_28 : f32 to vector<256xf32>
    %logistic3A_30 = arith.addf %logistic3A_29, %logistic3A_27 : vector<256xf32>
    %logistic3A_31 = arith.divf %logistic3A_29, %logistic3A_30 : vector<256xf32>
    %broadcast_in_dim3A = vector.shape_cast %logistic3A_31 : vector<256xf32> to vector<256x1xf32>
    %swap3A = arith.constant 0 : index
    %swap3A_32 = arith.constant 0 : index
    %swap3A_33 = vector.load %arg4[%swap3A, %swap3A_32] : memref<256x1xf32, #tpu.memory_space<vmem>>, vector<256x1xf32>
    tpu.vector_store %arg4[%swap3A, %swap3A_32], %broadcast_in_dim3A {strides = array<i32>} : memref<256x1xf32, #tpu.memory_space<vmem>>, vector<256x1xf32>,
    return
  }
}

module attributes {stable_mosaic.version = 14 : i64} {
  func.func @_tc_body(%arg0: i32, %arg1: memref<2000x128xf32, #tpu.memory_space<vmem>>, %arg2: memref<1x1x2000xi32, #tpu.memory_space<vmem>>, %arg3: memref<128x1xf32, #tpu.memory_space<vmem>>, %arg4: memref<2x256xf32, #tpu.memory_space<vmem>>) attributes {dimension_semantics = [#tpu.dimension_semantics<arbitrary>], iteration_bounds = array<i64: 34>, scalar_prefetch = 0 : i64, scratch_operands = 0 : i64, tpu.core_type = #tpu.core_type<tc>, window_params = [{transform_indices = @transform_0, window_bounds = array<i64: 2000, 128>}, {transform_indices = @transform_1, window_bounds = array<i64: 1, 1, 2000>}, {pipeline_mode = #tpu.pipeline_mode<synchronous>, transform_indices = @transform_2, window_bounds = array<i64: 128, 1>}, {pipeline_mode = #tpu.pipeline_mode<synchronous>, transform_indices = @transform_3, window_bounds = array<i64: 2, 256>}]} {
    %eq3A = arith.constant 0 : i32
    %eq3A_0 = arith.cmpi eq, %arg0, %eq3A : i32
    %convert_element_type3A = arith.extui %eq3A_0 : i1 to i32
    %cond3A = arith.constant 0 : i32
    %cond3A_1 = arith.cmpi ne, %convert_element_type3A, %cond3A : i32
    scf.if %cond3A_1 {
      %broadcast_in_dim3A_27 = arith.constant 0.000000e+00 : f32
      %broadcast_in_dim3A_28 = vector.broadcast %broadcast_in_dim3A_27 : f32 to vector<2x256xf32>
      %swap3A_29 = arith.constant 0 : index
      %swap3A_30 = arith.constant 0 : index
      %swap3A_31 = vector.load %arg4[%swap3A_29, %swap3A_30] : memref<2x256xf32, #tpu.memory_space<vmem>>, vector<2x256xf32>
      tpu.vector_store %arg4[%swap3A_29, %swap3A_30], %broadcast_in_dim3A_28 {strides = array<i32>} : memref<2x256xf32, #tpu.memory_space<vmem>>, vector<2x256xf32>,
    } else {
    }
    %get3A = arith.constant 0 : index
    %get3A_2 = arith.constant 0 : index
    %get3A_3 = vector.load %arg1[%get3A, %get3A_2] : memref<2000x128xf32, #tpu.memory_space<vmem>>, vector<2000x128xf32>
    %get3A_4 = arith.constant 0 : index
    %get3A_5 = arith.constant 0 : index
    %get3A_6 = vector.load %arg3[%get3A_4, %get3A_5] : memref<128x1xf32, #tpu.memory_space<vmem>>, vector<128x1xf32>
    %dot_general3A = arith.constant dense<0.000000e+00> : vector<2000x1xf32>
    %dot_general3A_7 = tpu.matmul %get3A_3, %get3A_6, %dot_general3A {dimension_numbers = #tpu.dot_dimension_numbers<[1], [0], [0], [1], [0, 0, 1, 1], [], []>, transpose_lhs_hint = false} : vector<2000x128xf32>, vector<128x1xf32>, vector<2000x1xf32> -> vector<2000x1xf32>
    %get3A_8 = arith.constant 0 : index
    %get3A_9 = arith.constant 0 : index
    %get3A_10 = arith.constant 0 : index
    %get3A_11 = vector.load %arg2[%get3A_8, %get3A_9, %get3A_10] : memref<1x1x2000xi32, #tpu.memory_space<vmem>>, vector<1x1x2000xi32>
    %get3A_12 = vector.shape_cast %get3A_11 : vector<1x1x2000xi32> to vector<2000xi32>
    %broadcast_in_dim3A = vector.shape_cast %get3A_12 : vector<2000xi32> to vector<2000x1xi32>
    %iota3A = tpu.iota {dimensions = array<i32: 1>} : vector<1x256xi32>
    %eq3A_13 = vector.broadcast %broadcast_in_dim3A : vector<2000x1xi32> to vector<2000x256xi32>
    %eq3A_14 = vector.broadcast %iota3A : vector<1x256xi32> to vector<2000x256xi32>
    %eq3A_15 = arith.cmpi eq, %eq3A_13, %eq3A_14 : vector<2000x256xi32>
    %convert_element_type3A_16 = arith.extui %eq3A_15 : vector<2000x256xi1> to vector<2000x256xi32>
    %convert_element_type3A_17 = arith.sitofp %convert_element_type3A_16 : vector<2000x256xi32> to vector<2000x256xf32>
    %broadcast_in_dim3A_18 = arith.constant 1.000000e+00 : f32
    %broadcast_in_dim3A_19 = vector.broadcast %broadcast_in_dim3A_18 : f32 to vector<2000x1xf32>
    %concatenate3A = tpu.concatenate %dot_general3A_7, %broadcast_in_dim3A_19 in 1 : vector<2000x1xf32>, vector<2000x1xf32> -> vector<2000x2xf32>
    %get3A_20 = arith.constant 0 : index
    %get3A_21 = arith.constant 0 : index
    %get3A_22 = vector.load %arg4[%get3A_20, %get3A_21] : memref<2x256xf32, #tpu.memory_space<vmem>>, vector<2x256xf32>
    %dot_general3A_23 = arith.constant dense<0.000000e+00> : vector<2x256xf32>
    %dot_general3A_24 = tpu.matmul %concatenate3A, %convert_element_type3A_17, %dot_general3A_23 {dimension_numbers = #tpu.dot_dimension_numbers<[0], [0], [1], [1], [0, 1, 1, 1], [], []>, transpose_lhs_hint = false} : vector<2000x2xf32>, vector<2000x256xf32>, vector<2x256xf32> -> vector<2x256xf32>
    %add3A = arith.addf %get3A_22, %dot_general3A_24 : vector<2x256xf32>
    %swap3A = arith.constant 0 : index
    %swap3A_25 = arith.constant 0 : index
    %swap3A_26 = vector.load %arg4[%swap3A, %swap3A_25] : memref<2x256xf32, #tpu.memory_space<vmem>>, vector<2x256xf32>
    tpu.vector_store %arg4[%swap3A, %swap3A_25], %add3A {strides = array<i32>} : memref<2x256xf32, #tpu.memory_space<vmem>>, vector<2x256xf32>,
    return
  }
  func.func @transform_0(%arg0: i32) -> (i32, i32) {
    %add3A = arith.constant 16 : i32
    %add3A_0 = arith.addi %arg0, %add3A : i32
    %c0_i32 = arith.constant 0 : i32
    %c0_i32_1 = arith.constant 0 : i32
    return %add3A_0, %c0_i32 : i32, i32
  }
  func.func @transform_1(%arg0: i32) -> (i32, i32, i32) {
    %add3A = arith.constant 16 : i32
    %add3A_0 = arith.addi %arg0, %add3A : i32
    %c0_i32 = arith.constant 0 : i32
    %c0_i32_1 = arith.constant 0 : i32
    %c0_i32_2 = arith.constant 0 : i32
    return %add3A_0, %c0_i32, %c0_i32_1 : i32, i32, i32
  }
  func.func @transform_2(%arg0: i32) -> (i32, i32) {
    %c0_i32 = arith.constant 0 : i32
    %c0_i32_0 = arith.constant 0 : i32
    %c0_i32_1 = arith.constant 0 : i32
    return %c0_i32, %c0_i32_0 : i32, i32
  }
  func.func @transform_3(%arg0: i32) -> (i32, i32) {
    %c0_i32 = arith.constant 0 : i32
    %c0_i32_0 = arith.constant 0 : i32
    %c0_i32_1 = arith.constant 0 : i32
    return %c0_i32, %c0_i32_0 : i32, i32
  }
}

</mosaic_0001>

<sc_bundles>
// kernel: kernel.5.cloned.1.call-start
scs
__scs_entry_jumppad:
0x0: {  	(pc) =	sbr.rel $0x88, $3  }
0x1: {  	(tag) =	ssettag $0x0;
	lr =	simm.s32 $0x1  }
0x2: {  	[smem:$0x3F9D] =	sst lr;
	_ =	strace $0xD0000000  }
0x3: {  	_ = 	snop  }
0x4: {  	_ = 	snop  }
0x5: {  	_ = 	snop  }
0x6: {  	_ = 	snop  }
0x7: {  	_ = 	snop  }
__scs_overlays_trampoline_lowered:
0x8: {  	[smem:$0x3FAC] =	sst s0  }
0x9: {  	[smem:$0x3FAD] =	sst s1  }
0xa: {  	[smem:$0x3FAE] =	sst s2  }
0xb: {  	[smem:$0x3FAF] =	sst s3  }
0xc: {  	[smem:$0x3FB0] =	sst s4  }
0xd: {  	[smem:$0x3FB1] =	sst s5  }
0xe: {  	[smem:$0x3FB2] =	sst s6  }
0xf: {  	[smem:$0x3FB3] =	sst s7  }
0x10: {  	[smem:$0x3FB4] =	sst s8  }
0x11: {  	[smem:$0x3FB5] =	sst s9;
	s0 =	simm.s32 @!p0 $0x0  }
0x12: {  	s1 =	sld [smem:$0x3F9B];
	s0 =	simm.s32 @p0 $0x1  }
0x13: {  	[smem:$0x3FB6] =	sst s0;
	s0 =	simm.s32 @!p1 $0x0  }
0x14: {  	s2 =	sld [smem:$0x3F9A];
	s0 =	simm.s32 @p1 $0x1  }
0x15: {  	[smem:$0x3FB7] =	sst s0;
	s0 =	simm.s32 @!p2 $0x0  }
0x16: {  	s3 =	sld [smem:$0x3FDB];
	s0 =	simm.s32 @p2 $0x1  }
0x17: {  	s4 =	simm.s32 $0x1BF5;
	[smem:$0x3FB9] =	sst s0  }
0x18: {  	s0 =	sld [smem:$0x3F9C];
	_ =	swait.ge [sflag:s4], $0x0  }
0x19: {  	s7 =	sld [smem:$0x3F9D]  }
0x1a: {  	s8 =	sadd.s32 $0xFFFFE003, lr  }
0x1b: {  	s9 =	sadd.s32 $0xFFFFFEF7, lr;
	s5 =	simm.s32 $0xFFFFFFFF;
	p2 =	slt.u32 s8, $0xFFFFF086  }
0x1c: {  	p1 =	slt.u32 s9, $0xF7A;
	s5 =	simm.s32 @!p2 $0x0  }
0x1d: {  	s5 =	simm.s32 @p1 $0x1;
	p0 =	seq.s32 s7, s2  }
0x1e: {  	s7 =	smul.u32 @!p0 $0xF7A, s2;
	p2 =	seq.s32 @!p0 s5, $0x0  }
0x1f: {  	s9 =	smul.u32 $0xF7A, s1;
	s8 =	simm.s32 @!p0 $0x1BF5;
	p2 =	por !p2, p0  }
0x20: {  	[sflag:s8] =	ssyncset.s32 @!p0 $0xFFFFF086;
	s6 =	sadd.s32 @!p0 s3, s7;
	s7 =	simm.s32 @!p0 $0x108  }
0x21: {  	s3 =	sadd.s32 s3, s9;
	s6 =	sadd.s32 @!p0 $0x88, s6;
	s7 =	simm.s32 @p2 $0x1082  }
0x22: {  	[simem:s7], [sflag:s8] =	dma.local @!p0 [hbm:s6], $0xF7A  }
0x23: {  	s9 =	sor.u32 $0xD0000000, s2;
	s6 =	simm.s32 $0x108;
	_ =	swait.ge @!p0 [sflag:s8], $0x0  }
0x24: {  	s3 =	sadd.s32 $0x88, s3;
	s6 =	simm.s32 @!p1 $0x1082;
	[sflag:s4] =	ssyncset.s32 $0xFFFFF086  }
0x25: {  	[simem:s6], [sflag:s4] =	dma.local [hbm:s3], $0xF7A  }
0x26: {  	[smem:$0x3F9D] =	sst s1;
	(tag) =	ssettag s2;
	_ =	strace s9  }
0x27: {  	s1 =	sld [smem:$0x3FAD]  }
0x28: {  	s2 =	sld [smem:$0x3FAE]  }
0x29: {  	s4 =	sld [smem:$0x3FB0]  }
0x2a: {  	p0 =	seq.s32 s5, $0x0;
	s5 =	sld [smem:$0x3FB1]  }
0x2b: {  	s6 =	sld [smem:$0x3FB2]  }
0x2c: {  	s7 =	sld [smem:$0x3FB3]  }
0x2d: {  	s3 =	simm.s32 $0x108;
	s8 =	sld [smem:$0x3FB4]  }
0x2e: {  	s3 =	simm.s32 @!p0 $0x1082;
	s9 =	sld [smem:$0x3FB5]  }
0x2f: {  	lr =	sadd.s32 s0, s3;
	s0 =	sld [smem:$0x3FAC]  }
0x30: {  	s3 =	sld [smem:$0x3FAF]  }
0x31: {  	[smem:$0x3FB8] =	sst s10  }
0x32: {  	s10 =	sld [smem:$0x3FB6];
	_ =	sdelay $0x3  }
0x33: {  	p0 =	seq.s32 s10, $0x1;
	s10 =	sld [smem:$0x3FB8];
	_ =	sdelay $0x3  }
0x34: {  	[smem:$0x3FB8] =	sst s10  }
0x35: {  	s10 =	sld [smem:$0x3FB7];
	_ =	sdelay $0x3  }
0x36: {  	p1 =	seq.s32 s10, $0x1;
	s10 =	sld [smem:$0x3FB8];
	_ =	sdelay $0x3  }
0x37: {  	[smem:$0x3FB8] =	sst s10  }
0x38: {  	s10 =	sld [smem:$0x3FB9]  }
0x39: {  	_ = 	snop;
	(pc) =	sbr.ind lr, $3  }
0x3a: {  	_ = 	snop  }
0x3b: {  	_ = 	snop  }
0x3c: {  	p2 =	seq.s32 s10, $0x1;
	s10 =	sld [smem:$0x3FB8]  }
0x3d: {  	_ =	shalt  }
0x3e: {  	_ =	shalt  }
0x3f: {  	_ =	shalt  }
0x40: {  	_ =	shalt  }
0x41: {  	_ =	shalt  }
0x42: {  	_ =	shalt  }
0x43: {  	_ =	shalt  }
0x44: {  	_ =	shalt  }
0x45: {  	_ =	shalt  }
0x46: {  	_ =	shalt  }
0x47: {  	_ =	shalt  }
0x48: {  	_ =	shalt  }
0x49: {  	_ =	shalt  }
0x4a: {  	_ =	shalt  }
0x4b: {  	_ =	shalt  }
0x4c: {  	_ =	shalt  }
0x4d: {  	_ =	shalt  }
0x4e: {  	_ =	shalt  }
0x4f: {  	_ =	shalt  }
0x50: {  	_ =	shalt  }
0x51: {  	_ =	shalt  }
0x52: {  	_ =	shalt  }
0x53: {  	_ =	shalt  }
0x54: {  	_ =	shalt  }
0x55: {  	_ =	shalt  }
0x56: {  	_ =	shalt  }
0x57: {  	_ =	shalt  }
0x58: {  	_ =	shalt  }
0x59: {  	_ =	shalt  }
0x5a: {  	_ =	shalt  }
0x5b: {  	_ =	shalt  }
0x5c: {  	_ =	shalt  }
0x5d: {  	_ =	shalt  }
0x5e: {  	_ =	shalt  }
0x5f: {  	_ =	shalt  }
0x60: {  	_ =	shalt  }
0x61: {  	_ =	shalt  }
0x62: {  	_ =	shalt  }
0x63: {  	_ =	shalt  }
0x64: {  	_ =	shalt  }
0x65: {  	_ =	shalt  }
0x66: {  	_ =	shalt  }
0x67: {  	_ =	shalt  }
0x68: {  	_ =	shalt  }
0x69: {  	_ =	shalt  }
0x6a: {  	_ =	shalt  }
0x6b: {  	_ =	shalt  }
0x6c: {  	_ =	shalt  }
0x6d: {  	_ =	shalt  }
0x6e: {  	_ =	shalt  }
0x6f: {  	_ =	shalt  }
0x70: {  	_ =	shalt  }
0x71: {  	_ =	shalt  }
0x72: {  	_ =	shalt  }
0x73: {  	_ =	shalt  }
0x74: {  	_ =	shalt  }
0x75: {  	_ =	shalt  }
0x76: {  	_ =	shalt  }
0x77: {  	_ =	shalt  }
0x78: {  	_ =	shalt  }
0x79: {  	_ =	shalt  }
0x7a: {  	_ =	shalt  }
0x7b: {  	_ =	shalt  }
0x7c: {  	_ =	shalt  }
0x7d: {  	_ =	shalt  }
0x7e: {  	_ =	shalt  }
0x7f: {  	_ =	shalt  }
0x80: {  	_ =	shalt  }
0x81: {  	_ =	shalt  }
0x82: {  	_ =	shalt  }
0x83: {  	_ =	shalt  }
0x84: {  	_ =	shalt  }
0x85: {  	_ =	shalt  }
0x86: {  	_ =	shalt  }
0x87: {  	_ =	shalt  }
.Lfunc_end0:
.L_simem_size_0:
called_computation_lowered:
.L_overlay_start_0:
0x88: {  	s2 =	sld [smem:$0x3FD9]  }
0x89: {  	s3 =	sld [smem:$0x3FFE];
	_ =	sdelay $0x1  }
0x8a: {  	s1 =	srdreg.scid  }
0x8b: {  	s0 =	sand.u32 $0x1, s1  }
0x8c: {  	s17 =	sshll.u32 s0, $0xA;
	s2 =	sadd.s32 s3, s2  }
0x8d: {  	s2 =	sadd.s32 s2, s17  }
0x8e: {  	[smem:$0x3FC4] =	sst s2  }
0x8f: {  	_ = 	snop  }
0x90: {  	s2 =	sld [smem:$0x3FC9]  }
0x91: {  	s18 =	sld [smem:$0x3FC8];
	(tm) =	ssettm $0x1  }
0x92: {  	s4 =	sld [smem:$0x3FFB];
	_ =	sdelay $0x3  }
0x93: {  	_ =	strace s4  }
0x94: {  	s4 =	sld [smem:$0x3FFC];
	_ =	sdelay $0x3  }
0x95: {  	_ =	strace s4  }
0x96: {  	s4 =	sld [smem:$0x3FFD];
	_ =	sdelay $0x3  }
0x97: {  	_ =	strace s4  }
0x98: {  	_ =	strace $0x8FFFFFFF  }
0x99: {  	s19 =	sld [smem:$0x3FDB];
	_ =	sdelay $0x1  }
0x9a: {  	s5 =	simm.s32 $_scs_section_size  }
0x9b: {  	s6 =	simm.s32 $_size__tile_overlayer_lowered;
	s7 =	simm.s32 $_tile_overlayer_lowered  }
0x9c: {  	s22 =	simm.s32 $0x1BFF;
	s21 =	sshll.u32 s7, $0x1;
	s4 =	sadd.s32 s5, s19  }
0x9d: {  	s8 =	simm.s32 $0x0;
	s20 =	sshll.u32 s6, $0x1;
	s6 =	sadd.s32 s21, s4  }
0x9e: {  	[timem:s8], [sflag:s22] =	dma.local [hbm:s6], s20  }
0x9f: {  	_ =	swait.ge [sflag:s22], s20  }
0xa0: {  	s5 =	ssub.s32 $0x0, s20;
	[sflag:s22] =	ssyncset.done $0x0  }
0xa1: {  	[sflag:s22] =	ssyncadd.s32 s5;
	_ =	sdelay $0x1  }
0xa2: {  	s23 =	simm.s32 $0x1B8B  }
0xa3: {  	_ =	swait.ge [sflag:s23], $0x1  }
0xa4: {  	[sflag:s23] =	ssyncset.done $0x0  }
0xa5: {  	s25 =	simm.s32 $0x1B8E;
	s24 =	sld [smem:$0x3FFE];
	[sflag:s23] =	ssyncadd.s32 $0xFFFFFFFF  }
0xa6: {  	s26 =	simm.s32 $execute0_lowered;
	[smem:$0x3FD2] =	sst s25  }
0xa7: {  	s6 =	sshll.u32 s26, $0x1;
	_ =	strace $0x80000046;
	[dreg:$0x1] =	wrdreg $0xFFFFFFFF  }
0xa8: {  	s28 =	simm.s32 $_size_execute0_lowered;
	s4 =	sadd.s32 s4, s6;
	[dreg:$0x0] =	wrdreg $0x0  }
0xa9: {  	s6 =	sshll.u32 s28, $0x1;
	[dreg:$0x2] =	wrdreg s4  }
0xaa: {  	[dreg:$0x3] =	wrdreg s6  }
0xab: {  	[dreg:$0x4] =	wrdreg $0xC0  }
0xac: {  	_ =	task [dreg:s8], $0x5FFFF  }
0xad: {  	[dreg:$0x1] =	wrdreg $0xFFFFFFFF  }
0xae: {  	[dreg:$0x0] =	wrdreg $0x60  }
0xaf: {  	[dreg:$0x2] =	wrdreg s2  }
0xb0: {  	[dreg:$0x3] =	wrdreg s18  }
0xb1: {  	[dreg:$0x4] =	wrdreg s24  }
0xb2: {  	[dreg:$0x5] =	wrdreg $0x9  }
0xb3: {  	_ =	task.clear_ibuf [dreg:s8], $0x6FFFF;
	_ =	strace $0x90000046  }
0xb4: {  	s29 =	simm.s32 $0x9;
	_ =	strace $0x80000048  }
0xb5: {  	_ =	swait.ge [sflag:s29], $0x1  }
0xb6: {  	[sflag:s29] =	ssyncadd.s32 $0xFFFFFFFF  }
0xb7: {  	_ =	strace $0x90000048  }
0xb8: {  	_ =	sfence  }
0xb9: {  	s30 =	sld [smem:$0x0];
	_ =	sdelay $0x2  }
0xba: {  	s31 =	sshll.u32 s1, $0xD;
	s1 =	sshrl.u32 s1, $0x2  }
0xbb: {  	s3 =	sand.u32 $0x4000, s31;
	s1 =	sadd.s32 s1, s30  }
0xbc: {  	s0 =	sor.u32 s3, s0;
	s1 =	sshll.u32 s1, $0x11  }
0xbd: {  	s0 =	sor.u32 s1, s0  }
0xbe: {  	s0 =	sadd.s32 $0x8F2B, s0  }
0xbf: {  	[sflag:s0] =	ssyncadd.remote.s32 $0x1  }
0xc0: {  	_ =	sfence.sel $0xFFFF  }
0xc1: {  	[dreg:$0x0] =	wrdreg $0xFFFFFFFF;
	(pc) =	sbr.abs _section_cstart, $3  }
0xc2: {  	[dreg:$0x1] =	wrdreg $0xFFFFFFFF  }
0xc3: {  	_ =	task.clear_ibuf [dreg:s8], $0x2FFFF;
	_ =	strace $0x9FFFFFFF  }
0xc4: {  	(tm) =	ssettm $0x7FFFFFFF  }
0xc5: {  	_ =	shalt  }
tec
execute0_lowered:
.L_overlay_start_1:
0x0: {  	(tag) =	ssettag $0x1  }
0x1: {  	s1 =	rddreg [dreg:$0x0]  }
0x2: {  	s6 =	rddreg [dreg:$0x1]  }
0x3: {  	s4 =	rddreg [dreg:$0x2]  }
0x4: {  	s2 =	srdreg.scid;
	s0 =	rddreg [dreg:$0x3]  }
0x5: {  	s3 =	simm.s32 $0x0;
	s12 =	simm.s32 $0x4000;
	s13 =	simm.s32 $0xC000  }
0x6: {  	s14 =	simm.s32 $0x4;
	s15 =	simm.s32 $0x3;
	s16 =	simm.s32 $0xC480  }
0x7: {  	s17 =	simm.s32 $0x5;
	s18 =	simm.s32 $0x1;
	s5 =	sand.u32 $0x1, s2  }
0x8: {  	s19 =	simm.s32 $0x0;
	s2 =	stileid.u32;
	s7 =	sshll.u32 s5, $0x4  }
0x9: {  	[smem:$0x7FF] =	sst s3;
	s5 =	ssub.s32 $0x2, s5;
	s9 =	sor.u32 s2, s7  }
0xa: {  	_ =	strace $0x80000047;
	s31 =	sshrl.u32 s5, $0x1;
	s7 =	sshll.u32 s9, $0xD  }
.Ltmp0:
0xb: {  	s30 =	sshll.u32 s9, $0xE;
	s8 =	sshll.u32 s9, $0x7;
	(pc) =	sbr.rel .LBB2_1-.Ltmp0, $4  }
0xc: {  	s11 =	ssub.s32 s5, s31;
	p0 =	seq.s32 s9, $0x1F;
	s9 =	sshll.u32 s9, $0x11  }
0xd: {  	s10 =	sadd.s32 s7, s4;
	s4 =	sadd.s32 s1, s30;
	s6 =	sadd.s32 s6, s8  }
0xe: {  	s7 =	simm.s32 $0x2;
	s8 =	simm.s32 $0x2;
	s11 =	smax.u32 s11, $0x1  }
0xf: {  	v0 =	vimm.f32 $0.0e+00;
	s5 =	sadd.s32 $0x800, s4;
	s8 =	simm.s32 @!p0 $0x8;
	s10 =	sadd.s32 $0xA00, s10  }
.LBB2_29:
0x10: {  	s19 =	sadd.s32 $0x1, s19  }
0x11: {  	p0 =	sne.s32 s19, s11  }
.Ltmp1:
0x12: {  	_ = 	snop;
	(pc) =	sbr.rel @!p0 .LBB2_30-.Ltmp1, $4  }
0x13: {  	[hbm4b:s10+s3] =	stream.linear.scatter [tilespmem:s16], [sflag:$0x5], $0x10000, $0x38;
	[tilespmem:$0x1C480] =	vst v63  }
0x14: {  	_ =	swait.ge [sflag:s17], $0x10000  }
0x15: {  	[sflag:s17] =	ssyncset.done $0x0  }
0x16: {  	[sflag:s17] =	ssyncadd.s32 $0xFFFF0000  }
.LBB2_1:
0x17: {  	[tilespmem:s3], [sflag:$0x1] =	stream.linear.gather [hbm4b:s4+s3], $0x4000, $0x38;
	[tilespmem:$0x1C480] =	vst v63  }
0x18: {  	s20 =	sand.u32 $0xF800, s3;
	s21 =	sand.u32 $0x380, s3  }
0x19: {  	[tilespmem:s12], [sflag:$0x2] =	stream.linear.gather [hbm4b:s5+s3], $0x4000, $0x38;
	[tilespmem:$0x1C480] =	vst v63  }
0x1a: {  	s20 =	sor.u32 s21, s20  }
0x1b: {  	[tilespmem:s13], [sflag:$0x4] =	stream.linear.gather [hbm4b:s6+s3], $0x400, $0x38;
	[tilespmem:$0x1C480] =	vst v63  }
0x1c: {  	[tilespmem:s20+$0xC880] =	vst v0  }
0x1d: {  	[tilespmem:s20+$0xC480] =	vst v0  }
0x1e: {  	[tilespmem:s20+$0xC490] =	vst v0  }
0x1f: {  	[tilespmem:s20+$0xC4A0] =	vst v0  }
0x20: {  	[tilespmem:s20+$0xC4B0] =	vst v0  }
0x21: {  	[tilespmem:s20+$0xC4C0] =	vst v0  }
0x22: {  	s22 =	simm.s32 $0x100;
	s21 =	simm.s32 $0x80;
	[tilespmem:s20+$0xC4D0] =	vst v0  }
0x23: {  	s23 =	sand.u32 $0xF800, s22;
	s22 =	simm.s32 $0x200;
	s24 =	sand.u32 $0x380, s21;
	[tilespmem:s20+$0xC4E0] =	vst v0  }
.LBB2_2:
0x24: {  	p0 =	sne.s32 s22, $0xFF00;
	[tilespmem:s20+$0xC4F0] =	vst v0;
	s20 =	sor.u32 s24, s23  }
0x25: {  	[tilespmem:s20+$0xC880] =	vst v0  }
0x26: {  	[tilespmem:s20+$0xC480] =	vst v0  }
0x27: {  	[tilespmem:s20+$0xC490] =	vst v0  }
.Ltmp2:
0x28: {  	[tilespmem:s20+$0xC4A0] =	vst v0;
	(pc) =	sbr.rel @p0 .LBB2_2-.Ltmp2, $4  }
0x29: {  	[tilespmem:s20+$0xC4B0] =	vst v0  }
0x2a: {  	[tilespmem:s20+$0xC4C0] =	vst v0  }
0x2b: {  	s21 =	sadd.s32 $0x80, s21;
	[tilespmem:s20+$0xC4D0] =	vst v0  }
0x2c: {  	s23 =	sand.u32 $0xF800, s22;
	s22 =	sadd.s32 $0x100, s22;
	s24 =	sand.u32 $0x380, s21;
	[tilespmem:s20+$0xC4E0] =	vst v0  }
0x2d: {  	s21 =	sor.u32 s24, s23;
	[tilespmem:s20+$0xC4F0] =	vst v0  }
0x2e: {  	[tilespmem:s21+$0xC880] =	vst v0  }
0x2f: {  	[tilespmem:s21+$0xC480] =	vst v0  }
0x30: {  	[tilespmem:s21+$0xC490] =	vst v0  }
0x31: {  	[tilespmem:s21+$0xC4A0] =	vst v0  }
0x32: {  	[tilespmem:s21+$0xC4B0] =	vst v0  }
0x33: {  	[tilespmem:s21+$0xC4C0] =	vst v0  }
0x34: {  	[tilespmem:s21+$0xC4D0] =	vst v0  }
.Ltmp3:
0x35: {  	[tilespmem:s21+$0xC4E0] =	vst v0;
	(pc) =	sbr.rel .LBB2_4-.Ltmp3, $4  }
0x36: {  	[tilespmem:s21+$0xC4F0] =	vst v0  }
0x37: {  	_ =	swait.ge [sflag:s14], $0x400  }
0x38: {  	[sflag:s14] =	ssyncset.done $0x0  }
0x39: {  	s20 =	simm.s32 $0x0;
	s21 =	simm.s32 $0xC000;
	[sflag:s14] =	ssyncadd.s32 $0xFFFFFC00  }
.LBB2_10:
0x3a: {  	s23 =	sshll.u32 s22, $0x8;
	s31 =	sshll.u32 s22, $0x7  }
0x3b: {  	s23 =	sand.u32 $0xFFFFF800, s23;
	s22 =	sand.u32 $0x380, s31  }
0x3c: {  	s22 =	sor.u32 s22, s23  }
0x3d: {  	v9 =	vld [tilespmem:s22+$0xC480]  }
0x3e: {  	v10 =	vld [tilespmem:s22+$0xC490]  }
0x3f: {  	v11 =	vld [tilespmem:s22+$0xC4A0]  }
0x40: {  	v12 =	vld [tilespmem:s22+$0xC4B0]  }
0x41: {  	v13 =	vld [tilespmem:s22+$0xC4C0]  }
0x42: {  	v58 =	vld [tilespmem:s22+$0xC4D0];
	v5 =	vadd.f32 v9, v5  }
0x43: {  	v59 =	vld [tilespmem:s22+$0xC4E0];
	v6 =	vadd.f32 v10, v6  }
0x44: {  	v61 =	vld [tilespmem:s22+$0xC4F0];
	v60 =	vadd.f32 v11, v7;
	[tilespmem:s22+$0xC480] =	vst v5  }
0x45: {  	v63 =	vld [tilespmem:s22+$0xC880];
	v62 =	vadd.f32 v12, v8;
	[tilespmem:s22+$0xC490] =	vst v6  }
0x46: {  	v1 =	vadd.f32 v13, v1;
	[tilespmem:s22+$0xC4A0] =	vst v60  }
0x47: {  	v2 =	vadd.f32 v58, v2;
	[tilespmem:s22+$0xC4B0] =	vst v62  }
0x48: {  	[tilespmem:s22+$0xC4C0] =	vst v1;
	v1 =	vadd.f32 v59, v3  }
0x49: {  	[tilespmem:s22+$0xC4D0] =	vst v2;
	v2 =	vadd.f32 v61, v4  }
0x4a: {  	[tilespmem:s22+$0xC4E0] =	vst v1;
	v1 =	vadd.f32 $1.280000000e+02, v63  }
0x4b: {  	[tilespmem:s22+$0xC4F0] =	vst v2  }
0x4c: {  	[tilespmem:s22+$0xC880] =	vst v1  }
.LBB2_28:
0x4d: {  	s20 =	sadd.s32 $0x1, s20  }
0x4e: {  	p0 =	sne.s32 s20, s8  }
.Ltmp4:
0x4f: {  	_ = 	snop;
	(pc) =	sbr.rel @!p0 .LBB2_29-.Ltmp4, $2  }
0x50: {  	_ =	sdelay $0x2  }
0x51: {  	s21 =	sadd.s32 $0x80, s21  }
.LBB2_4:
0x52: {  	s22 =	smulhi.u32 $0xAAAAAAAB, s20;
	_ =	sdelay $0x1  }
0x53: {  	s22 =	sshrl.u32 s22, $0x1  }
0x54: {  	s22 =	smul.u32 $0x3, s22;
	_ =	sdelay $0x1  }
0x55: {  	s23 =	ssub.s32 s20, s22  }
0x56: {  	p1 =	seq.s32 s23, $0x2  }
.Ltmp5:
0x57: {  	_ = 	snop;
	(pc) =	sbr.rel @p1 .LBB2_21-.Ltmp5, $4  }
0x58: {  	_ = 	snop  }
0x59: {  	s22 =	sadd.s32 $0x2, s20  }
0x5a: {  	p0 =	sge.u32 s22, s8  }
0x5b: {  	s22 =	sshll.u32 @!p0 s22, $0xE  }
0x5c: {  	p1 =	seq.s32 s23, $0x1  }
.Ltmp6:
0x5d: {  	_ = 	snop;
	(pc) =	sbr.rel @!p1 .LBB2_6-.Ltmp6, $1  }
0x5e: {  	_ =	sdelay $0x3  }
0x5f: {  	_ =	swait.ge [sflag:s7], $0x4000;
	s22 =	sadd.s32 @!p0 s9, s22  }
0x60: {  	s23 =	simm.s32 @!p0 $0x0;
	[sflag:s7] =	ssyncset.done $0x0;
	s22 =	sshrl.u32 @!p0 s22, $0x3  }
0x61: {  	s30 =	sshll.u32 s20, $0x9;
	[sflag:s7] =	ssyncadd.s32 $0xFFFFC000;
	s22 =	sadd.s32 @!p0 s1, s22  }
0x62: {  	[tilespmem:s23], [sflag:$0x1] =	stream.linear.gather @!p0 [hbm4b:s22+s23], $0x4000, $0x38;
	[tilespmem:$0x1C480] =	vst v63  }
0x63: {  	s22 =	sshra.s32 s30, $0x2  }
0x64: {  	v1 =	vld [tilespmem:s22+$0xC000]  }
0x65: {  	v2 =	vld [tilespmem:s22+$0xC07F];
	_ =	sdelay $0x3  }
0x66: {  	(v2sf) =	vpush v1, $0x0  }
0x67: {  	(v2sf) =	vpush v2, $0x0;
	_ =	sdelay $0xd  }
0x68: {  	s22 =	spop (v2sf)  }
0x69: {  	s31 =	spop (v2sf)  }
0x6a: {  	p0 =	sne.s32 s22, s31  }
.Ltmp7:
0x6b: {  	_ = 	snop;
	(pc) =	sbr.rel @p0 .LBB2_18-.Ltmp7, $2  }
0x6c: {  	_ =	sdelay $0x2  }
0x6d: {  	v3 =	vimm.f32 $0.0e+00;
	s24 =	simm.s32 $0x0;
	s23 =	simm.s32 $0x4040  }
0x6e: {  	s23 =	sshra.s32 s24, $0x2  }
0x6f: {  	v5 =	vld [tilespmem:s23+$0x4180]  }
0x70: {  	v6 =	vld [tilespmem:s23+$0x4190]  }
0x71: {  	v7 =	vld [tilespmem:s23+$0x41A0]  }
0x72: {  	v8 =	vld [tilespmem:s23+$0x41B0]  }
0x73: {  	v1 =	vld [tilespmem:s23+$0x41C0]  }
0x74: {  	v2 =	vld [tilespmem:s23+$0x41D0]  }
0x75: {  	v14 =	vld [tilespmem:s23+$0x4100]  }
0x76: {  	v16 =	vld [tilespmem:s23+$0x4110]  }
0x77: {  	v13 =	vld [tilespmem:s23+$0x4120]  }
0x78: {  	v15 =	vld [tilespmem:s23+$0x4130]  }
0x79: {  	v4 =	vld [tilespmem:s23+$0x4140]  }
0x7a: {  	v10 =	vld [tilespmem:s23+$0x4080]  }
0x7b: {  	v11 =	vld [tilespmem:s23+$0x4090]  }
0x7c: {  	v12 =	vld [tilespmem:s23+$0x4000]  }
0x7d: {  	v18 =	vld [tilespmem:s23+$0x4010]  }
0x7e: {  	v19 =	vld [tilespmem:s23+$0x4020]  }
0x7f: {  	v20 =	vld [tilespmem:s23+$0x4030]  }
0x80: {  	v21 =	vld [tilespmem:s23+$0x40A0]  }
0x81: {  	v25 =	vld [tilespmem:s23+$0x40B0]  }
0x82: {  	v9 =	vld [tilespmem:s23+$0x4150]  }
0x83: {  	v17 =	vld [tilespmem:s23+$0x40C0];
	v12 =	vadd.f32 v12, v3;
	v23 =	vadd.f32 v18, v3  }
0x84: {  	v18 =	vld [tilespmem:s23+$0x40D0];
	v24 =	vadd.f32 v19, v3;
	v26 =	vadd.f32 v20, v3  }
0x85: {  	v19 =	vld [tilespmem:s23+$0x4040];
	v22 =	vadd.f32 v10, v12;
	v23 =	vadd.f32 v11, v23  }
0x86: {  	v20 =	vld [tilespmem:s23+$0x4050];
	v24 =	vadd.f32 v21, v24;
	v25 =	vadd.f32 v25, v26  }
0x87: {  	s24 =	sadd.s32 $0x800, s24;
	v21 =	vld [tilespmem:s23+$0x4060];
	v12 =	vimm.f32 $0.0e+00;
	v10 =	vimm.f32 $0.0e+00;
	v11 =	vimm.f32 $0.0e+00  }
.LBB2_16:
0x88: {  	p0 =	seq.s32 s24, $0xF800;
	v26 =	vld [tilespmem:s23+$0x4070];
	v14 =	vadd.f32 v14, v22;
	v16 =	vadd.f32 v16, v23  }
0x89: {  	v22 =	vld [tilespmem:s23+$0x40E0];
	v13 =	vadd.f32 v13, v24;
	v15 =	vadd.f32 v15, v25  }
0x8a: {  	v23 =	vld [tilespmem:s23+$0x40F0];
	v24 =	vadd.f32 v5, v14;
	v25 =	vadd.f32 v6, v16  }
0x8b: {  	v14 =	vld [tilespmem:s23+$0x4160];
	v27 =	vadd.f32 v7, v13;
	v28 =	vadd.f32 v8, v15  }
0x8c: {  	v3 =	vadd.f32 v19, v3;
	v5 =	vadd.f32 v20, v12;
	v8 =	vld [tilespmem:s23+$0x4170]  }
0x8d: {  	v6 =	vadd.f32 v21, v10;
	v7 =	vadd.f32 v26, v11;
	v10 =	vld [tilespmem:s23+$0x41E0]  }
0x8e: {  	v3 =	vadd.f32 v17, v3;
	v11 =	vadd.f32 v18, v5;
	v13 =	vld [tilespmem:s23+$0x41F0];
	s23 =	sshra.s32 s24, $0x2  }
0x8f: {  	v12 =	vadd.f32 v22, v6;
	v5 =	vld [tilespmem:s23+$0x4180];
	v15 =	vadd.f32 v23, v7  }
0x90: {  	v3 =	vadd.f32 v4, v3;
	v4 =	vadd.f32 v9, v11;
	v6 =	vld [tilespmem:s23+$0x4190]  }
0x91: {  	v9 =	vadd.f32 v14, v12;
	v7 =	vld [tilespmem:s23+$0x41A0];
	v11 =	vadd.f32 v8, v15  }
0x92: {  	v3 =	vadd.f32 v1, v3;
	v12 =	vadd.f32 v2, v4;
	v8 =	vld [tilespmem:s23+$0x41B0]  }
0x93: {  	v10 =	vadd.f32 v10, v9;
	v1 =	vld [tilespmem:s23+$0x41C0];
	v11 =	vadd.f32 v13, v11  }
0x94: {  	v2 =	vld [tilespmem:s23+$0x41D0]  }
0x95: {  	v14 =	vld [tilespmem:s23+$0x4100]  }
0x96: {  	v16 =	vld [tilespmem:s23+$0x4110]  }
0x97: {  	v13 =	vld [tilespmem:s23+$0x4120]  }
0x98: {  	v15 =	vld [tilespmem:s23+$0x4130]  }
0x99: {  	v4 =	vld [tilespmem:s23+$0x4140]  }
0x9a: {  	v9 =	vld [tilespmem:s23+$0x4150]  }
0x9b: {  	v21 =	vld [tilespmem:s23+$0x4080]  }
0x9c: {  	v23 =	vld [tilespmem:s23+$0x4090]  }
0x9d: {  	v18 =	vld [tilespmem:s23+$0x4000]  }
0x9e: {  	v19 =	vld [tilespmem:s23+$0x4010]  }
0x9f: {  	v20 =	vld [tilespmem:s23+$0x4020]  }
0xa0: {  	v22 =	vld [tilespmem:s23+$0x4030]  }
0xa1: {  	v26 =	vld [tilespmem:s23+$0x40A0]  }
0xa2: {  	v29 =	vld [tilespmem:s23+$0x40B0]  }
.Ltmp8:
0xa3: {  	v17 =	vld [tilespmem:s23+$0x40C0];
	(pc) =	sbr.rel @!p0 .LBB2_16-.Ltmp8, $4  }
0xa4: {  	v24 =	vadd.f32 v18, v24;
	v25 =	vadd.f32 v19, v25;
	v18 =	vld [tilespmem:s23+$0x40D0]  }
0xa5: {  	v27 =	vadd.f32 v20, v27;
	v28 =	vadd.f32 v22, v28;
	v19 =	vld [tilespmem:s23+$0x4040]  }
0xa6: {  	v22 =	vadd.f32 v21, v24;
	v23 =	vadd.f32 v23, v25;
	v20 =	vld [tilespmem:s23+$0x4050]  }
0xa7: {  	s24 =	sadd.s32 $0x800, s24;
	v24 =	vadd.f32 v26, v27;
	v21 =	vld [tilespmem:s23+$0x4060];
	v25 =	vadd.f32 v29, v28  }
0xa8: {  	v26 =	vld [tilespmem:s23+$0x4070];
	v14 =	vadd.f32 v14, v22;
	v16 =	vadd.f32 v16, v23  }
0xa9: {  	v58 =	vld [tilespmem:s23+$0x40E0];
	v13 =	vadd.f32 v13, v24;
	v15 =	vadd.f32 v15, v25  }
0xaa: {  	v59 =	vld [tilespmem:s23+$0x40F0];
	v5 =	vadd.f32 v5, v14;
	v6 =	vadd.f32 v6, v16  }
0xab: {  	v60 =	vld [tilespmem:s23+$0x4160];
	v3 =	vadd.f32 v19, v3;
	v7 =	vadd.f32 v7, v13  }
0xac: {  	v61 =	vld [tilespmem:s23+$0x4170];
	v8 =	vadd.f32 v8, v15;
	v12 =	vadd.f32 v20, v12  }
0xad: {  	v62 =	vld [tilespmem:s23+$0x41E0];
	v10 =	vadd.f32 v21, v10;
	v11 =	vadd.f32 v26, v11  }
0xae: {  	v63 =	vld [tilespmem:s23+$0x41F0];
	v3 =	vadd.f32 v17, v3;
	v12 =	vadd.f32 v18, v12  }
.Ltmp9:
0xaf: {  	v10 =	vadd.f32 v58, v10;
	v11 =	vadd.f32 v59, v11;
	(pc) =	sbr.rel .LBB2_10-.Ltmp9, $4  }
0xb0: {  	v3 =	vadd.f32 v4, v3;
	v4 =	vadd.f32 v9, v12  }
0xb1: {  	v9 =	vadd.f32 v60, v10;
	v10 =	vadd.f32 v61, v11  }
0xb2: {  	v1 =	vadd.f32 v1, v3;
	v2 =	vadd.f32 v2, v4  }
0xb3: {  	v3 =	vadd.f32 v62, v9;
	v4 =	vadd.f32 v63, v10  }
.LBB2_21:
0xb4: {  	_ =	swait.ge [sflag:s15], $0x4000;
	s22 =	sadd.s32 @!p0 s9, s22;
	s23 =	simm.s32 @!p0 $0x0  }
0xb5: {  	s24 =	simm.s32 @!p0 $0x4000;
	[sflag:s15] =	ssyncset.done $0x0;
	s22 =	sshrl.u32 @!p0 s22, $0x3  }
0xb6: {  	s30 =	sshll.u32 s20, $0x9;
	[sflag:s15] =	ssyncadd.s32 $0xFFFFC000;
	s22 =	sadd.s32 @!p0 s1, s22  }
0xb7: {  	[tilespmem:s24], [sflag:$0x2] =	stream.linear.gather @!p0 [hbm4b:s22+s23], $0x4000, $0x38;
	[tilespmem:$0x1C480] =	vst v63  }
0xb8: {  	s22 =	sshra.s32 s30, $0x2  }
0xb9: {  	v1 =	vld [tilespmem:s22+$0xC000]  }
0xba: {  	v2 =	vld [tilespmem:s22+$0xC07F];
	_ =	sdelay $0x3  }
0xbb: {  	(v2sf) =	vpush v1, $0x0  }
0xbc: {  	(v2sf) =	vpush v2, $0x0;
	_ =	sdelay $0xd  }
0xbd: {  	s22 =	spop (v2sf)  }
0xbe: {  	s31 =	spop (v2sf)  }
0xbf: {  	p0 =	sne.s32 s22, s31  }
.Ltmp10:
0xc0: {  	_ = 	snop;
	(pc) =	sbr.rel @p0 .LBB2_25-.Ltmp10, $2  }
0xc1: {  	_ =	sdelay $0x2  }
0xc2: {  	v3 =	vimm.f32 $0.0e+00;
	s23 =	simm.s32 $0x8040;
	s24 =	simm.s32 $0x0  }
0xc3: {  	s23 =	sshra.s32 s24, $0x2  }
0xc4: {  	v5 =	vld [tilespmem:s23+$0x8180]  }
0xc5: {  	v6 =	vld [tilespmem:s23+$0x8190]  }
0xc6: {  	v7 =	vld [tilespmem:s23+$0x81A0]  }
0xc7: {  	v8 =	vld [tilespmem:s23+$0x81B0]  }
0xc8: {  	v1 =	vld [tilespmem:s23+$0x81C0]  }
0xc9: {  	v2 =	vld [tilespmem:s23+$0x81D0]  }
0xca: {  	v14 =	vld [tilespmem:s23+$0x8100]  }
0xcb: {  	v16 =	vld [tilespmem:s23+$0x8110]  }
0xcc: {  	v13 =	vld [tilespmem:s23+$0x8120]  }
0xcd: {  	v15 =	vld [tilespmem:s23+$0x8130]  }
0xce: {  	v4 =	vld [tilespmem:s23+$0x8140]  }
0xcf: {  	v10 =	vld [tilespmem:s23+$0x8080]  }
0xd0: {  	v11 =	vld [tilespmem:s23+$0x8090]  }
0xd1: {  	v12 =	vld [tilespmem:s23+$0x8000]  }
0xd2: {  	v18 =	vld [tilespmem:s23+$0x8010]  }
0xd3: {  	v19 =	vld [tilespmem:s23+$0x8020]  }
0xd4: {  	v20 =	vld [tilespmem:s23+$0x8030]  }
0xd5: {  	v21 =	vld [tilespmem:s23+$0x80A0]  }
0xd6: {  	v25 =	vld [tilespmem:s23+$0x80B0]  }
0xd7: {  	v9 =	vld [tilespmem:s23+$0x8150]  }
0xd8: {  	v17 =	vld [tilespmem:s23+$0x80C0];
	v12 =	vadd.f32 v12, v3;
	v23 =	vadd.f32 v18, v3  }
0xd9: {  	v18 =	vld [tilespmem:s23+$0x80D0];
	v24 =	vadd.f32 v19, v3;
	v26 =	vadd.f32 v20, v3  }
0xda: {  	v19 =	vld [tilespmem:s23+$0x8040];
	v22 =	vadd.f32 v10, v12;
	v23 =	vadd.f32 v11, v23  }
0xdb: {  	v20 =	vld [tilespmem:s23+$0x8050];
	v24 =	vadd.f32 v21, v24;
	v25 =	vadd.f32 v25, v26  }
0xdc: {  	s24 =	sadd.s32 $0x800, s24;
	v21 =	vld [tilespmem:s23+$0x8060];
	v12 =	vimm.f32 $0.0e+00;
	v10 =	vimm.f32 $0.0e+00;
	v11 =	vimm.f32 $0.0e+00  }
.LBB2_23:
0xdd: {  	p0 =	seq.s32 s24, $0xF800;
	v26 =	vld [tilespmem:s23+$0x8070];
	v14 =	vadd.f32 v14, v22;
	v16 =	vadd.f32 v16, v23  }
0xde: {  	v22 =	vld [tilespmem:s23+$0x80E0];
	v13 =	vadd.f32 v13, v24;
	v15 =	vadd.f32 v15, v25  }
0xdf: {  	v23 =	vld [tilespmem:s23+$0x80F0];
	v24 =	vadd.f32 v5, v14;
	v25 =	vadd.f32 v6, v16  }
0xe0: {  	v14 =	vld [tilespmem:s23+$0x8160];
	v27 =	vadd.f32 v7, v13;
	v28 =	vadd.f32 v8, v15  }
0xe1: {  	v3 =	vadd.f32 v19, v3;
	v5 =	vadd.f32 v20, v12;
	v8 =	vld [tilespmem:s23+$0x8170]  }
0xe2: {  	v6 =	vadd.f32 v21, v10;
	v7 =	vadd.f32 v26, v11;
	v10 =	vld [tilespmem:s23+$0x81E0]  }
0xe3: {  	v3 =	vadd.f32 v17, v3;
	v11 =	vadd.f32 v18, v5;
	v13 =	vld [tilespmem:s23+$0x81F0];
	s23 =	sshra.s32 s24, $0x2  }
0xe4: {  	v12 =	vadd.f32 v22, v6;
	v5 =	vld [tilespmem:s23+$0x8180];
	v15 =	vadd.f32 v23, v7  }
0xe5: {  	v3 =	vadd.f32 v4, v3;
	v4 =	vadd.f32 v9, v11;
	v6 =	vld [tilespmem:s23+$0x8190]  }
0xe6: {  	v9 =	vadd.f32 v14, v12;
	v7 =	vld [tilespmem:s23+$0x81A0];
	v11 =	vadd.f32 v8, v15  }
0xe7: {  	v3 =	vadd.f32 v1, v3;
	v12 =	vadd.f32 v2, v4;
	v8 =	vld [tilespmem:s23+$0x81B0]  }
0xe8: {  	v10 =	vadd.f32 v10, v9;
	v1 =	vld [tilespmem:s23+$0x81C0];
	v11 =	vadd.f32 v13, v11  }
0xe9: {  	v2 =	vld [tilespmem:s23+$0x81D0]  }
0xea: {  	v14 =	vld [tilespmem:s23+$0x8100]  }
0xeb: {  	v16 =	vld [tilespmem:s23+$0x8110]  }
0xec: {  	v13 =	vld [tilespmem:s23+$0x8120]  }
0xed: {  	v15 =	vld [tilespmem:s23+$0x8130]  }
0xee: {  	v4 =	vld [tilespmem:s23+$0x8140]  }
0xef: {  	v9 =	vld [tilespmem:s23+$0x8150]  }
0xf0: {  	v21 =	vld [tilespmem:s23+$0x8080]  }
0xf1: {  	v23 =	vld [tilespmem:s23+$0x8090]  }
0xf2: {  	v18 =	vld [tilespmem:s23+$0x8000]  }
0xf3: {  	v19 =	vld [tilespmem:s23+$0x8010]  }
0xf4: {  	v20 =	vld [tilespmem:s23+$0x8020]  }
0xf5: {  	v22 =	vld [tilespmem:s23+$0x8030]  }
0xf6: {  	v26 =	vld [tilespmem:s23+$0x80A0]  }
0xf7: {  	v29 =	vld [tilespmem:s23+$0x80B0]  }
.Ltmp11:
0xf8: {  	v17 =	vld [tilespmem:s23+$0x80C0];
	(pc) =	sbr.rel @!p0 .LBB2_23-.Ltmp11, $4  }
0xf9: {  	v24 =	vadd.f32 v18, v24;
	v25 =	vadd.f32 v19, v25;
	v18 =	vld [tilespmem:s23+$0x80D0]  }
0xfa: {  	v27 =	vadd.f32 v20, v27;
	v28 =	vadd.f32 v22, v28;
	v19 =	vld [tilespmem:s23+$0x8040]  }
0xfb: {  	v22 =	vadd.f32 v21, v24;
	v23 =	vadd.f32 v23, v25;
	v20 =	vld [tilespmem:s23+$0x8050]  }
0xfc: {  	s24 =	sadd.s32 $0x800, s24;
	v24 =	vadd.f32 v26, v27;
	v21 =	vld [tilespmem:s23+$0x8060];
	v25 =	vadd.f32 v29, v28  }
0xfd: {  	v26 =	vld [tilespmem:s23+$0x8070];
	v14 =	vadd.f32 v14, v22;
	v16 =	vadd.f32 v16, v23  }
0xfe: {  	v58 =	vld [tilespmem:s23+$0x80E0];
	v13 =	vadd.f32 v13, v24;
	v15 =	vadd.f32 v15, v25  }
0xff: {  	v59 =	vld [tilespmem:s23+$0x80F0];
	v5 =	vadd.f32 v5, v14;
	v6 =	vadd.f32 v6, v16  }
0x100: {  	v60 =	vld [tilespmem:s23+$0x8160];
	v3 =	vadd.f32 v19, v3;
	v7 =	vadd.f32 v7, v13  }
0x101: {  	v61 =	vld [tilespmem:s23+$0x8170];
	v8 =	vadd.f32 v8, v15;
	v12 =	vadd.f32 v20, v12  }
0x102: {  	v62 =	vld [tilespmem:s23+$0x81E0];
	v10 =	vadd.f32 v21, v10;
	v11 =	vadd.f32 v26, v11  }
0x103: {  	v63 =	vld [tilespmem:s23+$0x81F0];
	v3 =	vadd.f32 v17, v3;
	v12 =	vadd.f32 v18, v12  }
.Ltmp12:
0x104: {  	v10 =	vadd.f32 v58, v10;
	v11 =	vadd.f32 v59, v11;
	(pc) =	sbr.rel .LBB2_10-.Ltmp12, $4  }
0x105: {  	v3 =	vadd.f32 v4, v3;
	v4 =	vadd.f32 v9, v12  }
0x106: {  	v9 =	vadd.f32 v60, v10;
	v10 =	vadd.f32 v61, v11  }
0x107: {  	v1 =	vadd.f32 v1, v3;
	v2 =	vadd.f32 v2, v4  }
0x108: {  	v3 =	vadd.f32 v62, v9;
	v4 =	vadd.f32 v63, v10  }
.LBB2_6:
0x109: {  	_ =	swait.ge [sflag:s18], $0x4000;
	s22 =	sadd.s32 @!p0 s9, s22;
	s23 =	simm.s32 @!p0 $0x0  }
0x10a: {  	s24 =	simm.s32 @!p0 $0x8000;
	[sflag:s18] =	ssyncset.done $0x0;
	s22 =	sshrl.u32 @!p0 s22, $0x3  }
0x10b: {  	s30 =	sshll.u32 s20, $0x9;
	[sflag:s18] =	ssyncadd.s32 $0xFFFFC000;
	s22 =	sadd.s32 @!p0 s1, s22  }
0x10c: {  	[tilespmem:s24], [sflag:$0x3] =	stream.linear.gather @!p0 [hbm4b:s22+s23], $0x4000, $0x38;
	[tilespmem:$0x1C480] =	vst v63  }
0x10d: {  	s22 =	sshra.s32 s30, $0x2  }
0x10e: {  	v1 =	vld [tilespmem:s22+$0xC000]  }
0x10f: {  	v2 =	vld [tilespmem:s22+$0xC07F];
	_ =	sdelay $0x3  }
0x110: {  	(v2sf) =	vpush v1, $0x0  }
0x111: {  	(v2sf) =	vpush v2, $0x0;
	_ =	sdelay $0xd  }
0x112: {  	s22 =	spop (v2sf)  }
0x113: {  	s31 =	spop (v2sf)  }
0x114: {  	p0 =	sne.s32 s22, s31  }
.Ltmp13:
0x115: {  	_ = 	snop;
	(pc) =	sbr.rel @p0 .LBB2_11-.Ltmp13, $2  }
0x116: {  	_ =	sdelay $0x2  }
0x117: {  	v3 =	vimm.f32 $0.0e+00;
	s23 =	simm.s32 $0x40;
	s24 =	simm.s32 $0x0  }
0x118: {  	s23 =	sshra.s32 s24, $0x2  }
0x119: {  	v5 =	vld [tilespmem:s23+$0x180]  }
0x11a: {  	v6 =	vld [tilespmem:s23+$0x190]  }
0x11b: {  	v7 =	vld [tilespmem:s23+$0x1A0]  }
0x11c: {  	v8 =	vld [tilespmem:s23+$0x1B0]  }
0x11d: {  	v1 =	vld [tilespmem:s23+$0x1C0]  }
0x11e: {  	v2 =	vld [tilespmem:s23+$0x1D0]  }
0x11f: {  	v14 =	vld [tilespmem:s23+$0x100]  }
0x120: {  	v16 =	vld [tilespmem:s23+$0x110]  }
0x121: {  	v13 =	vld [tilespmem:s23+$0x120]  }
0x122: {  	v15 =	vld [tilespmem:s23+$0x130]  }
0x123: {  	v4 =	vld [tilespmem:s23+$0x140]  }
0x124: {  	v10 =	vld [tilespmem:s23+$0x80]  }
0x125: {  	v11 =	vld [tilespmem:s23+$0x90]  }
0x126: {  	v12 =	vld [tilespmem:s23+$0x0]  }
0x127: {  	v18 =	vld [tilespmem:s23+$0x10]  }
0x128: {  	v19 =	vld [tilespmem:s23+$0x20]  }
0x129: {  	v20 =	vld [tilespmem:s23+$0x30]  }
0x12a: {  	v21 =	vld [tilespmem:s23+$0xA0]  }
0x12b: {  	v25 =	vld [tilespmem:s23+$0xB0]  }
0x12c: {  	v9 =	vld [tilespmem:s23+$0x150]  }
0x12d: {  	v17 =	vld [tilespmem:s23+$0xC0];
	v12 =	vadd.f32 v12, v3;
	v23 =	vadd.f32 v18, v3  }
0x12e: {  	v18 =	vld [tilespmem:s23+$0xD0];
	v24 =	vadd.f32 v19, v3;
	v26 =	vadd.f32 v20, v3  }
0x12f: {  	v19 =	vld [tilespmem:s23+$0x40];
	v22 =	vadd.f32 v10, v12;
	v23 =	vadd.f32 v11, v23  }
0x130: {  	v20 =	vld [tilespmem:s23+$0x50];
	v24 =	vadd.f32 v21, v24;
	v25 =	vadd.f32 v25, v26  }
0x131: {  	s24 =	sadd.s32 $0x800, s24;
	v21 =	vld [tilespmem:s23+$0x60];
	v12 =	vimm.f32 $0.0e+00;
	v10 =	vimm.f32 $0.0e+00;
	v11 =	vimm.f32 $0.0e+00  }
.LBB2_8:
0x132: {  	p0 =	seq.s32 s24, $0xF800;
	v26 =	vld [tilespmem:s23+$0x70];
	v14 =	vadd.f32 v14, v22;
	v16 =	vadd.f32 v16, v23  }
0x133: {  	v22 =	vld [tilespmem:s23+$0xE0];
	v13 =	vadd.f32 v13, v24;
	v15 =	vadd.f32 v15, v25  }
0x134: {  	v23 =	vld [tilespmem:s23+$0xF0];
	v24 =	vadd.f32 v5, v14;
	v25 =	vadd.f32 v6, v16  }
0x135: {  	v14 =	vld [tilespmem:s23+$0x160];
	v27 =	vadd.f32 v7, v13;
	v28 =	vadd.f32 v8, v15  }
0x136: {  	v3 =	vadd.f32 v19, v3;
	v5 =	vadd.f32 v20, v12;
	v8 =	vld [tilespmem:s23+$0x170]  }
0x137: {  	v6 =	vadd.f32 v21, v10;
	v7 =	vadd.f32 v26, v11;
	v10 =	vld [tilespmem:s23+$0x1E0]  }
0x138: {  	v3 =	vadd.f32 v17, v3;
	v11 =	vadd.f32 v18, v5;
	v13 =	vld [tilespmem:s23+$0x1F0];
	s23 =	sshra.s32 s24, $0x2  }
0x139: {  	v12 =	vadd.f32 v22, v6;
	v5 =	vld [tilespmem:s23+$0x180];
	v15 =	vadd.f32 v23, v7  }
0x13a: {  	v3 =	vadd.f32 v4, v3;
	v4 =	vadd.f32 v9, v11;
	v6 =	vld [tilespmem:s23+$0x190]  }
0x13b: {  	v9 =	vadd.f32 v14, v12;
	v7 =	vld [tilespmem:s23+$0x1A0];
	v11 =	vadd.f32 v8, v15  }
0x13c: {  	v3 =	vadd.f32 v1, v3;
	v12 =	vadd.f32 v2, v4;
	v8 =	vld [tilespmem:s23+$0x1B0]  }
0x13d: {  	v10 =	vadd.f32 v10, v9;
	v1 =	vld [tilespmem:s23+$0x1C0];
	v11 =	vadd.f32 v13, v11  }
0x13e: {  	v2 =	vld [tilespmem:s23+$0x1D0]  }
0x13f: {  	v14 =	vld [tilespmem:s23+$0x100]  }
0x140: {  	v16 =	vld [tilespmem:s23+$0x110]  }
0x141: {  	v13 =	vld [tilespmem:s23+$0x120]  }
0x142: {  	v15 =	vld [tilespmem:s23+$0x130]  }
0x143: {  	v4 =	vld [tilespmem:s23+$0x140]  }
0x144: {  	v9 =	vld [tilespmem:s23+$0x150]  }
0x145: {  	v21 =	vld [tilespmem:s23+$0x80]  }
0x146: {  	v23 =	vld [tilespmem:s23+$0x90]  }
0x147: {  	v18 =	vld [tilespmem:s23+$0x0]  }
0x148: {  	v19 =	vld [tilespmem:s23+$0x10]  }
0x149: {  	v20 =	vld [tilespmem:s23+$0x20]  }
0x14a: {  	v22 =	vld [tilespmem:s23+$0x30]  }
0x14b: {  	v26 =	vld [tilespmem:s23+$0xA0]  }
0x14c: {  	v29 =	vld [tilespmem:s23+$0xB0]  }
.Ltmp14:
0x14d: {  	v17 =	vld [tilespmem:s23+$0xC0];
	(pc) =	sbr.rel @!p0 .LBB2_8-.Ltmp14, $4  }
0x14e: {  	v24 =	vadd.f32 v18, v24;
	v25 =	vadd.f32 v19, v25;
	v18 =	vld [tilespmem:s23+$0xD0]  }
0x14f: {  	v27 =	vadd.f32 v20, v27;
	v28 =	vadd.f32 v22, v28;
	v19 =	vld [tilespmem:s23+$0x40]  }
0x150: {  	v22 =	vadd.f32 v21, v24;
	v23 =	vadd.f32 v23, v25;
	v20 =	vld [tilespmem:s23+$0x50]  }
0x151: {  	s24 =	sadd.s32 $0x800, s24;
	v24 =	vadd.f32 v26, v27;
	v21 =	vld [tilespmem:s23+$0x60];
	v25 =	vadd.f32 v29, v28  }
0x152: {  	v26 =	vld [tilespmem:s23+$0x70];
	v14 =	vadd.f32 v14, v22;
	v16 =	vadd.f32 v16, v23  }
0x153: {  	v58 =	vld [tilespmem:s23+$0xE0];
	v13 =	vadd.f32 v13, v24;
	v15 =	vadd.f32 v15, v25  }
0x154: {  	v59 =	vld [tilespmem:s23+$0xF0];
	v5 =	vadd.f32 v5, v14;
	v6 =	vadd.f32 v6, v16  }
0x155: {  	v60 =	vld [tilespmem:s23+$0x160];
	v3 =	vadd.f32 v19, v3;
	v7 =	vadd.f32 v7, v13  }
0x156: {  	v61 =	vld [tilespmem:s23+$0x170];
	v8 =	vadd.f32 v8, v15;
	v12 =	vadd.f32 v20, v12  }
0x157: {  	v62 =	vld [tilespmem:s23+$0x1E0];
	v10 =	vadd.f32 v21, v10;
	v11 =	vadd.f32 v26, v11  }
0x158: {  	v63 =	vld [tilespmem:s23+$0x1F0];
	v3 =	vadd.f32 v17, v3;
	v12 =	vadd.f32 v18, v12  }
.Ltmp15:
0x159: {  	v10 =	vadd.f32 v58, v10;
	v11 =	vadd.f32 v59, v11;
	(pc) =	sbr.rel .LBB2_10-.Ltmp15, $4  }
0x15a: {  	v3 =	vadd.f32 v4, v3;
	v4 =	vadd.f32 v9, v12  }
0x15b: {  	v9 =	vadd.f32 v60, v10;
	v10 =	vadd.f32 v61, v11  }
0x15c: {  	v1 =	vadd.f32 v1, v3;
	v2 =	vadd.f32 v2, v4  }
0x15d: {  	v3 =	vadd.f32 v62, v9;
	v4 =	vadd.f32 v63, v10  }
.LBB2_18:
0x15e: {  	s22 =	sshra.s32 s24, $0x2  }
0x15f: {  	s22 =	sadd.s32 s22, s21  }
0x160: {  	v1 =	vld [tilespmem:s22+$0x0];
	_ =	sdelay $0x4  }
0x161: {  	(v2sf) =	vpush v1, $0x0;
	_ =	sdelay $0xe  }
0x162: {  	s30 =	spop (v2sf)  }
0x163: {  	s25 =	sshll.u32 s30, $0x8;
	s22 =	sshll.u32 s30, $0x7  }
0x164: {  	s25 =	sand.u32 $0xFFFFF800, s25;
	s22 =	sand.u32 $0x380, s22  }
0x165: {  	v1 =	vld [tilespmem:s23+$0xFFFFFFC0];
	s22 =	sor.u32 s22, s25  }
0x166: {  	v2 =	vld [tilespmem:s22+$0xC480];
	_ =	sdelay $0x4  }
0x167: {  	v1 =	vadd.f32 v1, v2;
	_ =	sdelay $0x1  }
0x168: {  	[tilespmem:s22+$0xC480] =	vst v1;
	v1 =	vld [tilespmem:s22+$0xC490]  }
0x169: {  	v2 =	vld [tilespmem:s23+$0xFFFFFFD0];
	_ =	sdelay $0x4  }
0x16a: {  	v1 =	vadd.f32 v2, v1;
	_ =	sdelay $0x1  }
0x16b: {  	[tilespmem:s22+$0xC490] =	vst v1;
	v1 =	vld [tilespmem:s22+$0xC4A0]  }
0x16c: {  	v2 =	vld [tilespmem:s23+$0xFFFFFFE0];
	_ =	sdelay $0x4  }
0x16d: {  	v1 =	vadd.f32 v2, v1;
	_ =	sdelay $0x1  }
0x16e: {  	[tilespmem:s22+$0xC4A0] =	vst v1;
	v1 =	vld [tilespmem:s22+$0xC4B0]  }
0x16f: {  	v2 =	vld [tilespmem:s23+$0xFFFFFFF0];
	_ =	sdelay $0x4  }
0x170: {  	v1 =	vadd.f32 v2, v1;
	_ =	sdelay $0x1  }
0x171: {  	[tilespmem:s22+$0xC4B0] =	vst v1;
	v1 =	vld [tilespmem:s22+$0xC4C0]  }
0x172: {  	v2 =	vld [tilespmem:s23+$0x0];
	_ =	sdelay $0x4  }
0x173: {  	v1 =	vadd.f32 v2, v1;
	_ =	sdelay $0x1  }
0x174: {  	[tilespmem:s22+$0xC4C0] =	vst v1;
	v1 =	vld [tilespmem:s22+$0xC4D0]  }
0x175: {  	v2 =	vld [tilespmem:s23+$0x10];
	_ =	sdelay $0x4  }
0x176: {  	v1 =	vadd.f32 v2, v1;
	_ =	sdelay $0x1  }
0x177: {  	[tilespmem:s22+$0xC4D0] =	vst v1;
	v1 =	vld [tilespmem:s22+$0xC4E0]  }
0x178: {  	v2 =	vld [tilespmem:s23+$0x20];
	_ =	sdelay $0x4  }
0x179: {  	v1 =	vadd.f32 v2, v1  }
0x17a: {  	v2 =	vld [tilespmem:s22+$0xC880]  }
0x17b: {  	[tilespmem:s22+$0xC4E0] =	vst v1;
	v1 =	vld [tilespmem:s22+$0xC4F0]  }
0x17c: {  	v3 =	vld [tilespmem:s23+$0x30];
	_ =	sdelay $0x3  }
0x17d: {  	v2 =	vadd.f32 $1.000000000e+00, v2  }
0x17e: {  	s31 =	sadd.s32 $0x4, s24;
	v1 =	vadd.f32 v3, v1  }
0x17f: {  	s24 =	sadd.s32 $0x4, s31;
	s25 =	sshra.s32 s31, $0x2;
	[tilespmem:s22+$0xC880] =	vst v2  }
.LBB2_19:
0x180: {  	p0 =	seq.s32 s24, $0x1FC;
	s25 =	sadd.s32 s25, s21;
	[tilespmem:s22+$0xC4F0] =	vst v1  }
0x181: {  	v1 =	vld [tilespmem:s25+$0x0];
	_ =	sdelay $0x4  }
0x182: {  	(v2sf) =	vpush v1, $0x0;
	_ =	sdelay $0xe  }
0x183: {  	s22 =	spop (v2sf)  }
0x184: {  	s25 =	sshll.u32 s22, $0x8;
	s22 =	sshll.u32 s22, $0x7  }
0x185: {  	s23 =	sadd.s32 $0x80, s23;
	s25 =	sand.u32 $0xFFFFF800, s25;
	s22 =	sand.u32 $0x380, s22  }
0x186: {  	s22 =	sor.u32 s22, s25;
	v1 =	vld [tilespmem:s23+$0xFFFFFFC0]  }
0x187: {  	v2 =	vld [tilespmem:s22+$0xC480]  }
0x188: {  	v3 =	vld [tilespmem:s22+$0xC880];
	_ =	sdelay $0x3  }
0x189: {  	v1 =	vadd.f32 v1, v2  }
0x18a: {  	v2 =	vadd.f32 $1.000000000e+00, v3  }
0x18b: {  	[tilespmem:s22+$0xC480] =	vst v1;
	v1 =	vld [tilespmem:s22+$0xC490]  }
0x18c: {  	v3 =	vld [tilespmem:s23+$0xFFFFFFD0];
	_ =	sdelay $0x4  }
0x18d: {  	v1 =	vadd.f32 v3, v1;
	_ =	sdelay $0x1  }
0x18e: {  	[tilespmem:s22+$0xC490] =	vst v1;
	v1 =	vld [tilespmem:s22+$0xC4A0]  }
0x18f: {  	v3 =	vld [tilespmem:s23+$0xFFFFFFE0];
	_ =	sdelay $0x4  }
0x190: {  	v1 =	vadd.f32 v3, v1;
	_ =	sdelay $0x1  }
0x191: {  	[tilespmem:s22+$0xC4A0] =	vst v1;
	v1 =	vld [tilespmem:s22+$0xC4B0]  }
0x192: {  	v3 =	vld [tilespmem:s23+$0xFFFFFFF0];
	_ =	sdelay $0x4  }
0x193: {  	v1 =	vadd.f32 v3, v1;
	_ =	sdelay $0x1  }
0x194: {  	[tilespmem:s22+$0xC4B0] =	vst v1;
	v1 =	vld [tilespmem:s22+$0xC4C0]  }
0x195: {  	v3 =	vld [tilespmem:s23+$0x0];
	_ =	sdelay $0x4  }
0x196: {  	v1 =	vadd.f32 v3, v1;
	_ =	sdelay $0x1  }
0x197: {  	[tilespmem:s22+$0xC4C0] =	vst v1;
	v1 =	vld [tilespmem:s22+$0xC4D0]  }
0x198: {  	v3 =	vld [tilespmem:s23+$0x10];
	_ =	sdelay $0x4  }
0x199: {  	v1 =	vadd.f32 v3, v1;
	_ =	sdelay $0x1  }
0x19a: {  	[tilespmem:s22+$0xC4D0] =	vst v1;
	v1 =	vld [tilespmem:s22+$0xC4E0]  }
0x19b: {  	v3 =	vld [tilespmem:s23+$0x20];
	_ =	sdelay $0x4  }
0x19c: {  	v1 =	vadd.f32 v3, v1;
	_ =	sdelay $0x1  }
0x19d: {  	[tilespmem:s22+$0xC4E0] =	vst v1;
	v1 =	vld [tilespmem:s22+$0xC4F0]  }
0x19e: {  	v3 =	vld [tilespmem:s23+$0x30];
	[tilespmem:s22+$0xC880] =	vst v2;
	_ =	sdelay $0x1  }
.Ltmp16:
0x19f: {  	(pc) =	sbr.rel @!p0 .LBB2_19-.Ltmp16, $3  }
0x1a0: {  	_ =	sdelay $0x1  }
0x1a1: {  	v1 =	vadd.f32 v3, v1  }
0x1a2: {  	s25 =	sshra.s32 s24, $0x2;
	s24 =	sadd.s32 $0x4, s24  }
0x1a3: {  	s24 =	sadd.s32 s25, s21;
	[tilespmem:s22+$0xC4F0] =	vst v1  }
0x1a4: {  	v1 =	vld [tilespmem:s24+$0x0];
	_ =	sdelay $0x4  }
0x1a5: {  	(v2sf) =	vpush v1, $0x0;
	_ =	sdelay $0xe  }
0x1a6: {  	s30 =	spop (v2sf)  }
0x1a7: {  	s31 =	sshll.u32 s30, $0x8;
	s22 =	sshll.u32 s30, $0x7  }
0x1a8: {  	s23 =	sadd.s32 $0x80, s23;
	s24 =	sand.u32 $0xFFFFF800, s31;
	s22 =	sand.u32 $0x380, s22  }
0x1a9: {  	v1 =	vld [tilespmem:s23+$0xFFFFFFC0];
	s22 =	sor.u32 s22, s24  }
0x1aa: {  	v2 =	vld [tilespmem:s22+$0xC480];
	_ =	sdelay $0x4  }
0x1ab: {  	v1 =	vadd.f32 v1, v2;
	_ =	sdelay $0x1  }
0x1ac: {  	[tilespmem:s22+$0xC480] =	vst v1;
	v1 =	vld [tilespmem:s22+$0xC490]  }
0x1ad: {  	v2 =	vld [tilespmem:s23+$0xFFFFFFD0];
	_ =	sdelay $0x4  }
0x1ae: {  	v1 =	vadd.f32 v2, v1;
	_ =	sdelay $0x1  }
0x1af: {  	[tilespmem:s22+$0xC490] =	vst v1;
	v1 =	vld [tilespmem:s22+$0xC4A0]  }
0x1b0: {  	v2 =	vld [tilespmem:s23+$0xFFFFFFE0];
	_ =	sdelay $0x4  }
0x1b1: {  	v1 =	vadd.f32 v2, v1;
	_ =	sdelay $0x1  }
0x1b2: {  	[tilespmem:s22+$0xC4A0] =	vst v1;
	v1 =	vld [tilespmem:s22+$0xC4B0]  }
0x1b3: {  	v2 =	vld [tilespmem:s23+$0xFFFFFFF0];
	_ =	sdelay $0x4  }
0x1b4: {  	v1 =	vadd.f32 v2, v1;
	_ =	sdelay $0x1  }
0x1b5: {  	[tilespmem:s22+$0xC4B0] =	vst v1;
	v1 =	vld [tilespmem:s22+$0xC4C0]  }
0x1b6: {  	v2 =	vld [tilespmem:s23+$0x0];
	_ =	sdelay $0x4  }
0x1b7: {  	v1 =	vadd.f32 v2, v1;
	_ =	sdelay $0x1  }
0x1b8: {  	[tilespmem:s22+$0xC4C0] =	vst v1;
	v1 =	vld [tilespmem:s22+$0xC4D0]  }
0x1b9: {  	v2 =	vld [tilespmem:s23+$0x10];
	_ =	sdelay $0x4  }
0x1ba: {  	v1 =	vadd.f32 v2, v1;
	_ =	sdelay $0x1  }
0x1bb: {  	[tilespmem:s22+$0xC4D0] =	vst v1;
	v1 =	vld [tilespmem:s22+$0xC4E0]  }
0x1bc: {  	v2 =	vld [tilespmem:s23+$0x20];
	_ =	sdelay $0x4  }
0x1bd: {  	v1 =	vadd.f32 v2, v1  }
0x1be: {  	v2 =	vld [tilespmem:s22+$0xC880]  }
0x1bf: {  	[tilespmem:s22+$0xC4E0] =	vst v1;
	v1 =	vld [tilespmem:s22+$0xC4F0]  }
0x1c0: {  	v3 =	vld [tilespmem:s23+$0x30];
	_ =	sdelay $0x2  }
.Ltmp17:
0x1c1: {  	_ = 	snop;
	(pc) =	sbr.rel .LBB2_28-.Ltmp17, $4  }
0x1c2: {  	v2 =	vadd.f32 $1.000000000e+00, v2  }
0x1c3: {  	v1 =	vadd.f32 v3, v1  }
0x1c4: {  	[tilespmem:s22+$0xC880] =	vst v2  }
0x1c5: {  	[tilespmem:s22+$0xC4F0] =	vst v1  }
.LBB2_25:
0x1c6: {  	s22 =	sshra.s32 s24, $0x2  }
0x1c7: {  	s22 =	sadd.s32 s22, s21  }
0x1c8: {  	v1 =	vld [tilespmem:s22+$0x0];
	_ =	sdelay $0x4  }
0x1c9: {  	(v2sf) =	vpush v1, $0x0;
	_ =	sdelay $0xe  }
0x1ca: {  	s30 =	spop (v2sf)  }
0x1cb: {  	s25 =	sshll.u32 s30, $0x8;
	s22 =	sshll.u32 s30, $0x7  }
0x1cc: {  	s25 =	sand.u32 $0xFFFFF800, s25;
	s22 =	sand.u32 $0x380, s22  }
0x1cd: {  	v1 =	vld [tilespmem:s23+$0xFFFFFFC0];
	s22 =	sor.u32 s22, s25  }
0x1ce: {  	v2 =	vld [tilespmem:s22+$0xC480];
	_ =	sdelay $0x4  }
0x1cf: {  	v1 =	vadd.f32 v1, v2;
	_ =	sdelay $0x1  }
0x1d0: {  	[tilespmem:s22+$0xC480] =	vst v1;
	v1 =	vld [tilespmem:s22+$0xC490]  }
0x1d1: {  	v2 =	vld [tilespmem:s23+$0xFFFFFFD0];
	_ =	sdelay $0x4  }
0x1d2: {  	v1 =	vadd.f32 v2, v1;
	_ =	sdelay $0x1  }
0x1d3: {  	[tilespmem:s22+$0xC490] =	vst v1;
	v1 =	vld [tilespmem:s22+$0xC4A0]  }
0x1d4: {  	v2 =	vld [tilespmem:s23+$0xFFFFFFE0];
	_ =	sdelay $0x4  }
0x1d5: {  	v1 =	vadd.f32 v2, v1;
	_ =	sdelay $0x1  }
0x1d6: {  	[tilespmem:s22+$0xC4A0] =	vst v1;
	v1 =	vld [tilespmem:s22+$0xC4B0]  }
0x1d7: {  	v2 =	vld [tilespmem:s23+$0xFFFFFFF0];
	_ =	sdelay $0x4  }
0x1d8: {  	v1 =	vadd.f32 v2, v1;
	_ =	sdelay $0x1  }
0x1d9: {  	[tilespmem:s22+$0xC4B0] =	vst v1;
	v1 =	vld [tilespmem:s22+$0xC4C0]  }
0x1da: {  	v2 =	vld [tilespmem:s23+$0x0];
	_ =	sdelay $0x4  }
0x1db: {  	v1 =	vadd.f32 v2, v1;
	_ =	sdelay $0x1  }
0x1dc: {  	[tilespmem:s22+$0xC4C0] =	vst v1;
	v1 =	vld [tilespmem:s22+$0xC4D0]  }
0x1dd: {  	v2 =	vld [tilespmem:s23+$0x10];
	_ =	sdelay $0x4  }
0x1de: {  	v1 =	vadd.f32 v2, v1;
	_ =	sdelay $0x1  }
0x1df: {  	[tilespmem:s22+$0xC4D0] =	vst v1;
	v1 =	vld [tilespmem:s22+$0xC4E0]  }
0x1e0: {  	v2 =	vld [tilespmem:s23+$0x20];
	_ =	sdelay $0x4  }
0x1e1: {  	v1 =	vadd.f32 v2, v1  }
0x1e2: {  	v2 =	vld [tilespmem:s22+$0xC880]  }
0x1e3: {  	[tilespmem:s22+$0xC4E0] =	vst v1;
	v1 =	vld [tilespmem:s22+$0xC4F0]  }
0x1e4: {  	v3 =	vld [tilespmem:s23+$0x30];
	_ =	sdelay $0x3  }
0x1e5: {  	v2 =	vadd.f32 $1.000000000e+00, v2  }
0x1e6: {  	s31 =	sadd.s32 $0x4, s24;
	v1 =	vadd.f32 v3, v1  }
0x1e7: {  	s24 =	sadd.s32 $0x4, s31;
	s25 =	sshra.s32 s31, $0x2;
	[tilespmem:s22+$0xC880] =	vst v2  }
.LBB2_26:
0x1e8: {  	p0 =	seq.s32 s24, $0x1FC;
	s25 =	sadd.s32 s25, s21;
	[tilespmem:s22+$0xC4F0] =	vst v1  }
0x1e9: {  	v1 =	vld [tilespmem:s25+$0x0];
	_ =	sdelay $0x4  }
0x1ea: {  	(v2sf) =	vpush v1, $0x0;
	_ =	sdelay $0xe  }
0x1eb: {  	s22 =	spop (v2sf)  }
0x1ec: {  	s25 =	sshll.u32 s22, $0x8;
	s22 =	sshll.u32 s22, $0x7  }
0x1ed: {  	s23 =	sadd.s32 $0x80, s23;
	s25 =	sand.u32 $0xFFFFF800, s25;
	s22 =	sand.u32 $0x380, s22  }
0x1ee: {  	s22 =	sor.u32 s22, s25;
	v1 =	vld [tilespmem:s23+$0xFFFFFFC0]  }
0x1ef: {  	v2 =	vld [tilespmem:s22+$0xC480]  }
0x1f0: {  	v3 =	vld [tilespmem:s22+$0xC880];
	_ =	sdelay $0x3  }
0x1f1: {  	v1 =	vadd.f32 v1, v2  }
0x1f2: {  	v2 =	vadd.f32 $1.000000000e+00, v3  }
0x1f3: {  	[tilespmem:s22+$0xC480] =	vst v1;
	v1 =	vld [tilespmem:s22+$0xC490]  }
0x1f4: {  	v3 =	vld [tilespmem:s23+$0xFFFFFFD0];
	_ =	sdelay $0x4  }
0x1f5: {  	v1 =	vadd.f32 v3, v1;
	_ =	sdelay $0x1  }
0x1f6: {  	[tilespmem:s22+$0xC490] =	vst v1;
	v1 =	vld [tilespmem:s22+$0xC4A0]  }
0x1f7: {  	v3 =	vld [tilespmem:s23+$0xFFFFFFE0];
	_ =	sdelay $0x4  }
0x1f8: {  	v1 =	vadd.f32 v3, v1;
	_ =	sdelay $0x1  }
0x1f9: {  	[tilespmem:s22+$0xC4A0] =	vst v1;
	v1 =	vld [tilespmem:s22+$0xC4B0]  }
0x1fa: {  	v3 =	vld [tilespmem:s23+$0xFFFFFFF0];
	_ =	sdelay $0x4  }
0x1fb: {  	v1 =	vadd.f32 v3, v1;
	_ =	sdelay $0x1  }
0x1fc: {  	[tilespmem:s22+$0xC4B0] =	vst v1;
	v1 =	vld [tilespmem:s22+$0xC4C0]  }
0x1fd: {  	v3 =	vld [tilespmem:s23+$0x0];
	_ =	sdelay $0x4  }
0x1fe: {  	v1 =	vadd.f32 v3, v1;
	_ =	sdelay $0x1  }
0x1ff: {  	[tilespmem:s22+$0xC4C0] =	vst v1;
	v1 =	vld [tilespmem:s22+$0xC4D0]  }
0x200: {  	v3 =	vld [tilespmem:s23+$0x10];
	_ =	sdelay $0x4  }
0x201: {  	v1 =	vadd.f32 v3, v1;
	_ =	sdelay $0x1  }
0x202: {  	[tilespmem:s22+$0xC4D0] =	vst v1;
	v1 =	vld [tilespmem:s22+$0xC4E0]  }
0x203: {  	v3 =	vld [tilespmem:s23+$0x20];
	_ =	sdelay $0x4  }
0x204: {  	v1 =	vadd.f32 v3, v1;
	_ =	sdelay $0x1  }
0x205: {  	[tilespmem:s22+$0xC4E0] =	vst v1;
	v1 =	vld [tilespmem:s22+$0xC4F0]  }
0x206: {  	v3 =	vld [tilespmem:s23+$0x30];
	[tilespmem:s22+$0xC880] =	vst v2;
	_ =	sdelay $0x1  }
.Ltmp18:
0x207: {  	(pc) =	sbr.rel @!p0 .LBB2_26-.Ltmp18, $3  }
0x208: {  	_ =	sdelay $0x1  }
0x209: {  	v1 =	vadd.f32 v3, v1  }
0x20a: {  	s25 =	sshra.s32 s24, $0x2;
	s24 =	sadd.s32 $0x4, s24  }
0x20b: {  	s24 =	sadd.s32 s25, s21;
	[tilespmem:s22+$0xC4F0] =	vst v1  }
0x20c: {  	v1 =	vld [tilespmem:s24+$0x0];
	_ =	sdelay $0x4  }
0x20d: {  	(v2sf) =	vpush v1, $0x0;
	_ =	sdelay $0xe  }
0x20e: {  	s30 =	spop (v2sf)  }
0x20f: {  	s31 =	sshll.u32 s30, $0x8;
	s22 =	sshll.u32 s30, $0x7  }
0x210: {  	s23 =	sadd.s32 $0x80, s23;
	s24 =	sand.u32 $0xFFFFF800, s31;
	s22 =	sand.u32 $0x380, s22  }
0x211: {  	v1 =	vld [tilespmem:s23+$0xFFFFFFC0];
	s22 =	sor.u32 s22, s24  }
0x212: {  	v2 =	vld [tilespmem:s22+$0xC480];
	_ =	sdelay $0x4  }
0x213: {  	v1 =	vadd.f32 v1, v2;
	_ =	sdelay $0x1  }
0x214: {  	[tilespmem:s22+$0xC480] =	vst v1;
	v1 =	vld [tilespmem:s22+$0xC490]  }
0x215: {  	v2 =	vld [tilespmem:s23+$0xFFFFFFD0];
	_ =	sdelay $0x4  }
0x216: {  	v1 =	vadd.f32 v2, v1;
	_ =	sdelay $0x1  }
0x217: {  	[tilespmem:s22+$0xC490] =	vst v1;
	v1 =	vld [tilespmem:s22+$0xC4A0]  }
0x218: {  	v2 =	vld [tilespmem:s23+$0xFFFFFFE0];
	_ =	sdelay $0x4  }
0x219: {  	v1 =	vadd.f32 v2, v1;
	_ =	sdelay $0x1  }
0x21a: {  	[tilespmem:s22+$0xC4A0] =	vst v1;
	v1 =	vld [tilespmem:s22+$0xC4B0]  }
0x21b: {  	v2 =	vld [tilespmem:s23+$0xFFFFFFF0];
	_ =	sdelay $0x4  }
0x21c: {  	v1 =	vadd.f32 v2, v1;
	_ =	sdelay $0x1  }
0x21d: {  	[tilespmem:s22+$0xC4B0] =	vst v1;
	v1 =	vld [tilespmem:s22+$0xC4C0]  }
0x21e: {  	v2 =	vld [tilespmem:s23+$0x0];
	_ =	sdelay $0x4  }
0x21f: {  	v1 =	vadd.f32 v2, v1;
	_ =	sdelay $0x1  }
0x220: {  	[tilespmem:s22+$0xC4C0] =	vst v1;
	v1 =	vld [tilespmem:s22+$0xC4D0]  }
0x221: {  	v2 =	vld [tilespmem:s23+$0x10];
	_ =	sdelay $0x4  }
0x222: {  	v1 =	vadd.f32 v2, v1;
	_ =	sdelay $0x1  }
0x223: {  	[tilespmem:s22+$0xC4D0] =	vst v1;
	v1 =	vld [tilespmem:s22+$0xC4E0]  }
0x224: {  	v2 =	vld [tilespmem:s23+$0x20];
	_ =	sdelay $0x4  }
0x225: {  	v1 =	vadd.f32 v2, v1  }
0x226: {  	v2 =	vld [tilespmem:s22+$0xC880]  }
0x227: {  	[tilespmem:s22+$0xC4E0] =	vst v1;
	v1 =	vld [tilespmem:s22+$0xC4F0]  }
0x228: {  	v3 =	vld [tilespmem:s23+$0x30];
	_ =	sdelay $0x2  }
.Ltmp19:
0x229: {  	_ = 	snop;
	(pc) =	sbr.rel .LBB2_28-.Ltmp19, $4  }
0x22a: {  	v2 =	vadd.f32 $1.000000000e+00, v2  }
0x22b: {  	v1 =	vadd.f32 v3, v1  }
0x22c: {  	[tilespmem:s22+$0xC880] =	vst v2  }
0x22d: {  	[tilespmem:s22+$0xC4F0] =	vst v1  }
.LBB2_11:
0x22e: {  	s22 =	sshra.s32 s24, $0x2  }
0x22f: {  	s22 =	sadd.s32 s22, s21  }
0x230: {  	v1 =	vld [tilespmem:s22+$0x0];
	_ =	sdelay $0x4  }
0x231: {  	(v2sf) =	vpush v1, $0x0;
	_ =	sdelay $0xe  }
0x232: {  	s30 =	spop (v2sf)  }
0x233: {  	s25 =	sshll.u32 s30, $0x8;
	s22 =	sshll.u32 s30, $0x7  }
0x234: {  	s25 =	sand.u32 $0xFFFFF800, s25;
	s22 =	sand.u32 $0x380, s22  }
0x235: {  	v1 =	vld [tilespmem:s23+$0xFFFFFFC0];
	s22 =	sor.u32 s22, s25  }
0x236: {  	v2 =	vld [tilespmem:s22+$0xC480];
	_ =	sdelay $0x4  }
0x237: {  	v1 =	vadd.f32 v1, v2;
	_ =	sdelay $0x1  }
0x238: {  	[tilespmem:s22+$0xC480] =	vst v1;
	v1 =	vld [tilespmem:s22+$0xC490]  }
0x239: {  	v2 =	vld [tilespmem:s23+$0xFFFFFFD0];
	_ =	sdelay $0x4  }
0x23a: {  	v1 =	vadd.f32 v2, v1;
	_ =	sdelay $0x1  }
0x23b: {  	[tilespmem:s22+$0xC490] =	vst v1;
	v1 =	vld [tilespmem:s22+$0xC4A0]  }
0x23c: {  	v2 =	vld [tilespmem:s23+$0xFFFFFFE0];
	_ =	sdelay $0x4  }
0x23d: {  	v1 =	vadd.f32 v2, v1;
	_ =	sdelay $0x1  }
0x23e: {  	[tilespmem:s22+$0xC4A0] =	vst v1;
	v1 =	vld [tilespmem:s22+$0xC4B0]  }
0x23f: {  	v2 =	vld [tilespmem:s23+$0xFFFFFFF0];
	_ =	sdelay $0x4  }
0x240: {  	v1 =	vadd.f32 v2, v1;
	_ =	sdelay $0x1  }
0x241: {  	[tilespmem:s22+$0xC4B0] =	vst v1;
	v1 =	vld [tilespmem:s22+$0xC4C0]  }
0x242: {  	v2 =	vld [tilespmem:s23+$0x0];
	_ =	sdelay $0x4  }
0x243: {  	v1 =	vadd.f32 v2, v1;
	_ =	sdelay $0x1  }
0x244: {  	[tilespmem:s22+$0xC4C0] =	vst v1;
	v1 =	vld [tilespmem:s22+$0xC4D0]  }
0x245: {  	v2 =	vld [tilespmem:s23+$0x10];
	_ =	sdelay $0x4  }
0x246: {  	v1 =	vadd.f32 v2, v1;
	_ =	sdelay $0x1  }
0x247: {  	[tilespmem:s22+$0xC4D0] =	vst v1;
	v1 =	vld [tilespmem:s22+$0xC4E0]  }
0x248: {  	v2 =	vld [tilespmem:s23+$0x20];
	_ =	sdelay $0x4  }
0x249: {  	v1 =	vadd.f32 v2, v1  }
0x24a: {  	v2 =	vld [tilespmem:s22+$0xC880]  }
0x24b: {  	[tilespmem:s22+$0xC4E0] =	vst v1;
	v1 =	vld [tilespmem:s22+$0xC4F0]  }
0x24c: {  	v3 =	vld [tilespmem:s23+$0x30];
	_ =	sdelay $0x3  }
0x24d: {  	v2 =	vadd.f32 $1.000000000e+00, v2  }
0x24e: {  	s31 =	sadd.s32 $0x4, s24;
	v1 =	vadd.f32 v3, v1  }
0x24f: {  	s24 =	sadd.s32 $0x4, s31;
	s25 =	sshra.s32 s31, $0x2;
	[tilespmem:s22+$0xC880] =	vst v2  }
.LBB2_12:
0x250: {  	p0 =	seq.s32 s24, $0x1FC;
	s25 =	sadd.s32 s25, s21;
	[tilespmem:s22+$0xC4F0] =	vst v1  }
0x251: {  	v1 =	vld [tilespmem:s25+$0x0];
	_ =	sdelay $0x4  }
0x252: {  	(v2sf) =	vpush v1, $0x0;
	_ =	sdelay $0xe  }
0x253: {  	s22 =	spop (v2sf)  }
0x254: {  	s25 =	sshll.u32 s22, $0x8;
	s22 =	sshll.u32 s22, $0x7  }
0x255: {  	s23 =	sadd.s32 $0x80, s23;
	s25 =	sand.u32 $0xFFFFF800, s25;
	s22 =	sand.u32 $0x380, s22  }
0x256: {  	s22 =	sor.u32 s22, s25;
	v1 =	vld [tilespmem:s23+$0xFFFFFFC0]  }
0x257: {  	v2 =	vld [tilespmem:s22+$0xC480]  }
0x258: {  	v3 =	vld [tilespmem:s22+$0xC880];
	_ =	sdelay $0x3  }
0x259: {  	v1 =	vadd.f32 v1, v2  }
0x25a: {  	v2 =	vadd.f32 $1.000000000e+00, v3  }
0x25b: {  	[tilespmem:s22+$0xC480] =	vst v1;
	v1 =	vld [tilespmem:s22+$0xC490]  }
0x25c: {  	v3 =	vld [tilespmem:s23+$0xFFFFFFD0];
	_ =	sdelay $0x4  }
0x25d: {  	v1 =	vadd.f32 v3, v1;
	_ =	sdelay $0x1  }
0x25e: {  	[tilespmem:s22+$0xC490] =	vst v1;
	v1 =	vld [tilespmem:s22+$0xC4A0]  }
0x25f: {  	v3 =	vld [tilespmem:s23+$0xFFFFFFE0];
	_ =	sdelay $0x4  }
0x260: {  	v1 =	vadd.f32 v3, v1;
	_ =	sdelay $0x1  }
0x261: {  	[tilespmem:s22+$0xC4A0] =	vst v1;
	v1 =	vld [tilespmem:s22+$0xC4B0]  }
0x262: {  	v3 =	vld [tilespmem:s23+$0xFFFFFFF0];
	_ =	sdelay $0x4  }
0x263: {  	v1 =	vadd.f32 v3, v1;
	_ =	sdelay $0x1  }
0x264: {  	[tilespmem:s22+$0xC4B0] =	vst v1;
	v1 =	vld [tilespmem:s22+$0xC4C0]  }
0x265: {  	v3 =	vld [tilespmem:s23+$0x0];
	_ =	sdelay $0x4  }
0x266: {  	v1 =	vadd.f32 v3, v1;
	_ =	sdelay $0x1  }
0x267: {  	[tilespmem:s22+$0xC4C0] =	vst v1;
	v1 =	vld [tilespmem:s22+$0xC4D0]  }
0x268: {  	v3 =	vld [tilespmem:s23+$0x10];
	_ =	sdelay $0x4  }
0x269: {  	v1 =	vadd.f32 v3, v1;
	_ =	sdelay $0x1  }
0x26a: {  	[tilespmem:s22+$0xC4D0] =	vst v1;
	v1 =	vld [tilespmem:s22+$0xC4E0]  }
0x26b: {  	v3 =	vld [tilespmem:s23+$0x20];
	_ =	sdelay $0x4  }
0x26c: {  	v1 =	vadd.f32 v3, v1;
	_ =	sdelay $0x1  }
0x26d: {  	[tilespmem:s22+$0xC4E0] =	vst v1;
	v1 =	vld [tilespmem:s22+$0xC4F0]  }
0x26e: {  	v3 =	vld [tilespmem:s23+$0x30];
	[tilespmem:s22+$0xC880] =	vst v2;
	_ =	sdelay $0x1  }
.Ltmp20:
0x26f: {  	(pc) =	sbr.rel @!p0 .LBB2_12-.Ltmp20, $3  }
0x270: {  	_ =	sdelay $0x1  }
0x271: {  	v1 =	vadd.f32 v3, v1  }
0x272: {  	s25 =	sshra.s32 s24, $0x2;
	s24 =	sadd.s32 $0x4, s24  }
0x273: {  	s24 =	sadd.s32 s25, s21;
	[tilespmem:s22+$0xC4F0] =	vst v1  }
0x274: {  	v1 =	vld [tilespmem:s24+$0x0];
	_ =	sdelay $0x4  }
0x275: {  	(v2sf) =	vpush v1, $0x0;
	_ =	sdelay $0xe  }
0x276: {  	s30 =	spop (v2sf)  }
0x277: {  	s31 =	sshll.u32 s30, $0x8;
	s22 =	sshll.u32 s30, $0x7  }
0x278: {  	s23 =	sadd.s32 $0x80, s23;
	s24 =	sand.u32 $0xFFFFF800, s31;
	s22 =	sand.u32 $0x380, s22  }
0x279: {  	v1 =	vld [tilespmem:s23+$0xFFFFFFC0];
	s22 =	sor.u32 s22, s24  }
0x27a: {  	v2 =	vld [tilespmem:s22+$0xC480];
	_ =	sdelay $0x4  }
0x27b: {  	v1 =	vadd.f32 v1, v2;
	_ =	sdelay $0x1  }
0x27c: {  	[tilespmem:s22+$0xC480] =	vst v1;
	v1 =	vld [tilespmem:s22+$0xC490]  }
0x27d: {  	v2 =	vld [tilespmem:s23+$0xFFFFFFD0];
	_ =	sdelay $0x4  }
0x27e: {  	v1 =	vadd.f32 v2, v1;
	_ =	sdelay $0x1  }
0x27f: {  	[tilespmem:s22+$0xC490] =	vst v1;
	v1 =	vld [tilespmem:s22+$0xC4A0]  }
0x280: {  	v2 =	vld [tilespmem:s23+$0xFFFFFFE0];
	_ =	sdelay $0x4  }
0x281: {  	v1 =	vadd.f32 v2, v1;
	_ =	sdelay $0x1  }
0x282: {  	[tilespmem:s22+$0xC4A0] =	vst v1;
	v1 =	vld [tilespmem:s22+$0xC4B0]  }
0x283: {  	v2 =	vld [tilespmem:s23+$0xFFFFFFF0];
	_ =	sdelay $0x4  }
0x284: {  	v1 =	vadd.f32 v2, v1;
	_ =	sdelay $0x1  }
0x285: {  	[tilespmem:s22+$0xC4B0] =	vst v1;
	v1 =	vld [tilespmem:s22+$0xC4C0]  }
0x286: {  	v2 =	vld [tilespmem:s23+$0x0];
	_ =	sdelay $0x4  }
0x287: {  	v1 =	vadd.f32 v2, v1;
	_ =	sdelay $0x1  }
0x288: {  	[tilespmem:s22+$0xC4C0] =	vst v1;
	v1 =	vld [tilespmem:s22+$0xC4D0]  }
0x289: {  	v2 =	vld [tilespmem:s23+$0x10];
	_ =	sdelay $0x4  }
0x28a: {  	v1 =	vadd.f32 v2, v1;
	_ =	sdelay $0x1  }
0x28b: {  	[tilespmem:s22+$0xC4D0] =	vst v1;
	v1 =	vld [tilespmem:s22+$0xC4E0]  }
0x28c: {  	v2 =	vld [tilespmem:s23+$0x20];
	_ =	sdelay $0x4  }
0x28d: {  	v1 =	vadd.f32 v2, v1  }
0x28e: {  	v2 =	vld [tilespmem:s22+$0xC880]  }
0x28f: {  	[tilespmem:s22+$0xC4E0] =	vst v1;
	v1 =	vld [tilespmem:s22+$0xC4F0]  }
0x290: {  	v3 =	vld [tilespmem:s23+$0x30];
	_ =	sdelay $0x2  }
.Ltmp21:
0x291: {  	_ = 	snop;
	(pc) =	sbr.rel .LBB2_28-.Ltmp21, $4  }
0x292: {  	v2 =	vadd.f32 $1.000000000e+00, v2  }
0x293: {  	v1 =	vadd.f32 v3, v1  }
0x294: {  	[tilespmem:s22+$0xC880] =	vst v2  }
0x295: {  	[tilespmem:s22+$0xC4F0] =	vst v1  }
.LBB2_30:
0x296: {  	_ =	sfence.sel $0x180000  }
0x297: {  	[bflag:$0x0] =	sbarrier.arrive $0xFFFF  }
0x298: {  	p0 =	sne.s32 s2, $0x0;
	_ =	strace $0x90000047  }
0x299: {  	s0 =	sadd.s32 @!p0 $0x100000, s0;
	[bflag:$0x2] =	sbarrier.arrive $0xFFFF  }
0x29a: {  	[sflag:s0] =	ssyncadd.tile.s32 @!p0 $0x1;
	_ =	shalt  }
.Lfunc_end2:
_tile_overlayer_lowered:
.L_overlay_start_2:
0x29b: {  	(tag) =	ssettag $0x2  }
0x29c: {  	s0 =	rddreg [dreg:$0x0];
	s2 =	stileid.u32  }
0x29d: {  	s1 =	rddreg [dreg:$0x1];
	p0 =	sne.s32 s2, $0x0  }
0x29e: {  	s3 =	rddreg [dreg:$0x2];
	[bflag:$0x3] =	sbarrier.arrive $0xFFFF;
	s2 =	simm.s32 @!p0 $0x1C05  }
0x29f: {  	[timem:s3], [sflag:s2] =	dma.local @!p0 [hbm:s0], s1  }
0x2a0: {  	s0 =	simm.s32 @!p0 $0x5  }
0x2a1: {  	_ =	swait.ge @!p0 [sflag:s0], s1  }
0x2a2: {  	s1 =	ssub.s32 @!p0 $0x0, s1;
	[sflag:s0] =	ssyncset.done @!p0 $0x0  }
0x2a3: {  	[sflag:s0] =	ssyncadd.s32 @!p0 s1  }
0x2a4: {  	[bflag:$0x3] =	sbarrier.arrive $0xFFFF  }
0x2a5: {  	_ =	shalt  }

</sc_bundles>
